<compile_context>
chip_gen: v7x
topology: tpu7x:2x2x1
jax: 0.10.2.dev20260603
libtpu: 0.0.44.dev20260713+nightly
codegen_flags: <defaults>
</compile_context>

<pallas_src>
import functools

import jax
import jax.numpy as jnp
from jax import lax
from jax.experimental import pallas as pl
from jax.experimental.pallas import tpu as pltpu
from jax.experimental.pallas import tpu_sc as plsc

N = 16384
DIN = 1025
DPADIN = 1152
DOUT = 1024
BLK = 256
NB = N // BLK + 5
NPAD = NB * BLK
NWORK = 32


def _route(x):
    i32 = jnp.int32
    t = x[:, 0]
    b = ((t >= 0.2).astype(i32) + (t >= 0.4).astype(i32)
         + (t >= 0.6).astype(i32) + (t >= 0.8).astype(i32))
    oh = (b[:, None] == jnp.arange(5, dtype=i32)[None, :]).astype(i32)
    csum = jnp.cumsum(oh, axis=0)
    counts = csum[-1]
    rank = jnp.sum(oh * csum, axis=1) - 1
    blocks_e = (counts + BLK - 1) // BLK
    bstart = jnp.concatenate([jnp.zeros(1, i32), jnp.cumsum(blocks_e).astype(i32)])
    pos = bstart[b] * BLK + rank
    gids = jnp.arange(NB, dtype=i32)
    block_expert = ((gids >= bstart[1]).astype(i32) + (gids >= bstart[2]).astype(i32)
                    + (gids >= bstart[3]).astype(i32) + (gids >= bstart[4]).astype(i32))
    return pos, jnp.concatenate([block_expert, bstart[5:6]])


def _sc_row_scatter(table, pos3, n_out, chunk, nbuf):
    d = table.shape[1]
    nch = pos3.shape[1]
    per_w = nch * chunk
    mesh = plsc.VectorSubcoreMesh(core_axis_name="c", subcore_axis_name="s")

    @functools.partial(
        pl.kernel,
        out_type=jax.ShapeDtypeStruct((n_out, d), table.dtype),
        mesh=mesh,
        scratch_types=(
            [pltpu.VMEM((nch, chunk), jnp.int32)]
            + [pltpu.VMEM((chunk, d), table.dtype) for _ in range(nbuf)]
            + [pltpu.SemaphoreType.DMA for _ in range(2 * nbuf)]
        ),
    )
    def sk(table_hbm, pos_hbm, out_hbm, idx_v, *rest):
        bufs = rest[:nbuf]
        semr = rest[nbuf:2 * nbuf]
        semw = rest[2 * nbuf:]
        wid = lax.axis_index("s") * 2 + lax.axis_index("c")
        base = wid * per_w
        pltpu.sync_copy(pos_hbm.at[wid], idx_v)

        r = [None] * nch
        w = [None] * nch

        def start_read(j):
            r[j] = pltpu.async_copy(
                table_hbm.at[pl.ds(base + j * chunk, chunk)],
                bufs[j % nbuf], semr[j % nbuf])

        start_read(0)
        if nch > 1:
            start_read(1)
        for i in range(nch):
            r[i].wait()
            w[i] = pltpu.async_copy(
                bufs[i % nbuf], out_hbm.at[idx_v.at[i]], semw[i % nbuf])
            j = i + 2
            if j < nch:
                if j >= nbuf:
                    w[j - nbuf].wait()
                start_read(j)
        for i in range(max(0, nch - nbuf), nch):
            w[i].wait()

    return sk(table, pos3)


def _sc_row_gather(table, idx, n_rows, chunk, nbuf):
    d = table.shape[1]
    per_w = n_rows // NWORK
    nch = per_w // chunk
    mesh = plsc.VectorSubcoreMesh(core_axis_name="c", subcore_axis_name="s")

    @functools.partial(
        pl.kernel,
        out_type=jax.ShapeDtypeStruct((n_rows, d), table.dtype),
        mesh=mesh,
        scratch_types=(
            [pltpu.VMEM((per_w,), jnp.int32)]
            + [pltpu.VMEM((chunk, d), table.dtype) for _ in range(nbuf)]
            + [pltpu.SemaphoreType.DMA for _ in range(2 * nbuf)]
        ),
    )
    def gk(table_hbm, idx_hbm, out_hbm, idx_v, *rest):
        bufs = rest[:nbuf]
        semg = rest[nbuf:2 * nbuf]
        semw = rest[2 * nbuf:]
        wid = lax.axis_index("s") * 2 + lax.axis_index("c")
        base = wid * per_w
        pltpu.sync_copy(idx_hbm.at[pl.ds(base, per_w)], idx_v)

        g = [None] * nch
        w = [None] * nch

        def start_gather(j):
            g[j] = pltpu.async_copy(
                table_hbm.at[idx_v.at[pl.ds(j * chunk, chunk)]],
                bufs[j % nbuf], semg[j % nbuf])

        start_gather(0)
        if nch > 1:
            start_gather(1)
        for i in range(nch):
            g[i].wait()
            w[i] = pltpu.async_copy(
                bufs[i % nbuf], out_hbm.at[pl.ds(base + i * chunk, chunk)],
                semw[i % nbuf])
            j = i + 2
            if j < nch:
                if j >= nbuf:
                    w[j - nbuf].wait()
                start_gather(j)
        for i in range(max(0, nch - nbuf), nch):
            w[i].wait()

    return gk(table, idx)


def _mlp_body(be_ref, x_ref, w0_ref, b0_ref, t0_ref, w1_ref, b1_ref, t1_ref,
              w2_ref, b2_ref, t2_ref, o_ref):
    @pl.when(pl.program_id(0) < be_ref[NB])
    def _():
        xb = x_ref[...]
        t = xb[:, 0:1]
        h = jnp.dot(xb[:, 1:1025].astype(jnp.bfloat16), w0_ref[0],
                    preferred_element_type=jnp.float32)
        h = jax.nn.relu(h + t * t0_ref[0] + b0_ref[0])
        h = jnp.dot(h.astype(jnp.bfloat16), w1_ref[0],
                    preferred_element_type=jnp.float32)
        h = jax.nn.relu(h + t * t1_ref[0] + b1_ref[0])
        h = jnp.dot(h.astype(jnp.bfloat16), w2_ref[0],
                    preferred_element_type=jnp.float32)
        o_ref[...] = h + t * t2_ref[0] + b2_ref[0]


def _grouped_mlp(x_pad, block_expert, W0, b0, tw0, W1, b1, tw1, W2, b2, tw2):
    grid_spec = pltpu.PrefetchScalarGridSpec(
        num_scalar_prefetch=1,
        grid=(NB,),
        in_specs=[
            pl.BlockSpec((BLK, DPADIN), lambda g, be: (g, 0)),
            pl.BlockSpec((1, 1024, 2048), lambda g, be: (be[g], 0, 0)),
            pl.BlockSpec((1, 1, 2048), lambda g, be: (be[g], 0, 0)),
            pl.BlockSpec((1, 1, 2048), lambda g, be: (be[g], 0, 0)),
            pl.BlockSpec((1, 2048, 2048), lambda g, be: (be[g], 0, 0)),
            pl.BlockSpec((1, 1, 2048), lambda g, be: (be[g], 0, 0)),
            pl.BlockSpec((1, 1, 2048), lambda g, be: (be[g], 0, 0)),
            pl.BlockSpec((1, 2048, 1024), lambda g, be: (be[g], 0, 0)),
            pl.BlockSpec((1, 1, 1024), lambda g, be: (be[g], 0, 0)),
            pl.BlockSpec((1, 1, 1024), lambda g, be: (be[g], 0, 0)),
        ],
        out_specs=pl.BlockSpec((BLK, DOUT), lambda g, be: (g, 0)),
    )
    return pl.pallas_call(
        _mlp_body,
        grid_spec=grid_spec,
        out_shape=jax.ShapeDtypeStruct((NPAD, DOUT), jnp.float32),
        compiler_params=pltpu.CompilerParams(
            dimension_semantics=("arbitrary",),
        ),
    )(block_expert, x_pad, W0, b0, tw0, W1, b1, tw1, W2, b2, tw2)


def kernel(x, W0, b0, tw0, W1, b1, tw1, W2, b2, tw2):
    bf16 = jnp.bfloat16
    pos, block_expert = _route(x)
    xa = jnp.pad(x, ((0, 0), (0, DPADIN - DIN)))
    pos3 = pos.reshape(NWORK, 16, 32)
    x_pad = _sc_row_scatter(xa, pos3, NPAD, chunk=32, nbuf=3)
    y_pad = _grouped_mlp(x_pad, block_expert,
                         W0.astype(bf16), b0.reshape(5, 1, 2048), tw0,
                         W1.astype(bf16), b1.reshape(5, 1, 2048), tw1,
                         W2.astype(bf16), b2.reshape(5, 1, 1024), tw2)
    return _sc_row_gather(y_pad, pos, N, chunk=32, nbuf=3)

# --- scband reference (transcript-rebuilt; emitter-appended) ---
"""Pipeline reference for scband-multi-head-54133767799373 (READ-ONLY COPY).

The authoritative reference and input builder live on the scoring server;
editing this copy changes nothing except your own understanding.
"""

import jax, jax.numpy as jnp
import numpy as np

CFG = [(1024, 2048), (2048, 2048), (2048, 1024)]
ACTS = ['relu', 'relu', None]
PT = [0.0, 0.2, 0.4, 0.6, 0.8, 1.0]
N_HEADS = 5


def setup_inputs(seed: int = 0) -> dict:
    key = jax.random.key(seed)
    ks = jax.random.split(key, 16)
    x = jax.random.uniform(ks[0], (16384, 1025), dtype=jnp.float32)
    inp = {"x": x}
    i = 1
    for l, (ind, outd) in enumerate(CFG):
        inp[f"W{l}"] = jax.random.uniform(ks[i], (N_HEADS, ind, outd), dtype=jnp.float32); i += 1
        inp[f"b{l}"] = jax.random.uniform(ks[i], (N_HEADS, outd), dtype=jnp.float32); i += 1
        inp[f"tw{l}"] = jax.random.uniform(ks[i], (N_HEADS, 1, outd), dtype=jnp.float32); i += 1
    return inp


def _head(x, Ws, bs, tws):
    # Faithful Treat_Linear stack: split treatment col, matmul, add treat proj + bias, act, re-concat
    h = x
    for l in range(len(CFG)):
        feat = h[:, 1:]
        t = h[:, 0:1]
        out = feat @ Ws[l] + t @ tws[l] + bs[l]
        if ACTS[l] == 'relu':
            out = jax.nn.relu(out)
        if l < len(CFG) - 1:
            h = jnp.concatenate([t, out], axis=1)
        else:
            h = out
    return h


def reference(x, W0, b0, tw0, W1, b1, tw1, W2, b2, tw2):
    t = x[:, 0]
    out = jnp.zeros((x.shape[0], CFG[-1][1]), dtype=x.dtype)
    for i in range(N_HEADS):
        mask = ((t >= PT[i]) & (t < PT[i + 1])).astype(x.dtype)[:, None]
        hi = _head(x, [W0[i], W1[i], W2[i]], [b0[i], b1[i], b2[i]], [tw0[i], tw1[i], tw2[i]])
        out = out + mask * hi
    return out

if __name__ == "__main__":
    import jax
    _d = setup_inputs()
    print(jax.jit(kernel)(*tuple(_d.values())))

</pallas_src>

<mosaic_0001>
#map = affine_map<(d0, d1) -> (0, 0)>
#map1 = affine_map<(d0, d1) -> (0)>
module attributes {stable_mosaic.version = 14 : i64} {
  func.func @gk(%arg0: i32, %arg1: i32, %arg2: memref<17664x1024xf32, #tpu.memory_space<hbm>>, %arg3: memref<16384xi32, #tpu.memory_space<hbm>>, %arg4: memref<16384x1024xf32, #tpu.memory_space<hbm>>, %arg5: memref<512xi32, #tpu.memory_space<vmem>>, %arg6: memref<32x1024xf32, #tpu.memory_space<vmem>>, %arg7: memref<32x1024xf32, #tpu.memory_space<vmem>>, %arg8: memref<32x1024xf32, #tpu.memory_space<vmem>>, %arg9: memref<!tpu.dma_semaphore, #tpu.memory_space<semaphore_mem>>, %arg10: memref<!tpu.dma_semaphore, #tpu.memory_space<semaphore_mem>>, %arg11: memref<!tpu.dma_semaphore, #tpu.memory_space<semaphore_mem>>, %arg12: memref<!tpu.dma_semaphore, #tpu.memory_space<semaphore_mem>>, %arg13: memref<!tpu.dma_semaphore, #tpu.memory_space<semaphore_mem>>, %arg14: memref<!tpu.dma_semaphore, #tpu.memory_space<semaphore_mem>>) attributes {dimension_semantics = [#tpu.dimension_semantics<core_parallel>, #tpu.dimension_semantics<subcore_parallel>], iteration_bounds = array<i64: 2, 16>, scalar_prefetch = 0 : i64, scratch_operands = 10 : i64, tpu.core_type = #tpu.core_type<sc_vector_subcore>, window_params = [{transform_indices = #map}, {transform_indices = #map1}, {transform_indices = #map}]} {
    %mul3A = arith.constant 2 : i32
    %mul3A_0 = arith.muli %arg1, %mul3A : i32
    %add3A = arith.addi %mul3A_0, %arg0 : i32
    %mul3A_1 = arith.constant 512 : i32
    %mul3A_2 = arith.muli %add3A, %mul3A_1 : i32
    "tpu.region"() ({
      %run_scoped3A = tpu.sem_alloc : memref<!tpu.dma_semaphore, #tpu.memory_space<semaphore_mem>>
      %dma_start3A_321 = tpu.memref_slice %arg3[%mul3A_2] : memref<16384xi32, #tpu.memory_space<hbm>> -> memref<512xi32, #tpu.memory_space<hbm>>
      %dma_start3A_322 = tpu.memref_slice %arg3[%mul3A_2] : memref<16384xi32, #tpu.memory_space<hbm>> -> memref<512xi32, #tpu.memory_space<hbm>>
      tpu.enqueue_dma source(%dma_start3A_322 : memref<512xi32, #tpu.memory_space<hbm>>) target(%arg5 : memref<512xi32, #tpu.memory_space<vmem>>) target_semaphore(%run_scoped3A : memref<!tpu.dma_semaphore, #tpu.memory_space<semaphore_mem>>)
      %dma_wait3A_323 = tpu.memref_slice %arg3[%mul3A_2] : memref<16384xi32, #tpu.memory_space<hbm>> -> memref<512xi32, #tpu.memory_space<hbm>>
      %dma_wait3A_324 = tpu.memref_slice %arg3[%mul3A_2] : memref<16384xi32, #tpu.memory_space<hbm>> -> memref<512xi32, #tpu.memory_space<hbm>>
      tpu.wait_dma2 semaphore(%run_scoped3A : memref<!tpu.dma_semaphore, #tpu.memory_space<semaphore_mem>>) src(%dma_wait3A_324 : memref<512xi32, #tpu.memory_space<hbm>>) dst(%arg5 : memref<512xi32, #tpu.memory_space<vmem>>)
      tpu.yield
    }) : () -> ()
    %dma_start3A = arith.constant 0 : i32
    %dma_start3A_3 = tpu.memref_slice %arg5[%dma_start3A] : memref<512xi32, #tpu.memory_space<vmem>> -> memref<32xi32, #tpu.memory_space<vmem>>
    %dma_start3A_4 = arith.constant 0 : i32
    %dma_start3A_5 = arith.constant 0 : i32
    %dma_start3A_6 = tpu.memref_slice %arg2[%dma_start3A_4, %dma_start3A_5] : memref<17664x1024xf32, #tpu.memory_space<hbm>> -> memref<17664x1024xf32, #tpu.memory_space<hbm>>
    tpu.enqueue_indirect_dma source(%dma_start3A_6 : memref<17664x1024xf32, #tpu.memory_space<hbm>>) target(%arg6 : memref<32x1024xf32, #tpu.memory_space<vmem>>) offsets(%dma_start3A_3 : memref<32xi32, #tpu.memory_space<vmem>>) semaphore(%arg9 : memref<!tpu.dma_semaphore, #tpu.memory_space<semaphore_mem>>)
    %dma_start3A_7 = arith.constant 32 : i32
    %dma_start3A_8 = tpu.memref_slice %arg5[%dma_start3A_7] : memref<512xi32, #tpu.memory_space<vmem>> -> memref<32xi32, #tpu.memory_space<vmem>>
    %dma_start3A_9 = arith.constant 0 : i32
    %dma_start3A_10 = arith.constant 0 : i32
    %dma_start3A_11 = tpu.memref_slice %arg2[%dma_start3A_9, %dma_start3A_10] : memref<17664x1024xf32, #tpu.memory_space<hbm>> -> memref<17664x1024xf32, #tpu.memory_space<hbm>>
    tpu.enqueue_indirect_dma source(%dma_start3A_11 : memref<17664x1024xf32, #tpu.memory_space<hbm>>) target(%arg7 : memref<32x1024xf32, #tpu.memory_space<vmem>>) offsets(%dma_start3A_8 : memref<32xi32, #tpu.memory_space<vmem>>) semaphore(%arg10 : memref<!tpu.dma_semaphore, #tpu.memory_space<semaphore_mem>>)
    %dma_wait3A = arith.constant 0 : i32
    %dma_wait3A_12 = tpu.memref_slice %arg5[%dma_wait3A] : memref<512xi32, #tpu.memory_space<vmem>> -> memref<32xi32, #tpu.memory_space<vmem>>
    %dma_wait3A_13 = arith.constant 0 : i32
    %dma_wait3A_14 = arith.constant 0 : i32
    %dma_wait3A_15 = tpu.memref_slice %arg2[%dma_wait3A_13, %dma_wait3A_14] : memref<17664x1024xf32, #tpu.memory_space<hbm>> -> memref<17664x1024xf32, #tpu.memory_space<hbm>>
    tpu.wait_indirect_dma semaphore(%arg9 : memref<!tpu.dma_semaphore, #tpu.memory_space<semaphore_mem>>) src(%dma_wait3A_15 : memref<17664x1024xf32, #tpu.memory_space<hbm>>) dst(%arg6 : memref<32x1024xf32, #tpu.memory_space<vmem>>)
    %add3A_16 = arith.constant 0 : i32
    %add3A_17 = arith.addi %mul3A_2, %add3A_16 : i32
    %dma_start3A_18 = arith.constant 0 : i32
    %dma_start3A_19 = tpu.memref_slice %arg4[%add3A_17, %dma_start3A_18] : memref<16384x1024xf32, #tpu.memory_space<hbm>> -> memref<32x1024xf32, #tpu.memory_space<hbm>>
    %dma_start3A_20 = arith.constant 0 : i32
    %dma_start3A_21 = tpu.memref_slice %arg4[%add3A_17, %dma_start3A_20] : memref<16384x1024xf32, #tpu.memory_space<hbm>> -> memref<32x1024xf32, #tpu.memory_space<hbm>>
    tpu.enqueue_dma source(%arg6 : memref<32x1024xf32, #tpu.memory_space<vmem>>) target(%dma_start3A_21 : memref<32x1024xf32, #tpu.memory_space<hbm>>) target_semaphore(%arg12 : memref<!tpu.dma_semaphore, #tpu.memory_space<semaphore_mem>>)
    %dma_start3A_22 = arith.constant 64 : i32
    %dma_start3A_23 = tpu.memref_slice %arg5[%dma_start3A_22] : memref<512xi32, #tpu.memory_space<vmem>> -> memref<32xi32, #tpu.memory_space<vmem>>
    %dma_start3A_24 = arith.constant 0 : i32
    %dma_start3A_25 = arith.constant 0 : i32
    %dma_start3A_26 = tpu.memref_slice %arg2[%dma_start3A_24, %dma_start3A_25] : memref<17664x1024xf32, #tpu.memory_space<hbm>> -> memref<17664x1024xf32, #tpu.memory_space<hbm>>
    tpu.enqueue_indirect_dma source(%dma_start3A_26 : memref<17664x1024xf32, #tpu.memory_space<hbm>>) target(%arg8 : memref<32x1024xf32, #tpu.memory_space<vmem>>) offsets(%dma_start3A_23 : memref<32xi32, #tpu.memory_space<vmem>>) semaphore(%arg11 : memref<!tpu.dma_semaphore, #tpu.memory_space<semaphore_mem>>)
    %dma_wait3A_27 = arith.constant 32 : i32
    %dma_wait3A_28 = tpu.memref_slice %arg5[%dma_wait3A_27] : memref<512xi32, #tpu.memory_space<vmem>> -> memref<32xi32, #tpu.memory_space<vmem>>
    %dma_wait3A_29 = arith.constant 0 : i32
    %dma_wait3A_30 = arith.constant 0 : i32
    %dma_wait3A_31 = tpu.memref_slice %arg2[%dma_wait3A_29, %dma_wait3A_30] : memref<17664x1024xf32, #tpu.memory_space<hbm>> -> memref<17664x1024xf32, #tpu.memory_space<hbm>>
    tpu.wait_indirect_dma semaphore(%arg10 : memref<!tpu.dma_semaphore, #tpu.memory_space<semaphore_mem>>) src(%dma_wait3A_31 : memref<17664x1024xf32, #tpu.memory_space<hbm>>) dst(%arg7 : memref<32x1024xf32, #tpu.memory_space<vmem>>)
    %add3A_32 = arith.constant 32 : i32
    %add3A_33 = arith.addi %mul3A_2, %add3A_32 : i32
    %dma_start3A_34 = arith.constant 0 : i32
    %dma_start3A_35 = tpu.memref_slice %arg4[%add3A_33, %dma_start3A_34] : memref<16384x1024xf32, #tpu.memory_space<hbm>> -> memref<32x1024xf32, #tpu.memory_space<hbm>>
    %dma_start3A_36 = arith.constant 0 : i32
    %dma_start3A_37 = tpu.memref_slice %arg4[%add3A_33, %dma_start3A_36] : memref<16384x1024xf32, #tpu.memory_space<hbm>> -> memref<32x1024xf32, #tpu.memory_space<hbm>>
    tpu.enqueue_dma source(%arg7 : memref<32x1024xf32, #tpu.memory_space<vmem>>) target(%dma_start3A_37 : memref<32x1024xf32, #tpu.memory_space<hbm>>) target_semaphore(%arg13 : memref<!tpu.dma_semaphore, #tpu.memory_space<semaphore_mem>>)
    %dma_wait3A_38 = arith.constant 0 : i32
    %dma_wait3A_39 = tpu.memref_slice %arg4[%add3A_17, %dma_wait3A_38] : memref<16384x1024xf32, #tpu.memory_space<hbm>> -> memref<32x1024xf32, #tpu.memory_space<hbm>>
    %dma_wait3A_40 = arith.constant 0 : i32
    %dma_wait3A_41 = tpu.memref_slice %arg4[%add3A_17, %dma_wait3A_40] : memref<16384x1024xf32, #tpu.memory_space<hbm>> -> memref<32x1024xf32, #tpu.memory_space<hbm>>
    tpu.wait_dma2 semaphore(%arg12 : memref<!tpu.dma_semaphore, #tpu.memory_space<semaphore_mem>>) src(%arg6 : memref<32x1024xf32, #tpu.memory_space<vmem>>) dst(%dma_wait3A_41 : memref<32x1024xf32, #tpu.memory_space<hbm>>)
    %dma_start3A_42 = arith.constant 96 : i32
    %dma_start3A_43 = tpu.memref_slice %arg5[%dma_start3A_42] : memref<512xi32, #tpu.memory_space<vmem>> -> memref<32xi32, #tpu.memory_space<vmem>>
    %dma_start3A_44 = arith.constant 0 : i32
    %dma_start3A_45 = arith.constant 0 : i32
    %dma_start3A_46 = tpu.memref_slice %arg2[%dma_start3A_44, %dma_start3A_45] : memref<17664x1024xf32, #tpu.memory_space<hbm>> -> memref<17664x1024xf32, #tpu.memory_space<hbm>>
    tpu.enqueue_indirect_dma source(%dma_start3A_46 : memref<17664x1024xf32, #tpu.memory_space<hbm>>) target(%arg6 : memref<32x1024xf32, #tpu.memory_space<vmem>>) offsets(%dma_start3A_43 : memref<32xi32, #tpu.memory_space<vmem>>) semaphore(%arg9 : memref<!tpu.dma_semaphore, #tpu.memory_space<semaphore_mem>>)
    %dma_wait3A_47 = arith.constant 64 : i32
    %dma_wait3A_48 = tpu.memref_slice %arg5[%dma_wait3A_47] : memref<512xi32, #tpu.memory_space<vmem>> -> memref<32xi32, #tpu.memory_space<vmem>>
    %dma_wait3A_49 = arith.constant 0 : i32
    %dma_wait3A_50 = arith.constant 0 : i32
    %dma_wait3A_51 = tpu.memref_slice %arg2[%dma_wait3A_49, %dma_wait3A_50] : memref<17664x1024xf32, #tpu.memory_space<hbm>> -> memref<17664x1024xf32, #tpu.memory_space<hbm>>
    tpu.wait_indirect_dma semaphore(%arg11 : memref<!tpu.dma_semaphore, #tpu.memory_space<semaphore_mem>>) src(%dma_wait3A_51 : memref<17664x1024xf32, #tpu.memory_space<hbm>>) dst(%arg8 : memref<32x1024xf32, #tpu.memory_space<vmem>>)
    %add3A_52 = arith.constant 64 : i32
    %add3A_53 = arith.addi %mul3A_2, %add3A_52 : i32
    %dma_start3A_54 = arith.constant 0 : i32
    %dma_start3A_55 = tpu.memref_slice %arg4[%add3A_53, %dma_start3A_54] : memref<16384x1024xf32, #tpu.memory_space<hbm>> -> memref<32x1024xf32, #tpu.memory_space<hbm>>
    %dma_start3A_56 = arith.constant 0 : i32
    %dma_start3A_57 = tpu.memref_slice %arg4[%add3A_53, %dma_start3A_56] : memref<16384x1024xf32, #tpu.memory_space<hbm>> -> memref<32x1024xf32, #tpu.memory_space<hbm>>
    tpu.enqueue_dma source(%arg8 : memref<32x1024xf32, #tpu.memory_space<vmem>>) target(%dma_start3A_57 : memref<32x1024xf32, #tpu.memory_space<hbm>>) target_semaphore(%arg14 : memref<!tpu.dma_semaphore, #tpu.memory_space<semaphore_mem>>)
    %dma_wait3A_58 = arith.constant 0 : i32
    %dma_wait3A_59 = tpu.memref_slice %arg4[%add3A_33, %dma_wait3A_58] : memref<16384x1024xf32, #tpu.memory_space<hbm>> -> memref<32x1024xf32, #tpu.memory_space<hbm>>
    %dma_wait3A_60 = arith.constant 0 : i32
    %dma_wait3A_61 = tpu.memref_slice %arg4[%add3A_33, %dma_wait3A_60] : memref<16384x1024xf32, #tpu.memory_space<hbm>> -> memref<32x1024xf32, #tpu.memory_space<hbm>>
    tpu.wait_dma2 semaphore(%arg13 : memref<!tpu.dma_semaphore, #tpu.memory_space<semaphore_mem>>) src(%arg7 : memref<32x1024xf32, #tpu.memory_space<vmem>>) dst(%dma_wait3A_61 : memref<32x1024xf32, #tpu.memory_space<hbm>>)
    %dma_start3A_62 = arith.constant 128 : i32
    %dma_start3A_63 = tpu.memref_slice %arg5[%dma_start3A_62] : memref<512xi32, #tpu.memory_space<vmem>> -> memref<32xi32, #tpu.memory_space<vmem>>
    %dma_start3A_64 = arith.constant 0 : i32
    %dma_start3A_65 = arith.constant 0 : i32
    %dma_start3A_66 = tpu.memref_slice %arg2[%dma_start3A_64, %dma_start3A_65] : memref<17664x1024xf32, #tpu.memory_space<hbm>> -> memref<17664x1024xf32, #tpu.memory_space<hbm>>
    tpu.enqueue_indirect_dma source(%dma_start3A_66 : memref<17664x1024xf32, #tpu.memory_space<hbm>>) target(%arg7 : memref<32x1024xf32, #tpu.memory_space<vmem>>) offsets(%dma_start3A_63 : memref<32xi32, #tpu.memory_space<vmem>>) semaphore(%arg10 : memref<!tpu.dma_semaphore, #tpu.memory_space<semaphore_mem>>)
    %dma_wait3A_67 = arith.constant 96 : i32
    %dma_wait3A_68 = tpu.memref_slice %arg5[%dma_wait3A_67] : memref<512xi32, #tpu.memory_space<vmem>> -> memref<32xi32, #tpu.memory_space<vmem>>
    %dma_wait3A_69 = arith.constant 0 : i32
    %dma_wait3A_70 = arith.constant 0 : i32
    %dma_wait3A_71 = tpu.memref_slice %arg2[%dma_wait3A_69, %dma_wait3A_70] : memref<17664x1024xf32, #tpu.memory_space<hbm>> -> memref<17664x1024xf32, #tpu.memory_space<hbm>>
    tpu.wait_indirect_dma semaphore(%arg9 : memref<!tpu.dma_semaphore, #tpu.memory_space<semaphore_mem>>) src(%dma_wait3A_71 : memref<17664x1024xf32, #tpu.memory_space<hbm>>) dst(%arg6 : memref<32x1024xf32, #tpu.memory_space<vmem>>)
    %add3A_72 = arith.constant 96 : i32
    %add3A_73 = arith.addi %mul3A_2, %add3A_72 : i32
    %dma_start3A_74 = arith.constant 0 : i32
    %dma_start3A_75 = tpu.memref_slice %arg4[%add3A_73, %dma_start3A_74] : memref<16384x1024xf32, #tpu.memory_space<hbm>> -> memref<32x1024xf32, #tpu.memory_space<hbm>>
    %dma_start3A_76 = arith.constant 0 : i32
    %dma_start3A_77 = tpu.memref_slice %arg4[%add3A_73, %dma_start3A_76] : memref<16384x1024xf32, #tpu.memory_space<hbm>> -> memref<32x1024xf32, #tpu.memory_space<hbm>>
    tpu.enqueue_dma source(%arg6 : memref<32x1024xf32, #tpu.memory_space<vmem>>) target(%dma_start3A_77 : memref<32x1024xf32, #tpu.memory_space<hbm>>) target_semaphore(%arg12 : memref<!tpu.dma_semaphore, #tpu.memory_space<semaphore_mem>>)
    %dma_wait3A_78 = arith.constant 0 : i32
    %dma_wait3A_79 = tpu.memref_slice %arg4[%add3A_53, %dma_wait3A_78] : memref<16384x1024xf32, #tpu.memory_space<hbm>> -> memref<32x1024xf32, #tpu.memory_space<hbm>>
    %dma_wait3A_80 = arith.constant 0 : i32
    %dma_wait3A_81 = tpu.memref_slice %arg4[%add3A_53, %dma_wait3A_80] : memref<16384x1024xf32, #tpu.memory_space<hbm>> -> memref<32x1024xf32, #tpu.memory_space<hbm>>
    tpu.wait_dma2 semaphore(%arg14 : memref<!tpu.dma_semaphore, #tpu.memory_space<semaphore_mem>>) src(%arg8 : memref<32x1024xf32, #tpu.memory_space<vmem>>) dst(%dma_wait3A_81 : memref<32x1024xf32, #tpu.memory_space<hbm>>)
    %dma_start3A_82 = arith.constant 160 : i32
    %dma_start3A_83 = tpu.memref_slice %arg5[%dma_start3A_82] : memref<512xi32, #tpu.memory_space<vmem>> -> memref<32xi32, #tpu.memory_space<vmem>>
    %dma_start3A_84 = arith.constant 0 : i32
    %dma_start3A_85 = arith.constant 0 : i32
    %dma_start3A_86 = tpu.memref_slice %arg2[%dma_start3A_84, %dma_start3A_85] : memref<17664x1024xf32, #tpu.memory_space<hbm>> -> memref<17664x1024xf32, #tpu.memory_space<hbm>>
    tpu.enqueue_indirect_dma source(%dma_start3A_86 : memref<17664x1024xf32, #tpu.memory_space<hbm>>) target(%arg8 : memref<32x1024xf32, #tpu.memory_space<vmem>>) offsets(%dma_start3A_83 : memref<32xi32, #tpu.memory_space<vmem>>) semaphore(%arg11 : memref<!tpu.dma_semaphore, #tpu.memory_space<semaphore_mem>>)
    %dma_wait3A_87 = arith.constant 128 : i32
    %dma_wait3A_88 = tpu.memref_slice %arg5[%dma_wait3A_87] : memref<512xi32, #tpu.memory_space<vmem>> -> memref<32xi32, #tpu.memory_space<vmem>>
    %dma_wait3A_89 = arith.constant 0 : i32
    %dma_wait3A_90 = arith.constant 0 : i32
    %dma_wait3A_91 = tpu.memref_slice %arg2[%dma_wait3A_89, %dma_wait3A_90] : memref<17664x1024xf32, #tpu.memory_space<hbm>> -> memref<17664x1024xf32, #tpu.memory_space<hbm>>
    tpu.wait_indirect_dma semaphore(%arg10 : memref<!tpu.dma_semaphore, #tpu.memory_space<semaphore_mem>>) src(%dma_wait3A_91 : memref<17664x1024xf32, #tpu.memory_space<hbm>>) dst(%arg7 : memref<32x1024xf32, #tpu.memory_space<vmem>>)
    %add3A_92 = arith.constant 128 : i32
    %add3A_93 = arith.addi %mul3A_2, %add3A_92 : i32
    %dma_start3A_94 = arith.constant 0 : i32
    %dma_start3A_95 = tpu.memref_slice %arg4[%add3A_93, %dma_start3A_94] : memref<16384x1024xf32, #tpu.memory_space<hbm>> -> memref<32x1024xf32, #tpu.memory_space<hbm>>
    %dma_start3A_96 = arith.constant 0 : i32
    %dma_start3A_97 = tpu.memref_slice %arg4[%add3A_93, %dma_start3A_96] : memref<16384x1024xf32, #tpu.memory_space<hbm>> -> memref<32x1024xf32, #tpu.memory_space<hbm>>
    tpu.enqueue_dma source(%arg7 : memref<32x1024xf32, #tpu.memory_space<vmem>>) target(%dma_start3A_97 : memref<32x1024xf32, #tpu.memory_space<hbm>>) target_semaphore(%arg13 : memref<!tpu.dma_semaphore, #tpu.memory_space<semaphore_mem>>)
    %dma_wait3A_98 = arith.constant 0 : i32
    %dma_wait3A_99 = tpu.memref_slice %arg4[%add3A_73, %dma_wait3A_98] : memref<16384x1024xf32, #tpu.memory_space<hbm>> -> memref<32x1024xf32, #tpu.memory_space<hbm>>
    %dma_wait3A_100 = arith.constant 0 : i32
    %dma_wait3A_101 = tpu.memref_slice %arg4[%add3A_73, %dma_wait3A_100] : memref<16384x1024xf32, #tpu.memory_space<hbm>> -> memref<32x1024xf32, #tpu.memory_space<hbm>>
    tpu.wait_dma2 semaphore(%arg12 : memref<!tpu.dma_semaphore, #tpu.memory_space<semaphore_mem>>) src(%arg6 : memref<32x1024xf32, #tpu.memory_space<vmem>>) dst(%dma_wait3A_101 : memref<32x1024xf32, #tpu.memory_space<hbm>>)
    %dma_start3A_102 = arith.constant 192 : i32
    %dma_start3A_103 = tpu.memref_slice %arg5[%dma_start3A_102] : memref<512xi32, #tpu.memory_space<vmem>> -> memref<32xi32, #tpu.memory_space<vmem>>
    %dma_start3A_104 = arith.constant 0 : i32
    %dma_start3A_105 = arith.constant 0 : i32
    %dma_start3A_106 = tpu.memref_slice %arg2[%dma_start3A_104, %dma_start3A_105] : memref<17664x1024xf32, #tpu.memory_space<hbm>> -> memref<17664x1024xf32, #tpu.memory_space<hbm>>
    tpu.enqueue_indirect_dma source(%dma_start3A_106 : memref<17664x1024xf32, #tpu.memory_space<hbm>>) target(%arg6 : memref<32x1024xf32, #tpu.memory_space<vmem>>) offsets(%dma_start3A_103 : memref<32xi32, #tpu.memory_space<vmem>>) semaphore(%arg9 : memref<!tpu.dma_semaphore, #tpu.memory_space<semaphore_mem>>)
    %dma_wait3A_107 = arith.constant 160 : i32
    %dma_wait3A_108 = tpu.memref_slice %arg5[%dma_wait3A_107] : memref<512xi32, #tpu.memory_space<vmem>> -> memref<32xi32, #tpu.memory_space<vmem>>
    %dma_wait3A_109 = arith.constant 0 : i32
    %dma_wait3A_110 = arith.constant 0 : i32
    %dma_wait3A_111 = tpu.memref_slice %arg2[%dma_wait3A_109, %dma_wait3A_110] : memref<17664x1024xf32, #tpu.memory_space<hbm>> -> memref<17664x1024xf32, #tpu.memory_space<hbm>>
    tpu.wait_indirect_dma semaphore(%arg11 : memref<!tpu.dma_semaphore, #tpu.memory_space<semaphore_mem>>) src(%dma_wait3A_111 : memref<17664x1024xf32, #tpu.memory_space<hbm>>) dst(%arg8 : memref<32x1024xf32, #tpu.memory_space<vmem>>)
    %add3A_112 = arith.constant 160 : i32
    %add3A_113 = arith.addi %mul3A_2, %add3A_112 : i32
    %dma_start3A_114 = arith.constant 0 : i32
    %dma_start3A_115 = tpu.memref_slice %arg4[%add3A_113, %dma_start3A_114] : memref<16384x1024xf32, #tpu.memory_space<hbm>> -> memref<32x1024xf32, #tpu.memory_space<hbm>>
    %dma_start3A_116 = arith.constant 0 : i32
    %dma_start3A_117 = tpu.memref_slice %arg4[%add3A_113, %dma_start3A_116] : memref<16384x1024xf32, #tpu.memory_space<hbm>> -> memref<32x1024xf32, #tpu.memory_space<hbm>>
    tpu.enqueue_dma source(%arg8 : memref<32x1024xf32, #tpu.memory_space<vmem>>) target(%dma_start3A_117 : memref<32x1024xf32, #tpu.memory_space<hbm>>) target_semaphore(%arg14 : memref<!tpu.dma_semaphore, #tpu.memory_space<semaphore_mem>>)
    %dma_wait3A_118 = arith.constant 0 : i32
    %dma_wait3A_119 = tpu.memref_slice %arg4[%add3A_93, %dma_wait3A_118] : memref<16384x1024xf32, #tpu.memory_space<hbm>> -> memref<32x1024xf32, #tpu.memory_space<hbm>>
    %dma_wait3A_120 = arith.constant 0 : i32
    %dma_wait3A_121 = tpu.memref_slice %arg4[%add3A_93, %dma_wait3A_120] : memref<16384x1024xf32, #tpu.memory_space<hbm>> -> memref<32x1024xf32, #tpu.memory_space<hbm>>
    tpu.wait_dma2 semaphore(%arg13 : memref<!tpu.dma_semaphore, #tpu.memory_space<semaphore_mem>>) src(%arg7 : memref<32x1024xf32, #tpu.memory_space<vmem>>) dst(%dma_wait3A_121 : memref<32x1024xf32, #tpu.memory_space<hbm>>)
    %dma_start3A_122 = arith.constant 224 : i32
    %dma_start3A_123 = tpu.memref_slice %arg5[%dma_start3A_122] : memref<512xi32, #tpu.memory_space<vmem>> -> memref<32xi32, #tpu.memory_space<vmem>>
    %dma_start3A_124 = arith.constant 0 : i32
    %dma_start3A_125 = arith.constant 0 : i32
    %dma_start3A_126 = tpu.memref_slice %arg2[%dma_start3A_124, %dma_start3A_125] : memref<17664x1024xf32, #tpu.memory_space<hbm>> -> memref<17664x1024xf32, #tpu.memory_space<hbm>>
    tpu.enqueue_indirect_dma source(%dma_start3A_126 : memref<17664x1024xf32, #tpu.memory_space<hbm>>) target(%arg7 : memref<32x1024xf32, #tpu.memory_space<vmem>>) offsets(%dma_start3A_123 : memref<32xi32, #tpu.memory_space<vmem>>) semaphore(%arg10 : memref<!tpu.dma_semaphore, #tpu.memory_space<semaphore_mem>>)
    %dma_wait3A_127 = arith.constant 192 : i32
    %dma_wait3A_128 = tpu.memref_slice %arg5[%dma_wait3A_127] : memref<512xi32, #tpu.memory_space<vmem>> -> memref<32xi32, #tpu.memory_space<vmem>>
    %dma_wait3A_129 = arith.constant 0 : i32
    %dma_wait3A_130 = arith.constant 0 : i32
    %dma_wait3A_131 = tpu.memref_slice %arg2[%dma_wait3A_129, %dma_wait3A_130] : memref<17664x1024xf32, #tpu.memory_space<hbm>> -> memref<17664x1024xf32, #tpu.memory_space<hbm>>
    tpu.wait_indirect_dma semaphore(%arg9 : memref<!tpu.dma_semaphore, #tpu.memory_space<semaphore_mem>>) src(%dma_wait3A_131 : memref<17664x1024xf32, #tpu.memory_space<hbm>>) dst(%arg6 : memref<32x1024xf32, #tpu.memory_space<vmem>>)
    %add3A_132 = arith.constant 192 : i32
    %add3A_133 = arith.addi %mul3A_2, %add3A_132 : i32
    %dma_start3A_134 = arith.constant 0 : i32
    %dma_start3A_135 = tpu.memref_slice %arg4[%add3A_133, %dma_start3A_134] : memref<16384x1024xf32, #tpu.memory_space<hbm>> -> memref<32x1024xf32, #tpu.memory_space<hbm>>
    %dma_start3A_136 = arith.constant 0 : i32
    %dma_start3A_137 = tpu.memref_slice %arg4[%add3A_133, %dma_start3A_136] : memref<16384x1024xf32, #tpu.memory_space<hbm>> -> memref<32x1024xf32, #tpu.memory_space<hbm>>
    tpu.enqueue_dma source(%arg6 : memref<32x1024xf32, #tpu.memory_space<vmem>>) target(%dma_start3A_137 : memref<32x1024xf32, #tpu.memory_space<hbm>>) target_semaphore(%arg12 : memref<!tpu.dma_semaphore, #tpu.memory_space<semaphore_mem>>)
    %dma_wait3A_138 = arith.constant 0 : i32
    %dma_wait3A_139 = tpu.memref_slice %arg4[%add3A_113, %dma_wait3A_138] : memref<16384x1024xf32, #tpu.memory_space<hbm>> -> memref<32x1024xf32, #tpu.memory_space<hbm>>
    %dma_wait3A_140 = arith.constant 0 : i32
    %dma_wait3A_141 = tpu.memref_slice %arg4[%add3A_113, %dma_wait3A_140] : memref<16384x1024xf32, #tpu.memory_space<hbm>> -> memref<32x1024xf32, #tpu.memory_space<hbm>>
    tpu.wait_dma2 semaphore(%arg14 : memref<!tpu.dma_semaphore, #tpu.memory_space<semaphore_mem>>) src(%arg8 : memref<32x1024xf32, #tpu.memory_space<vmem>>) dst(%dma_wait3A_141 : memref<32x1024xf32, #tpu.memory_space<hbm>>)
    %dma_start3A_142 = arith.constant 256 : i32
    %dma_start3A_143 = tpu.memref_slice %arg5[%dma_start3A_142] : memref<512xi32, #tpu.memory_space<vmem>> -> memref<32xi32, #tpu.memory_space<vmem>>
    %dma_start3A_144 = arith.constant 0 : i32
    %dma_start3A_145 = arith.constant 0 : i32
    %dma_start3A_146 = tpu.memref_slice %arg2[%dma_start3A_144, %dma_start3A_145] : memref<17664x1024xf32, #tpu.memory_space<hbm>> -> memref<17664x1024xf32, #tpu.memory_space<hbm>>
    tpu.enqueue_indirect_dma source(%dma_start3A_146 : memref<17664x1024xf32, #tpu.memory_space<hbm>>) target(%arg8 : memref<32x1024xf32, #tpu.memory_space<vmem>>) offsets(%dma_start3A_143 : memref<32xi32, #tpu.memory_space<vmem>>) semaphore(%arg11 : memref<!tpu.dma_semaphore, #tpu.memory_space<semaphore_mem>>)
    %dma_wait3A_147 = arith.constant 224 : i32
    %dma_wait3A_148 = tpu.memref_slice %arg5[%dma_wait3A_147] : memref<512xi32, #tpu.memory_space<vmem>> -> memref<32xi32, #tpu.memory_space<vmem>>
    %dma_wait3A_149 = arith.constant 0 : i32
    %dma_wait3A_150 = arith.constant 0 : i32
    %dma_wait3A_151 = tpu.memref_slice %arg2[%dma_wait3A_149, %dma_wait3A_150] : memref<17664x1024xf32, #tpu.memory_space<hbm>> -> memref<17664x1024xf32, #tpu.memory_space<hbm>>
    tpu.wait_indirect_dma semaphore(%arg10 : memref<!tpu.dma_semaphore, #tpu.memory_space<semaphore_mem>>) src(%dma_wait3A_151 : memref<17664x1024xf32, #tpu.memory_space<hbm>>) dst(%arg7 : memref<32x1024xf32, #tpu.memory_space<vmem>>)
    %add3A_152 = arith.constant 224 : i32
    %add3A_153 = arith.addi %mul3A_2, %add3A_152 : i32
    %dma_start3A_154 = arith.constant 0 : i32
    %dma_start3A_155 = tpu.memref_slice %arg4[%add3A_153, %dma_start3A_154] : memref<16384x1024xf32, #tpu.memory_space<hbm>> -> memref<32x1024xf32, #tpu.memory_space<hbm>>
    %dma_start3A_156 = arith.constant 0 : i32
    %dma_start3A_157 = tpu.memref_slice %arg4[%add3A_153, %dma_start3A_156] : memref<16384x1024xf32, #tpu.memory_space<hbm>> -> memref<32x1024xf32, #tpu.memory_space<hbm>>
    tpu.enqueue_dma source(%arg7 : memref<32x1024xf32, #tpu.memory_space<vmem>>) target(%dma_start3A_157 : memref<32x1024xf32, #tpu.memory_space<hbm>>) target_semaphore(%arg13 : memref<!tpu.dma_semaphore, #tpu.memory_space<semaphore_mem>>)
    %dma_wait3A_158 = arith.constant 0 : i32
    %dma_wait3A_159 = tpu.memref_slice %arg4[%add3A_133, %dma_wait3A_158] : memref<16384x1024xf32, #tpu.memory_space<hbm>> -> memref<32x1024xf32, #tpu.memory_space<hbm>>
    %dma_wait3A_160 = arith.constant 0 : i32
    %dma_wait3A_161 = tpu.memref_slice %arg4[%add3A_133, %dma_wait3A_160] : memref<16384x1024xf32, #tpu.memory_space<hbm>> -> memref<32x1024xf32, #tpu.memory_space<hbm>>
    tpu.wait_dma2 semaphore(%arg12 : memref<!tpu.dma_semaphore, #tpu.memory_space<semaphore_mem>>) src(%arg6 : memref<32x1024xf32, #tpu.memory_space<vmem>>) dst(%dma_wait3A_161 : memref<32x1024xf32, #tpu.memory_space<hbm>>)
    %dma_start3A_162 = arith.constant 288 : i32
    %dma_start3A_163 = tpu.memref_slice %arg5[%dma_start3A_162] : memref<512xi32, #tpu.memory_space<vmem>> -> memref<32xi32, #tpu.memory_space<vmem>>
    %dma_start3A_164 = arith.constant 0 : i32
    %dma_start3A_165 = arith.constant 0 : i32
    %dma_start3A_166 = tpu.memref_slice %arg2[%dma_start3A_164, %dma_start3A_165] : memref<17664x1024xf32, #tpu.memory_space<hbm>> -> memref<17664x1024xf32, #tpu.memory_space<hbm>>
    tpu.enqueue_indirect_dma source(%dma_start3A_166 : memref<17664x1024xf32, #tpu.memory_space<hbm>>) target(%arg6 : memref<32x1024xf32, #tpu.memory_space<vmem>>) offsets(%dma_start3A_163 : memref<32xi32, #tpu.memory_space<vmem>>) semaphore(%arg9 : memref<!tpu.dma_semaphore, #tpu.memory_space<semaphore_mem>>)
    %dma_wait3A_167 = arith.constant 256 : i32
    %dma_wait3A_168 = tpu.memref_slice %arg5[%dma_wait3A_167] : memref<512xi32, #tpu.memory_space<vmem>> -> memref<32xi32, #tpu.memory_space<vmem>>
    %dma_wait3A_169 = arith.constant 0 : i32
    %dma_wait3A_170 = arith.constant 0 : i32
    %dma_wait3A_171 = tpu.memref_slice %arg2[%dma_wait3A_169, %dma_wait3A_170] : memref<17664x1024xf32, #tpu.memory_space<hbm>> -> memref<17664x1024xf32, #tpu.memory_space<hbm>>
    tpu.wait_indirect_dma semaphore(%arg11 : memref<!tpu.dma_semaphore, #tpu.memory_space<semaphore_mem>>) src(%dma_wait3A_171 : memref<17664x1024xf32, #tpu.memory_space<hbm>>) dst(%arg8 : memref<32x1024xf32, #tpu.memory_space<vmem>>)
    %add3A_172 = arith.constant 256 : i32
    %add3A_173 = arith.addi %mul3A_2, %add3A_172 : i32
    %dma_start3A_174 = arith.constant 0 : i32
    %dma_start3A_175 = tpu.memref_slice %arg4[%add3A_173, %dma_start3A_174] : memref<16384x1024xf32, #tpu.memory_space<hbm>> -> memref<32x1024xf32, #tpu.memory_space<hbm>>
    %dma_start3A_176 = arith.constant 0 : i32
    %dma_start3A_177 = tpu.memref_slice %arg4[%add3A_173, %dma_start3A_176] : memref<16384x1024xf32, #tpu.memory_space<hbm>> -> memref<32x1024xf32, #tpu.memory_space<hbm>>
    tpu.enqueue_dma source(%arg8 : memref<32x1024xf32, #tpu.memory_space<vmem>>) target(%dma_start3A_177 : memref<32x1024xf32, #tpu.memory_space<hbm>>) target_semaphore(%arg14 : memref<!tpu.dma_semaphore, #tpu.memory_space<semaphore_mem>>)
    %dma_wait3A_178 = arith.constant 0 : i32
    %dma_wait3A_179 = tpu.memref_slice %arg4[%add3A_153, %dma_wait3A_178] : memref<16384x1024xf32, #tpu.memory_space<hbm>> -> memref<32x1024xf32, #tpu.memory_space<hbm>>
    %dma_wait3A_180 = arith.constant 0 : i32
    %dma_wait3A_181 = tpu.memref_slice %arg4[%add3A_153, %dma_wait3A_180] : memref<16384x1024xf32, #tpu.memory_space<hbm>> -> memref<32x1024xf32, #tpu.memory_space<hbm>>
    tpu.wait_dma2 semaphore(%arg13 : memref<!tpu.dma_semaphore, #tpu.memory_space<semaphore_mem>>) src(%arg7 : memref<32x1024xf32, #tpu.memory_space<vmem>>) dst(%dma_wait3A_181 : memref<32x1024xf32, #tpu.memory_space<hbm>>)
    %dma_start3A_182 = arith.constant 320 : i32
    %dma_start3A_183 = tpu.memref_slice %arg5[%dma_start3A_182] : memref<512xi32, #tpu.memory_space<vmem>> -> memref<32xi32, #tpu.memory_space<vmem>>
    %dma_start3A_184 = arith.constant 0 : i32
    %dma_start3A_185 = arith.constant 0 : i32
    %dma_start3A_186 = tpu.memref_slice %arg2[%dma_start3A_184, %dma_start3A_185] : memref<17664x1024xf32, #tpu.memory_space<hbm>> -> memref<17664x1024xf32, #tpu.memory_space<hbm>>
    tpu.enqueue_indirect_dma source(%dma_start3A_186 : memref<17664x1024xf32, #tpu.memory_space<hbm>>) target(%arg7 : memref<32x1024xf32, #tpu.memory_space<vmem>>) offsets(%dma_start3A_183 : memref<32xi32, #tpu.memory_space<vmem>>) semaphore(%arg10 : memref<!tpu.dma_semaphore, #tpu.memory_space<semaphore_mem>>)
    %dma_wait3A_187 = arith.constant 288 : i32
    %dma_wait3A_188 = tpu.memref_slice %arg5[%dma_wait3A_187] : memref<512xi32, #tpu.memory_space<vmem>> -> memref<32xi32, #tpu.memory_space<vmem>>
    %dma_wait3A_189 = arith.constant 0 : i32
    %dma_wait3A_190 = arith.constant 0 : i32
    %dma_wait3A_191 = tpu.memref_slice %arg2[%dma_wait3A_189, %dma_wait3A_190] : memref<17664x1024xf32, #tpu.memory_space<hbm>> -> memref<17664x1024xf32, #tpu.memory_space<hbm>>
    tpu.wait_indirect_dma semaphore(%arg9 : memref<!tpu.dma_semaphore, #tpu.memory_space<semaphore_mem>>) src(%dma_wait3A_191 : memref<17664x1024xf32, #tpu.memory_space<hbm>>) dst(%arg6 : memref<32x1024xf32, #tpu.memory_space<vmem>>)
    %add3A_192 = arith.constant 288 : i32
    %add3A_193 = arith.addi %mul3A_2, %add3A_192 : i32
    %dma_start3A_194 = arith.constant 0 : i32
    %dma_start3A_195 = tpu.memref_slice %arg4[%add3A_193, %dma_start3A_194] : memref<16384x1024xf32, #tpu.memory_space<hbm>> -> memref<32x1024xf32, #tpu.memory_space<hbm>>
    %dma_start3A_196 = arith.constant 0 : i32
    %dma_start3A_197 = tpu.memref_slice %arg4[%add3A_193, %dma_start3A_196] : memref<16384x1024xf32, #tpu.memory_space<hbm>> -> memref<32x1024xf32, #tpu.memory_space<hbm>>
    tpu.enqueue_dma source(%arg6 : memref<32x1024xf32, #tpu.memory_space<vmem>>) target(%dma_start3A_197 : memref<32x1024xf32, #tpu.memory_space<hbm>>) target_semaphore(%arg12 : memref<!tpu.dma_semaphore, #tpu.memory_space<semaphore_mem>>)
    %dma_wait3A_198 = arith.constant 0 : i32
    %dma_wait3A_199 = tpu.memref_slice %arg4[%add3A_173, %dma_wait3A_198] : memref<16384x1024xf32, #tpu.memory_space<hbm>> -> memref<32x1024xf32, #tpu.memory_space<hbm>>
    %dma_wait3A_200 = arith.constant 0 : i32
    %dma_wait3A_201 = tpu.memref_slice %arg4[%add3A_173, %dma_wait3A_200] : memref<16384x1024xf32, #tpu.memory_space<hbm>> -> memref<32x1024xf32, #tpu.memory_space<hbm>>
    tpu.wait_dma2 semaphore(%arg14 : memref<!tpu.dma_semaphore, #tpu.memory_space<semaphore_mem>>) src(%arg8 : memref<32x1024xf32, #tpu.memory_space<vmem>>) dst(%dma_wait3A_201 : memref<32x1024xf32, #tpu.memory_space<hbm>>)
    %dma_start3A_202 = arith.constant 352 : i32
    %dma_start3A_203 = tpu.memref_slice %arg5[%dma_start3A_202] : memref<512xi32, #tpu.memory_space<vmem>> -> memref<32xi32, #tpu.memory_space<vmem>>
    %dma_start3A_204 = arith.constant 0 : i32
    %dma_start3A_205 = arith.constant 0 : i32
    %dma_start3A_206 = tpu.memref_slice %arg2[%dma_start3A_204, %dma_start3A_205] : memref<17664x1024xf32, #tpu.memory_space<hbm>> -> memref<17664x1024xf32, #tpu.memory_space<hbm>>
    tpu.enqueue_indirect_dma source(%dma_start3A_206 : memref<17664x1024xf32, #tpu.memory_space<hbm>>) target(%arg8 : memref<32x1024xf32, #tpu.memory_space<vmem>>) offsets(%dma_start3A_203 : memref<32xi32, #tpu.memory_space<vmem>>) semaphore(%arg11 : memref<!tpu.dma_semaphore, #tpu.memory_space<semaphore_mem>>)
    %dma_wait3A_207 = arith.constant 320 : i32
    %dma_wait3A_208 = tpu.memref_slice %arg5[%dma_wait3A_207] : memref<512xi32, #tpu.memory_space<vmem>> -> memref<32xi32, #tpu.memory_space<vmem>>
    %dma_wait3A_209 = arith.constant 0 : i32
    %dma_wait3A_210 = arith.constant 0 : i32
    %dma_wait3A_211 = tpu.memref_slice %arg2[%dma_wait3A_209, %dma_wait3A_210] : memref<17664x1024xf32, #tpu.memory_space<hbm>> -> memref<17664x1024xf32, #tpu.memory_space<hbm>>
    tpu.wait_indirect_dma semaphore(%arg10 : memref<!tpu.dma_semaphore, #tpu.memory_space<semaphore_mem>>) src(%dma_wait3A_211 : memref<17664x1024xf32, #tpu.memory_space<hbm>>) dst(%arg7 : memref<32x1024xf32, #tpu.memory_space<vmem>>)
    %add3A_212 = arith.constant 320 : i32
    %add3A_213 = arith.addi %mul3A_2, %add3A_212 : i32
    %dma_start3A_214 = arith.constant 0 : i32
    %dma_start3A_215 = tpu.memref_slice %arg4[%add3A_213, %dma_start3A_214] : memref<16384x1024xf32, #tpu.memory_space<hbm>> -> memref<32x1024xf32, #tpu.memory_space<hbm>>
    %dma_start3A_216 = arith.constant 0 : i32
    %dma_start3A_217 = tpu.memref_slice %arg4[%add3A_213, %dma_start3A_216] : memref<16384x1024xf32, #tpu.memory_space<hbm>> -> memref<32x1024xf32, #tpu.memory_space<hbm>>
    tpu.enqueue_dma source(%arg7 : memref<32x1024xf32, #tpu.memory_space<vmem>>) target(%dma_start3A_217 : memref<32x1024xf32, #tpu.memory_space<hbm>>) target_semaphore(%arg13 : memref<!tpu.dma_semaphore, #tpu.memory_space<semaphore_mem>>)
    %dma_wait3A_218 = arith.constant 0 : i32
    %dma_wait3A_219 = tpu.memref_slice %arg4[%add3A_193, %dma_wait3A_218] : memref<16384x1024xf32, #tpu.memory_space<hbm>> -> memref<32x1024xf32, #tpu.memory_space<hbm>>
    %dma_wait3A_220 = arith.constant 0 : i32
    %dma_wait3A_221 = tpu.memref_slice %arg4[%add3A_193, %dma_wait3A_220] : memref<16384x1024xf32, #tpu.memory_space<hbm>> -> memref<32x1024xf32, #tpu.memory_space<hbm>>
    tpu.wait_dma2 semaphore(%arg12 : memref<!tpu.dma_semaphore, #tpu.memory_space<semaphore_mem>>) src(%arg6 : memref<32x1024xf32, #tpu.memory_space<vmem>>) dst(%dma_wait3A_221 : memref<32x1024xf32, #tpu.memory_space<hbm>>)
    %dma_start3A_222 = arith.constant 384 : i32
    %dma_start3A_223 = tpu.memref_slice %arg5[%dma_start3A_222] : memref<512xi32, #tpu.memory_space<vmem>> -> memref<32xi32, #tpu.memory_space<vmem>>
    %dma_start3A_224 = arith.constant 0 : i32
    %dma_start3A_225 = arith.constant 0 : i32
    %dma_start3A_226 = tpu.memref_slice %arg2[%dma_start3A_224, %dma_start3A_225] : memref<17664x1024xf32, #tpu.memory_space<hbm>> -> memref<17664x1024xf32, #tpu.memory_space<hbm>>
    tpu.enqueue_indirect_dma source(%dma_start3A_226 : memref<17664x1024xf32, #tpu.memory_space<hbm>>) target(%arg6 : memref<32x1024xf32, #tpu.memory_space<vmem>>) offsets(%dma_start3A_223 : memref<32xi32, #tpu.memory_space<vmem>>) semaphore(%arg9 : memref<!tpu.dma_semaphore, #tpu.memory_space<semaphore_mem>>)
    %dma_wait3A_227 = arith.constant 352 : i32
    %dma_wait3A_228 = tpu.memref_slice %arg5[%dma_wait3A_227] : memref<512xi32, #tpu.memory_space<vmem>> -> memref<32xi32, #tpu.memory_space<vmem>>
    %dma_wait3A_229 = arith.constant 0 : i32
    %dma_wait3A_230 = arith.constant 0 : i32
    %dma_wait3A_231 = tpu.memref_slice %arg2[%dma_wait3A_229, %dma_wait3A_230] : memref<17664x1024xf32, #tpu.memory_space<hbm>> -> memref<17664x1024xf32, #tpu.memory_space<hbm>>
    tpu.wait_indirect_dma semaphore(%arg11 : memref<!tpu.dma_semaphore, #tpu.memory_space<semaphore_mem>>) src(%dma_wait3A_231 : memref<17664x1024xf32, #tpu.memory_space<hbm>>) dst(%arg8 : memref<32x1024xf32, #tpu.memory_space<vmem>>)
    %add3A_232 = arith.constant 352 : i32
    %add3A_233 = arith.addi %mul3A_2, %add3A_232 : i32
    %dma_start3A_234 = arith.constant 0 : i32
    %dma_start3A_235 = tpu.memref_slice %arg4[%add3A_233, %dma_start3A_234] : memref<16384x1024xf32, #tpu.memory_space<hbm>> -> memref<32x1024xf32, #tpu.memory_space<hbm>>
    %dma_start3A_236 = arith.constant 0 : i32
    %dma_start3A_237 = tpu.memref_slice %arg4[%add3A_233, %dma_start3A_236] : memref<16384x1024xf32, #tpu.memory_space<hbm>> -> memref<32x1024xf32, #tpu.memory_space<hbm>>
    tpu.enqueue_dma source(%arg8 : memref<32x1024xf32, #tpu.memory_space<vmem>>) target(%dma_start3A_237 : memref<32x1024xf32, #tpu.memory_space<hbm>>) target_semaphore(%arg14 : memref<!tpu.dma_semaphore, #tpu.memory_space<semaphore_mem>>)
    %dma_wait3A_238 = arith.constant 0 : i32
    %dma_wait3A_239 = tpu.memref_slice %arg4[%add3A_213, %dma_wait3A_238] : memref<16384x1024xf32, #tpu.memory_space<hbm>> -> memref<32x1024xf32, #tpu.memory_space<hbm>>
    %dma_wait3A_240 = arith.constant 0 : i32
    %dma_wait3A_241 = tpu.memref_slice %arg4[%add3A_213, %dma_wait3A_240] : memref<16384x1024xf32, #tpu.memory_space<hbm>> -> memref<32x1024xf32, #tpu.memory_space<hbm>>
    tpu.wait_dma2 semaphore(%arg13 : memref<!tpu.dma_semaphore, #tpu.memory_space<semaphore_mem>>) src(%arg7 : memref<32x1024xf32, #tpu.memory_space<vmem>>) dst(%dma_wait3A_241 : memref<32x1024xf32, #tpu.memory_space<hbm>>)
    %dma_start3A_242 = arith.constant 416 : i32
    %dma_start3A_243 = tpu.memref_slice %arg5[%dma_start3A_242] : memref<512xi32, #tpu.memory_space<vmem>> -> memref<32xi32, #tpu.memory_space<vmem>>
    %dma_start3A_244 = arith.constant 0 : i32
    %dma_start3A_245 = arith.constant 0 : i32
    %dma_start3A_246 = tpu.memref_slice %arg2[%dma_start3A_244, %dma_start3A_245] : memref<17664x1024xf32, #tpu.memory_space<hbm>> -> memref<17664x1024xf32, #tpu.memory_space<hbm>>
    tpu.enqueue_indirect_dma source(%dma_start3A_246 : memref<17664x1024xf32, #tpu.memory_space<hbm>>) target(%arg7 : memref<32x1024xf32, #tpu.memory_space<vmem>>) offsets(%dma_start3A_243 : memref<32xi32, #tpu.memory_space<vmem>>) semaphore(%arg10 : memref<!tpu.dma_semaphore, #tpu.memory_space<semaphore_mem>>)
    %dma_wait3A_247 = arith.constant 384 : i32
    %dma_wait3A_248 = tpu.memref_slice %arg5[%dma_wait3A_247] : memref<512xi32, #tpu.memory_space<vmem>> -> memref<32xi32, #tpu.memory_space<vmem>>
    %dma_wait3A_249 = arith.constant 0 : i32
    %dma_wait3A_250 = arith.constant 0 : i32
    %dma_wait3A_251 = tpu.memref_slice %arg2[%dma_wait3A_249, %dma_wait3A_250] : memref<17664x1024xf32, #tpu.memory_space<hbm>> -> memref<17664x1024xf32, #tpu.memory_space<hbm>>
    tpu.wait_indirect_dma semaphore(%arg9 : memref<!tpu.dma_semaphore, #tpu.memory_space<semaphore_mem>>) src(%dma_wait3A_251 : memref<17664x1024xf32, #tpu.memory_space<hbm>>) dst(%arg6 : memref<32x1024xf32, #tpu.memory_space<vmem>>)
    %add3A_252 = arith.constant 384 : i32
    %add3A_253 = arith.addi %mul3A_2, %add3A_252 : i32
    %dma_start3A_254 = arith.constant 0 : i32
    %dma_start3A_255 = tpu.memref_slice %arg4[%add3A_253, %dma_start3A_254] : memref<16384x1024xf32, #tpu.memory_space<hbm>> -> memref<32x1024xf32, #tpu.memory_space<hbm>>
    %dma_start3A_256 = arith.constant 0 : i32
    %dma_start3A_257 = tpu.memref_slice %arg4[%add3A_253, %dma_start3A_256] : memref<16384x1024xf32, #tpu.memory_space<hbm>> -> memref<32x1024xf32, #tpu.memory_space<hbm>>
    tpu.enqueue_dma source(%arg6 : memref<32x1024xf32, #tpu.memory_space<vmem>>) target(%dma_start3A_257 : memref<32x1024xf32, #tpu.memory_space<hbm>>) target_semaphore(%arg12 : memref<!tpu.dma_semaphore, #tpu.memory_space<semaphore_mem>>)
    %dma_wait3A_258 = arith.constant 0 : i32
    %dma_wait3A_259 = tpu.memref_slice %arg4[%add3A_233, %dma_wait3A_258] : memref<16384x1024xf32, #tpu.memory_space<hbm>> -> memref<32x1024xf32, #tpu.memory_space<hbm>>
    %dma_wait3A_260 = arith.constant 0 : i32
    %dma_wait3A_261 = tpu.memref_slice %arg4[%add3A_233, %dma_wait3A_260] : memref<16384x1024xf32, #tpu.memory_space<hbm>> -> memref<32x1024xf32, #tpu.memory_space<hbm>>
    tpu.wait_dma2 semaphore(%arg14 : memref<!tpu.dma_semaphore, #tpu.memory_space<semaphore_mem>>) src(%arg8 : memref<32x1024xf32, #tpu.memory_space<vmem>>) dst(%dma_wait3A_261 : memref<32x1024xf32, #tpu.memory_space<hbm>>)
    %dma_start3A_262 = arith.constant 448 : i32
    %dma_start3A_263 = tpu.memref_slice %arg5[%dma_start3A_262] : memref<512xi32, #tpu.memory_space<vmem>> -> memref<32xi32, #tpu.memory_space<vmem>>
    %dma_start3A_264 = arith.constant 0 : i32
    %dma_start3A_265 = arith.constant 0 : i32
    %dma_start3A_266 = tpu.memref_slice %arg2[%dma_start3A_264, %dma_start3A_265] : memref<17664x1024xf32, #tpu.memory_space<hbm>> -> memref<17664x1024xf32, #tpu.memory_space<hbm>>
    tpu.enqueue_indirect_dma source(%dma_start3A_266 : memref<17664x1024xf32, #tpu.memory_space<hbm>>) target(%arg8 : memref<32x1024xf32, #tpu.memory_space<vmem>>) offsets(%dma_start3A_263 : memref<32xi32, #tpu.memory_space<vmem>>) semaphore(%arg11 : memref<!tpu.dma_semaphore, #tpu.memory_space<semaphore_mem>>)
    %dma_wait3A_267 = arith.constant 416 : i32
    %dma_wait3A_268 = tpu.memref_slice %arg5[%dma_wait3A_267] : memref<512xi32, #tpu.memory_space<vmem>> -> memref<32xi32, #tpu.memory_space<vmem>>
    %dma_wait3A_269 = arith.constant 0 : i32
    %dma_wait3A_270 = arith.constant 0 : i32
    %dma_wait3A_271 = tpu.memref_slice %arg2[%dma_wait3A_269, %dma_wait3A_270] : memref<17664x1024xf32, #tpu.memory_space<hbm>> -> memref<17664x1024xf32, #tpu.memory_space<hbm>>
    tpu.wait_indirect_dma semaphore(%arg10 : memref<!tpu.dma_semaphore, #tpu.memory_space<semaphore_mem>>) src(%dma_wait3A_271 : memref<17664x1024xf32, #tpu.memory_space<hbm>>) dst(%arg7 : memref<32x1024xf32, #tpu.memory_space<vmem>>)
    %add3A_272 = arith.constant 416 : i32
    %add3A_273 = arith.addi %mul3A_2, %add3A_272 : i32
    %dma_start3A_274 = arith.constant 0 : i32
    %dma_start3A_275 = tpu.memref_slice %arg4[%add3A_273, %dma_start3A_274] : memref<16384x1024xf32, #tpu.memory_space<hbm>> -> memref<32x1024xf32, #tpu.memory_space<hbm>>
    %dma_start3A_276 = arith.constant 0 : i32
    %dma_start3A_277 = tpu.memref_slice %arg4[%add3A_273, %dma_start3A_276] : memref<16384x1024xf32, #tpu.memory_space<hbm>> -> memref<32x1024xf32, #tpu.memory_space<hbm>>
    tpu.enqueue_dma source(%arg7 : memref<32x1024xf32, #tpu.memory_space<vmem>>) target(%dma_start3A_277 : memref<32x1024xf32, #tpu.memory_space<hbm>>) target_semaphore(%arg13 : memref<!tpu.dma_semaphore, #tpu.memory_space<semaphore_mem>>)
    %dma_wait3A_278 = arith.constant 0 : i32
    %dma_wait3A_279 = tpu.memref_slice %arg4[%add3A_253, %dma_wait3A_278] : memref<16384x1024xf32, #tpu.memory_space<hbm>> -> memref<32x1024xf32, #tpu.memory_space<hbm>>
    %dma_wait3A_280 = arith.constant 0 : i32
    %dma_wait3A_281 = tpu.memref_slice %arg4[%add3A_253, %dma_wait3A_280] : memref<16384x1024xf32, #tpu.memory_space<hbm>> -> memref<32x1024xf32, #tpu.memory_space<hbm>>
    tpu.wait_dma2 semaphore(%arg12 : memref<!tpu.dma_semaphore, #tpu.memory_space<semaphore_mem>>) src(%arg6 : memref<32x1024xf32, #tpu.memory_space<vmem>>) dst(%dma_wait3A_281 : memref<32x1024xf32, #tpu.memory_space<hbm>>)
    %dma_start3A_282 = arith.constant 480 : i32
    %dma_start3A_283 = tpu.memref_slice %arg5[%dma_start3A_282] : memref<512xi32, #tpu.memory_space<vmem>> -> memref<32xi32, #tpu.memory_space<vmem>>
    %dma_start3A_284 = arith.constant 0 : i32
    %dma_start3A_285 = arith.constant 0 : i32
    %dma_start3A_286 = tpu.memref_slice %arg2[%dma_start3A_284, %dma_start3A_285] : memref<17664x1024xf32, #tpu.memory_space<hbm>> -> memref<17664x1024xf32, #tpu.memory_space<hbm>>
    tpu.enqueue_indirect_dma source(%dma_start3A_286 : memref<17664x1024xf32, #tpu.memory_space<hbm>>) target(%arg6 : memref<32x1024xf32, #tpu.memory_space<vmem>>) offsets(%dma_start3A_283 : memref<32xi32, #tpu.memory_space<vmem>>) semaphore(%arg9 : memref<!tpu.dma_semaphore, #tpu.memory_space<semaphore_mem>>)
    %dma_wait3A_287 = arith.constant 448 : i32
    %dma_wait3A_288 = tpu.memref_slice %arg5[%dma_wait3A_287] : memref<512xi32, #tpu.memory_space<vmem>> -> memref<32xi32, #tpu.memory_space<vmem>>
    %dma_wait3A_289 = arith.constant 0 : i32
    %dma_wait3A_290 = arith.constant 0 : i32
    %dma_wait3A_291 = tpu.memref_slice %arg2[%dma_wait3A_289, %dma_wait3A_290] : memref<17664x1024xf32, #tpu.memory_space<hbm>> -> memref<17664x1024xf32, #tpu.memory_space<hbm>>
    tpu.wait_indirect_dma semaphore(%arg11 : memref<!tpu.dma_semaphore, #tpu.memory_space<semaphore_mem>>) src(%dma_wait3A_291 : memref<17664x1024xf32, #tpu.memory_space<hbm>>) dst(%arg8 : memref<32x1024xf32, #tpu.memory_space<vmem>>)
    %add3A_292 = arith.constant 448 : i32
    %add3A_293 = arith.addi %mul3A_2, %add3A_292 : i32
    %dma_start3A_294 = arith.constant 0 : i32
    %dma_start3A_295 = tpu.memref_slice %arg4[%add3A_293, %dma_start3A_294] : memref<16384x1024xf32, #tpu.memory_space<hbm>> -> memref<32x1024xf32, #tpu.memory_space<hbm>>
    %dma_start3A_296 = arith.constant 0 : i32
    %dma_start3A_297 = tpu.memref_slice %arg4[%add3A_293, %dma_start3A_296] : memref<16384x1024xf32, #tpu.memory_space<hbm>> -> memref<32x1024xf32, #tpu.memory_space<hbm>>
    tpu.enqueue_dma source(%arg8 : memref<32x1024xf32, #tpu.memory_space<vmem>>) target(%dma_start3A_297 : memref<32x1024xf32, #tpu.memory_space<hbm>>) target_semaphore(%arg14 : memref<!tpu.dma_semaphore, #tpu.memory_space<semaphore_mem>>)
    %dma_wait3A_298 = arith.constant 480 : i32
    %dma_wait3A_299 = tpu.memref_slice %arg5[%dma_wait3A_298] : memref<512xi32, #tpu.memory_space<vmem>> -> memref<32xi32, #tpu.memory_space<vmem>>
    %dma_wait3A_300 = arith.constant 0 : i32
    %dma_wait3A_301 = arith.constant 0 : i32
    %dma_wait3A_302 = tpu.memref_slice %arg2[%dma_wait3A_300, %dma_wait3A_301] : memref<17664x1024xf32, #tpu.memory_space<hbm>> -> memref<17664x1024xf32, #tpu.memory_space<hbm>>
    tpu.wait_indirect_dma semaphore(%arg9 : memref<!tpu.dma_semaphore, #tpu.memory_space<semaphore_mem>>) src(%dma_wait3A_302 : memref<17664x1024xf32, #tpu.memory_space<hbm>>) dst(%arg6 : memref<32x1024xf32, #tpu.memory_space<vmem>>)
    %add3A_303 = arith.constant 480 : i32
    %add3A_304 = arith.addi %mul3A_2, %add3A_303 : i32
    %dma_start3A_305 = arith.constant 0 : i32
    %dma_start3A_306 = tpu.memref_slice %arg4[%add3A_304, %dma_start3A_305] : memref<16384x1024xf32, #tpu.memory_space<hbm>> -> memref<32x1024xf32, #tpu.memory_space<hbm>>
    %dma_start3A_307 = arith.constant 0 : i32
    %dma_start3A_308 = tpu.memref_slice %arg4[%add3A_304, %dma_start3A_307] : memref<16384x1024xf32, #tpu.memory_space<hbm>> -> memref<32x1024xf32, #tpu.memory_space<hbm>>
    tpu.enqueue_dma source(%arg6 : memref<32x1024xf32, #tpu.memory_space<vmem>>) target(%dma_start3A_308 : memref<32x1024xf32, #tpu.memory_space<hbm>>) target_semaphore(%arg12 : memref<!tpu.dma_semaphore, #tpu.memory_space<semaphore_mem>>)
    %dma_wait3A_309 = arith.constant 0 : i32
    %dma_wait3A_310 = tpu.memref_slice %arg4[%add3A_273, %dma_wait3A_309] : memref<16384x1024xf32, #tpu.memory_space<hbm>> -> memref<32x1024xf32, #tpu.memory_space<hbm>>
    %dma_wait3A_311 = arith.constant 0 : i32
    %dma_wait3A_312 = tpu.memref_slice %arg4[%add3A_273, %dma_wait3A_311] : memref<16384x1024xf32, #tpu.memory_space<hbm>> -> memref<32x1024xf32, #tpu.memory_space<hbm>>
    tpu.wait_dma2 semaphore(%arg13 : memref<!tpu.dma_semaphore, #tpu.memory_space<semaphore_mem>>) src(%arg7 : memref<32x1024xf32, #tpu.memory_space<vmem>>) dst(%dma_wait3A_312 : memref<32x1024xf32, #tpu.memory_space<hbm>>)
    %dma_wait3A_313 = arith.constant 0 : i32
    %dma_wait3A_314 = tpu.memref_slice %arg4[%add3A_293, %dma_wait3A_313] : memref<16384x1024xf32, #tpu.memory_space<hbm>> -> memref<32x1024xf32, #tpu.memory_space<hbm>>
    %dma_wait3A_315 = arith.constant 0 : i32
    %dma_wait3A_316 = tpu.memref_slice %arg4[%add3A_293, %dma_wait3A_315] : memref<16384x1024xf32, #tpu.memory_space<hbm>> -> memref<32x1024xf32, #tpu.memory_space<hbm>>
    tpu.wait_dma2 semaphore(%arg14 : memref<!tpu.dma_semaphore, #tpu.memory_space<semaphore_mem>>) src(%arg8 : memref<32x1024xf32, #tpu.memory_space<vmem>>) dst(%dma_wait3A_316 : memref<32x1024xf32, #tpu.memory_space<hbm>>)
    %dma_wait3A_317 = arith.constant 0 : i32
    %dma_wait3A_318 = tpu.memref_slice %arg4[%add3A_304, %dma_wait3A_317] : memref<16384x1024xf32, #tpu.memory_space<hbm>> -> memref<32x1024xf32, #tpu.memory_space<hbm>>
    %dma_wait3A_319 = arith.constant 0 : i32
    %dma_wait3A_320 = tpu.memref_slice %arg4[%add3A_304, %dma_wait3A_319] : memref<16384x1024xf32, #tpu.memory_space<hbm>> -> memref<32x1024xf32, #tpu.memory_space<hbm>>
    tpu.wait_dma2 semaphore(%arg12 : memref<!tpu.dma_semaphore, #tpu.memory_space<semaphore_mem>>) src(%arg6 : memref<32x1024xf32, #tpu.memory_space<vmem>>) dst(%dma_wait3A_320 : memref<32x1024xf32, #tpu.memory_space<hbm>>)
    return
  }
}

#map = affine_map<(d0, d1) -> (0, 0)>
#map1 = affine_map<(d0, d1) -> (0, 0, 0)>
module attributes {stable_mosaic.version = 14 : i64} {
  func.func @sk(%arg0: i32, %arg1: i32, %arg2: memref<16384x1152xf32, #tpu.memory_space<hbm>>, %arg3: memref<32x16x32xi32, #tpu.memory_space<hbm>>, %arg4: memref<17664x1152xf32, #tpu.memory_space<hbm>>, %arg5: memref<16x32xi32, #tpu.memory_space<vmem>>, %arg6: memref<32x1152xf32, #tpu.memory_space<vmem>>, %arg7: memref<32x1152xf32, #tpu.memory_space<vmem>>, %arg8: memref<32x1152xf32, #tpu.memory_space<vmem>>, %arg9: memref<!tpu.dma_semaphore, #tpu.memory_space<semaphore_mem>>, %arg10: memref<!tpu.dma_semaphore, #tpu.memory_space<semaphore_mem>>, %arg11: memref<!tpu.dma_semaphore, #tpu.memory_space<semaphore_mem>>, %arg12: memref<!tpu.dma_semaphore, #tpu.memory_space<semaphore_mem>>, %arg13: memref<!tpu.dma_semaphore, #tpu.memory_space<semaphore_mem>>, %arg14: memref<!tpu.dma_semaphore, #tpu.memory_space<semaphore_mem>>) attributes {dimension_semantics = [#tpu.dimension_semantics<core_parallel>, #tpu.dimension_semantics<subcore_parallel>], iteration_bounds = array<i64: 2, 16>, scalar_prefetch = 0 : i64, scratch_operands = 10 : i64, tpu.core_type = #tpu.core_type<sc_vector_subcore>, window_params = [{transform_indices = #map}, {transform_indices = #map1}, {transform_indices = #map}]} {
    %mul3A = arith.constant 2 : i32
    %mul3A_0 = arith.muli %arg1, %mul3A : i32
    %add3A = arith.addi %mul3A_0, %arg0 : i32
    %mul3A_1 = arith.constant 512 : i32
    %mul3A_2 = arith.muli %add3A, %mul3A_1 : i32
    "tpu.region"() ({
      %run_scoped3A = tpu.sem_alloc : memref<!tpu.dma_semaphore, #tpu.memory_space<semaphore_mem>>
      %dma_start3A_385 = arith.constant 0 : i32
      %dma_start3A_386 = arith.constant 0 : i32
      %dma_start3A_387 = tpu.memref_slice %arg3[%add3A, %dma_start3A_385, %dma_start3A_386] : memref<32x16x32xi32, #tpu.memory_space<hbm>> -> memref<1x16x32xi32, #tpu.memory_space<hbm>>
      %dma_start3A_388 = tpu.memref_squeeze %dma_start3A_387 : memref<1x16x32xi32, #tpu.memory_space<hbm>> -> memref<16x32xi32, #tpu.memory_space<hbm>>
      %dma_start3A_389 = arith.constant 0 : i32
      %dma_start3A_390 = arith.constant 0 : i32
      %dma_start3A_391 = tpu.memref_slice %arg3[%add3A, %dma_start3A_389, %dma_start3A_390] : memref<32x16x32xi32, #tpu.memory_space<hbm>> -> memref<1x16x32xi32, #tpu.memory_space<hbm>>
      %dma_start3A_392 = tpu.memref_squeeze %dma_start3A_391 : memref<1x16x32xi32, #tpu.memory_space<hbm>> -> memref<16x32xi32, #tpu.memory_space<hbm>>
      tpu.enqueue_dma source(%dma_start3A_392 : memref<16x32xi32, #tpu.memory_space<hbm>>) target(%arg5 : memref<16x32xi32, #tpu.memory_space<vmem>>) target_semaphore(%run_scoped3A : memref<!tpu.dma_semaphore, #tpu.memory_space<semaphore_mem>>)
      %dma_wait3A_393 = arith.constant 0 : i32
      %dma_wait3A_394 = arith.constant 0 : i32
      %dma_wait3A_395 = tpu.memref_slice %arg3[%add3A, %dma_wait3A_393, %dma_wait3A_394] : memref<32x16x32xi32, #tpu.memory_space<hbm>> -> memref<1x16x32xi32, #tpu.memory_space<hbm>>
      %dma_wait3A_396 = tpu.memref_squeeze %dma_wait3A_395 : memref<1x16x32xi32, #tpu.memory_space<hbm>> -> memref<16x32xi32, #tpu.memory_space<hbm>>
      %dma_wait3A_397 = arith.constant 0 : i32
      %dma_wait3A_398 = arith.constant 0 : i32
      %dma_wait3A_399 = tpu.memref_slice %arg3[%add3A, %dma_wait3A_397, %dma_wait3A_398] : memref<32x16x32xi32, #tpu.memory_space<hbm>> -> memref<1x16x32xi32, #tpu.memory_space<hbm>>
      %dma_wait3A_400 = tpu.memref_squeeze %dma_wait3A_399 : memref<1x16x32xi32, #tpu.memory_space<hbm>> -> memref<16x32xi32, #tpu.memory_space<hbm>>
      tpu.wait_dma2 semaphore(%run_scoped3A : memref<!tpu.dma_semaphore, #tpu.memory_space<semaphore_mem>>) src(%dma_wait3A_400 : memref<16x32xi32, #tpu.memory_space<hbm>>) dst(%arg5 : memref<16x32xi32, #tpu.memory_space<vmem>>)
      tpu.yield
    }) : () -> ()
    %add3A_3 = arith.constant 0 : i32
    %add3A_4 = arith.addi %mul3A_2, %add3A_3 : i32
    %dma_start3A = arith.constant 0 : i32
    %dma_start3A_5 = tpu.memref_slice %arg2[%add3A_4, %dma_start3A] : memref<16384x1152xf32, #tpu.memory_space<hbm>> -> memref<32x1152xf32, #tpu.memory_space<hbm>>
    %dma_start3A_6 = arith.constant 0 : i32
    %dma_start3A_7 = tpu.memref_slice %arg2[%add3A_4, %dma_start3A_6] : memref<16384x1152xf32, #tpu.memory_space<hbm>> -> memref<32x1152xf32, #tpu.memory_space<hbm>>
    tpu.enqueue_dma source(%dma_start3A_7 : memref<32x1152xf32, #tpu.memory_space<hbm>>) target(%arg6 : memref<32x1152xf32, #tpu.memory_space<vmem>>) target_semaphore(%arg9 : memref<!tpu.dma_semaphore, #tpu.memory_space<semaphore_mem>>)
    %add3A_8 = arith.constant 32 : i32
    %add3A_9 = arith.addi %mul3A_2, %add3A_8 : i32
    %dma_start3A_10 = arith.constant 0 : i32
    %dma_start3A_11 = tpu.memref_slice %arg2[%add3A_9, %dma_start3A_10] : memref<16384x1152xf32, #tpu.memory_space<hbm>> -> memref<32x1152xf32, #tpu.memory_space<hbm>>
    %dma_start3A_12 = arith.constant 0 : i32
    %dma_start3A_13 = tpu.memref_slice %arg2[%add3A_9, %dma_start3A_12] : memref<16384x1152xf32, #tpu.memory_space<hbm>> -> memref<32x1152xf32, #tpu.memory_space<hbm>>
    tpu.enqueue_dma source(%dma_start3A_13 : memref<32x1152xf32, #tpu.memory_space<hbm>>) target(%arg7 : memref<32x1152xf32, #tpu.memory_space<vmem>>) target_semaphore(%arg10 : memref<!tpu.dma_semaphore, #tpu.memory_space<semaphore_mem>>)
    %dma_wait3A = arith.constant 0 : i32
    %dma_wait3A_14 = tpu.memref_slice %arg2[%add3A_4, %dma_wait3A] : memref<16384x1152xf32, #tpu.memory_space<hbm>> -> memref<32x1152xf32, #tpu.memory_space<hbm>>
    %dma_wait3A_15 = arith.constant 0 : i32
    %dma_wait3A_16 = tpu.memref_slice %arg2[%add3A_4, %dma_wait3A_15] : memref<16384x1152xf32, #tpu.memory_space<hbm>> -> memref<32x1152xf32, #tpu.memory_space<hbm>>
    tpu.wait_dma2 semaphore(%arg9 : memref<!tpu.dma_semaphore, #tpu.memory_space<semaphore_mem>>) src(%dma_wait3A_16 : memref<32x1152xf32, #tpu.memory_space<hbm>>) dst(%arg6 : memref<32x1152xf32, #tpu.memory_space<vmem>>)
    %dma_start3A_17 = arith.constant 0 : i32
    %dma_start3A_18 = arith.constant 0 : i32
    %dma_start3A_19 = tpu.memref_slice %arg5[%dma_start3A_17, %dma_start3A_18] : memref<16x32xi32, #tpu.memory_space<vmem>> -> memref<1x32xi32, #tpu.memory_space<vmem>>
    %dma_start3A_20 = tpu.memref_squeeze %dma_start3A_19 : memref<1x32xi32, #tpu.memory_space<vmem>> -> memref<32xi32, #tpu.memory_space<vmem>>
    %dma_start3A_21 = arith.constant 0 : i32
    %dma_start3A_22 = arith.constant 0 : i32
    %dma_start3A_23 = tpu.memref_slice %arg4[%dma_start3A_21, %dma_start3A_22] : memref<17664x1152xf32, #tpu.memory_space<hbm>> -> memref<17664x1152xf32, #tpu.memory_space<hbm>>
    tpu.enqueue_indirect_dma source(%arg6 : memref<32x1152xf32, #tpu.memory_space<vmem>>) target(%dma_start3A_23 : memref<17664x1152xf32, #tpu.memory_space<hbm>>) offsets(%dma_start3A_20 : memref<32xi32, #tpu.memory_space<vmem>>) semaphore(%arg12 : memref<!tpu.dma_semaphore, #tpu.memory_space<semaphore_mem>>)
    %add3A_24 = arith.constant 64 : i32
    %add3A_25 = arith.addi %mul3A_2, %add3A_24 : i32
    %dma_start3A_26 = arith.constant 0 : i32
    %dma_start3A_27 = tpu.memref_slice %arg2[%add3A_25, %dma_start3A_26] : memref<16384x1152xf32, #tpu.memory_space<hbm>> -> memref<32x1152xf32, #tpu.memory_space<hbm>>
    %dma_start3A_28 = arith.constant 0 : i32
    %dma_start3A_29 = tpu.memref_slice %arg2[%add3A_25, %dma_start3A_28] : memref<16384x1152xf32, #tpu.memory_space<hbm>> -> memref<32x1152xf32, #tpu.memory_space<hbm>>
    tpu.enqueue_dma source(%dma_start3A_29 : memref<32x1152xf32, #tpu.memory_space<hbm>>) target(%arg8 : memref<32x1152xf32, #tpu.memory_space<vmem>>) target_semaphore(%arg11 : memref<!tpu.dma_semaphore, #tpu.memory_space<semaphore_mem>>)
    %dma_wait3A_30 = arith.constant 0 : i32
    %dma_wait3A_31 = tpu.memref_slice %arg2[%add3A_9, %dma_wait3A_30] : memref<16384x1152xf32, #tpu.memory_space<hbm>> -> memref<32x1152xf32, #tpu.memory_space<hbm>>
    %dma_wait3A_32 = arith.constant 0 : i32
    %dma_wait3A_33 = tpu.memref_slice %arg2[%add3A_9, %dma_wait3A_32] : memref<16384x1152xf32, #tpu.memory_space<hbm>> -> memref<32x1152xf32, #tpu.memory_space<hbm>>
    tpu.wait_dma2 semaphore(%arg10 : memref<!tpu.dma_semaphore, #tpu.memory_space<semaphore_mem>>) src(%dma_wait3A_33 : memref<32x1152xf32, #tpu.memory_space<hbm>>) dst(%arg7 : memref<32x1152xf32, #tpu.memory_space<vmem>>)
    %dma_start3A_34 = arith.constant 1 : i32
    %dma_start3A_35 = arith.constant 0 : i32
    %dma_start3A_36 = tpu.memref_slice %arg5[%dma_start3A_34, %dma_start3A_35] : memref<16x32xi32, #tpu.memory_space<vmem>> -> memref<1x32xi32, #tpu.memory_space<vmem>>
    %dma_start3A_37 = tpu.memref_squeeze %dma_start3A_36 : memref<1x32xi32, #tpu.memory_space<vmem>> -> memref<32xi32, #tpu.memory_space<vmem>>
    %dma_start3A_38 = arith.constant 0 : i32
    %dma_start3A_39 = arith.constant 0 : i32
    %dma_start3A_40 = tpu.memref_slice %arg4[%dma_start3A_38, %dma_start3A_39] : memref<17664x1152xf32, #tpu.memory_space<hbm>> -> memref<17664x1152xf32, #tpu.memory_space<hbm>>
    tpu.enqueue_indirect_dma source(%arg7 : memref<32x1152xf32, #tpu.memory_space<vmem>>) target(%dma_start3A_40 : memref<17664x1152xf32, #tpu.memory_space<hbm>>) offsets(%dma_start3A_37 : memref<32xi32, #tpu.memory_space<vmem>>) semaphore(%arg13 : memref<!tpu.dma_semaphore, #tpu.memory_space<semaphore_mem>>)
    %dma_wait3A_41 = arith.constant 0 : i32
    %dma_wait3A_42 = arith.constant 0 : i32
    %dma_wait3A_43 = tpu.memref_slice %arg5[%dma_wait3A_41, %dma_wait3A_42] : memref<16x32xi32, #tpu.memory_space<vmem>> -> memref<1x32xi32, #tpu.memory_space<vmem>>
    %dma_wait3A_44 = tpu.memref_squeeze %dma_wait3A_43 : memref<1x32xi32, #tpu.memory_space<vmem>> -> memref<32xi32, #tpu.memory_space<vmem>>
    %dma_wait3A_45 = arith.constant 0 : i32
    %dma_wait3A_46 = arith.constant 0 : i32
    %dma_wait3A_47 = tpu.memref_slice %arg4[%dma_wait3A_45, %dma_wait3A_46] : memref<17664x1152xf32, #tpu.memory_space<hbm>> -> memref<17664x1152xf32, #tpu.memory_space<hbm>>
    tpu.wait_indirect_dma semaphore(%arg12 : memref<!tpu.dma_semaphore, #tpu.memory_space<semaphore_mem>>) src(%arg6 : memref<32x1152xf32, #tpu.memory_space<vmem>>) dst(%dma_wait3A_47 : memref<17664x1152xf32, #tpu.memory_space<hbm>>)
    %add3A_48 = arith.constant 96 : i32
    %add3A_49 = arith.addi %mul3A_2, %add3A_48 : i32
    %dma_start3A_50 = arith.constant 0 : i32
    %dma_start3A_51 = tpu.memref_slice %arg2[%add3A_49, %dma_start3A_50] : memref<16384x1152xf32, #tpu.memory_space<hbm>> -> memref<32x1152xf32, #tpu.memory_space<hbm>>
    %dma_start3A_52 = arith.constant 0 : i32
    %dma_start3A_53 = tpu.memref_slice %arg2[%add3A_49, %dma_start3A_52] : memref<16384x1152xf32, #tpu.memory_space<hbm>> -> memref<32x1152xf32, #tpu.memory_space<hbm>>
    tpu.enqueue_dma source(%dma_start3A_53 : memref<32x1152xf32, #tpu.memory_space<hbm>>) target(%arg6 : memref<32x1152xf32, #tpu.memory_space<vmem>>) target_semaphore(%arg9 : memref<!tpu.dma_semaphore, #tpu.memory_space<semaphore_mem>>)
    %dma_wait3A_54 = arith.constant 0 : i32
    %dma_wait3A_55 = tpu.memref_slice %arg2[%add3A_25, %dma_wait3A_54] : memref<16384x1152xf32, #tpu.memory_space<hbm>> -> memref<32x1152xf32, #tpu.memory_space<hbm>>
    %dma_wait3A_56 = arith.constant 0 : i32
    %dma_wait3A_57 = tpu.memref_slice %arg2[%add3A_25, %dma_wait3A_56] : memref<16384x1152xf32, #tpu.memory_space<hbm>> -> memref<32x1152xf32, #tpu.memory_space<hbm>>
    tpu.wait_dma2 semaphore(%arg11 : memref<!tpu.dma_semaphore, #tpu.memory_space<semaphore_mem>>) src(%dma_wait3A_57 : memref<32x1152xf32, #tpu.memory_space<hbm>>) dst(%arg8 : memref<32x1152xf32, #tpu.memory_space<vmem>>)
    %dma_start3A_58 = arith.constant 2 : i32
    %dma_start3A_59 = arith.constant 0 : i32
    %dma_start3A_60 = tpu.memref_slice %arg5[%dma_start3A_58, %dma_start3A_59] : memref<16x32xi32, #tpu.memory_space<vmem>> -> memref<1x32xi32, #tpu.memory_space<vmem>>
    %dma_start3A_61 = tpu.memref_squeeze %dma_start3A_60 : memref<1x32xi32, #tpu.memory_space<vmem>> -> memref<32xi32, #tpu.memory_space<vmem>>
    %dma_start3A_62 = arith.constant 0 : i32
    %dma_start3A_63 = arith.constant 0 : i32
    %dma_start3A_64 = tpu.memref_slice %arg4[%dma_start3A_62, %dma_start3A_63] : memref<17664x1152xf32, #tpu.memory_space<hbm>> -> memref<17664x1152xf32, #tpu.memory_space<hbm>>
    tpu.enqueue_indirect_dma source(%arg8 : memref<32x1152xf32, #tpu.memory_space<vmem>>) target(%dma_start3A_64 : memref<17664x1152xf32, #tpu.memory_space<hbm>>) offsets(%dma_start3A_61 : memref<32xi32, #tpu.memory_space<vmem>>) semaphore(%arg14 : memref<!tpu.dma_semaphore, #tpu.memory_space<semaphore_mem>>)
    %dma_wait3A_65 = arith.constant 1 : i32
    %dma_wait3A_66 = arith.constant 0 : i32
    %dma_wait3A_67 = tpu.memref_slice %arg5[%dma_wait3A_65, %dma_wait3A_66] : memref<16x32xi32, #tpu.memory_space<vmem>> -> memref<1x32xi32, #tpu.memory_space<vmem>>
    %dma_wait3A_68 = tpu.memref_squeeze %dma_wait3A_67 : memref<1x32xi32, #tpu.memory_space<vmem>> -> memref<32xi32, #tpu.memory_space<vmem>>
    %dma_wait3A_69 = arith.constant 0 : i32
    %dma_wait3A_70 = arith.constant 0 : i32
    %dma_wait3A_71 = tpu.memref_slice %arg4[%dma_wait3A_69, %dma_wait3A_70] : memref<17664x1152xf32, #tpu.memory_space<hbm>> -> memref<17664x1152xf32, #tpu.memory_space<hbm>>
    tpu.wait_indirect_dma semaphore(%arg13 : memref<!tpu.dma_semaphore, #tpu.memory_space<semaphore_mem>>) src(%arg7 : memref<32x1152xf32, #tpu.memory_space<vmem>>) dst(%dma_wait3A_71 : memref<17664x1152xf32, #tpu.memory_space<hbm>>)
    %add3A_72 = arith.constant 128 : i32
    %add3A_73 = arith.addi %mul3A_2, %add3A_72 : i32
    %dma_start3A_74 = arith.constant 0 : i32
    %dma_start3A_75 = tpu.memref_slice %arg2[%add3A_73, %dma_start3A_74] : memref<16384x1152xf32, #tpu.memory_space<hbm>> -> memref<32x1152xf32, #tpu.memory_space<hbm>>
    %dma_start3A_76 = arith.constant 0 : i32
    %dma_start3A_77 = tpu.memref_slice %arg2[%add3A_73, %dma_start3A_76] : memref<16384x1152xf32, #tpu.memory_space<hbm>> -> memref<32x1152xf32, #tpu.memory_space<hbm>>
    tpu.enqueue_dma source(%dma_start3A_77 : memref<32x1152xf32, #tpu.memory_space<hbm>>) target(%arg7 : memref<32x1152xf32, #tpu.memory_space<vmem>>) target_semaphore(%arg10 : memref<!tpu.dma_semaphore, #tpu.memory_space<semaphore_mem>>)
    %dma_wait3A_78 = arith.constant 0 : i32
    %dma_wait3A_79 = tpu.memref_slice %arg2[%add3A_49, %dma_wait3A_78] : memref<16384x1152xf32, #tpu.memory_space<hbm>> -> memref<32x1152xf32, #tpu.memory_space<hbm>>
    %dma_wait3A_80 = arith.constant 0 : i32
    %dma_wait3A_81 = tpu.memref_slice %arg2[%add3A_49, %dma_wait3A_80] : memref<16384x1152xf32, #tpu.memory_space<hbm>> -> memref<32x1152xf32, #tpu.memory_space<hbm>>
    tpu.wait_dma2 semaphore(%arg9 : memref<!tpu.dma_semaphore, #tpu.memory_space<semaphore_mem>>) src(%dma_wait3A_81 : memref<32x1152xf32, #tpu.memory_space<hbm>>) dst(%arg6 : memref<32x1152xf32, #tpu.memory_space<vmem>>)
    %dma_start3A_82 = arith.constant 3 : i32
    %dma_start3A_83 = arith.constant 0 : i32
    %dma_start3A_84 = tpu.memref_slice %arg5[%dma_start3A_82, %dma_start3A_83] : memref<16x32xi32, #tpu.memory_space<vmem>> -> memref<1x32xi32, #tpu.memory_space<vmem>>
    %dma_start3A_85 = tpu.memref_squeeze %dma_start3A_84 : memref<1x32xi32, #tpu.memory_space<vmem>> -> memref<32xi32, #tpu.memory_space<vmem>>
    %dma_start3A_86 = arith.constant 0 : i32
    %dma_start3A_87 = arith.constant 0 : i32
    %dma_start3A_88 = tpu.memref_slice %arg4[%dma_start3A_86, %dma_start3A_87] : memref<17664x1152xf32, #tpu.memory_space<hbm>> -> memref<17664x1152xf32, #tpu.memory_space<hbm>>
    tpu.enqueue_indirect_dma source(%arg6 : memref<32x1152xf32, #tpu.memory_space<vmem>>) target(%dma_start3A_88 : memref<17664x1152xf32, #tpu.memory_space<hbm>>) offsets(%dma_start3A_85 : memref<32xi32, #tpu.memory_space<vmem>>) semaphore(%arg12 : memref<!tpu.dma_semaphore, #tpu.memory_space<semaphore_mem>>)
    %dma_wait3A_89 = arith.constant 2 : i32
    %dma_wait3A_90 = arith.constant 0 : i32
    %dma_wait3A_91 = tpu.memref_slice %arg5[%dma_wait3A_89, %dma_wait3A_90] : memref<16x32xi32, #tpu.memory_space<vmem>> -> memref<1x32xi32, #tpu.memory_space<vmem>>
    %dma_wait3A_92 = tpu.memref_squeeze %dma_wait3A_91 : memref<1x32xi32, #tpu.memory_space<vmem>> -> memref<32xi32, #tpu.memory_space<vmem>>
    %dma_wait3A_93 = arith.constant 0 : i32
    %dma_wait3A_94 = arith.constant 0 : i32
    %dma_wait3A_95 = tpu.memref_slice %arg4[%dma_wait3A_93, %dma_wait3A_94] : memref<17664x1152xf32, #tpu.memory_space<hbm>> -> memref<17664x1152xf32, #tpu.memory_space<hbm>>
    tpu.wait_indirect_dma semaphore(%arg14 : memref<!tpu.dma_semaphore, #tpu.memory_space<semaphore_mem>>) src(%arg8 : memref<32x1152xf32, #tpu.memory_space<vmem>>) dst(%dma_wait3A_95 : memref<17664x1152xf32, #tpu.memory_space<hbm>>)
    %add3A_96 = arith.constant 160 : i32
    %add3A_97 = arith.addi %mul3A_2, %add3A_96 : i32
    %dma_start3A_98 = arith.constant 0 : i32
    %dma_start3A_99 = tpu.memref_slice %arg2[%add3A_97, %dma_start3A_98] : memref<16384x1152xf32, #tpu.memory_space<hbm>> -> memref<32x1152xf32, #tpu.memory_space<hbm>>
    %dma_start3A_100 = arith.constant 0 : i32
    %dma_start3A_101 = tpu.memref_slice %arg2[%add3A_97, %dma_start3A_100] : memref<16384x1152xf32, #tpu.memory_space<hbm>> -> memref<32x1152xf32, #tpu.memory_space<hbm>>
    tpu.enqueue_dma source(%dma_start3A_101 : memref<32x1152xf32, #tpu.memory_space<hbm>>) target(%arg8 : memref<32x1152xf32, #tpu.memory_space<vmem>>) target_semaphore(%arg11 : memref<!tpu.dma_semaphore, #tpu.memory_space<semaphore_mem>>)
    %dma_wait3A_102 = arith.constant 0 : i32
    %dma_wait3A_103 = tpu.memref_slice %arg2[%add3A_73, %dma_wait3A_102] : memref<16384x1152xf32, #tpu.memory_space<hbm>> -> memref<32x1152xf32, #tpu.memory_space<hbm>>
    %dma_wait3A_104 = arith.constant 0 : i32
    %dma_wait3A_105 = tpu.memref_slice %arg2[%add3A_73, %dma_wait3A_104] : memref<16384x1152xf32, #tpu.memory_space<hbm>> -> memref<32x1152xf32, #tpu.memory_space<hbm>>
    tpu.wait_dma2 semaphore(%arg10 : memref<!tpu.dma_semaphore, #tpu.memory_space<semaphore_mem>>) src(%dma_wait3A_105 : memref<32x1152xf32, #tpu.memory_space<hbm>>) dst(%arg7 : memref<32x1152xf32, #tpu.memory_space<vmem>>)
    %dma_start3A_106 = arith.constant 4 : i32
    %dma_start3A_107 = arith.constant 0 : i32
    %dma_start3A_108 = tpu.memref_slice %arg5[%dma_start3A_106, %dma_start3A_107] : memref<16x32xi32, #tpu.memory_space<vmem>> -> memref<1x32xi32, #tpu.memory_space<vmem>>
    %dma_start3A_109 = tpu.memref_squeeze %dma_start3A_108 : memref<1x32xi32, #tpu.memory_space<vmem>> -> memref<32xi32, #tpu.memory_space<vmem>>
    %dma_start3A_110 = arith.constant 0 : i32
    %dma_start3A_111 = arith.constant 0 : i32
    %dma_start3A_112 = tpu.memref_slice %arg4[%dma_start3A_110, %dma_start3A_111] : memref<17664x1152xf32, #tpu.memory_space<hbm>> -> memref<17664x1152xf32, #tpu.memory_space<hbm>>
    tpu.enqueue_indirect_dma source(%arg7 : memref<32x1152xf32, #tpu.memory_space<vmem>>) target(%dma_start3A_112 : memref<17664x1152xf32, #tpu.memory_space<hbm>>) offsets(%dma_start3A_109 : memref<32xi32, #tpu.memory_space<vmem>>) semaphore(%arg13 : memref<!tpu.dma_semaphore, #tpu.memory_space<semaphore_mem>>)
    %dma_wait3A_113 = arith.constant 3 : i32
    %dma_wait3A_114 = arith.constant 0 : i32
    %dma_wait3A_115 = tpu.memref_slice %arg5[%dma_wait3A_113, %dma_wait3A_114] : memref<16x32xi32, #tpu.memory_space<vmem>> -> memref<1x32xi32, #tpu.memory_space<vmem>>
    %dma_wait3A_116 = tpu.memref_squeeze %dma_wait3A_115 : memref<1x32xi32, #tpu.memory_space<vmem>> -> memref<32xi32, #tpu.memory_space<vmem>>
    %dma_wait3A_117 = arith.constant 0 : i32
    %dma_wait3A_118 = arith.constant 0 : i32
    %dma_wait3A_119 = tpu.memref_slice %arg4[%dma_wait3A_117, %dma_wait3A_118] : memref<17664x1152xf32, #tpu.memory_space<hbm>> -> memref<17664x1152xf32, #tpu.memory_space<hbm>>
    tpu.wait_indirect_dma semaphore(%arg12 : memref<!tpu.dma_semaphore, #tpu.memory_space<semaphore_mem>>) src(%arg6 : memref<32x1152xf32, #tpu.memory_space<vmem>>) dst(%dma_wait3A_119 : memref<17664x1152xf32, #tpu.memory_space<hbm>>)
    %add3A_120 = arith.constant 192 : i32
    %add3A_121 = arith.addi %mul3A_2, %add3A_120 : i32
    %dma_start3A_122 = arith.constant 0 : i32
    %dma_start3A_123 = tpu.memref_slice %arg2[%add3A_121, %dma_start3A_122] : memref<16384x1152xf32, #tpu.memory_space<hbm>> -> memref<32x1152xf32, #tpu.memory_space<hbm>>
    %dma_start3A_124 = arith.constant 0 : i32
    %dma_start3A_125 = tpu.memref_slice %arg2[%add3A_121, %dma_start3A_124] : memref<16384x1152xf32, #tpu.memory_space<hbm>> -> memref<32x1152xf32, #tpu.memory_space<hbm>>
    tpu.enqueue_dma source(%dma_start3A_125 : memref<32x1152xf32, #tpu.memory_space<hbm>>) target(%arg6 : memref<32x1152xf32, #tpu.memory_space<vmem>>) target_semaphore(%arg9 : memref<!tpu.dma_semaphore, #tpu.memory_space<semaphore_mem>>)
    %dma_wait3A_126 = arith.constant 0 : i32
    %dma_wait3A_127 = tpu.memref_slice %arg2[%add3A_97, %dma_wait3A_126] : memref<16384x1152xf32, #tpu.memory_space<hbm>> -> memref<32x1152xf32, #tpu.memory_space<hbm>>
    %dma_wait3A_128 = arith.constant 0 : i32
    %dma_wait3A_129 = tpu.memref_slice %arg2[%add3A_97, %dma_wait3A_128] : memref<16384x1152xf32, #tpu.memory_space<hbm>> -> memref<32x1152xf32, #tpu.memory_space<hbm>>
    tpu.wait_dma2 semaphore(%arg11 : memref<!tpu.dma_semaphore, #tpu.memory_space<semaphore_mem>>) src(%dma_wait3A_129 : memref<32x1152xf32, #tpu.memory_space<hbm>>) dst(%arg8 : memref<32x1152xf32, #tpu.memory_space<vmem>>)
    %dma_start3A_130 = arith.constant 5 : i32
    %dma_start3A_131 = arith.constant 0 : i32
    %dma_start3A_132 = tpu.memref_slice %arg5[%dma_start3A_130, %dma_start3A_131] : memref<16x32xi32, #tpu.memory_space<vmem>> -> memref<1x32xi32, #tpu.memory_space<vmem>>
    %dma_start3A_133 = tpu.memref_squeeze %dma_start3A_132 : memref<1x32xi32, #tpu.memory_space<vmem>> -> memref<32xi32, #tpu.memory_space<vmem>>
    %dma_start3A_134 = arith.constant 0 : i32
    %dma_start3A_135 = arith.constant 0 : i32
    %dma_start3A_136 = tpu.memref_slice %arg4[%dma_start3A_134, %dma_start3A_135] : memref<17664x1152xf32, #tpu.memory_space<hbm>> -> memref<17664x1152xf32, #tpu.memory_space<hbm>>
    tpu.enqueue_indirect_dma source(%arg8 : memref<32x1152xf32, #tpu.memory_space<vmem>>) target(%dma_start3A_136 : memref<17664x1152xf32, #tpu.memory_space<hbm>>) offsets(%dma_start3A_133 : memref<32xi32, #tpu.memory_space<vmem>>) semaphore(%arg14 : memref<!tpu.dma_semaphore, #tpu.memory_space<semaphore_mem>>)
    %dma_wait3A_137 = arith.constant 4 : i32
    %dma_wait3A_138 = arith.constant 0 : i32
    %dma_wait3A_139 = tpu.memref_slice %arg5[%dma_wait3A_137, %dma_wait3A_138] : memref<16x32xi32, #tpu.memory_space<vmem>> -> memref<1x32xi32, #tpu.memory_space<vmem>>
    %dma_wait3A_140 = tpu.memref_squeeze %dma_wait3A_139 : memref<1x32xi32, #tpu.memory_space<vmem>> -> memref<32xi32, #tpu.memory_space<vmem>>
    %dma_wait3A_141 = arith.constant 0 : i32
    %dma_wait3A_142 = arith.constant 0 : i32
    %dma_wait3A_143 = tpu.memref_slice %arg4[%dma_wait3A_141, %dma_wait3A_142] : memref<17664x1152xf32, #tpu.memory_space<hbm>> -> memref<17664x1152xf32, #tpu.memory_space<hbm>>
    tpu.wait_indirect_dma semaphore(%arg13 : memref<!tpu.dma_semaphore, #tpu.memory_space<semaphore_mem>>) src(%arg7 : memref<32x1152xf32, #tpu.memory_space<vmem>>) dst(%dma_wait3A_143 : memref<17664x1152xf32, #tpu.memory_space<hbm>>)
    %add3A_144 = arith.constant 224 : i32
    %add3A_145 = arith.addi %mul3A_2, %add3A_144 : i32
    %dma_start3A_146 = arith.constant 0 : i32
    %dma_start3A_147 = tpu.memref_slice %arg2[%add3A_145, %dma_start3A_146] : memref<16384x1152xf32, #tpu.memory_space<hbm>> -> memref<32x1152xf32, #tpu.memory_space<hbm>>
    %dma_start3A_148 = arith.constant 0 : i32
    %dma_start3A_149 = tpu.memref_slice %arg2[%add3A_145, %dma_start3A_148] : memref<16384x1152xf32, #tpu.memory_space<hbm>> -> memref<32x1152xf32, #tpu.memory_space<hbm>>
    tpu.enqueue_dma source(%dma_start3A_149 : memref<32x1152xf32, #tpu.memory_space<hbm>>) target(%arg7 : memref<32x1152xf32, #tpu.memory_space<vmem>>) target_semaphore(%arg10 : memref<!tpu.dma_semaphore, #tpu.memory_space<semaphore_mem>>)
    %dma_wait3A_150 = arith.constant 0 : i32
    %dma_wait3A_151 = tpu.memref_slice %arg2[%add3A_121, %dma_wait3A_150] : memref<16384x1152xf32, #tpu.memory_space<hbm>> -> memref<32x1152xf32, #tpu.memory_space<hbm>>
    %dma_wait3A_152 = arith.constant 0 : i32
    %dma_wait3A_153 = tpu.memref_slice %arg2[%add3A_121, %dma_wait3A_152] : memref<16384x1152xf32, #tpu.memory_space<hbm>> -> memref<32x1152xf32, #tpu.memory_space<hbm>>
    tpu.wait_dma2 semaphore(%arg9 : memref<!tpu.dma_semaphore, #tpu.memory_space<semaphore_mem>>) src(%dma_wait3A_153 : memref<32x1152xf32, #tpu.memory_space<hbm>>) dst(%arg6 : memref<32x1152xf32, #tpu.memory_space<vmem>>)
    %dma_start3A_154 = arith.constant 6 : i32
    %dma_start3A_155 = arith.constant 0 : i32
    %dma_start3A_156 = tpu.memref_slice %arg5[%dma_start3A_154, %dma_start3A_155] : memref<16x32xi32, #tpu.memory_space<vmem>> -> memref<1x32xi32, #tpu.memory_space<vmem>>
    %dma_start3A_157 = tpu.memref_squeeze %dma_start3A_156 : memref<1x32xi32, #tpu.memory_space<vmem>> -> memref<32xi32, #tpu.memory_space<vmem>>
    %dma_start3A_158 = arith.constant 0 : i32
    %dma_start3A_159 = arith.constant 0 : i32
    %dma_start3A_160 = tpu.memref_slice %arg4[%dma_start3A_158, %dma_start3A_159] : memref<17664x1152xf32, #tpu.memory_space<hbm>> -> memref<17664x1152xf32, #tpu.memory_space<hbm>>
    tpu.enqueue_indirect_dma source(%arg6 : memref<32x1152xf32, #tpu.memory_space<vmem>>) target(%dma_start3A_160 : memref<17664x1152xf32, #tpu.memory_space<hbm>>) offsets(%dma_start3A_157 : memref<32xi32, #tpu.memory_space<vmem>>) semaphore(%arg12 : memref<!tpu.dma_semaphore, #tpu.memory_space<semaphore_mem>>)
    %dma_wait3A_161 = arith.constant 5 : i32
    %dma_wait3A_162 = arith.constant 0 : i32
    %dma_wait3A_163 = tpu.memref_slice %arg5[%dma_wait3A_161, %dma_wait3A_162] : memref<16x32xi32, #tpu.memory_space<vmem>> -> memref<1x32xi32, #tpu.memory_space<vmem>>
    %dma_wait3A_164 = tpu.memref_squeeze %dma_wait3A_163 : memref<1x32xi32, #tpu.memory_space<vmem>> -> memref<32xi32, #tpu.memory_space<vmem>>
    %dma_wait3A_165 = arith.constant 0 : i32
    %dma_wait3A_166 = arith.constant 0 : i32
    %dma_wait3A_167 = tpu.memref_slice %arg4[%dma_wait3A_165, %dma_wait3A_166] : memref<17664x1152xf32, #tpu.memory_space<hbm>> -> memref<17664x1152xf32, #tpu.memory_space<hbm>>
    tpu.wait_indirect_dma semaphore(%arg14 : memref<!tpu.dma_semaphore, #tpu.memory_space<semaphore_mem>>) src(%arg8 : memref<32x1152xf32, #tpu.memory_space<vmem>>) dst(%dma_wait3A_167 : memref<17664x1152xf32, #tpu.memory_space<hbm>>)
    %add3A_168 = arith.constant 256 : i32
    %add3A_169 = arith.addi %mul3A_2, %add3A_168 : i32
    %dma_start3A_170 = arith.constant 0 : i32
    %dma_start3A_171 = tpu.memref_slice %arg2[%add3A_169, %dma_start3A_170] : memref<16384x1152xf32, #tpu.memory_space<hbm>> -> memref<32x1152xf32, #tpu.memory_space<hbm>>
    %dma_start3A_172 = arith.constant 0 : i32
    %dma_start3A_173 = tpu.memref_slice %arg2[%add3A_169, %dma_start3A_172] : memref<16384x1152xf32, #tpu.memory_space<hbm>> -> memref<32x1152xf32, #tpu.memory_space<hbm>>
    tpu.enqueue_dma source(%dma_start3A_173 : memref<32x1152xf32, #tpu.memory_space<hbm>>) target(%arg8 : memref<32x1152xf32, #tpu.memory_space<vmem>>) target_semaphore(%arg11 : memref<!tpu.dma_semaphore, #tpu.memory_space<semaphore_mem>>)
    %dma_wait3A_174 = arith.constant 0 : i32
    %dma_wait3A_175 = tpu.memref_slice %arg2[%add3A_145, %dma_wait3A_174] : memref<16384x1152xf32, #tpu.memory_space<hbm>> -> memref<32x1152xf32, #tpu.memory_space<hbm>>
    %dma_wait3A_176 = arith.constant 0 : i32
    %dma_wait3A_177 = tpu.memref_slice %arg2[%add3A_145, %dma_wait3A_176] : memref<16384x1152xf32, #tpu.memory_space<hbm>> -> memref<32x1152xf32, #tpu.memory_space<hbm>>
    tpu.wait_dma2 semaphore(%arg10 : memref<!tpu.dma_semaphore, #tpu.memory_space<semaphore_mem>>) src(%dma_wait3A_177 : memref<32x1152xf32, #tpu.memory_space<hbm>>) dst(%arg7 : memref<32x1152xf32, #tpu.memory_space<vmem>>)
    %dma_start3A_178 = arith.constant 7 : i32
    %dma_start3A_179 = arith.constant 0 : i32
    %dma_start3A_180 = tpu.memref_slice %arg5[%dma_start3A_178, %dma_start3A_179] : memref<16x32xi32, #tpu.memory_space<vmem>> -> memref<1x32xi32, #tpu.memory_space<vmem>>
    %dma_start3A_181 = tpu.memref_squeeze %dma_start3A_180 : memref<1x32xi32, #tpu.memory_space<vmem>> -> memref<32xi32, #tpu.memory_space<vmem>>
    %dma_start3A_182 = arith.constant 0 : i32
    %dma_start3A_183 = arith.constant 0 : i32
    %dma_start3A_184 = tpu.memref_slice %arg4[%dma_start3A_182, %dma_start3A_183] : memref<17664x1152xf32, #tpu.memory_space<hbm>> -> memref<17664x1152xf32, #tpu.memory_space<hbm>>
    tpu.enqueue_indirect_dma source(%arg7 : memref<32x1152xf32, #tpu.memory_space<vmem>>) target(%dma_start3A_184 : memref<17664x1152xf32, #tpu.memory_space<hbm>>) offsets(%dma_start3A_181 : memref<32xi32, #tpu.memory_space<vmem>>) semaphore(%arg13 : memref<!tpu.dma_semaphore, #tpu.memory_space<semaphore_mem>>)
    %dma_wait3A_185 = arith.constant 6 : i32
    %dma_wait3A_186 = arith.constant 0 : i32
    %dma_wait3A_187 = tpu.memref_slice %arg5[%dma_wait3A_185, %dma_wait3A_186] : memref<16x32xi32, #tpu.memory_space<vmem>> -> memref<1x32xi32, #tpu.memory_space<vmem>>
    %dma_wait3A_188 = tpu.memref_squeeze %dma_wait3A_187 : memref<1x32xi32, #tpu.memory_space<vmem>> -> memref<32xi32, #tpu.memory_space<vmem>>
    %dma_wait3A_189 = arith.constant 0 : i32
    %dma_wait3A_190 = arith.constant 0 : i32
    %dma_wait3A_191 = tpu.memref_slice %arg4[%dma_wait3A_189, %dma_wait3A_190] : memref<17664x1152xf32, #tpu.memory_space<hbm>> -> memref<17664x1152xf32, #tpu.memory_space<hbm>>
    tpu.wait_indirect_dma semaphore(%arg12 : memref<!tpu.dma_semaphore, #tpu.memory_space<semaphore_mem>>) src(%arg6 : memref<32x1152xf32, #tpu.memory_space<vmem>>) dst(%dma_wait3A_191 : memref<17664x1152xf32, #tpu.memory_space<hbm>>)
    %add3A_192 = arith.constant 288 : i32
    %add3A_193 = arith.addi %mul3A_2, %add3A_192 : i32
    %dma_start3A_194 = arith.constant 0 : i32
    %dma_start3A_195 = tpu.memref_slice %arg2[%add3A_193, %dma_start3A_194] : memref<16384x1152xf32, #tpu.memory_space<hbm>> -> memref<32x1152xf32, #tpu.memory_space<hbm>>
    %dma_start3A_196 = arith.constant 0 : i32
    %dma_start3A_197 = tpu.memref_slice %arg2[%add3A_193, %dma_start3A_196] : memref<16384x1152xf32, #tpu.memory_space<hbm>> -> memref<32x1152xf32, #tpu.memory_space<hbm>>
    tpu.enqueue_dma source(%dma_start3A_197 : memref<32x1152xf32, #tpu.memory_space<hbm>>) target(%arg6 : memref<32x1152xf32, #tpu.memory_space<vmem>>) target_semaphore(%arg9 : memref<!tpu.dma_semaphore, #tpu.memory_space<semaphore_mem>>)
    %dma_wait3A_198 = arith.constant 0 : i32
    %dma_wait3A_199 = tpu.memref_slice %arg2[%add3A_169, %dma_wait3A_198] : memref<16384x1152xf32, #tpu.memory_space<hbm>> -> memref<32x1152xf32, #tpu.memory_space<hbm>>
    %dma_wait3A_200 = arith.constant 0 : i32
    %dma_wait3A_201 = tpu.memref_slice %arg2[%add3A_169, %dma_wait3A_200] : memref<16384x1152xf32, #tpu.memory_space<hbm>> -> memref<32x1152xf32, #tpu.memory_space<hbm>>
    tpu.wait_dma2 semaphore(%arg11 : memref<!tpu.dma_semaphore, #tpu.memory_space<semaphore_mem>>) src(%dma_wait3A_201 : memref<32x1152xf32, #tpu.memory_space<hbm>>) dst(%arg8 : memref<32x1152xf32, #tpu.memory_space<vmem>>)
    %dma_start3A_202 = arith.constant 8 : i32
    %dma_start3A_203 = arith.constant 0 : i32
    %dma_start3A_204 = tpu.memref_slice %arg5[%dma_start3A_202, %dma_start3A_203] : memref<16x32xi32, #tpu.memory_space<vmem>> -> memref<1x32xi32, #tpu.memory_space<vmem>>
    %dma_start3A_205 = tpu.memref_squeeze %dma_start3A_204 : memref<1x32xi32, #tpu.memory_space<vmem>> -> memref<32xi32, #tpu.memory_space<vmem>>
    %dma_start3A_206 = arith.constant 0 : i32
    %dma_start3A_207 = arith.constant 0 : i32
    %dma_start3A_208 = tpu.memref_slice %arg4[%dma_start3A_206, %dma_start3A_207] : memref<17664x1152xf32, #tpu.memory_space<hbm>> -> memref<17664x1152xf32, #tpu.memory_space<hbm>>
    tpu.enqueue_indirect_dma source(%arg8 : memref<32x1152xf32, #tpu.memory_space<vmem>>) target(%dma_start3A_208 : memref<17664x1152xf32, #tpu.memory_space<hbm>>) offsets(%dma_start3A_205 : memref<32xi32, #tpu.memory_space<vmem>>) semaphore(%arg14 : memref<!tpu.dma_semaphore, #tpu.memory_space<semaphore_mem>>)
    %dma_wait3A_209 = arith.constant 7 : i32
    %dma_wait3A_210 = arith.constant 0 : i32
    %dma_wait3A_211 = tpu.memref_slice %arg5[%dma_wait3A_209, %dma_wait3A_210] : memref<16x32xi32, #tpu.memory_space<vmem>> -> memref<1x32xi32, #tpu.memory_space<vmem>>
    %dma_wait3A_212 = tpu.memref_squeeze %dma_wait3A_211 : memref<1x32xi32, #tpu.memory_space<vmem>> -> memref<32xi32, #tpu.memory_space<vmem>>
    %dma_wait3A_213 = arith.constant 0 : i32
    %dma_wait3A_214 = arith.constant 0 : i32
    %dma_wait3A_215 = tpu.memref_slice %arg4[%dma_wait3A_213, %dma_wait3A_214] : memref<17664x1152xf32, #tpu.memory_space<hbm>> -> memref<17664x1152xf32, #tpu.memory_space<hbm>>
    tpu.wait_indirect_dma semaphore(%arg13 : memref<!tpu.dma_semaphore, #tpu.memory_space<semaphore_mem>>) src(%arg7 : memref<32x1152xf32, #tpu.memory_space<vmem>>) dst(%dma_wait3A_215 : memref<17664x1152xf32, #tpu.memory_space<hbm>>)
    %add3A_216 = arith.constant 320 : i32
    %add3A_217 = arith.addi %mul3A_2, %add3A_216 : i32
    %dma_start3A_218 = arith.constant 0 : i32
    %dma_start3A_219 = tpu.memref_slice %arg2[%add3A_217, %dma_start3A_218] : memref<16384x1152xf32, #tpu.memory_space<hbm>> -> memref<32x1152xf32, #tpu.memory_space<hbm>>
    %dma_start3A_220 = arith.constant 0 : i32
    %dma_start3A_221 = tpu.memref_slice %arg2[%add3A_217, %dma_start3A_220] : memref<16384x1152xf32, #tpu.memory_space<hbm>> -> memref<32x1152xf32, #tpu.memory_space<hbm>>
    tpu.enqueue_dma source(%dma_start3A_221 : memref<32x1152xf32, #tpu.memory_space<hbm>>) target(%arg7 : memref<32x1152xf32, #tpu.memory_space<vmem>>) target_semaphore(%arg10 : memref<!tpu.dma_semaphore, #tpu.memory_space<semaphore_mem>>)
    %dma_wait3A_222 = arith.constant 0 : i32
    %dma_wait3A_223 = tpu.memref_slice %arg2[%add3A_193, %dma_wait3A_222] : memref<16384x1152xf32, #tpu.memory_space<hbm>> -> memref<32x1152xf32, #tpu.memory_space<hbm>>
    %dma_wait3A_224 = arith.constant 0 : i32
    %dma_wait3A_225 = tpu.memref_slice %arg2[%add3A_193, %dma_wait3A_224] : memref<16384x1152xf32, #tpu.memory_space<hbm>> -> memref<32x1152xf32, #tpu.memory_space<hbm>>
    tpu.wait_dma2 semaphore(%arg9 : memref<!tpu.dma_semaphore, #tpu.memory_space<semaphore_mem>>) src(%dma_wait3A_225 : memref<32x1152xf32, #tpu.memory_space<hbm>>) dst(%arg6 : memref<32x1152xf32, #tpu.memory_space<vmem>>)
    %dma_start3A_226 = arith.constant 9 : i32
    %dma_start3A_227 = arith.constant 0 : i32
    %dma_start3A_228 = tpu.memref_slice %arg5[%dma_start3A_226, %dma_start3A_227] : memref<16x32xi32, #tpu.memory_space<vmem>> -> memref<1x32xi32, #tpu.memory_space<vmem>>
    %dma_start3A_229 = tpu.memref_squeeze %dma_start3A_228 : memref<1x32xi32, #tpu.memory_space<vmem>> -> memref<32xi32, #tpu.memory_space<vmem>>
    %dma_start3A_230 = arith.constant 0 : i32
    %dma_start3A_231 = arith.constant 0 : i32
    %dma_start3A_232 = tpu.memref_slice %arg4[%dma_start3A_230, %dma_start3A_231] : memref<17664x1152xf32, #tpu.memory_space<hbm>> -> memref<17664x1152xf32, #tpu.memory_space<hbm>>
    tpu.enqueue_indirect_dma source(%arg6 : memref<32x1152xf32, #tpu.memory_space<vmem>>) target(%dma_start3A_232 : memref<17664x1152xf32, #tpu.memory_space<hbm>>) offsets(%dma_start3A_229 : memref<32xi32, #tpu.memory_space<vmem>>) semaphore(%arg12 : memref<!tpu.dma_semaphore, #tpu.memory_space<semaphore_mem>>)
    %dma_wait3A_233 = arith.constant 8 : i32
    %dma_wait3A_234 = arith.constant 0 : i32
    %dma_wait3A_235 = tpu.memref_slice %arg5[%dma_wait3A_233, %dma_wait3A_234] : memref<16x32xi32, #tpu.memory_space<vmem>> -> memref<1x32xi32, #tpu.memory_space<vmem>>
    %dma_wait3A_236 = tpu.memref_squeeze %dma_wait3A_235 : memref<1x32xi32, #tpu.memory_space<vmem>> -> memref<32xi32, #tpu.memory_space<vmem>>
    %dma_wait3A_237 = arith.constant 0 : i32
    %dma_wait3A_238 = arith.constant 0 : i32
    %dma_wait3A_239 = tpu.memref_slice %arg4[%dma_wait3A_237, %dma_wait3A_238] : memref<17664x1152xf32, #tpu.memory_space<hbm>> -> memref<17664x1152xf32, #tpu.memory_space<hbm>>
    tpu.wait_indirect_dma semaphore(%arg14 : memref<!tpu.dma_semaphore, #tpu.memory_space<semaphore_mem>>) src(%arg8 : memref<32x1152xf32, #tpu.memory_space<vmem>>) dst(%dma_wait3A_239 : memref<17664x1152xf32, #tpu.memory_space<hbm>>)
    %add3A_240 = arith.constant 352 : i32
    %add3A_241 = arith.addi %mul3A_2, %add3A_240 : i32
    %dma_start3A_242 = arith.constant 0 : i32
    %dma_start3A_243 = tpu.memref_slice %arg2[%add3A_241, %dma_start3A_242] : memref<16384x1152xf32, #tpu.memory_space<hbm>> -> memref<32x1152xf32, #tpu.memory_space<hbm>>
    %dma_start3A_244 = arith.constant 0 : i32
    %dma_start3A_245 = tpu.memref_slice %arg2[%add3A_241, %dma_start3A_244] : memref<16384x1152xf32, #tpu.memory_space<hbm>> -> memref<32x1152xf32, #tpu.memory_space<hbm>>
    tpu.enqueue_dma source(%dma_start3A_245 : memref<32x1152xf32, #tpu.memory_space<hbm>>) target(%arg8 : memref<32x1152xf32, #tpu.memory_space<vmem>>) target_semaphore(%arg11 : memref<!tpu.dma_semaphore, #tpu.memory_space<semaphore_mem>>)
    %dma_wait3A_246 = arith.constant 0 : i32
    %dma_wait3A_247 = tpu.memref_slice %arg2[%add3A_217, %dma_wait3A_246] : memref<16384x1152xf32, #tpu.memory_space<hbm>> -> memref<32x1152xf32, #tpu.memory_space<hbm>>
    %dma_wait3A_248 = arith.constant 0 : i32
    %dma_wait3A_249 = tpu.memref_slice %arg2[%add3A_217, %dma_wait3A_248] : memref<16384x1152xf32, #tpu.memory_space<hbm>> -> memref<32x1152xf32, #tpu.memory_space<hbm>>
    tpu.wait_dma2 semaphore(%arg10 : memref<!tpu.dma_semaphore, #tpu.memory_space<semaphore_mem>>) src(%dma_wait3A_249 : memref<32x1152xf32, #tpu.memory_space<hbm>>) dst(%arg7 : memref<32x1152xf32, #tpu.memory_space<vmem>>)
    %dma_start3A_250 = arith.constant 10 : i32
    %dma_start3A_251 = arith.constant 0 : i32
    %dma_start3A_252 = tpu.memref_slice %arg5[%dma_start3A_250, %dma_start3A_251] : memref<16x32xi32, #tpu.memory_space<vmem>> -> memref<1x32xi32, #tpu.memory_space<vmem>>
    %dma_start3A_253 = tpu.memref_squeeze %dma_start3A_252 : memref<1x32xi32, #tpu.memory_space<vmem>> -> memref<32xi32, #tpu.memory_space<vmem>>
    %dma_start3A_254 = arith.constant 0 : i32
    %dma_start3A_255 = arith.constant 0 : i32
    %dma_start3A_256 = tpu.memref_slice %arg4[%dma_start3A_254, %dma_start3A_255] : memref<17664x1152xf32, #tpu.memory_space<hbm>> -> memref<17664x1152xf32, #tpu.memory_space<hbm>>
    tpu.enqueue_indirect_dma source(%arg7 : memref<32x1152xf32, #tpu.memory_space<vmem>>) target(%dma_start3A_256 : memref<17664x1152xf32, #tpu.memory_space<hbm>>) offsets(%dma_start3A_253 : memref<32xi32, #tpu.memory_space<vmem>>) semaphore(%arg13 : memref<!tpu.dma_semaphore, #tpu.memory_space<semaphore_mem>>)
    %dma_wait3A_257 = arith.constant 9 : i32
    %dma_wait3A_258 = arith.constant 0 : i32
    %dma_wait3A_259 = tpu.memref_slice %arg5[%dma_wait3A_257, %dma_wait3A_258] : memref<16x32xi32, #tpu.memory_space<vmem>> -> memref<1x32xi32, #tpu.memory_space<vmem>>
    %dma_wait3A_260 = tpu.memref_squeeze %dma_wait3A_259 : memref<1x32xi32, #tpu.memory_space<vmem>> -> memref<32xi32, #tpu.memory_space<vmem>>
    %dma_wait3A_261 = arith.constant 0 : i32
    %dma_wait3A_262 = arith.constant 0 : i32
    %dma_wait3A_263 = tpu.memref_slice %arg4[%dma_wait3A_261, %dma_wait3A_262] : memref<17664x1152xf32, #tpu.memory_space<hbm>> -> memref<17664x1152xf32, #tpu.memory_space<hbm>>
    tpu.wait_indirect_dma semaphore(%arg12 : memref<!tpu.dma_semaphore, #tpu.memory_space<semaphore_mem>>) src(%arg6 : memref<32x1152xf32, #tpu.memory_space<vmem>>) dst(%dma_wait3A_263 : memref<17664x1152xf32, #tpu.memory_space<hbm>>)
    %add3A_264 = arith.constant 384 : i32
    %add3A_265 = arith.addi %mul3A_2, %add3A_264 : i32
    %dma_start3A_266 = arith.constant 0 : i32
    %dma_start3A_267 = tpu.memref_slice %arg2[%add3A_265, %dma_start3A_266] : memref<16384x1152xf32, #tpu.memory_space<hbm>> -> memref<32x1152xf32, #tpu.memory_space<hbm>>
    %dma_start3A_268 = arith.constant 0 : i32
    %dma_start3A_269 = tpu.memref_slice %arg2[%add3A_265, %dma_start3A_268] : memref<16384x1152xf32, #tpu.memory_space<hbm>> -> memref<32x1152xf32, #tpu.memory_space<hbm>>
    tpu.enqueue_dma source(%dma_start3A_269 : memref<32x1152xf32, #tpu.memory_space<hbm>>) target(%arg6 : memref<32x1152xf32, #tpu.memory_space<vmem>>) target_semaphore(%arg9 : memref<!tpu.dma_semaphore, #tpu.memory_space<semaphore_mem>>)
    %dma_wait3A_270 = arith.constant 0 : i32
    %dma_wait3A_271 = tpu.memref_slice %arg2[%add3A_241, %dma_wait3A_270] : memref<16384x1152xf32, #tpu.memory_space<hbm>> -> memref<32x1152xf32, #tpu.memory_space<hbm>>
    %dma_wait3A_272 = arith.constant 0 : i32
    %dma_wait3A_273 = tpu.memref_slice %arg2[%add3A_241, %dma_wait3A_272] : memref<16384x1152xf32, #tpu.memory_space<hbm>> -> memref<32x1152xf32, #tpu.memory_space<hbm>>
    tpu.wait_dma2 semaphore(%arg11 : memref<!tpu.dma_semaphore, #tpu.memory_space<semaphore_mem>>) src(%dma_wait3A_273 : memref<32x1152xf32, #tpu.memory_space<hbm>>) dst(%arg8 : memref<32x1152xf32, #tpu.memory_space<vmem>>)
    %dma_start3A_274 = arith.constant 11 : i32
    %dma_start3A_275 = arith.constant 0 : i32
    %dma_start3A_276 = tpu.memref_slice %arg5[%dma_start3A_274, %dma_start3A_275] : memref<16x32xi32, #tpu.memory_space<vmem>> -> memref<1x32xi32, #tpu.memory_space<vmem>>
    %dma_start3A_277 = tpu.memref_squeeze %dma_start3A_276 : memref<1x32xi32, #tpu.memory_space<vmem>> -> memref<32xi32, #tpu.memory_space<vmem>>
    %dma_start3A_278 = arith.constant 0 : i32
    %dma_start3A_279 = arith.constant 0 : i32
    %dma_start3A_280 = tpu.memref_slice %arg4[%dma_start3A_278, %dma_start3A_279] : memref<17664x1152xf32, #tpu.memory_space<hbm>> -> memref<17664x1152xf32, #tpu.memory_space<hbm>>
    tpu.enqueue_indirect_dma source(%arg8 : memref<32x1152xf32, #tpu.memory_space<vmem>>) target(%dma_start3A_280 : memref<17664x1152xf32, #tpu.memory_space<hbm>>) offsets(%dma_start3A_277 : memref<32xi32, #tpu.memory_space<vmem>>) semaphore(%arg14 : memref<!tpu.dma_semaphore, #tpu.memory_space<semaphore_mem>>)
    %dma_wait3A_281 = arith.constant 10 : i32
    %dma_wait3A_282 = arith.constant 0 : i32
    %dma_wait3A_283 = tpu.memref_slice %arg5[%dma_wait3A_281, %dma_wait3A_282] : memref<16x32xi32, #tpu.memory_space<vmem>> -> memref<1x32xi32, #tpu.memory_space<vmem>>
    %dma_wait3A_284 = tpu.memref_squeeze %dma_wait3A_283 : memref<1x32xi32, #tpu.memory_space<vmem>> -> memref<32xi32, #tpu.memory_space<vmem>>
    %dma_wait3A_285 = arith.constant 0 : i32
    %dma_wait3A_286 = arith.constant 0 : i32
    %dma_wait3A_287 = tpu.memref_slice %arg4[%dma_wait3A_285, %dma_wait3A_286] : memref<17664x1152xf32, #tpu.memory_space<hbm>> -> memref<17664x1152xf32, #tpu.memory_space<hbm>>
    tpu.wait_indirect_dma semaphore(%arg13 : memref<!tpu.dma_semaphore, #tpu.memory_space<semaphore_mem>>) src(%arg7 : memref<32x1152xf32, #tpu.memory_space<vmem>>) dst(%dma_wait3A_287 : memref<17664x1152xf32, #tpu.memory_space<hbm>>)
    %add3A_288 = arith.constant 416 : i32
    %add3A_289 = arith.addi %mul3A_2, %add3A_288 : i32
    %dma_start3A_290 = arith.constant 0 : i32
    %dma_start3A_291 = tpu.memref_slice %arg2[%add3A_289, %dma_start3A_290] : memref<16384x1152xf32, #tpu.memory_space<hbm>> -> memref<32x1152xf32, #tpu.memory_space<hbm>>
    %dma_start3A_292 = arith.constant 0 : i32
    %dma_start3A_293 = tpu.memref_slice %arg2[%add3A_289, %dma_start3A_292] : memref<16384x1152xf32, #tpu.memory_space<hbm>> -> memref<32x1152xf32, #tpu.memory_space<hbm>>
    tpu.enqueue_dma source(%dma_start3A_293 : memref<32x1152xf32, #tpu.memory_space<hbm>>) target(%arg7 : memref<32x1152xf32, #tpu.memory_space<vmem>>) target_semaphore(%arg10 : memref<!tpu.dma_semaphore, #tpu.memory_space<semaphore_mem>>)
    %dma_wait3A_294 = arith.constant 0 : i32
    %dma_wait3A_295 = tpu.memref_slice %arg2[%add3A_265, %dma_wait3A_294] : memref<16384x1152xf32, #tpu.memory_space<hbm>> -> memref<32x1152xf32, #tpu.memory_space<hbm>>
    %dma_wait3A_296 = arith.constant 0 : i32
    %dma_wait3A_297 = tpu.memref_slice %arg2[%add3A_265, %dma_wait3A_296] : memref<16384x1152xf32, #tpu.memory_space<hbm>> -> memref<32x1152xf32, #tpu.memory_space<hbm>>
    tpu.wait_dma2 semaphore(%arg9 : memref<!tpu.dma_semaphore, #tpu.memory_space<semaphore_mem>>) src(%dma_wait3A_297 : memref<32x1152xf32, #tpu.memory_space<hbm>>) dst(%arg6 : memref<32x1152xf32, #tpu.memory_space<vmem>>)
    %dma_start3A_298 = arith.constant 12 : i32
    %dma_start3A_299 = arith.constant 0 : i32
    %dma_start3A_300 = tpu.memref_slice %arg5[%dma_start3A_298, %dma_start3A_299] : memref<16x32xi32, #tpu.memory_space<vmem>> -> memref<1x32xi32, #tpu.memory_space<vmem>>
    %dma_start3A_301 = tpu.memref_squeeze %dma_start3A_300 : memref<1x32xi32, #tpu.memory_space<vmem>> -> memref<32xi32, #tpu.memory_space<vmem>>
    %dma_start3A_302 = arith.constant 0 : i32
    %dma_start3A_303 = arith.constant 0 : i32
    %dma_start3A_304 = tpu.memref_slice %arg4[%dma_start3A_302, %dma_start3A_303] : memref<17664x1152xf32, #tpu.memory_space<hbm>> -> memref<17664x1152xf32, #tpu.memory_space<hbm>>
    tpu.enqueue_indirect_dma source(%arg6 : memref<32x1152xf32, #tpu.memory_space<vmem>>) target(%dma_start3A_304 : memref<17664x1152xf32, #tpu.memory_space<hbm>>) offsets(%dma_start3A_301 : memref<32xi32, #tpu.memory_space<vmem>>) semaphore(%arg12 : memref<!tpu.dma_semaphore, #tpu.memory_space<semaphore_mem>>)
    %dma_wait3A_305 = arith.constant 11 : i32
    %dma_wait3A_306 = arith.constant 0 : i32
    %dma_wait3A_307 = tpu.memref_slice %arg5[%dma_wait3A_305, %dma_wait3A_306] : memref<16x32xi32, #tpu.memory_space<vmem>> -> memref<1x32xi32, #tpu.memory_space<vmem>>
    %dma_wait3A_308 = tpu.memref_squeeze %dma_wait3A_307 : memref<1x32xi32, #tpu.memory_space<vmem>> -> memref<32xi32, #tpu.memory_space<vmem>>
    %dma_wait3A_309 = arith.constant 0 : i32
    %dma_wait3A_310 = arith.constant 0 : i32
    %dma_wait3A_311 = tpu.memref_slice %arg4[%dma_wait3A_309, %dma_wait3A_310] : memref<17664x1152xf32, #tpu.memory_space<hbm>> -> memref<17664x1152xf32, #tpu.memory_space<hbm>>
    tpu.wait_indirect_dma semaphore(%arg14 : memref<!tpu.dma_semaphore, #tpu.memory_space<semaphore_mem>>) src(%arg8 : memref<32x1152xf32, #tpu.memory_space<vmem>>) dst(%dma_wait3A_311 : memref<17664x1152xf32, #tpu.memory_space<hbm>>)
    %add3A_312 = arith.constant 448 : i32
    %add3A_313 = arith.addi %mul3A_2, %add3A_312 : i32
    %dma_start3A_314 = arith.constant 0 : i32
    %dma_start3A_315 = tpu.memref_slice %arg2[%add3A_313, %dma_start3A_314] : memref<16384x1152xf32, #tpu.memory_space<hbm>> -> memref<32x1152xf32, #tpu.memory_space<hbm>>
    %dma_start3A_316 = arith.constant 0 : i32
    %dma_start3A_317 = tpu.memref_slice %arg2[%add3A_313, %dma_start3A_316] : memref<16384x1152xf32, #tpu.memory_space<hbm>> -> memref<32x1152xf32, #tpu.memory_space<hbm>>
    tpu.enqueue_dma source(%dma_start3A_317 : memref<32x1152xf32, #tpu.memory_space<hbm>>) target(%arg8 : memref<32x1152xf32, #tpu.memory_space<vmem>>) target_semaphore(%arg11 : memref<!tpu.dma_semaphore, #tpu.memory_space<semaphore_mem>>)
    %dma_wait3A_318 = arith.constant 0 : i32
    %dma_wait3A_319 = tpu.memref_slice %arg2[%add3A_289, %dma_wait3A_318] : memref<16384x1152xf32, #tpu.memory_space<hbm>> -> memref<32x1152xf32, #tpu.memory_space<hbm>>
    %dma_wait3A_320 = arith.constant 0 : i32
    %dma_wait3A_321 = tpu.memref_slice %arg2[%add3A_289, %dma_wait3A_320] : memref<16384x1152xf32, #tpu.memory_space<hbm>> -> memref<32x1152xf32, #tpu.memory_space<hbm>>
    tpu.wait_dma2 semaphore(%arg10 : memref<!tpu.dma_semaphore, #tpu.memory_space<semaphore_mem>>) src(%dma_wait3A_321 : memref<32x1152xf32, #tpu.memory_space<hbm>>) dst(%arg7 : memref<32x1152xf32, #tpu.memory_space<vmem>>)
    %dma_start3A_322 = arith.constant 13 : i32
    %dma_start3A_323 = arith.constant 0 : i32
    %dma_start3A_324 = tpu.memref_slice %arg5[%dma_start3A_322, %dma_start3A_323] : memref<16x32xi32, #tpu.memory_space<vmem>> -> memref<1x32xi32, #tpu.memory_space<vmem>>
    %dma_start3A_325 = tpu.memref_squeeze %dma_start3A_324 : memref<1x32xi32, #tpu.memory_space<vmem>> -> memref<32xi32, #tpu.memory_space<vmem>>
    %dma_start3A_326 = arith.constant 0 : i32
    %dma_start3A_327 = arith.constant 0 : i32
    %dma_start3A_328 = tpu.memref_slice %arg4[%dma_start3A_326, %dma_start3A_327] : memref<17664x1152xf32, #tpu.memory_space<hbm>> -> memref<17664x1152xf32, #tpu.memory_space<hbm>>
    tpu.enqueue_indirect_dma source(%arg7 : memref<32x1152xf32, #tpu.memory_space<vmem>>) target(%dma_start3A_328 : memref<17664x1152xf32, #tpu.memory_space<hbm>>) offsets(%dma_start3A_325 : memref<32xi32, #tpu.memory_space<vmem>>) semaphore(%arg13 : memref<!tpu.dma_semaphore, #tpu.memory_space<semaphore_mem>>)
    %dma_wait3A_329 = arith.constant 12 : i32
    %dma_wait3A_330 = arith.constant 0 : i32
    %dma_wait3A_331 = tpu.memref_slice %arg5[%dma_wait3A_329, %dma_wait3A_330] : memref<16x32xi32, #tpu.memory_space<vmem>> -> memref<1x32xi32, #tpu.memory_space<vmem>>
    %dma_wait3A_332 = tpu.memref_squeeze %dma_wait3A_331 : memref<1x32xi32, #tpu.memory_space<vmem>> -> memref<32xi32, #tpu.memory_space<vmem>>
    %dma_wait3A_333 = arith.constant 0 : i32
    %dma_wait3A_334 = arith.constant 0 : i32
    %dma_wait3A_335 = tpu.memref_slice %arg4[%dma_wait3A_333, %dma_wait3A_334] : memref<17664x1152xf32, #tpu.memory_space<hbm>> -> memref<17664x1152xf32, #tpu.memory_space<hbm>>
    tpu.wait_indirect_dma semaphore(%arg12 : memref<!tpu.dma_semaphore, #tpu.memory_space<semaphore_mem>>) src(%arg6 : memref<32x1152xf32, #tpu.memory_space<vmem>>) dst(%dma_wait3A_335 : memref<17664x1152xf32, #tpu.memory_space<hbm>>)
    %add3A_336 = arith.constant 480 : i32
    %add3A_337 = arith.addi %mul3A_2, %add3A_336 : i32
    %dma_start3A_338 = arith.constant 0 : i32
    %dma_start3A_339 = tpu.memref_slice %arg2[%add3A_337, %dma_start3A_338] : memref<16384x1152xf32, #tpu.memory_space<hbm>> -> memref<32x1152xf32, #tpu.memory_space<hbm>>
    %dma_start3A_340 = arith.constant 0 : i32
    %dma_start3A_341 = tpu.memref_slice %arg2[%add3A_337, %dma_start3A_340] : memref<16384x1152xf32, #tpu.memory_space<hbm>> -> memref<32x1152xf32, #tpu.memory_space<hbm>>
    tpu.enqueue_dma source(%dma_start3A_341 : memref<32x1152xf32, #tpu.memory_space<hbm>>) target(%arg6 : memref<32x1152xf32, #tpu.memory_space<vmem>>) target_semaphore(%arg9 : memref<!tpu.dma_semaphore, #tpu.memory_space<semaphore_mem>>)
    %dma_wait3A_342 = arith.constant 0 : i32
    %dma_wait3A_343 = tpu.memref_slice %arg2[%add3A_313, %dma_wait3A_342] : memref<16384x1152xf32, #tpu.memory_space<hbm>> -> memref<32x1152xf32, #tpu.memory_space<hbm>>
    %dma_wait3A_344 = arith.constant 0 : i32
    %dma_wait3A_345 = tpu.memref_slice %arg2[%add3A_313, %dma_wait3A_344] : memref<16384x1152xf32, #tpu.memory_space<hbm>> -> memref<32x1152xf32, #tpu.memory_space<hbm>>
    tpu.wait_dma2 semaphore(%arg11 : memref<!tpu.dma_semaphore, #tpu.memory_space<semaphore_mem>>) src(%dma_wait3A_345 : memref<32x1152xf32, #tpu.memory_space<hbm>>) dst(%arg8 : memref<32x1152xf32, #tpu.memory_space<vmem>>)
    %dma_start3A_346 = arith.constant 14 : i32
    %dma_start3A_347 = arith.constant 0 : i32
    %dma_start3A_348 = tpu.memref_slice %arg5[%dma_start3A_346, %dma_start3A_347] : memref<16x32xi32, #tpu.memory_space<vmem>> -> memref<1x32xi32, #tpu.memory_space<vmem>>
    %dma_start3A_349 = tpu.memref_squeeze %dma_start3A_348 : memref<1x32xi32, #tpu.memory_space<vmem>> -> memref<32xi32, #tpu.memory_space<vmem>>
    %dma_start3A_350 = arith.constant 0 : i32
    %dma_start3A_351 = arith.constant 0 : i32
    %dma_start3A_352 = tpu.memref_slice %arg4[%dma_start3A_350, %dma_start3A_351] : memref<17664x1152xf32, #tpu.memory_space<hbm>> -> memref<17664x1152xf32, #tpu.memory_space<hbm>>
    tpu.enqueue_indirect_dma source(%arg8 : memref<32x1152xf32, #tpu.memory_space<vmem>>) target(%dma_start3A_352 : memref<17664x1152xf32, #tpu.memory_space<hbm>>) offsets(%dma_start3A_349 : memref<32xi32, #tpu.memory_space<vmem>>) semaphore(%arg14 : memref<!tpu.dma_semaphore, #tpu.memory_space<semaphore_mem>>)
    %dma_wait3A_353 = arith.constant 0 : i32
    %dma_wait3A_354 = tpu.memref_slice %arg2[%add3A_337, %dma_wait3A_353] : memref<16384x1152xf32, #tpu.memory_space<hbm>> -> memref<32x1152xf32, #tpu.memory_space<hbm>>
    %dma_wait3A_355 = arith.constant 0 : i32
    %dma_wait3A_356 = tpu.memref_slice %arg2[%add3A_337, %dma_wait3A_355] : memref<16384x1152xf32, #tpu.memory_space<hbm>> -> memref<32x1152xf32, #tpu.memory_space<hbm>>
    tpu.wait_dma2 semaphore(%arg9 : memref<!tpu.dma_semaphore, #tpu.memory_space<semaphore_mem>>) src(%dma_wait3A_356 : memref<32x1152xf32, #tpu.memory_space<hbm>>) dst(%arg6 : memref<32x1152xf32, #tpu.memory_space<vmem>>)
    %dma_start3A_357 = arith.constant 15 : i32
    %dma_start3A_358 = arith.constant 0 : i32
    %dma_start3A_359 = tpu.memref_slice %arg5[%dma_start3A_357, %dma_start3A_358] : memref<16x32xi32, #tpu.memory_space<vmem>> -> memref<1x32xi32, #tpu.memory_space<vmem>>
    %dma_start3A_360 = tpu.memref_squeeze %dma_start3A_359 : memref<1x32xi32, #tpu.memory_space<vmem>> -> memref<32xi32, #tpu.memory_space<vmem>>
    %dma_start3A_361 = arith.constant 0 : i32
    %dma_start3A_362 = arith.constant 0 : i32
    %dma_start3A_363 = tpu.memref_slice %arg4[%dma_start3A_361, %dma_start3A_362] : memref<17664x1152xf32, #tpu.memory_space<hbm>> -> memref<17664x1152xf32, #tpu.memory_space<hbm>>
    tpu.enqueue_indirect_dma source(%arg6 : memref<32x1152xf32, #tpu.memory_space<vmem>>) target(%dma_start3A_363 : memref<17664x1152xf32, #tpu.memory_space<hbm>>) offsets(%dma_start3A_360 : memref<32xi32, #tpu.memory_space<vmem>>) semaphore(%arg12 : memref<!tpu.dma_semaphore, #tpu.memory_space<semaphore_mem>>)
    %dma_wait3A_364 = arith.constant 13 : i32
    %dma_wait3A_365 = arith.constant 0 : i32
    %dma_wait3A_366 = tpu.memref_slice %arg5[%dma_wait3A_364, %dma_wait3A_365] : memref<16x32xi32, #tpu.memory_space<vmem>> -> memref<1x32xi32, #tpu.memory_space<vmem>>
    %dma_wait3A_367 = tpu.memref_squeeze %dma_wait3A_366 : memref<1x32xi32, #tpu.memory_space<vmem>> -> memref<32xi32, #tpu.memory_space<vmem>>
    %dma_wait3A_368 = arith.constant 0 : i32
    %dma_wait3A_369 = arith.constant 0 : i32
    %dma_wait3A_370 = tpu.memref_slice %arg4[%dma_wait3A_368, %dma_wait3A_369] : memref<17664x1152xf32, #tpu.memory_space<hbm>> -> memref<17664x1152xf32, #tpu.memory_space<hbm>>
    tpu.wait_indirect_dma semaphore(%arg13 : memref<!tpu.dma_semaphore, #tpu.memory_space<semaphore_mem>>) src(%arg7 : memref<32x1152xf32, #tpu.memory_space<vmem>>) dst(%dma_wait3A_370 : memref<17664x1152xf32, #tpu.memory_space<hbm>>)
    %dma_wait3A_371 = arith.constant 14 : i32
    %dma_wait3A_372 = arith.constant 0 : i32
    %dma_wait3A_373 = tpu.memref_slice %arg5[%dma_wait3A_371, %dma_wait3A_372] : memref<16x32xi32, #tpu.memory_space<vmem>> -> memref<1x32xi32, #tpu.memory_space<vmem>>
    %dma_wait3A_374 = tpu.memref_squeeze %dma_wait3A_373 : memref<1x32xi32, #tpu.memory_space<vmem>> -> memref<32xi32, #tpu.memory_space<vmem>>
    %dma_wait3A_375 = arith.constant 0 : i32
    %dma_wait3A_376 = arith.constant 0 : i32
    %dma_wait3A_377 = tpu.memref_slice %arg4[%dma_wait3A_375, %dma_wait3A_376] : memref<17664x1152xf32, #tpu.memory_space<hbm>> -> memref<17664x1152xf32, #tpu.memory_space<hbm>>
    tpu.wait_indirect_dma semaphore(%arg14 : memref<!tpu.dma_semaphore, #tpu.memory_space<semaphore_mem>>) src(%arg8 : memref<32x1152xf32, #tpu.memory_space<vmem>>) dst(%dma_wait3A_377 : memref<17664x1152xf32, #tpu.memory_space<hbm>>)
    %dma_wait3A_378 = arith.constant 15 : i32
    %dma_wait3A_379 = arith.constant 0 : i32
    %dma_wait3A_380 = tpu.memref_slice %arg5[%dma_wait3A_378, %dma_wait3A_379] : memref<16x32xi32, #tpu.memory_space<vmem>> -> memref<1x32xi32, #tpu.memory_space<vmem>>
    %dma_wait3A_381 = tpu.memref_squeeze %dma_wait3A_380 : memref<1x32xi32, #tpu.memory_space<vmem>> -> memref<32xi32, #tpu.memory_space<vmem>>
    %dma_wait3A_382 = arith.constant 0 : i32
    %dma_wait3A_383 = arith.constant 0 : i32
    %dma_wait3A_384 = tpu.memref_slice %arg4[%dma_wait3A_382, %dma_wait3A_383] : memref<17664x1152xf32, #tpu.memory_space<hbm>> -> memref<17664x1152xf32, #tpu.memory_space<hbm>>
    tpu.wait_indirect_dma semaphore(%arg12 : memref<!tpu.dma_semaphore, #tpu.memory_space<semaphore_mem>>) src(%arg6 : memref<32x1152xf32, #tpu.memory_space<vmem>>) dst(%dma_wait3A_384 : memref<17664x1152xf32, #tpu.memory_space<hbm>>)
    return
  }
}

module attributes {stable_mosaic.version = 14 : i64} {
  func.func @_mlp_body(%arg0: i32, %arg1: memref<70xi32, #tpu.memory_space<smem>>, %arg2: memref<256x1152xf32, #tpu.memory_space<vmem>>, %arg3: memref<1x1024x2048xbf16, #tpu.memory_space<vmem>>, %arg4: memref<1x1x2048xf32, #tpu.memory_space<vmem>>, %arg5: memref<1x1x2048xf32, #tpu.memory_space<vmem>>, %arg6: memref<1x2048x2048xbf16, #tpu.memory_space<vmem>>, %arg7: memref<1x1x2048xf32, #tpu.memory_space<vmem>>, %arg8: memref<1x1x2048xf32, #tpu.memory_space<vmem>>, %arg9: memref<1x2048x1024xbf16, #tpu.memory_space<vmem>>, %arg10: memref<1x1x1024xf32, #tpu.memory_space<vmem>>, %arg11: memref<1x1x1024xf32, #tpu.memory_space<vmem>>, %arg12: memref<256x1024xf32, #tpu.memory_space<vmem>>) attributes {dimension_semantics = [#tpu.dimension_semantics<arbitrary>], iteration_bounds = array<i64: 69>, scalar_prefetch = 1 : i64, scratch_operands = 0 : i64, tpu.core_type = #tpu.core_type<tc>, window_params = [{transform_indices = @transform_0, window_bounds = array<i64: 256, 1152>}, {transform_indices = @transform_1, window_bounds = array<i64: 1, 1024, 2048>}, {transform_indices = @transform_2, window_bounds = array<i64: 1, 1, 2048>}, {transform_indices = @transform_3, window_bounds = array<i64: 1, 1, 2048>}, {transform_indices = @transform_4, window_bounds = array<i64: 1, 2048, 2048>}, {transform_indices = @transform_5, window_bounds = array<i64: 1, 1, 2048>}, {transform_indices = @transform_6, window_bounds = array<i64: 1, 1, 2048>}, {transform_indices = @transform_7, window_bounds = array<i64: 1, 2048, 1024>}, {transform_indices = @transform_8, window_bounds = array<i64: 1, 1, 1024>}, {transform_indices = @transform_9, window_bounds = array<i64: 1, 1, 1024>}, {transform_indices = @transform_10, window_bounds = array<i64: 256, 1024>}]} {
    %get3A = arith.constant 69 : index
    %get3A_0 = memref.load %arg1[%get3A] : memref<70xi32, #tpu.memory_space<smem>>
    %lt3A = arith.cmpi slt, %arg0, %get3A_0 : i32
    %convert_element_type3A = arith.extui %lt3A : i1 to i32
    %cond3A = arith.constant 0 : i32
    %cond3A_1 = arith.cmpi ne, %convert_element_type3A, %cond3A : i32
    scf.if %cond3A_1 {
      %get3A_2 = arith.constant 0 : index
      %get3A_3 = arith.constant 0 : index
      %get3A_4 = vector.load %arg2[%get3A_2, %get3A_3] : memref<256x1152xf32, #tpu.memory_space<vmem>>, vector<256x1152xf32>
      %slice3A = vector.extract_strided_slice %get3A_4 {offsets = [0, 0], sizes = [256, 1], strides = [1, 1]} : vector<256x1152xf32> to vector<256x1xf32>
      %slice3A_5 = vector.extract_strided_slice %get3A_4 {offsets = [0, 1], sizes = [256, 1024], strides = [1, 1]} : vector<256x1152xf32> to vector<256x1024xf32>
      %convert_element_type3A_6 = arith.truncf %slice3A_5 : vector<256x1024xf32> to vector<256x1024xbf16>
      %get3A_7 = arith.constant 0 : index
      %get3A_8 = arith.constant 0 : index
      %get3A_9 = arith.constant 0 : index
      %get3A_10 = vector.load %arg3[%get3A_7, %get3A_8, %get3A_9] : memref<1x1024x2048xbf16, #tpu.memory_space<vmem>>, vector<1x1024x2048xbf16>
      %get3A_11 = vector.shape_cast %get3A_10 : vector<1x1024x2048xbf16> to vector<1024x2048xbf16>
      %dot_general3A = arith.constant dense<0.000000e+00> : vector<256x2048xf32>
      %dot_general3A_12 = tpu.matmul %convert_element_type3A_6, %get3A_11, %dot_general3A {dimension_numbers = #tpu.dot_dimension_numbers<[1], [0], [0], [1], [0, 0, 1, 1], [], []>, transpose_lhs_hint = false} : vector<256x1024xbf16>, vector<1024x2048xbf16>, vector<256x2048xf32> -> vector<256x2048xf32>
      %get3A_13 = arith.constant 0 : index
      %get3A_14 = arith.constant 0 : index
      %get3A_15 = arith.constant 0 : index
      %get3A_16 = vector.load %arg5[%get3A_13, %get3A_14, %get3A_15] : memref<1x1x2048xf32, #tpu.memory_space<vmem>>, vector<1x1x2048xf32>
      %get3A_17 = vector.shape_cast %get3A_16 : vector<1x1x2048xf32> to vector<1x2048xf32>
      %mul3A = vector.broadcast %slice3A : vector<256x1xf32> to vector<256x2048xf32>
      %mul3A_18 = vector.broadcast %get3A_17 : vector<1x2048xf32> to vector<256x2048xf32>
      %mul3A_19 = arith.mulf %mul3A, %mul3A_18 : vector<256x2048xf32>
      %add3A = arith.addf %dot_general3A_12, %mul3A_19 : vector<256x2048xf32>
      %get3A_20 = arith.constant 0 : index
      %get3A_21 = arith.constant 0 : index
      %get3A_22 = arith.constant 0 : index
      %get3A_23 = vector.load %arg4[%get3A_20, %get3A_21, %get3A_22] : memref<1x1x2048xf32, #tpu.memory_space<vmem>>, vector<1x1x2048xf32>
      %get3A_24 = vector.shape_cast %get3A_23 : vector<1x1x2048xf32> to vector<1x2048xf32>
      %add3A_25 = vector.broadcast %get3A_24 : vector<1x2048xf32> to vector<256x2048xf32>
      %add3A_26 = arith.addf %add3A, %add3A_25 : vector<256x2048xf32>
      %max3A = arith.constant 0.000000e+00 : f32
      %max3A_27 = vector.broadcast %max3A : f32 to vector<256x2048xf32>
      %max3A_28 = arith.maximumf %add3A_26, %max3A_27 : vector<256x2048xf32>
      %convert_element_type3A_29 = arith.truncf %max3A_28 : vector<256x2048xf32> to vector<256x2048xbf16>
      %get3A_30 = arith.constant 0 : index
      %get3A_31 = arith.constant 0 : index
      %get3A_32 = arith.constant 0 : index
      %get3A_33 = vector.load %arg6[%get3A_30, %get3A_31, %get3A_32] : memref<1x2048x2048xbf16, #tpu.memory_space<vmem>>, vector<1x2048x2048xbf16>
      %get3A_34 = vector.shape_cast %get3A_33 : vector<1x2048x2048xbf16> to vector<2048x2048xbf16>
      %dot_general3A_35 = arith.constant dense<0.000000e+00> : vector<256x2048xf32>
      %dot_general3A_36 = tpu.matmul %convert_element_type3A_29, %get3A_34, %dot_general3A_35 {dimension_numbers = #tpu.dot_dimension_numbers<[1], [0], [0], [1], [0, 0, 1, 1], [], []>, transpose_lhs_hint = false} : vector<256x2048xbf16>, vector<2048x2048xbf16>, vector<256x2048xf32> -> vector<256x2048xf32>
      %get3A_37 = arith.constant 0 : index
      %get3A_38 = arith.constant 0 : index
      %get3A_39 = arith.constant 0 : index
      %get3A_40 = vector.load %arg8[%get3A_37, %get3A_38, %get3A_39] : memref<1x1x2048xf32, #tpu.memory_space<vmem>>, vector<1x1x2048xf32>
      %get3A_41 = vector.shape_cast %get3A_40 : vector<1x1x2048xf32> to vector<1x2048xf32>
      %mul3A_42 = vector.broadcast %slice3A : vector<256x1xf32> to vector<256x2048xf32>
      %mul3A_43 = vector.broadcast %get3A_41 : vector<1x2048xf32> to vector<256x2048xf32>
      %mul3A_44 = arith.mulf %mul3A_42, %mul3A_43 : vector<256x2048xf32>
      %add3A_45 = arith.addf %dot_general3A_36, %mul3A_44 : vector<256x2048xf32>
      %get3A_46 = arith.constant 0 : index
      %get3A_47 = arith.constant 0 : index
      %get3A_48 = arith.constant 0 : index
      %get3A_49 = vector.load %arg7[%get3A_46, %get3A_47, %get3A_48] : memref<1x1x2048xf32, #tpu.memory_space<vmem>>, vector<1x1x2048xf32>
      %get3A_50 = vector.shape_cast %get3A_49 : vector<1x1x2048xf32> to vector<1x2048xf32>
      %add3A_51 = vector.broadcast %get3A_50 : vector<1x2048xf32> to vector<256x2048xf32>
      %add3A_52 = arith.addf %add3A_45, %add3A_51 : vector<256x2048xf32>
      %max3A_53 = arith.constant 0.000000e+00 : f32
      %max3A_54 = vector.broadcast %max3A_53 : f32 to vector<256x2048xf32>
      %max3A_55 = arith.maximumf %add3A_52, %max3A_54 : vector<256x2048xf32>
      %convert_element_type3A_56 = arith.truncf %max3A_55 : vector<256x2048xf32> to vector<256x2048xbf16>
      %get3A_57 = arith.constant 0 : index
      %get3A_58 = arith.constant 0 : index
      %get3A_59 = arith.constant 0 : index
      %get3A_60 = vector.load %arg9[%get3A_57, %get3A_58, %get3A_59] : memref<1x2048x1024xbf16, #tpu.memory_space<vmem>>, vector<1x2048x1024xbf16>
      %get3A_61 = vector.shape_cast %get3A_60 : vector<1x2048x1024xbf16> to vector<2048x1024xbf16>
      %dot_general3A_62 = arith.constant dense<0.000000e+00> : vector<256x1024xf32>
      %dot_general3A_63 = tpu.matmul %convert_element_type3A_56, %get3A_61, %dot_general3A_62 {dimension_numbers = #tpu.dot_dimension_numbers<[1], [0], [0], [1], [0, 0, 1, 1], [], []>, transpose_lhs_hint = false} : vector<256x2048xbf16>, vector<2048x1024xbf16>, vector<256x1024xf32> -> vector<256x1024xf32>
      %get3A_64 = arith.constant 0 : index
      %get3A_65 = arith.constant 0 : index
      %get3A_66 = arith.constant 0 : index
      %get3A_67 = vector.load %arg11[%get3A_64, %get3A_65, %get3A_66] : memref<1x1x1024xf32, #tpu.memory_space<vmem>>, vector<1x1x1024xf32>
      %get3A_68 = vector.shape_cast %get3A_67 : vector<1x1x1024xf32> to vector<1x1024xf32>
      %mul3A_69 = vector.broadcast %slice3A : vector<256x1xf32> to vector<256x1024xf32>
      %mul3A_70 = vector.broadcast %get3A_68 : vector<1x1024xf32> to vector<256x1024xf32>
      %mul3A_71 = arith.mulf %mul3A_69, %mul3A_70 : vector<256x1024xf32>
      %add3A_72 = arith.addf %dot_general3A_63, %mul3A_71 : vector<256x1024xf32>
      %get3A_73 = arith.constant 0 : index
      %get3A_74 = arith.constant 0 : index
      %get3A_75 = arith.constant 0 : index
      %get3A_76 = vector.load %arg10[%get3A_73, %get3A_74, %get3A_75] : memref<1x1x1024xf32, #tpu.memory_space<vmem>>, vector<1x1x1024xf32>
      %get3A_77 = vector.shape_cast %get3A_76 : vector<1x1x1024xf32> to vector<1x1024xf32>
      %add3A_78 = vector.broadcast %get3A_77 : vector<1x1024xf32> to vector<256x1024xf32>
      %add3A_79 = arith.addf %add3A_72, %add3A_78 : vector<256x1024xf32>
      %swap3A = arith.constant 0 : index
      %swap3A_80 = arith.constant 0 : index
      %swap3A_81 = vector.load %arg12[%swap3A, %swap3A_80] : memref<256x1024xf32, #tpu.memory_space<vmem>>, vector<256x1024xf32>
      tpu.vector_store %arg12[%swap3A, %swap3A_80], %add3A_79 {strides = array<i32>} : memref<256x1024xf32, #tpu.memory_space<vmem>>, vector<256x1024xf32>,
    } else {
    }
    return
  }
  func.func @transform_0(%arg0: i32, %arg1: memref<70xi32, #tpu.memory_space<smem>>) -> (i32, i32) {
    %c0_i32 = arith.constant 0 : i32
    %c0_i32_0 = arith.constant 0 : i32
    return %arg0, %c0_i32 : i32, i32
  }
  func.func @transform_1(%arg0: i32, %arg1: memref<70xi32, #tpu.memory_space<smem>>) -> (i32, i32, i32) {
    %get3A = arith.index_cast %arg0 : i32 to index
    %get3A_0 = memref.load %arg1[%get3A] : memref<70xi32, #tpu.memory_space<smem>>
    %c0_i32 = arith.constant 0 : i32
    %c0_i32_1 = arith.constant 0 : i32
    %c0_i32_2 = arith.constant 0 : i32
    return %get3A_0, %c0_i32, %c0_i32_1 : i32, i32, i32
  }
  func.func @transform_2(%arg0: i32, %arg1: memref<70xi32, #tpu.memory_space<smem>>) -> (i32, i32, i32) {
    %get3A = arith.index_cast %arg0 : i32 to index
    %get3A_0 = memref.load %arg1[%get3A] : memref<70xi32, #tpu.memory_space<smem>>
    %c0_i32 = arith.constant 0 : i32
    %c0_i32_1 = arith.constant 0 : i32
    %c0_i32_2 = arith.constant 0 : i32
    return %get3A_0, %c0_i32, %c0_i32_1 : i32, i32, i32
  }
  func.func @transform_3(%arg0: i32, %arg1: memref<70xi32, #tpu.memory_space<smem>>) -> (i32, i32, i32) {
    %get3A = arith.index_cast %arg0 : i32 to index
    %get3A_0 = memref.load %arg1[%get3A] : memref<70xi32, #tpu.memory_space<smem>>
    %c0_i32 = arith.constant 0 : i32
    %c0_i32_1 = arith.constant 0 : i32
    %c0_i32_2 = arith.constant 0 : i32
    return %get3A_0, %c0_i32, %c0_i32_1 : i32, i32, i32
  }
  func.func @transform_4(%arg0: i32, %arg1: memref<70xi32, #tpu.memory_space<smem>>) -> (i32, i32, i32) {
    %get3A = arith.index_cast %arg0 : i32 to index
    %get3A_0 = memref.load %arg1[%get3A] : memref<70xi32, #tpu.memory_space<smem>>
    %c0_i32 = arith.constant 0 : i32
    %c0_i32_1 = arith.constant 0 : i32
    %c0_i32_2 = arith.constant 0 : i32
    return %get3A_0, %c0_i32, %c0_i32_1 : i32, i32, i32
  }
  func.func @transform_5(%arg0: i32, %arg1: memref<70xi32, #tpu.memory_space<smem>>) -> (i32, i32, i32) {
    %get3A = arith.index_cast %arg0 : i32 to index
    %get3A_0 = memref.load %arg1[%get3A] : memref<70xi32, #tpu.memory_space<smem>>
    %c0_i32 = arith.constant 0 : i32
    %c0_i32_1 = arith.constant 0 : i32
    %c0_i32_2 = arith.constant 0 : i32
    return %get3A_0, %c0_i32, %c0_i32_1 : i32, i32, i32
  }
  func.func @transform_6(%arg0: i32, %arg1: memref<70xi32, #tpu.memory_space<smem>>) -> (i32, i32, i32) {
    %get3A = arith.index_cast %arg0 : i32 to index
    %get3A_0 = memref.load %arg1[%get3A] : memref<70xi32, #tpu.memory_space<smem>>
    %c0_i32 = arith.constant 0 : i32
    %c0_i32_1 = arith.constant 0 : i32
    %c0_i32_2 = arith.constant 0 : i32
    return %get3A_0, %c0_i32, %c0_i32_1 : i32, i32, i32
  }
  func.func @transform_7(%arg0: i32, %arg1: memref<70xi32, #tpu.memory_space<smem>>) -> (i32, i32, i32) {
    %get3A = arith.index_cast %arg0 : i32 to index
    %get3A_0 = memref.load %arg1[%get3A] : memref<70xi32, #tpu.memory_space<smem>>
    %c0_i32 = arith.constant 0 : i32
    %c0_i32_1 = arith.constant 0 : i32
    %c0_i32_2 = arith.constant 0 : i32
    return %get3A_0, %c0_i32, %c0_i32_1 : i32, i32, i32
  }
  func.func @transform_8(%arg0: i32, %arg1: memref<70xi32, #tpu.memory_space<smem>>) -> (i32, i32, i32) {
    %get3A = arith.index_cast %arg0 : i32 to index
    %get3A_0 = memref.load %arg1[%get3A] : memref<70xi32, #tpu.memory_space<smem>>
    %c0_i32 = arith.constant 0 : i32
    %c0_i32_1 = arith.constant 0 : i32
    %c0_i32_2 = arith.constant 0 : i32
    return %get3A_0, %c0_i32, %c0_i32_1 : i32, i32, i32
  }
  func.func @transform_9(%arg0: i32, %arg1: memref<70xi32, #tpu.memory_space<smem>>) -> (i32, i32, i32) {
    %get3A = arith.index_cast %arg0 : i32 to index
    %get3A_0 = memref.load %arg1[%get3A] : memref<70xi32, #tpu.memory_space<smem>>
    %c0_i32 = arith.constant 0 : i32
    %c0_i32_1 = arith.constant 0 : i32
    %c0_i32_2 = arith.constant 0 : i32
    return %get3A_0, %c0_i32, %c0_i32_1 : i32, i32, i32
  }
  func.func @transform_10(%arg0: i32, %arg1: memref<70xi32, #tpu.memory_space<smem>>) -> (i32, i32) {
    %c0_i32 = arith.constant 0 : i32
    %c0_i32_0 = arith.constant 0 : i32
    return %arg0, %c0_i32 : i32, i32
  }
}

</mosaic_0001>

<sc_bundles>
// kernel: kernel.5.cloned.1.call-start
scs
__scs_entry_jumppad:
0x0: {  	(pc) =	sbr.rel $0x88, $3  }
0x1: {  	(tag) =	ssettag $0x0;
	lr =	simm.s32 $0x1  }
0x2: {  	[smem:$0x3F97] =	sst lr;
	_ =	strace $0xD0000000  }
0x3: {  	_ = 	snop  }
0x4: {  	_ = 	snop  }
0x5: {  	_ = 	snop  }
0x6: {  	_ = 	snop  }
0x7: {  	_ = 	snop  }
__scs_overlays_trampoline_lowered:
0x8: {  	[smem:$0x3FA6] =	sst s0  }
0x9: {  	[smem:$0x3FA7] =	sst s1  }
0xa: {  	[smem:$0x3FA8] =	sst s2  }
0xb: {  	[smem:$0x3FA9] =	sst s3  }
0xc: {  	[smem:$0x3FAA] =	sst s4  }
0xd: {  	[smem:$0x3FAB] =	sst s5  }
0xe: {  	[smem:$0x3FAC] =	sst s6  }
0xf: {  	[smem:$0x3FAD] =	sst s7  }
0x10: {  	[smem:$0x3FAE] =	sst s8  }
0x11: {  	[smem:$0x3FAF] =	sst s9;
	s0 =	simm.s32 @!p0 $0x0  }
0x12: {  	s1 =	sld [smem:$0x3F95];
	s0 =	simm.s32 @p0 $0x1  }
0x13: {  	[smem:$0x3FB0] =	sst s0;
	s0 =	simm.s32 @!p1 $0x0  }
0x14: {  	s2 =	sld [smem:$0x3F94];
	s0 =	simm.s32 @p1 $0x1  }
0x15: {  	[smem:$0x3FB1] =	sst s0;
	s0 =	simm.s32 @!p2 $0x0  }
0x16: {  	s3 =	sld [smem:$0x3FDB];
	s0 =	simm.s32 @p2 $0x1  }
0x17: {  	s4 =	simm.s32 $0x1BF5;
	[smem:$0x3FB3] =	sst s0  }
0x18: {  	s0 =	sld [smem:$0x3F96];
	_ =	swait.ge [sflag:s4], $0x0  }
0x19: {  	s7 =	sld [smem:$0x3F97]  }
0x1a: {  	s8 =	sadd.s32 $0xFFFFE003, lr  }
0x1b: {  	s9 =	sadd.s32 $0xFFFFFEF7, lr;
	s5 =	simm.s32 $0xFFFFFFFF;
	p2 =	slt.u32 s8, $0xFFFFF086  }
0x1c: {  	p1 =	slt.u32 s9, $0xF7A;
	s5 =	simm.s32 @!p2 $0x0  }
0x1d: {  	s5 =	simm.s32 @p1 $0x1;
	p0 =	seq.s32 s7, s2  }
0x1e: {  	s7 =	smul.u32 @!p0 $0xF7A, s2;
	p2 =	seq.s32 @!p0 s5, $0x0  }
0x1f: {  	s9 =	smul.u32 $0xF7A, s1;
	s8 =	simm.s32 @!p0 $0x1BF5;
	p2 =	por !p2, p0  }
0x20: {  	[sflag:s8] =	ssyncset.s32 @!p0 $0xFFFFF086;
	s6 =	sadd.s32 @!p0 s3, s7;
	s7 =	simm.s32 @!p0 $0x108  }
0x21: {  	s3 =	sadd.s32 s3, s9;
	s6 =	sadd.s32 @!p0 $0x88, s6;
	s7 =	simm.s32 @p2 $0x1082  }
0x22: {  	[simem:s7], [sflag:s8] =	dma.local @!p0 [hbm:s6], $0xF7A  }
0x23: {  	s9 =	sor.u32 $0xD0000000, s2;
	s6 =	simm.s32 $0x108;
	_ =	swait.ge @!p0 [sflag:s8], $0x0  }
0x24: {  	s3 =	sadd.s32 $0x88, s3;
	s6 =	simm.s32 @!p1 $0x1082;
	[sflag:s4] =	ssyncset.s32 $0xFFFFF086  }
0x25: {  	[simem:s6], [sflag:s4] =	dma.local [hbm:s3], $0xF7A  }
0x26: {  	[smem:$0x3F97] =	sst s1;
	(tag) =	ssettag s2;
	_ =	strace s9  }
0x27: {  	s1 =	sld [smem:$0x3FA7]  }
0x28: {  	s2 =	sld [smem:$0x3FA8]  }
0x29: {  	s4 =	sld [smem:$0x3FAA]  }
0x2a: {  	p0 =	seq.s32 s5, $0x0;
	s5 =	sld [smem:$0x3FAB]  }
0x2b: {  	s6 =	sld [smem:$0x3FAC]  }
0x2c: {  	s7 =	sld [smem:$0x3FAD]  }
0x2d: {  	s3 =	simm.s32 $0x108;
	s8 =	sld [smem:$0x3FAE]  }
0x2e: {  	s3 =	simm.s32 @!p0 $0x1082;
	s9 =	sld [smem:$0x3FAF]  }
0x2f: {  	lr =	sadd.s32 s0, s3;
	s0 =	sld [smem:$0x3FA6]  }
0x30: {  	s3 =	sld [smem:$0x3FA9]  }
0x31: {  	[smem:$0x3FB2] =	sst s10  }
0x32: {  	s10 =	sld [smem:$0x3FB0];
	_ =	sdelay $0x3  }
0x33: {  	p0 =	seq.s32 s10, $0x1;
	s10 =	sld [smem:$0x3FB2];
	_ =	sdelay $0x3  }
0x34: {  	[smem:$0x3FB2] =	sst s10  }
0x35: {  	s10 =	sld [smem:$0x3FB1];
	_ =	sdelay $0x3  }
0x36: {  	p1 =	seq.s32 s10, $0x1;
	s10 =	sld [smem:$0x3FB2];
	_ =	sdelay $0x3  }
0x37: {  	[smem:$0x3FB2] =	sst s10  }
0x38: {  	s10 =	sld [smem:$0x3FB3]  }
0x39: {  	_ = 	snop;
	(pc) =	sbr.ind lr, $3  }
0x3a: {  	_ = 	snop  }
0x3b: {  	_ = 	snop  }
0x3c: {  	p2 =	seq.s32 s10, $0x1;
	s10 =	sld [smem:$0x3FB2]  }
0x3d: {  	_ =	shalt  }
0x3e: {  	_ =	shalt  }
0x3f: {  	_ =	shalt  }
0x40: {  	_ =	shalt  }
0x41: {  	_ =	shalt  }
0x42: {  	_ =	shalt  }
0x43: {  	_ =	shalt  }
0x44: {  	_ =	shalt  }
0x45: {  	_ =	shalt  }
0x46: {  	_ =	shalt  }
0x47: {  	_ =	shalt  }
0x48: {  	_ =	shalt  }
0x49: {  	_ =	shalt  }
0x4a: {  	_ =	shalt  }
0x4b: {  	_ =	shalt  }
0x4c: {  	_ =	shalt  }
0x4d: {  	_ =	shalt  }
0x4e: {  	_ =	shalt  }
0x4f: {  	_ =	shalt  }
0x50: {  	_ =	shalt  }
0x51: {  	_ =	shalt  }
0x52: {  	_ =	shalt  }
0x53: {  	_ =	shalt  }
0x54: {  	_ =	shalt  }
0x55: {  	_ =	shalt  }
0x56: {  	_ =	shalt  }
0x57: {  	_ =	shalt  }
0x58: {  	_ =	shalt  }
0x59: {  	_ =	shalt  }
0x5a: {  	_ =	shalt  }
0x5b: {  	_ =	shalt  }
0x5c: {  	_ =	shalt  }
0x5d: {  	_ =	shalt  }
0x5e: {  	_ =	shalt  }
0x5f: {  	_ =	shalt  }
0x60: {  	_ =	shalt  }
0x61: {  	_ =	shalt  }
0x62: {  	_ =	shalt  }
0x63: {  	_ =	shalt  }
0x64: {  	_ =	shalt  }
0x65: {  	_ =	shalt  }
0x66: {  	_ =	shalt  }
0x67: {  	_ =	shalt  }
0x68: {  	_ =	shalt  }
0x69: {  	_ =	shalt  }
0x6a: {  	_ =	shalt  }
0x6b: {  	_ =	shalt  }
0x6c: {  	_ =	shalt  }
0x6d: {  	_ =	shalt  }
0x6e: {  	_ =	shalt  }
0x6f: {  	_ =	shalt  }
0x70: {  	_ =	shalt  }
0x71: {  	_ =	shalt  }
0x72: {  	_ =	shalt  }
0x73: {  	_ =	shalt  }
0x74: {  	_ =	shalt  }
0x75: {  	_ =	shalt  }
0x76: {  	_ =	shalt  }
0x77: {  	_ =	shalt  }
0x78: {  	_ =	shalt  }
0x79: {  	_ =	shalt  }
0x7a: {  	_ =	shalt  }
0x7b: {  	_ =	shalt  }
0x7c: {  	_ =	shalt  }
0x7d: {  	_ =	shalt  }
0x7e: {  	_ =	shalt  }
0x7f: {  	_ =	shalt  }
0x80: {  	_ =	shalt  }
0x81: {  	_ =	shalt  }
0x82: {  	_ =	shalt  }
0x83: {  	_ =	shalt  }
0x84: {  	_ =	shalt  }
0x85: {  	_ =	shalt  }
0x86: {  	_ =	shalt  }
0x87: {  	_ =	shalt  }
.Lfunc_end0:
.L_simem_size_0:
called_computation_lowered:
.L_overlay_start_0:
0x88: {  	s2 =	sld [smem:$0x3FD9]  }
0x89: {  	s3 =	sld [smem:$0x3FFE];
	_ =	sdelay $0x1  }
0x8a: {  	s1 =	srdreg.scid  }
0x8b: {  	s0 =	sand.u32 $0x1, s1  }
0x8c: {  	s16 =	sshll.u32 s0, $0xA;
	s2 =	sadd.s32 s3, s2  }
0x8d: {  	s2 =	sadd.s32 s2, s16  }
0x8e: {  	[smem:$0x3FBE] =	sst s2  }
0x8f: {  	_ = 	snop  }
0x90: {  	(tm) =	ssettm $0x1  }
0x91: {  	s17 =	sld [smem:$0x3FFB];
	_ =	sdelay $0x3  }
0x92: {  	_ =	strace s17  }
0x93: {  	s2 =	sld [smem:$0x3FFC];
	_ =	sdelay $0x3  }
0x94: {  	_ =	strace s2  }
0x95: {  	s2 =	sld [smem:$0x3FFD];
	_ =	sdelay $0x3  }
0x96: {  	_ =	strace s2  }
0x97: {  	_ =	strace $0x8FFFFFFF  }
0x98: {  	s18 =	sld [smem:$0x3FDB];
	_ =	sdelay $0x1  }
0x99: {  	s19 =	simm.s32 $_scs_section_size  }
0x9a: {  	s4 =	simm.s32 $_size__tile_overlayer_lowered;
	s5 =	simm.s32 $_tile_overlayer_lowered  }
0x9b: {  	s22 =	simm.s32 $0x1BFF;
	s21 =	sshll.u32 s5, $0x1;
	s2 =	sadd.s32 s19, s18  }
0x9c: {  	s6 =	simm.s32 $0x0;
	s20 =	sshll.u32 s4, $0x1;
	s4 =	sadd.s32 s21, s2  }
0x9d: {  	[timem:s6], [sflag:s22] =	dma.local [hbm:s4], s20  }
0x9e: {  	_ =	swait.ge [sflag:s22], s20  }
0x9f: {  	s3 =	ssub.s32 $0x0, s20;
	[sflag:s22] =	ssyncset.done $0x0  }
0xa0: {  	[sflag:s22] =	ssyncadd.s32 s3;
	_ =	sdelay $0x1  }
0xa1: {  	s23 =	simm.s32 $0x1B8B  }
0xa2: {  	_ =	swait.ge [sflag:s23], $0x1  }
0xa3: {  	[sflag:s23] =	ssyncset.done $0x0  }
0xa4: {  	s25 =	simm.s32 $0x1B8E;
	s24 =	sld [smem:$0x3FFE];
	[sflag:s23] =	ssyncadd.s32 $0xFFFFFFFF  }
0xa5: {  	s26 =	simm.s32 $execute0_lowered;
	[smem:$0x3FD2] =	sst s25  }
0xa6: {  	s4 =	sshll.u32 s26, $0x1;
	_ =	strace $0x80000046;
	[dreg:$0x1] =	wrdreg $0xFFFFFFFF  }
0xa7: {  	s28 =	simm.s32 $_size_execute0_lowered;
	s2 =	sadd.s32 s2, s4;
	[dreg:$0x0] =	wrdreg $0x0  }
0xa8: {  	s4 =	sshll.u32 s28, $0x1;
	[dreg:$0x2] =	wrdreg s2  }
0xa9: {  	[dreg:$0x3] =	wrdreg s4  }
0xaa: {  	[dreg:$0x4] =	wrdreg $0xC0  }
0xab: {  	_ =	task [dreg:s6], $0x5FFFF  }
0xac: {  	[dreg:$0x1] =	wrdreg $0xFFFFFFFF  }
0xad: {  	[dreg:$0x0] =	wrdreg $0x60  }
0xae: {  	[dreg:$0x2] =	wrdreg s24  }
0xaf: {  	[dreg:$0x3] =	wrdreg $0x9  }
0xb0: {  	_ =	task.clear_ibuf [dreg:s6], $0x4FFFF;
	_ =	strace $0x90000046  }
0xb1: {  	s29 =	simm.s32 $0x9;
	_ =	strace $0x80000048  }
0xb2: {  	_ =	swait.ge [sflag:s29], $0x1  }
0xb3: {  	[sflag:s29] =	ssyncadd.s32 $0xFFFFFFFF  }
0xb4: {  	_ =	strace $0x90000048  }
0xb5: {  	_ =	sfence  }
0xb6: {  	s30 =	sld [smem:$0x0];
	_ =	sdelay $0x2  }
0xb7: {  	s31 =	sshll.u32 s1, $0xD;
	s1 =	sshrl.u32 s1, $0x2  }
0xb8: {  	s3 =	sand.u32 $0x4000, s31;
	s1 =	sadd.s32 s1, s30  }
0xb9: {  	s0 =	sor.u32 s3, s0;
	s1 =	sshll.u32 s1, $0x11  }
0xba: {  	s0 =	sor.u32 s1, s0  }
0xbb: {  	s0 =	sadd.s32 $0x8F2B, s0  }
0xbc: {  	[sflag:s0] =	ssyncadd.remote.s32 $0x1  }
0xbd: {  	_ =	sfence.sel $0xFFFF  }
0xbe: {  	[dreg:$0x0] =	wrdreg $0xFFFFFFFF;
	(pc) =	sbr.abs _section_cstart, $3  }
0xbf: {  	[dreg:$0x1] =	wrdreg $0xFFFFFFFF  }
0xc0: {  	_ =	task.clear_ibuf [dreg:s6], $0x2FFFF;
	_ =	strace $0x9FFFFFFF  }
0xc1: {  	(tm) =	ssettm $0x7FFFFFFF  }
tec
execute0_lowered:
.L_overlay_start_1:
0x0: {  	(tag) =	ssettag $0x1  }
0x1: {  	s0 =	srdreg.scid;
	s1 =	stileid.u32  }
0x2: {  	s0 =	sand.u32 $0x1, s0;
	s1 =	sshll.u32 s1, $0x1  }
0x3: {  	s3 =	rddreg [dreg:$0x0];
	s2 =	simm.s32 $0x0;
	s1 =	sor.u32 s0, s1  }
0x4: {  	[smem:$0x7FF] =	sst s2;
	s4 =	smul.u32 $0x12000, s1;
	s5 =	sshll.u32 s1, $0x8  }
0x5: {  	s6 =	sadd.s32 $0x243200, s3;
	s1 =	smul.u32 $0x90000, s1;
	s5 =	sadd.s32 s5, s3  }
0x6: {  	_ =	strace $0x80000047;
	s5 =	sadd.s32 $0x241200, s5  }
0x7: {  	s4 =	sadd.s32 s6, s4;
	s1 =	sshrl.u32 s1, $0x3;
	[dreg:$0x2] =	wrdreg s5  }
0x8: {  	[dreg:$0x12] =	wrdreg s4;
	s4 =	sadd.s32 $0x1200, s4;
	s1 =	sadd.s32 s6, s1  }
0x9: {  	[dreg:$0x3] =	wrdreg s4;
	s20 =	sadd.s32 $0x2400, s1  }
0xa: {  	s21 =	sadd.s32 $0x3600, s1;
	[dreg:$0x4] =	wrdreg s20  }
0xb: {  	s13 =	simm.s32 $0x1;
	s22 =	sadd.s32 $0x4800, s1;
	[dreg:$0x5] =	wrdreg s21  }
0xc: {  	s14 =	simm.s32 $0x4;
	s23 =	sadd.s32 $0x5A00, s1;
	[dreg:$0x6] =	wrdreg s22  }
0xd: {  	s16 =	simm.s32 $0x5;
	s24 =	sadd.s32 $0x6C00, s1;
	[dreg:$0x7] =	wrdreg s23  }
0xe: {  	s17 =	simm.s32 $0x6;
	s25 =	sadd.s32 $0x7E00, s1;
	[dreg:$0x8] =	wrdreg s24  }
0xf: {  	s0 =	ssub.s32 $0x2, s0;
	s26 =	sadd.s32 $0x9000, s1;
	[dreg:$0x9] =	wrdreg s25  }
0x10: {  	s29 =	sshrl.u32 s0, $0x1;
	s28 =	sadd.s32 $0xA200, s1;
	[dreg:$0xa] =	wrdreg s26  }
0x11: {  	s0 =	ssub.s32 s0, s29;
	s30 =	sadd.s32 $0xB400, s1;
	[dreg:$0xb] =	wrdreg s28  }
0x12: {  	s0 =	smax.u32 s0, $0x1;
	s31 =	sadd.s32 $0xC600, s1;
	[dreg:$0xc] =	wrdreg s30  }
0x13: {  	s5 =	sadd.s32 $0x483300, s3;
	s7 =	sadd.s32 $0xD800, s1;
	[dreg:$0xd] =	wrdreg s31  }
0x14: {  	s6 =	sadd.s32 $0x483400, s3;
	s8 =	sadd.s32 $0xEA00, s1;
	[dreg:$0xe] =	wrdreg s7  }
0x15: {  	v2 =	vlaneseq.u32;
	s4 =	sadd.s32 $0x483200, s3;
	s9 =	sadd.s32 $0xFC00, s1;
	[dreg:$0xf] =	wrdreg s8  }
0x16: {  	vm0 =	vmmov $0xffff;
	vm1 =	vmmov $0xff;
	v1 =	vshrl.u32 v2, $0x3;
	s1 =	sadd.s32 $0x10E00, s1;
	s7 =	sadd.s32 $0x483500, s3;
	[dreg:$0x10] =	wrdreg s9  }
0x17: {  	v0 =	vand.u32 $0x7, v2;
	v2 =	vor.u32 $0x8, v2;
	v1 =	vmul.u32 $0x8, v1;
	s8 =	sadd.s32 $0x483600, s3;
	[dreg:$0x11] =	wrdreg s1;
	s22 =	simm.s32 $0x3  }
.LBB2_1:
0x18: {  	[dreg:$0x13] =	wrdreg s0  }
0x19: {  	s18 =	rddreg [dreg:$0x2];
	s28 =	simm.s32 $0x7  }
0x1a: {  	[tilespmem:s2], [sflag:$0x7] =	stream.linear.gather [hbm4b:s18+s2], $0x800, $0x38;
	[tilespmem:$0x1B800] =	vst v63  }
0x1b: {  	_ =	swait.ge [sflag:s28], $0x800  }
0x1c: {  	[sflag:s28] =	ssyncset.done $0x0  }
0x1d: {  	s30 =	simm.s32 $0x800;
	s19 =	rddreg [dreg:$0x12];
	[sflag:s28] =	ssyncadd.s32 $0xFFFFF800  }
0x1e: {  	[tilespmem:s30], [sflag:$0x1] =	stream.linear.gather [hbm4b:s19+s2], $0x9000, $0x38;
	[tilespmem:$0x1B800] =	vst v63  }
0x1f: {  	s31 =	simm.s32 $0x9800;
	s29 =	rddreg [dreg:$0x3]  }
0x20: {  	[tilespmem:s31], [sflag:$0x2] =	stream.linear.gather [hbm4b:s29+s2], $0x9000, $0x38;
	[tilespmem:$0x1B800] =	vst v63  }
0x21: {  	_ =	swait.ge [sflag:s13], $0x9000  }
0x22: {  	[sflag:s13] =	ssyncset.done $0x0  }
0x23: {  	[sflag:s13] =	ssyncadd.s32 $0xFFFF7000  }
0x24: {  	v3 =	vld [tilespmem:$0x0];
	_ =	sdelay $0x4  }
0x25: {  	v4 =	vshrl.u32 v3, $0x3  }
0x26: {  	v4 =	vmul.u32 $0x48, v4  }
0x27: {  	v3 =	vand.u32 $0x7, v3  }
0x28: {  	v3 =	vor.u32 v3, v4  }
0x29: {  	v4 =	vperm.xlane v3, v0;
	_ =	sdelay $0x1  }
0x2a: {  	v4 =	vadd.s32 v1, v4;
	_ =	sdelay $0x3  }
0x2b: {  	s1 =	simm.s32 $0x800  }
0x2c: {  	[hbm4b:s4+s2] =	stream.indirect_vreg.scatter [tilespmem:s1], [sflag:$0x4], $0x80, v4, vm0, $0xb8;
	[tilespmem:$0x1B800] =	vst v63  }
0x2d: {  	s1 =	simm.s32 $0x1000  }
0x2e: {  	[hbm4b:s5+s2] =	stream.indirect_vreg.scatter [tilespmem:s1], [sflag:$0x4], $0x80, v4, vm0, $0xb8;
	[tilespmem:$0x1B800] =	vst v63  }
0x2f: {  	s3 =	simm.s32 $0x1800;
	v3 =	vperm.xlane v3, v2  }
0x30: {  	[hbm4b:s6+s2] =	stream.indirect_vreg.scatter [tilespmem:s3], [sflag:$0x4], $0x80, v4, vm0, $0xb8;
	[tilespmem:$0x1B800] =	vst v63  }
0x31: {  	s11 =	simm.s32 $0x2000;
	v3 =	vadd.s32 v1, v3  }
0x32: {  	[hbm4b:s7+s2] =	stream.indirect_vreg.scatter [tilespmem:s11], [sflag:$0x4], $0x80, v4, vm0, $0xb8;
	[tilespmem:$0x1B800] =	vst v63  }
0x33: {  	s15 =	simm.s32 $0x2800  }
0x34: {  	[hbm4b:s8+s2] =	stream.indirect_vreg.scatter [tilespmem:s15], [sflag:$0x4], $0x80, v4, vm1, $0xb8;
	[tilespmem:$0x1B800] =	vst v63  }
0x35: {  	s18 =	simm.s32 $0x2C00  }
0x36: {  	[hbm4b:s4+s2] =	stream.indirect_vreg.scatter [tilespmem:s18], [sflag:$0x4], $0x80, v3, vm0, $0xb8;
	[tilespmem:$0x1B800] =	vst v63  }
0x37: {  	s19 =	simm.s32 $0x3400  }
0x38: {  	[hbm4b:s5+s2] =	stream.indirect_vreg.scatter [tilespmem:s19], [sflag:$0x4], $0x80, v3, vm0, $0xb8;
	[tilespmem:$0x1B800] =	vst v63  }
0x39: {  	s21 =	simm.s32 $0x3C00  }
0x3a: {  	[hbm4b:s6+s2] =	stream.indirect_vreg.scatter [tilespmem:s21], [sflag:$0x4], $0x80, v3, vm0, $0xb8;
	[tilespmem:$0x1B800] =	vst v63  }
0x3b: {  	s23 =	simm.s32 $0x4400  }
0x3c: {  	[hbm4b:s7+s2] =	stream.indirect_vreg.scatter [tilespmem:s23], [sflag:$0x4], $0x80, v3, vm0, $0xb8;
	[tilespmem:$0x1B800] =	vst v63  }
0x3d: {  	s24 =	simm.s32 $0x4C00  }
0x3e: {  	[hbm4b:s8+s2] =	stream.indirect_vreg.scatter [tilespmem:s24], [sflag:$0x4], $0x80, v3, vm1, $0xb8;
	[tilespmem:$0x1B800] =	vst v63  }
0x3f: {  	v3 =	vld [tilespmem:$0x10];
	_ =	sdelay $0x4  }
0x40: {  	v33 =	vshrl.u32 v3, $0x3  }
0x41: {  	v4 =	vmul.u32 $0x48, v33  }
0x42: {  	v3 =	vand.u32 $0x7, v3  }
0x43: {  	v3 =	vor.u32 v3, v4  }
0x44: {  	v4 =	vperm.xlane v3, v0;
	_ =	sdelay $0x1  }
0x45: {  	v4 =	vadd.s32 v1, v4;
	_ =	sdelay $0x3  }
0x46: {  	s25 =	simm.s32 $0x5000  }
0x47: {  	[hbm4b:s4+s2] =	stream.indirect_vreg.scatter [tilespmem:s25], [sflag:$0x4], $0x80, v4, vm0, $0xb8;
	[tilespmem:$0x1B800] =	vst v63  }
0x48: {  	s26 =	simm.s32 $0x5800  }
0x49: {  	[hbm4b:s5+s2] =	stream.indirect_vreg.scatter [tilespmem:s26], [sflag:$0x4], $0x80, v4, vm0, $0xb8;
	[tilespmem:$0x1B800] =	vst v63  }
0x4a: {  	s28 =	simm.s32 $0x6000;
	v3 =	vperm.xlane v3, v2  }
0x4b: {  	[hbm4b:s6+s2] =	stream.indirect_vreg.scatter [tilespmem:s28], [sflag:$0x4], $0x80, v4, vm0, $0xb8;
	[tilespmem:$0x1B800] =	vst v63  }
0x4c: {  	s29 =	simm.s32 $0x6800;
	v3 =	vadd.s32 v1, v3  }
0x4d: {  	[hbm4b:s7+s2] =	stream.indirect_vreg.scatter [tilespmem:s29], [sflag:$0x4], $0x80, v4, vm0, $0xb8;
	[tilespmem:$0x1B800] =	vst v63  }
0x4e: {  	s30 =	simm.s32 $0x7000  }
0x4f: {  	[hbm4b:s8+s2] =	stream.indirect_vreg.scatter [tilespmem:s30], [sflag:$0x4], $0x80, v4, vm1, $0xb8;
	[tilespmem:$0x1B800] =	vst v63  }
0x50: {  	s31 =	simm.s32 $0x7400  }
0x51: {  	[hbm4b:s4+s2] =	stream.indirect_vreg.scatter [tilespmem:s31], [sflag:$0x4], $0x80, v3, vm0, $0xb8;
	[tilespmem:$0x1B800] =	vst v63  }
0x52: {  	s1 =	simm.s32 $0x7C00  }
0x53: {  	[hbm4b:s5+s2] =	stream.indirect_vreg.scatter [tilespmem:s1], [sflag:$0x4], $0x80, v3, vm0, $0xb8;
	[tilespmem:$0x1B800] =	vst v63  }
0x54: {  	s3 =	simm.s32 $0x8400  }
0x55: {  	[hbm4b:s6+s2] =	stream.indirect_vreg.scatter [tilespmem:s3], [sflag:$0x4], $0x80, v3, vm0, $0xb8;
	[tilespmem:$0x1B800] =	vst v63  }
0x56: {  	s11 =	simm.s32 $0x8C00  }
0x57: {  	[hbm4b:s7+s2] =	stream.indirect_vreg.scatter [tilespmem:s11], [sflag:$0x4], $0x80, v3, vm0, $0xb8;
	[tilespmem:$0x1B800] =	vst v63  }
0x58: {  	s21 =	simm.s32 $0x9400  }
0x59: {  	[hbm4b:s8+s2] =	stream.indirect_vreg.scatter [tilespmem:s21], [sflag:$0x4], $0x80, v3, vm1, $0xb8;
	[tilespmem:$0x1B800] =	vst v63  }
0x5a: {  	s15 =	rddreg [dreg:$0x4];
	s26 =	simm.s32 $0x12800;
	s1 =	simm.s32 $0x2  }
0x5b: {  	[tilespmem:s26], [sflag:$0x3] =	stream.linear.gather [hbm4b:s15+s2], $0x9000, $0x38;
	[tilespmem:$0x1B800] =	vst v63  }
0x5c: {  	_ =	swait.ge [sflag:s1], $0x9000  }
0x5d: {  	[sflag:s1] =	ssyncset.done $0x0  }
0x5e: {  	[sflag:s1] =	ssyncadd.s32 $0xFFFF7000  }
0x5f: {  	v3 =	vld [tilespmem:$0x80];
	_ =	sdelay $0x4  }
0x60: {  	v34 =	vshrl.u32 v3, $0x3  }
0x61: {  	v4 =	vmul.u32 $0x48, v34  }
0x62: {  	v3 =	vand.u32 $0x7, v3  }
0x63: {  	v3 =	vor.u32 v3, v4  }
0x64: {  	v4 =	vperm.xlane v3, v0;
	_ =	sdelay $0x1  }
0x65: {  	v4 =	vadd.s32 v1, v4;
	_ =	sdelay $0x3  }
0x66: {  	s10 =	simm.s32 $0x9800  }
0x67: {  	[hbm4b:s4+s2] =	stream.indirect_vreg.scatter [tilespmem:s10], [sflag:$0x5], $0x80, v4, vm0, $0xb8;
	[tilespmem:$0x1B800] =	vst v63  }
0x68: {  	s28 =	simm.s32 $0xA000  }
0x69: {  	[hbm4b:s5+s2] =	stream.indirect_vreg.scatter [tilespmem:s28], [sflag:$0x5], $0x80, v4, vm0, $0xb8;
	[tilespmem:$0x1B800] =	vst v63  }
0x6a: {  	s29 =	simm.s32 $0xA800;
	v3 =	vperm.xlane v3, v2  }
0x6b: {  	[hbm4b:s6+s2] =	stream.indirect_vreg.scatter [tilespmem:s29], [sflag:$0x5], $0x80, v4, vm0, $0xb8;
	[tilespmem:$0x1B800] =	vst v63  }
0x6c: {  	s30 =	simm.s32 $0xB000;
	v3 =	vadd.s32 v1, v3  }
0x6d: {  	[hbm4b:s7+s2] =	stream.indirect_vreg.scatter [tilespmem:s30], [sflag:$0x5], $0x80, v4, vm0, $0xb8;
	[tilespmem:$0x1B800] =	vst v63  }
0x6e: {  	s10 =	simm.s32 $0xB800  }
0x6f: {  	[hbm4b:s8+s2] =	stream.indirect_vreg.scatter [tilespmem:s10], [sflag:$0x5], $0x80, v4, vm1, $0xb8;
	[tilespmem:$0x1B800] =	vst v63  }
0x70: {  	s11 =	simm.s32 $0xBC00  }
0x71: {  	[hbm4b:s4+s2] =	stream.indirect_vreg.scatter [tilespmem:s11], [sflag:$0x5], $0x80, v3, vm0, $0xb8;
	[tilespmem:$0x1B800] =	vst v63  }
0x72: {  	s15 =	simm.s32 $0xC400  }
0x73: {  	[hbm4b:s5+s2] =	stream.indirect_vreg.scatter [tilespmem:s15], [sflag:$0x5], $0x80, v3, vm0, $0xb8;
	[tilespmem:$0x1B800] =	vst v63  }
0x74: {  	s18 =	simm.s32 $0xCC00  }
0x75: {  	[hbm4b:s6+s2] =	stream.indirect_vreg.scatter [tilespmem:s18], [sflag:$0x5], $0x80, v3, vm0, $0xb8;
	[tilespmem:$0x1B800] =	vst v63  }
0x76: {  	s21 =	simm.s32 $0xD400  }
0x77: {  	[hbm4b:s7+s2] =	stream.indirect_vreg.scatter [tilespmem:s21], [sflag:$0x5], $0x80, v3, vm0, $0xb8;
	[tilespmem:$0x1B800] =	vst v63  }
0x78: {  	s26 =	simm.s32 $0xDC00  }
0x79: {  	[hbm4b:s8+s2] =	stream.indirect_vreg.scatter [tilespmem:s26], [sflag:$0x5], $0x80, v3, vm1, $0xb8;
	[tilespmem:$0x1B800] =	vst v63  }
0x7a: {  	v3 =	vld [tilespmem:$0x90];
	_ =	sdelay $0x4  }
0x7b: {  	v35 =	vshrl.u32 v3, $0x3  }
0x7c: {  	v4 =	vmul.u32 $0x48, v35  }
0x7d: {  	v3 =	vand.u32 $0x7, v3  }
0x7e: {  	v3 =	vor.u32 v3, v4  }
0x7f: {  	v4 =	vperm.xlane v3, v0;
	_ =	sdelay $0x1  }
0x80: {  	v4 =	vadd.s32 v1, v4;
	_ =	sdelay $0x3  }
0x81: {  	s28 =	simm.s32 $0xE000  }
0x82: {  	[hbm4b:s4+s2] =	stream.indirect_vreg.scatter [tilespmem:s28], [sflag:$0x5], $0x80, v4, vm0, $0xb8;
	[tilespmem:$0x1B800] =	vst v63  }
0x83: {  	s29 =	simm.s32 $0xE800  }
0x84: {  	[hbm4b:s5+s2] =	stream.indirect_vreg.scatter [tilespmem:s29], [sflag:$0x5], $0x80, v4, vm0, $0xb8;
	[tilespmem:$0x1B800] =	vst v63  }
0x85: {  	s30 =	simm.s32 $0xF000;
	v3 =	vperm.xlane v3, v2  }
0x86: {  	[hbm4b:s6+s2] =	stream.indirect_vreg.scatter [tilespmem:s30], [sflag:$0x5], $0x80, v4, vm0, $0xb8;
	[tilespmem:$0x1B800] =	vst v63  }
0x87: {  	s10 =	simm.s32 $0xF800;
	v3 =	vadd.s32 v1, v3  }
0x88: {  	[hbm4b:s7+s2] =	stream.indirect_vreg.scatter [tilespmem:s10], [sflag:$0x5], $0x80, v4, vm0, $0xb8;
	[tilespmem:$0x1B800] =	vst v63  }
0x89: {  	s11 =	simm.s32 $0x10000  }
0x8a: {  	[hbm4b:s8+s2] =	stream.indirect_vreg.scatter [tilespmem:s11], [sflag:$0x5], $0x80, v4, vm1, $0xb8;
	[tilespmem:$0x1B800] =	vst v63  }
0x8b: {  	s15 =	simm.s32 $0x10400  }
0x8c: {  	[hbm4b:s4+s2] =	stream.indirect_vreg.scatter [tilespmem:s15], [sflag:$0x5], $0x80, v3, vm0, $0xb8;
	[tilespmem:$0x1B800] =	vst v63  }
0x8d: {  	s18 =	simm.s32 $0x10C00  }
0x8e: {  	[hbm4b:s5+s2] =	stream.indirect_vreg.scatter [tilespmem:s18], [sflag:$0x5], $0x80, v3, vm0, $0xb8;
	[tilespmem:$0x1B800] =	vst v63  }
0x8f: {  	s21 =	simm.s32 $0x11400  }
0x90: {  	[hbm4b:s6+s2] =	stream.indirect_vreg.scatter [tilespmem:s21], [sflag:$0x5], $0x80, v3, vm0, $0xb8;
	[tilespmem:$0x1B800] =	vst v63  }
0x91: {  	s26 =	simm.s32 $0x11C00  }
0x92: {  	[hbm4b:s7+s2] =	stream.indirect_vreg.scatter [tilespmem:s26], [sflag:$0x5], $0x80, v3, vm0, $0xb8;
	[tilespmem:$0x1B800] =	vst v63  }
0x93: {  	s28 =	simm.s32 $0x12400  }
0x94: {  	[hbm4b:s8+s2] =	stream.indirect_vreg.scatter [tilespmem:s28], [sflag:$0x5], $0x80, v3, vm1, $0xb8;
	[tilespmem:$0x1B800] =	vst v63  }
0x95: {  	_ =	swait.ge [sflag:s14], $0x9000  }
0x96: {  	[sflag:s14] =	ssyncset.done $0x0  }
0x97: {  	s20 =	simm.s32 $0x800;
	s29 =	rddreg [dreg:$0x5];
	[sflag:s14] =	ssyncadd.s32 $0xFFFF7000  }
0x98: {  	[tilespmem:s20], [sflag:$0x1] =	stream.linear.gather [hbm4b:s29+s2], $0x9000, $0x38;
	[tilespmem:$0x1B800] =	vst v63  }
0x99: {  	_ =	swait.ge [sflag:s22], $0x9000  }
0x9a: {  	[sflag:s22] =	ssyncset.done $0x0  }
0x9b: {  	[sflag:s22] =	ssyncadd.s32 $0xFFFF7000  }
0x9c: {  	v3 =	vld [tilespmem:$0x100];
	_ =	sdelay $0x4  }
0x9d: {  	v36 =	vshrl.u32 v3, $0x3  }
0x9e: {  	v4 =	vmul.u32 $0x48, v36  }
0x9f: {  	v3 =	vand.u32 $0x7, v3  }
0xa0: {  	v3 =	vor.u32 v3, v4  }
0xa1: {  	v4 =	vperm.xlane v3, v0;
	_ =	sdelay $0x1  }
0xa2: {  	v4 =	vadd.s32 v1, v4;
	_ =	sdelay $0x3  }
0xa3: {  	s3 =	simm.s32 $0x12800  }
0xa4: {  	[hbm4b:s4+s2] =	stream.indirect_vreg.scatter [tilespmem:s3], [sflag:$0x6], $0x80, v4, vm0, $0xb8;
	[tilespmem:$0x1B800] =	vst v63  }
0xa5: {  	s30 =	simm.s32 $0x13000  }
0xa6: {  	[hbm4b:s5+s2] =	stream.indirect_vreg.scatter [tilespmem:s30], [sflag:$0x6], $0x80, v4, vm0, $0xb8;
	[tilespmem:$0x1B800] =	vst v63  }
0xa7: {  	v3 =	vperm.xlane v3, v2;
	s3 =	simm.s32 $0x13800  }
0xa8: {  	[hbm4b:s6+s2] =	stream.indirect_vreg.scatter [tilespmem:s3], [sflag:$0x6], $0x80, v4, vm0, $0xb8;
	[tilespmem:$0x1B800] =	vst v63  }
0xa9: {  	s11 =	simm.s32 $0x14000;
	v3 =	vadd.s32 v1, v3  }
0xaa: {  	[hbm4b:s7+s2] =	stream.indirect_vreg.scatter [tilespmem:s11], [sflag:$0x6], $0x80, v4, vm0, $0xb8;
	[tilespmem:$0x1B800] =	vst v63  }
0xab: {  	s15 =	simm.s32 $0x14800  }
0xac: {  	[hbm4b:s8+s2] =	stream.indirect_vreg.scatter [tilespmem:s15], [sflag:$0x6], $0x80, v4, vm1, $0xb8;
	[tilespmem:$0x1B800] =	vst v63  }
0xad: {  	s18 =	simm.s32 $0x14C00  }
0xae: {  	[hbm4b:s4+s2] =	stream.indirect_vreg.scatter [tilespmem:s18], [sflag:$0x6], $0x80, v3, vm0, $0xb8;
	[tilespmem:$0x1B800] =	vst v63  }
0xaf: {  	s20 =	simm.s32 $0x15400  }
0xb0: {  	[hbm4b:s5+s2] =	stream.indirect_vreg.scatter [tilespmem:s20], [sflag:$0x6], $0x80, v3, vm0, $0xb8;
	[tilespmem:$0x1B800] =	vst v63  }
0xb1: {  	s21 =	simm.s32 $0x15C00  }
0xb2: {  	[hbm4b:s6+s2] =	stream.indirect_vreg.scatter [tilespmem:s21], [sflag:$0x6], $0x80, v3, vm0, $0xb8;
	[tilespmem:$0x1B800] =	vst v63  }
0xb3: {  	s26 =	simm.s32 $0x16400  }
0xb4: {  	[hbm4b:s7+s2] =	stream.indirect_vreg.scatter [tilespmem:s26], [sflag:$0x6], $0x80, v3, vm0, $0xb8;
	[tilespmem:$0x1B800] =	vst v63  }
0xb5: {  	s28 =	simm.s32 $0x16C00  }
0xb6: {  	[hbm4b:s8+s2] =	stream.indirect_vreg.scatter [tilespmem:s28], [sflag:$0x6], $0x80, v3, vm1, $0xb8;
	[tilespmem:$0x1B800] =	vst v63  }
0xb7: {  	v3 =	vld [tilespmem:$0x110];
	_ =	sdelay $0x4  }
0xb8: {  	v37 =	vshrl.u32 v3, $0x3  }
0xb9: {  	v4 =	vmul.u32 $0x48, v37  }
0xba: {  	v3 =	vand.u32 $0x7, v3  }
0xbb: {  	v3 =	vor.u32 v3, v4  }
0xbc: {  	v4 =	vperm.xlane v3, v0;
	_ =	sdelay $0x1  }
0xbd: {  	v4 =	vadd.s32 v1, v4;
	_ =	sdelay $0x3  }
0xbe: {  	s29 =	simm.s32 $0x17000  }
0xbf: {  	[hbm4b:s4+s2] =	stream.indirect_vreg.scatter [tilespmem:s29], [sflag:$0x6], $0x80, v4, vm0, $0xb8;
	[tilespmem:$0x1B800] =	vst v63  }
0xc0: {  	s30 =	simm.s32 $0x17800  }
0xc1: {  	[hbm4b:s5+s2] =	stream.indirect_vreg.scatter [tilespmem:s30], [sflag:$0x6], $0x80, v4, vm0, $0xb8;
	[tilespmem:$0x1B800] =	vst v63  }
0xc2: {  	s3 =	simm.s32 $0x18000;
	v3 =	vperm.xlane v3, v2  }
0xc3: {  	[hbm4b:s6+s2] =	stream.indirect_vreg.scatter [tilespmem:s3], [sflag:$0x6], $0x80, v4, vm0, $0xb8;
	[tilespmem:$0x1B800] =	vst v63  }
0xc4: {  	s11 =	simm.s32 $0x18800;
	v3 =	vadd.s32 v1, v3  }
0xc5: {  	[hbm4b:s7+s2] =	stream.indirect_vreg.scatter [tilespmem:s11], [sflag:$0x6], $0x80, v4, vm0, $0xb8;
	[tilespmem:$0x1B800] =	vst v63  }
0xc6: {  	s15 =	simm.s32 $0x19000  }
0xc7: {  	[hbm4b:s8+s2] =	stream.indirect_vreg.scatter [tilespmem:s15], [sflag:$0x6], $0x80, v4, vm1, $0xb8;
	[tilespmem:$0x1B800] =	vst v63  }
0xc8: {  	s18 =	simm.s32 $0x19400  }
0xc9: {  	[hbm4b:s4+s2] =	stream.indirect_vreg.scatter [tilespmem:s18], [sflag:$0x6], $0x80, v3, vm0, $0xb8;
	[tilespmem:$0x1B800] =	vst v63  }
0xca: {  	s20 =	simm.s32 $0x19C00  }
0xcb: {  	[hbm4b:s5+s2] =	stream.indirect_vreg.scatter [tilespmem:s20], [sflag:$0x6], $0x80, v3, vm0, $0xb8;
	[tilespmem:$0x1B800] =	vst v63  }
0xcc: {  	s21 =	simm.s32 $0x1A400  }
0xcd: {  	[hbm4b:s6+s2] =	stream.indirect_vreg.scatter [tilespmem:s21], [sflag:$0x6], $0x80, v3, vm0, $0xb8;
	[tilespmem:$0x1B800] =	vst v63  }
0xce: {  	s26 =	simm.s32 $0x1AC00  }
0xcf: {  	[hbm4b:s7+s2] =	stream.indirect_vreg.scatter [tilespmem:s26], [sflag:$0x6], $0x80, v3, vm0, $0xb8;
	[tilespmem:$0x1B800] =	vst v63  }
0xd0: {  	s28 =	simm.s32 $0x1B400  }
0xd1: {  	[hbm4b:s8+s2] =	stream.indirect_vreg.scatter [tilespmem:s28], [sflag:$0x6], $0x80, v3, vm1, $0xb8;
	[tilespmem:$0x1B800] =	vst v63  }
0xd2: {  	_ =	swait.ge [sflag:s16], $0x9000  }
0xd3: {  	[sflag:s16] =	ssyncset.done $0x0  }
0xd4: {  	s3 =	simm.s32 $0x9800;
	s29 =	rddreg [dreg:$0x6];
	[sflag:s16] =	ssyncadd.s32 $0xFFFF7000  }
0xd5: {  	[tilespmem:s3], [sflag:$0x2] =	stream.linear.gather [hbm4b:s29+s2], $0x9000, $0x38;
	[tilespmem:$0x1B800] =	vst v63  }
0xd6: {  	_ =	swait.ge [sflag:s13], $0x9000  }
0xd7: {  	[sflag:s13] =	ssyncset.done $0x0  }
0xd8: {  	[sflag:s13] =	ssyncadd.s32 $0xFFFF7000  }
0xd9: {  	v3 =	vld [tilespmem:$0x180];
	_ =	sdelay $0x4  }
0xda: {  	v38 =	vshrl.u32 v3, $0x3  }
0xdb: {  	v4 =	vmul.u32 $0x48, v38  }
0xdc: {  	v3 =	vand.u32 $0x7, v3  }
0xdd: {  	v3 =	vor.u32 v3, v4  }
0xde: {  	v4 =	vperm.xlane v3, v0;
	_ =	sdelay $0x1  }
0xdf: {  	v4 =	vadd.s32 v1, v4;
	_ =	sdelay $0x3  }
0xe0: {  	s10 =	simm.s32 $0x800  }
0xe1: {  	[hbm4b:s4+s2] =	stream.indirect_vreg.scatter [tilespmem:s10], [sflag:$0x4], $0x80, v4, vm0, $0xb8;
	[tilespmem:$0x1B800] =	vst v63  }
0xe2: {  	s9 =	simm.s32 $0x1000  }
0xe3: {  	[hbm4b:s5+s2] =	stream.indirect_vreg.scatter [tilespmem:s9], [sflag:$0x4], $0x80, v4, vm0, $0xb8;
	[tilespmem:$0x1B800] =	vst v63  }
0xe4: {  	s12 =	simm.s32 $0x1800;
	v3 =	vperm.xlane v3, v2  }
0xe5: {  	[hbm4b:s6+s2] =	stream.indirect_vreg.scatter [tilespmem:s12], [sflag:$0x4], $0x80, v4, vm0, $0xb8;
	[tilespmem:$0x1B800] =	vst v63  }
0xe6: {  	s11 =	simm.s32 $0x2000;
	v3 =	vadd.s32 v1, v3  }
0xe7: {  	[hbm4b:s7+s2] =	stream.indirect_vreg.scatter [tilespmem:s11], [sflag:$0x4], $0x80, v4, vm0, $0xb8;
	[tilespmem:$0x1B800] =	vst v63  }
0xe8: {  	s30 =	simm.s32 $0x2800  }
0xe9: {  	[hbm4b:s8+s2] =	stream.indirect_vreg.scatter [tilespmem:s30], [sflag:$0x4], $0x80, v4, vm1, $0xb8;
	[tilespmem:$0x1B800] =	vst v63  }
0xea: {  	s10 =	simm.s32 $0x2C00  }
0xeb: {  	[hbm4b:s4+s2] =	stream.indirect_vreg.scatter [tilespmem:s10], [sflag:$0x4], $0x80, v3, vm0, $0xb8;
	[tilespmem:$0x1B800] =	vst v63  }
0xec: {  	s20 =	simm.s32 $0x3400  }
0xed: {  	[hbm4b:s5+s2] =	stream.indirect_vreg.scatter [tilespmem:s20], [sflag:$0x4], $0x80, v3, vm0, $0xb8;
	[tilespmem:$0x1B800] =	vst v63  }
0xee: {  	s15 =	simm.s32 $0x3C00  }
0xef: {  	[hbm4b:s6+s2] =	stream.indirect_vreg.scatter [tilespmem:s15], [sflag:$0x4], $0x80, v3, vm0, $0xb8;
	[tilespmem:$0x1B800] =	vst v63  }
0xf0: {  	s21 =	simm.s32 $0x4400  }
0xf1: {  	[hbm4b:s7+s2] =	stream.indirect_vreg.scatter [tilespmem:s21], [sflag:$0x4], $0x80, v3, vm0, $0xb8;
	[tilespmem:$0x1B800] =	vst v63  }
0xf2: {  	s23 =	simm.s32 $0x4C00  }
0xf3: {  	[hbm4b:s8+s2] =	stream.indirect_vreg.scatter [tilespmem:s23], [sflag:$0x4], $0x80, v3, vm1, $0xb8;
	[tilespmem:$0x1B800] =	vst v63  }
0xf4: {  	v3 =	vld [tilespmem:$0x190];
	_ =	sdelay $0x4  }
0xf5: {  	v39 =	vshrl.u32 v3, $0x3  }
0xf6: {  	v4 =	vmul.u32 $0x48, v39  }
0xf7: {  	v3 =	vand.u32 $0x7, v3  }
0xf8: {  	v3 =	vor.u32 v3, v4  }
0xf9: {  	v4 =	vperm.xlane v3, v0;
	_ =	sdelay $0x1  }
0xfa: {  	v4 =	vadd.s32 v1, v4;
	_ =	sdelay $0x3  }
0xfb: {  	s23 =	simm.s32 $0x5000  }
0xfc: {  	[hbm4b:s4+s2] =	stream.indirect_vreg.scatter [tilespmem:s23], [sflag:$0x4], $0x80, v4, vm0, $0xb8;
	[tilespmem:$0x1B800] =	vst v63  }
0xfd: {  	s24 =	simm.s32 $0x5800  }
0xfe: {  	[hbm4b:s5+s2] =	stream.indirect_vreg.scatter [tilespmem:s24], [sflag:$0x4], $0x80, v4, vm0, $0xb8;
	[tilespmem:$0x1B800] =	vst v63  }
0xff: {  	s25 =	simm.s32 $0x6000;
	v3 =	vperm.xlane v3, v2  }
0x100: {  	[hbm4b:s6+s2] =	stream.indirect_vreg.scatter [tilespmem:s25], [sflag:$0x4], $0x80, v4, vm0, $0xb8;
	[tilespmem:$0x1B800] =	vst v63  }
0x101: {  	v3 =	vadd.s32 v1, v3;
	s24 =	simm.s32 $0x6800  }
0x102: {  	[hbm4b:s7+s2] =	stream.indirect_vreg.scatter [tilespmem:s24], [sflag:$0x4], $0x80, v4, vm0, $0xb8;
	[tilespmem:$0x1B800] =	vst v63  }
0x103: {  	s25 =	simm.s32 $0x7000  }
0x104: {  	[hbm4b:s8+s2] =	stream.indirect_vreg.scatter [tilespmem:s25], [sflag:$0x4], $0x80, v4, vm1, $0xb8;
	[tilespmem:$0x1B800] =	vst v63  }
0x105: {  	s26 =	simm.s32 $0x7400  }
0x106: {  	[hbm4b:s4+s2] =	stream.indirect_vreg.scatter [tilespmem:s26], [sflag:$0x4], $0x80, v3, vm0, $0xb8;
	[tilespmem:$0x1B800] =	vst v63  }
0x107: {  	s28 =	simm.s32 $0x7C00  }
0x108: {  	[hbm4b:s5+s2] =	stream.indirect_vreg.scatter [tilespmem:s28], [sflag:$0x4], $0x80, v3, vm0, $0xb8;
	[tilespmem:$0x1B800] =	vst v63  }
0x109: {  	s29 =	simm.s32 $0x8400  }
0x10a: {  	[hbm4b:s6+s2] =	stream.indirect_vreg.scatter [tilespmem:s29], [sflag:$0x4], $0x80, v3, vm0, $0xb8;
	[tilespmem:$0x1B800] =	vst v63  }
0x10b: {  	s30 =	simm.s32 $0x8C00  }
0x10c: {  	[hbm4b:s7+s2] =	stream.indirect_vreg.scatter [tilespmem:s30], [sflag:$0x4], $0x80, v3, vm0, $0xb8;
	[tilespmem:$0x1B800] =	vst v63  }
0x10d: {  	s19 =	simm.s32 $0x9400  }
0x10e: {  	[hbm4b:s8+s2] =	stream.indirect_vreg.scatter [tilespmem:s19], [sflag:$0x4], $0x80, v3, vm1, $0xb8;
	[tilespmem:$0x1B800] =	vst v63  }
0x10f: {  	_ =	swait.ge [sflag:s17], $0x9000  }
0x110: {  	[sflag:s17] =	ssyncset.done $0x0  }
0x111: {  	s10 =	simm.s32 $0x12800;
	s12 =	rddreg [dreg:$0x7];
	[sflag:s17] =	ssyncadd.s32 $0xFFFF7000  }
0x112: {  	[tilespmem:s10], [sflag:$0x3] =	stream.linear.gather [hbm4b:s12+s2], $0x9000, $0x38;
	[tilespmem:$0x1B800] =	vst v63  }
0x113: {  	_ =	swait.ge [sflag:s1], $0x9000  }
0x114: {  	[sflag:s1] =	ssyncset.done $0x0  }
0x115: {  	[sflag:s1] =	ssyncadd.s32 $0xFFFF7000  }
0x116: {  	v3 =	vld [tilespmem:$0x200];
	_ =	sdelay $0x4  }
0x117: {  	v40 =	vshrl.u32 v3, $0x3  }
0x118: {  	v4 =	vmul.u32 $0x48, v40  }
0x119: {  	v3 =	vand.u32 $0x7, v3  }
0x11a: {  	v3 =	vor.u32 v3, v4  }
0x11b: {  	v4 =	vperm.xlane v3, v0;
	_ =	sdelay $0x1  }
0x11c: {  	v4 =	vadd.s32 v1, v4;
	_ =	sdelay $0x4  }
0x11d: {  	[hbm4b:s4+s2] =	stream.indirect_vreg.scatter [tilespmem:s3], [sflag:$0x5], $0x80, v4, vm0, $0xb8;
	[tilespmem:$0x1B800] =	vst v63  }
0x11e: {  	s31 =	simm.s32 $0xA000  }
0x11f: {  	[hbm4b:s5+s2] =	stream.indirect_vreg.scatter [tilespmem:s31], [sflag:$0x5], $0x80, v4, vm0, $0xb8;
	[tilespmem:$0x1B800] =	vst v63  }
0x120: {  	s19 =	simm.s32 $0xA800;
	v3 =	vperm.xlane v3, v2  }
0x121: {  	[hbm4b:s6+s2] =	stream.indirect_vreg.scatter [tilespmem:s19], [sflag:$0x5], $0x80, v4, vm0, $0xb8;
	[tilespmem:$0x1B800] =	vst v63  }
0x122: {  	v3 =	vadd.s32 v1, v3;
	s31 =	simm.s32 $0xB000  }
0x123: {  	[hbm4b:s7+s2] =	stream.indirect_vreg.scatter [tilespmem:s31], [sflag:$0x5], $0x80, v4, vm0, $0xb8;
	[tilespmem:$0x1B800] =	vst v63  }
0x124: {  	s31 =	simm.s32 $0xB800  }
0x125: {  	[hbm4b:s8+s2] =	stream.indirect_vreg.scatter [tilespmem:s31], [sflag:$0x5], $0x80, v4, vm1, $0xb8;
	[tilespmem:$0x1B800] =	vst v63  }
0x126: {  	s12 =	simm.s32 $0xBC00  }
0x127: {  	[hbm4b:s4+s2] =	stream.indirect_vreg.scatter [tilespmem:s12], [sflag:$0x5], $0x80, v3, vm0, $0xb8;
	[tilespmem:$0x1B800] =	vst v63  }
0x128: {  	s18 =	simm.s32 $0xC400  }
0x129: {  	[hbm4b:s5+s2] =	stream.indirect_vreg.scatter [tilespmem:s18], [sflag:$0x5], $0x80, v3, vm0, $0xb8;
	[tilespmem:$0x1B800] =	vst v63  }
0x12a: {  	s19 =	simm.s32 $0xCC00  }
0x12b: {  	[hbm4b:s6+s2] =	stream.indirect_vreg.scatter [tilespmem:s19], [sflag:$0x5], $0x80, v3, vm0, $0xb8;
	[tilespmem:$0x1B800] =	vst v63  }
0x12c: {  	s12 =	simm.s32 $0xD400  }
0x12d: {  	[hbm4b:s7+s2] =	stream.indirect_vreg.scatter [tilespmem:s12], [sflag:$0x5], $0x80, v3, vm0, $0xb8;
	[tilespmem:$0x1B800] =	vst v63  }
0x12e: {  	s18 =	simm.s32 $0xDC00  }
0x12f: {  	[hbm4b:s8+s2] =	stream.indirect_vreg.scatter [tilespmem:s18], [sflag:$0x5], $0x80, v3, vm1, $0xb8;
	[tilespmem:$0x1B800] =	vst v63  }
0x130: {  	v3 =	vld [tilespmem:$0x210];
	_ =	sdelay $0x4  }
0x131: {  	v41 =	vshrl.u32 v3, $0x3  }
0x132: {  	v4 =	vmul.u32 $0x48, v41  }
0x133: {  	v3 =	vand.u32 $0x7, v3  }
0x134: {  	v3 =	vor.u32 v3, v4  }
0x135: {  	v4 =	vperm.xlane v3, v0;
	_ =	sdelay $0x1  }
0x136: {  	v4 =	vadd.s32 v1, v4;
	_ =	sdelay $0x3  }
0x137: {  	s19 =	simm.s32 $0xE000  }
0x138: {  	[hbm4b:s4+s2] =	stream.indirect_vreg.scatter [tilespmem:s19], [sflag:$0x5], $0x80, v4, vm0, $0xb8;
	[tilespmem:$0x1B800] =	vst v63  }
0x139: {  	s12 =	simm.s32 $0xE800  }
0x13a: {  	[hbm4b:s5+s2] =	stream.indirect_vreg.scatter [tilespmem:s12], [sflag:$0x5], $0x80, v4, vm0, $0xb8;
	[tilespmem:$0x1B800] =	vst v63  }
0x13b: {  	s18 =	simm.s32 $0xF000;
	v3 =	vperm.xlane v3, v2  }
0x13c: {  	[hbm4b:s6+s2] =	stream.indirect_vreg.scatter [tilespmem:s18], [sflag:$0x5], $0x80, v4, vm0, $0xb8;
	[tilespmem:$0x1B800] =	vst v63  }
0x13d: {  	v3 =	vadd.s32 v1, v3;
	s19 =	simm.s32 $0xF800  }
0x13e: {  	[hbm4b:s7+s2] =	stream.indirect_vreg.scatter [tilespmem:s19], [sflag:$0x5], $0x80, v4, vm0, $0xb8;
	[tilespmem:$0x1B800] =	vst v63  }
0x13f: {  	s12 =	simm.s32 $0x10000  }
0x140: {  	[hbm4b:s8+s2] =	stream.indirect_vreg.scatter [tilespmem:s12], [sflag:$0x5], $0x80, v4, vm1, $0xb8;
	[tilespmem:$0x1B800] =	vst v63  }
0x141: {  	s18 =	simm.s32 $0x10400  }
0x142: {  	[hbm4b:s4+s2] =	stream.indirect_vreg.scatter [tilespmem:s18], [sflag:$0x5], $0x80, v3, vm0, $0xb8;
	[tilespmem:$0x1B800] =	vst v63  }
0x143: {  	s19 =	simm.s32 $0x10C00  }
0x144: {  	[hbm4b:s5+s2] =	stream.indirect_vreg.scatter [tilespmem:s19], [sflag:$0x5], $0x80, v3, vm0, $0xb8;
	[tilespmem:$0x1B800] =	vst v63  }
0x145: {  	s12 =	simm.s32 $0x11400  }
0x146: {  	[hbm4b:s6+s2] =	stream.indirect_vreg.scatter [tilespmem:s12], [sflag:$0x5], $0x80, v3, vm0, $0xb8;
	[tilespmem:$0x1B800] =	vst v63  }
0x147: {  	s18 =	simm.s32 $0x11C00  }
0x148: {  	[hbm4b:s7+s2] =	stream.indirect_vreg.scatter [tilespmem:s18], [sflag:$0x5], $0x80, v3, vm0, $0xb8;
	[tilespmem:$0x1B800] =	vst v63  }
0x149: {  	s19 =	simm.s32 $0x12400  }
0x14a: {  	[hbm4b:s8+s2] =	stream.indirect_vreg.scatter [tilespmem:s19], [sflag:$0x5], $0x80, v3, vm1, $0xb8;
	[tilespmem:$0x1B800] =	vst v63  }
0x14b: {  	_ =	swait.ge [sflag:s14], $0x9000  }
0x14c: {  	[sflag:s14] =	ssyncset.done $0x0  }
0x14d: {  	s0 =	simm.s32 $0x800;
	s12 =	rddreg [dreg:$0x8];
	[sflag:s14] =	ssyncadd.s32 $0xFFFF7000  }
0x14e: {  	[tilespmem:s0], [sflag:$0x1] =	stream.linear.gather [hbm4b:s12+s2], $0x9000, $0x38;
	[tilespmem:$0x1B800] =	vst v63  }
0x14f: {  	_ =	swait.ge [sflag:s22], $0x9000  }
0x150: {  	[sflag:s22] =	ssyncset.done $0x0  }
0x151: {  	[sflag:s22] =	ssyncadd.s32 $0xFFFF7000  }
0x152: {  	v3 =	vld [tilespmem:$0x280];
	_ =	sdelay $0x4  }
0x153: {  	v42 =	vshrl.u32 v3, $0x3  }
0x154: {  	v4 =	vmul.u32 $0x48, v42  }
0x155: {  	v3 =	vand.u32 $0x7, v3  }
0x156: {  	v3 =	vor.u32 v3, v4  }
0x157: {  	v4 =	vperm.xlane v3, v0;
	_ =	sdelay $0x1  }
0x158: {  	v4 =	vadd.s32 v1, v4;
	_ =	sdelay $0x4  }
0x159: {  	[hbm4b:s4+s2] =	stream.indirect_vreg.scatter [tilespmem:s10], [sflag:$0x6], $0x80, v4, vm0, $0xb8;
	[tilespmem:$0x1B800] =	vst v63  }
0x15a: {  	s12 =	simm.s32 $0x13000  }
0x15b: {  	[hbm4b:s5+s2] =	stream.indirect_vreg.scatter [tilespmem:s12], [sflag:$0x6], $0x80, v4, vm0, $0xb8;
	[tilespmem:$0x1B800] =	vst v63  }
0x15c: {  	s18 =	simm.s32 $0x13800;
	v3 =	vperm.xlane v3, v2  }
0x15d: {  	[hbm4b:s6+s2] =	stream.indirect_vreg.scatter [tilespmem:s18], [sflag:$0x6], $0x80, v4, vm0, $0xb8;
	[tilespmem:$0x1B800] =	vst v63  }
0x15e: {  	s19 =	simm.s32 $0x14000;
	v3 =	vadd.s32 v1, v3  }
0x15f: {  	[hbm4b:s7+s2] =	stream.indirect_vreg.scatter [tilespmem:s19], [sflag:$0x6], $0x80, v4, vm0, $0xb8;
	[tilespmem:$0x1B800] =	vst v63  }
0x160: {  	s18 =	simm.s32 $0x14800  }
0x161: {  	[hbm4b:s8+s2] =	stream.indirect_vreg.scatter [tilespmem:s18], [sflag:$0x6], $0x80, v4, vm1, $0xb8;
	[tilespmem:$0x1B800] =	vst v63  }
0x162: {  	s19 =	simm.s32 $0x14C00  }
0x163: {  	[hbm4b:s4+s2] =	stream.indirect_vreg.scatter [tilespmem:s19], [sflag:$0x6], $0x80, v3, vm0, $0xb8;
	[tilespmem:$0x1B800] =	vst v63  }
0x164: {  	s18 =	simm.s32 $0x15400  }
0x165: {  	[hbm4b:s5+s2] =	stream.indirect_vreg.scatter [tilespmem:s18], [sflag:$0x6], $0x80, v3, vm0, $0xb8;
	[tilespmem:$0x1B800] =	vst v63  }
0x166: {  	s19 =	simm.s32 $0x15C00  }
0x167: {  	[hbm4b:s6+s2] =	stream.indirect_vreg.scatter [tilespmem:s19], [sflag:$0x6], $0x80, v3, vm0, $0xb8;
	[tilespmem:$0x1B800] =	vst v63  }
0x168: {  	s18 =	simm.s32 $0x16400  }
0x169: {  	[hbm4b:s7+s2] =	stream.indirect_vreg.scatter [tilespmem:s18], [sflag:$0x6], $0x80, v3, vm0, $0xb8;
	[tilespmem:$0x1B800] =	vst v63  }
0x16a: {  	s19 =	simm.s32 $0x16C00  }
0x16b: {  	[hbm4b:s8+s2] =	stream.indirect_vreg.scatter [tilespmem:s19], [sflag:$0x6], $0x80, v3, vm1, $0xb8;
	[tilespmem:$0x1B800] =	vst v63  }
0x16c: {  	v3 =	vld [tilespmem:$0x290];
	_ =	sdelay $0x4  }
0x16d: {  	v43 =	vshrl.u32 v3, $0x3  }
0x16e: {  	v4 =	vmul.u32 $0x48, v43  }
0x16f: {  	v3 =	vand.u32 $0x7, v3  }
0x170: {  	v3 =	vor.u32 v3, v4  }
0x171: {  	v4 =	vperm.xlane v3, v0;
	_ =	sdelay $0x1  }
0x172: {  	v4 =	vadd.s32 v1, v4;
	_ =	sdelay $0x3  }
0x173: {  	s18 =	simm.s32 $0x17000  }
0x174: {  	[hbm4b:s4+s2] =	stream.indirect_vreg.scatter [tilespmem:s18], [sflag:$0x6], $0x80, v4, vm0, $0xb8;
	[tilespmem:$0x1B800] =	vst v63  }
0x175: {  	s19 =	simm.s32 $0x17800  }
0x176: {  	[hbm4b:s5+s2] =	stream.indirect_vreg.scatter [tilespmem:s19], [sflag:$0x6], $0x80, v4, vm0, $0xb8;
	[tilespmem:$0x1B800] =	vst v63  }
0x177: {  	v3 =	vperm.xlane v3, v2;
	s18 =	simm.s32 $0x18000  }
0x178: {  	[hbm4b:s6+s2] =	stream.indirect_vreg.scatter [tilespmem:s18], [sflag:$0x6], $0x80, v4, vm0, $0xb8;
	[tilespmem:$0x1B800] =	vst v63  }
0x179: {  	v3 =	vadd.s32 v1, v3;
	s19 =	simm.s32 $0x18800  }
0x17a: {  	[hbm4b:s7+s2] =	stream.indirect_vreg.scatter [tilespmem:s19], [sflag:$0x6], $0x80, v4, vm0, $0xb8;
	[tilespmem:$0x1B800] =	vst v63  }
0x17b: {  	s18 =	simm.s32 $0x19000  }
0x17c: {  	[hbm4b:s8+s2] =	stream.indirect_vreg.scatter [tilespmem:s18], [sflag:$0x6], $0x80, v4, vm1, $0xb8;
	[tilespmem:$0x1B800] =	vst v63  }
0x17d: {  	s19 =	simm.s32 $0x19400  }
0x17e: {  	[hbm4b:s4+s2] =	stream.indirect_vreg.scatter [tilespmem:s19], [sflag:$0x6], $0x80, v3, vm0, $0xb8;
	[tilespmem:$0x1B800] =	vst v63  }
0x17f: {  	s18 =	simm.s32 $0x19C00  }
0x180: {  	[hbm4b:s5+s2] =	stream.indirect_vreg.scatter [tilespmem:s18], [sflag:$0x6], $0x80, v3, vm0, $0xb8;
	[tilespmem:$0x1B800] =	vst v63  }
0x181: {  	s19 =	simm.s32 $0x1A400  }
0x182: {  	[hbm4b:s6+s2] =	stream.indirect_vreg.scatter [tilespmem:s19], [sflag:$0x6], $0x80, v3, vm0, $0xb8;
	[tilespmem:$0x1B800] =	vst v63  }
0x183: {  	s18 =	simm.s32 $0x1AC00  }
0x184: {  	[hbm4b:s7+s2] =	stream.indirect_vreg.scatter [tilespmem:s18], [sflag:$0x6], $0x80, v3, vm0, $0xb8;
	[tilespmem:$0x1B800] =	vst v63  }
0x185: {  	s19 =	simm.s32 $0x1B400  }
0x186: {  	[hbm4b:s8+s2] =	stream.indirect_vreg.scatter [tilespmem:s19], [sflag:$0x6], $0x80, v3, vm1, $0xb8;
	[tilespmem:$0x1B800] =	vst v63  }
0x187: {  	_ =	swait.ge [sflag:s16], $0x9000  }
0x188: {  	[sflag:s16] =	ssyncset.done $0x0  }
0x189: {  	s9 =	simm.s32 $0x9800;
	s10 =	rddreg [dreg:$0x9];
	[sflag:s16] =	ssyncadd.s32 $0xFFFF7000  }
0x18a: {  	[tilespmem:s9], [sflag:$0x2] =	stream.linear.gather [hbm4b:s10+s2], $0x9000, $0x38;
	[tilespmem:$0x1B800] =	vst v63  }
0x18b: {  	_ =	swait.ge [sflag:s13], $0x9000  }
0x18c: {  	[sflag:s13] =	ssyncset.done $0x0  }
0x18d: {  	[sflag:s13] =	ssyncadd.s32 $0xFFFF7000  }
0x18e: {  	v3 =	vld [tilespmem:$0x300];
	_ =	sdelay $0x4  }
0x18f: {  	v44 =	vshrl.u32 v3, $0x3  }
0x190: {  	v4 =	vmul.u32 $0x48, v44  }
0x191: {  	v3 =	vand.u32 $0x7, v3  }
0x192: {  	v3 =	vor.u32 v3, v4  }
0x193: {  	v4 =	vperm.xlane v3, v0;
	_ =	sdelay $0x1  }
0x194: {  	v4 =	vadd.s32 v1, v4;
	_ =	sdelay $0x3  }
0x195: {  	s0 =	simm.s32 $0x800  }
0x196: {  	[hbm4b:s4+s2] =	stream.indirect_vreg.scatter [tilespmem:s0], [sflag:$0x4], $0x80, v4, vm0, $0xb8;
	[tilespmem:$0x1B800] =	vst v63  }
0x197: {  	s18 =	simm.s32 $0x1000  }
0x198: {  	[hbm4b:s5+s2] =	stream.indirect_vreg.scatter [tilespmem:s18], [sflag:$0x4], $0x80, v4, vm0, $0xb8;
	[tilespmem:$0x1B800] =	vst v63  }
0x199: {  	s19 =	simm.s32 $0x1800;
	v3 =	vperm.xlane v3, v2  }
0x19a: {  	[hbm4b:s6+s2] =	stream.indirect_vreg.scatter [tilespmem:s19], [sflag:$0x4], $0x80, v4, vm0, $0xb8;
	[tilespmem:$0x1B800] =	vst v63  }
0x19b: {  	v3 =	vadd.s32 v1, v3  }
0x19c: {  	[hbm4b:s7+s2] =	stream.indirect_vreg.scatter [tilespmem:s11], [sflag:$0x4], $0x80, v4, vm0, $0xb8;
	[tilespmem:$0x1B800] =	vst v63  }
0x19d: {  	s18 =	simm.s32 $0x2800  }
0x19e: {  	[hbm4b:s8+s2] =	stream.indirect_vreg.scatter [tilespmem:s18], [sflag:$0x4], $0x80, v4, vm1, $0xb8;
	[tilespmem:$0x1B800] =	vst v63  }
0x19f: {  	s19 =	simm.s32 $0x2C00  }
0x1a0: {  	[hbm4b:s4+s2] =	stream.indirect_vreg.scatter [tilespmem:s19], [sflag:$0x4], $0x80, v3, vm0, $0xb8;
	[tilespmem:$0x1B800] =	vst v63  }
0x1a1: {  	_ = 	snop  }
0x1a2: {  	[hbm4b:s5+s2] =	stream.indirect_vreg.scatter [tilespmem:s20], [sflag:$0x4], $0x80, v3, vm0, $0xb8;
	[tilespmem:$0x1B800] =	vst v63  }
0x1a3: {  	_ = 	snop  }
0x1a4: {  	[hbm4b:s6+s2] =	stream.indirect_vreg.scatter [tilespmem:s15], [sflag:$0x4], $0x80, v3, vm0, $0xb8;
	[tilespmem:$0x1B800] =	vst v63  }
0x1a5: {  	_ = 	snop  }
0x1a6: {  	[hbm4b:s7+s2] =	stream.indirect_vreg.scatter [tilespmem:s21], [sflag:$0x4], $0x80, v3, vm0, $0xb8;
	[tilespmem:$0x1B800] =	vst v63  }
0x1a7: {  	s19 =	simm.s32 $0x4C00  }
0x1a8: {  	[hbm4b:s8+s2] =	stream.indirect_vreg.scatter [tilespmem:s19], [sflag:$0x4], $0x80, v3, vm1, $0xb8;
	[tilespmem:$0x1B800] =	vst v63  }
0x1a9: {  	v3 =	vld [tilespmem:$0x310];
	_ =	sdelay $0x4  }
0x1aa: {  	v45 =	vshrl.u32 v3, $0x3  }
0x1ab: {  	v4 =	vmul.u32 $0x48, v45  }
0x1ac: {  	v3 =	vand.u32 $0x7, v3  }
0x1ad: {  	v3 =	vor.u32 v3, v4  }
0x1ae: {  	v4 =	vperm.xlane v3, v0;
	_ =	sdelay $0x1  }
0x1af: {  	v4 =	vadd.s32 v1, v4;
	_ =	sdelay $0x4  }
0x1b0: {  	[hbm4b:s4+s2] =	stream.indirect_vreg.scatter [tilespmem:s23], [sflag:$0x4], $0x80, v4, vm0, $0xb8;
	[tilespmem:$0x1B800] =	vst v63  }
0x1b1: {  	s20 =	simm.s32 $0x5800  }
0x1b2: {  	[hbm4b:s5+s2] =	stream.indirect_vreg.scatter [tilespmem:s20], [sflag:$0x4], $0x80, v4, vm0, $0xb8;
	[tilespmem:$0x1B800] =	vst v63  }
0x1b3: {  	v3 =	vperm.xlane v3, v2;
	s23 =	simm.s32 $0x6000  }
0x1b4: {  	[hbm4b:s6+s2] =	stream.indirect_vreg.scatter [tilespmem:s23], [sflag:$0x4], $0x80, v4, vm0, $0xb8;
	[tilespmem:$0x1B800] =	vst v63  }
0x1b5: {  	v3 =	vadd.s32 v1, v3  }
0x1b6: {  	[hbm4b:s7+s2] =	stream.indirect_vreg.scatter [tilespmem:s24], [sflag:$0x4], $0x80, v4, vm0, $0xb8;
	[tilespmem:$0x1B800] =	vst v63  }
0x1b7: {  	_ = 	snop  }
0x1b8: {  	[hbm4b:s8+s2] =	stream.indirect_vreg.scatter [tilespmem:s25], [sflag:$0x4], $0x80, v4, vm1, $0xb8;
	[tilespmem:$0x1B800] =	vst v63  }
0x1b9: {  	_ = 	snop  }
0x1ba: {  	[hbm4b:s4+s2] =	stream.indirect_vreg.scatter [tilespmem:s26], [sflag:$0x4], $0x80, v3, vm0, $0xb8;
	[tilespmem:$0x1B800] =	vst v63  }
0x1bb: {  	_ = 	snop  }
0x1bc: {  	[hbm4b:s5+s2] =	stream.indirect_vreg.scatter [tilespmem:s28], [sflag:$0x4], $0x80, v3, vm0, $0xb8;
	[tilespmem:$0x1B800] =	vst v63  }
0x1bd: {  	_ = 	snop  }
0x1be: {  	[hbm4b:s6+s2] =	stream.indirect_vreg.scatter [tilespmem:s29], [sflag:$0x4], $0x80, v3, vm0, $0xb8;
	[tilespmem:$0x1B800] =	vst v63  }
0x1bf: {  	_ = 	snop  }
0x1c0: {  	[hbm4b:s7+s2] =	stream.indirect_vreg.scatter [tilespmem:s30], [sflag:$0x4], $0x80, v3, vm0, $0xb8;
	[tilespmem:$0x1B800] =	vst v63  }
0x1c1: {  	s11 =	simm.s32 $0x9400  }
0x1c2: {  	[hbm4b:s8+s2] =	stream.indirect_vreg.scatter [tilespmem:s11], [sflag:$0x4], $0x80, v3, vm1, $0xb8;
	[tilespmem:$0x1B800] =	vst v63  }
0x1c3: {  	_ =	swait.ge [sflag:s17], $0x9000  }
0x1c4: {  	[sflag:s17] =	ssyncset.done $0x0  }
0x1c5: {  	s3 =	simm.s32 $0x12800;
	s25 =	rddreg [dreg:$0xa];
	[sflag:s17] =	ssyncadd.s32 $0xFFFF7000  }
0x1c6: {  	[tilespmem:s3], [sflag:$0x3] =	stream.linear.gather [hbm4b:s25+s2], $0x9000, $0x38;
	[tilespmem:$0x1B800] =	vst v63  }
0x1c7: {  	_ =	swait.ge [sflag:s1], $0x9000  }
0x1c8: {  	[sflag:s1] =	ssyncset.done $0x0  }
0x1c9: {  	[sflag:s1] =	ssyncadd.s32 $0xFFFF7000  }
0x1ca: {  	v3 =	vld [tilespmem:$0x380];
	_ =	sdelay $0x4  }
0x1cb: {  	v46 =	vshrl.u32 v3, $0x3  }
0x1cc: {  	v4 =	vmul.u32 $0x48, v46  }
0x1cd: {  	v3 =	vand.u32 $0x7, v3  }
0x1ce: {  	v3 =	vor.u32 v3, v4  }
0x1cf: {  	v4 =	vperm.xlane v3, v0;
	_ =	sdelay $0x1  }
0x1d0: {  	v4 =	vadd.s32 v1, v4;
	_ =	sdelay $0x3  }
0x1d1: {  	s9 =	simm.s32 $0x9800  }
0x1d2: {  	[hbm4b:s4+s2] =	stream.indirect_vreg.scatter [tilespmem:s9], [sflag:$0x5], $0x80, v4, vm0, $0xb8;
	[tilespmem:$0x1B800] =	vst v63  }
0x1d3: {  	s26 =	simm.s32 $0xA000  }
0x1d4: {  	[hbm4b:s5+s2] =	stream.indirect_vreg.scatter [tilespmem:s26], [sflag:$0x5], $0x80, v4, vm0, $0xb8;
	[tilespmem:$0x1B800] =	vst v63  }
0x1d5: {  	s23 =	simm.s32 $0xA800;
	v3 =	vperm.xlane v3, v2  }
0x1d6: {  	[hbm4b:s6+s2] =	stream.indirect_vreg.scatter [tilespmem:s23], [sflag:$0x5], $0x80, v4, vm0, $0xb8;
	[tilespmem:$0x1B800] =	vst v63  }
0x1d7: {  	s28 =	simm.s32 $0xB000;
	v3 =	vadd.s32 v1, v3  }
0x1d8: {  	[hbm4b:s7+s2] =	stream.indirect_vreg.scatter [tilespmem:s28], [sflag:$0x5], $0x80, v4, vm0, $0xb8;
	[tilespmem:$0x1B800] =	vst v63  }
0x1d9: {  	_ = 	snop  }
0x1da: {  	[hbm4b:s8+s2] =	stream.indirect_vreg.scatter [tilespmem:s31], [sflag:$0x5], $0x80, v4, vm1, $0xb8;
	[tilespmem:$0x1B800] =	vst v63  }
0x1db: {  	s29 =	simm.s32 $0xBC00  }
0x1dc: {  	[hbm4b:s4+s2] =	stream.indirect_vreg.scatter [tilespmem:s29], [sflag:$0x5], $0x80, v3, vm0, $0xb8;
	[tilespmem:$0x1B800] =	vst v63  }
0x1dd: {  	s15 =	simm.s32 $0xC400  }
0x1de: {  	[hbm4b:s5+s2] =	stream.indirect_vreg.scatter [tilespmem:s15], [sflag:$0x5], $0x80, v3, vm0, $0xb8;
	[tilespmem:$0x1B800] =	vst v63  }
0x1df: {  	s31 =	simm.s32 $0xCC00  }
0x1e0: {  	[hbm4b:s6+s2] =	stream.indirect_vreg.scatter [tilespmem:s31], [sflag:$0x5], $0x80, v3, vm0, $0xb8;
	[tilespmem:$0x1B800] =	vst v63  }
0x1e1: {  	s29 =	simm.s32 $0xD400  }
0x1e2: {  	[hbm4b:s7+s2] =	stream.indirect_vreg.scatter [tilespmem:s29], [sflag:$0x5], $0x80, v3, vm0, $0xb8;
	[tilespmem:$0x1B800] =	vst v63  }
0x1e3: {  	s24 =	simm.s32 $0xDC00  }
0x1e4: {  	[hbm4b:s8+s2] =	stream.indirect_vreg.scatter [tilespmem:s24], [sflag:$0x5], $0x80, v3, vm1, $0xb8;
	[tilespmem:$0x1B800] =	vst v63  }
0x1e5: {  	v3 =	vld [tilespmem:$0x390];
	_ =	sdelay $0x4  }
0x1e6: {  	v47 =	vshrl.u32 v3, $0x3  }
0x1e7: {  	v4 =	vmul.u32 $0x48, v47  }
0x1e8: {  	v3 =	vand.u32 $0x7, v3  }
0x1e9: {  	v3 =	vor.u32 v3, v4  }
0x1ea: {  	v4 =	vperm.xlane v3, v0;
	_ =	sdelay $0x1  }
0x1eb: {  	v4 =	vadd.s32 v1, v4;
	_ =	sdelay $0x3  }
0x1ec: {  	s30 =	simm.s32 $0xE000  }
0x1ed: {  	[hbm4b:s4+s2] =	stream.indirect_vreg.scatter [tilespmem:s30], [sflag:$0x5], $0x80, v4, vm0, $0xb8;
	[tilespmem:$0x1B800] =	vst v63  }
0x1ee: {  	s25 =	simm.s32 $0xE800  }
0x1ef: {  	[hbm4b:s5+s2] =	stream.indirect_vreg.scatter [tilespmem:s25], [sflag:$0x5], $0x80, v4, vm0, $0xb8;
	[tilespmem:$0x1B800] =	vst v63  }
0x1f0: {  	s26 =	simm.s32 $0xF000;
	v3 =	vperm.xlane v3, v2  }
0x1f1: {  	[hbm4b:s6+s2] =	stream.indirect_vreg.scatter [tilespmem:s26], [sflag:$0x5], $0x80, v4, vm0, $0xb8;
	[tilespmem:$0x1B800] =	vst v63  }
0x1f2: {  	v3 =	vadd.s32 v1, v3;
	s30 =	simm.s32 $0xF800  }
0x1f3: {  	[hbm4b:s7+s2] =	stream.indirect_vreg.scatter [tilespmem:s30], [sflag:$0x5], $0x80, v4, vm0, $0xb8;
	[tilespmem:$0x1B800] =	vst v63  }
0x1f4: {  	s9 =	simm.s32 $0x10000  }
0x1f5: {  	[hbm4b:s8+s2] =	stream.indirect_vreg.scatter [tilespmem:s9], [sflag:$0x5], $0x80, v4, vm1, $0xb8;
	[tilespmem:$0x1B800] =	vst v63  }
0x1f6: {  	s18 =	simm.s32 $0x10400  }
0x1f7: {  	[hbm4b:s4+s2] =	stream.indirect_vreg.scatter [tilespmem:s18], [sflag:$0x5], $0x80, v3, vm0, $0xb8;
	[tilespmem:$0x1B800] =	vst v63  }
0x1f8: {  	s21 =	simm.s32 $0x10C00  }
0x1f9: {  	[hbm4b:s5+s2] =	stream.indirect_vreg.scatter [tilespmem:s21], [sflag:$0x5], $0x80, v3, vm0, $0xb8;
	[tilespmem:$0x1B800] =	vst v63  }
0x1fa: {  	s28 =	simm.s32 $0x11400  }
0x1fb: {  	[hbm4b:s6+s2] =	stream.indirect_vreg.scatter [tilespmem:s28], [sflag:$0x5], $0x80, v3, vm0, $0xb8;
	[tilespmem:$0x1B800] =	vst v63  }
0x1fc: {  	s21 =	simm.s32 $0x11C00  }
0x1fd: {  	[hbm4b:s7+s2] =	stream.indirect_vreg.scatter [tilespmem:s21], [sflag:$0x5], $0x80, v3, vm0, $0xb8;
	[tilespmem:$0x1B800] =	vst v63  }
0x1fe: {  	s28 =	simm.s32 $0x12400  }
0x1ff: {  	[hbm4b:s8+s2] =	stream.indirect_vreg.scatter [tilespmem:s28], [sflag:$0x5], $0x80, v3, vm1, $0xb8;
	[tilespmem:$0x1B800] =	vst v63  }
0x200: {  	_ =	swait.ge [sflag:s14], $0x9000  }
0x201: {  	[sflag:s14] =	ssyncset.done $0x0  }
0x202: {  	s10 =	simm.s32 $0x800;
	s0 =	rddreg [dreg:$0xb];
	[sflag:s14] =	ssyncadd.s32 $0xFFFF7000  }
0x203: {  	[tilespmem:s10], [sflag:$0x1] =	stream.linear.gather [hbm4b:s0+s2], $0x9000, $0x38;
	[tilespmem:$0x1B800] =	vst v63  }
0x204: {  	_ =	swait.ge [sflag:s22], $0x9000  }
0x205: {  	[sflag:s22] =	ssyncset.done $0x0  }
0x206: {  	[sflag:s22] =	ssyncadd.s32 $0xFFFF7000  }
0x207: {  	v3 =	vld [tilespmem:$0x400];
	_ =	sdelay $0x4  }
0x208: {  	v48 =	vshrl.u32 v3, $0x3  }
0x209: {  	v4 =	vmul.u32 $0x48, v48  }
0x20a: {  	v3 =	vand.u32 $0x7, v3  }
0x20b: {  	v3 =	vor.u32 v3, v4  }
0x20c: {  	v4 =	vperm.xlane v3, v0;
	_ =	sdelay $0x1  }
0x20d: {  	v4 =	vadd.s32 v1, v4;
	_ =	sdelay $0x3  }
0x20e: {  	s3 =	simm.s32 $0x12800  }
0x20f: {  	[hbm4b:s4+s2] =	stream.indirect_vreg.scatter [tilespmem:s3], [sflag:$0x6], $0x80, v4, vm0, $0xb8;
	[tilespmem:$0x1B800] =	vst v63  }
0x210: {  	_ = 	snop  }
0x211: {  	[hbm4b:s5+s2] =	stream.indirect_vreg.scatter [tilespmem:s12], [sflag:$0x6], $0x80, v4, vm0, $0xb8;
	[tilespmem:$0x1B800] =	vst v63  }
0x212: {  	s9 =	simm.s32 $0x13800;
	v3 =	vperm.xlane v3, v2  }
0x213: {  	[hbm4b:s6+s2] =	stream.indirect_vreg.scatter [tilespmem:s9], [sflag:$0x6], $0x80, v4, vm0, $0xb8;
	[tilespmem:$0x1B800] =	vst v63  }
0x214: {  	v3 =	vadd.s32 v1, v3;
	s12 =	simm.s32 $0x14000  }
0x215: {  	[hbm4b:s7+s2] =	stream.indirect_vreg.scatter [tilespmem:s12], [sflag:$0x6], $0x80, v4, vm0, $0xb8;
	[tilespmem:$0x1B800] =	vst v63  }
0x216: {  	s18 =	simm.s32 $0x14800  }
0x217: {  	[hbm4b:s8+s2] =	stream.indirect_vreg.scatter [tilespmem:s18], [sflag:$0x6], $0x80, v4, vm1, $0xb8;
	[tilespmem:$0x1B800] =	vst v63  }
0x218: {  	s9 =	simm.s32 $0x14C00  }
0x219: {  	[hbm4b:s4+s2] =	stream.indirect_vreg.scatter [tilespmem:s9], [sflag:$0x6], $0x80, v3, vm0, $0xb8;
	[tilespmem:$0x1B800] =	vst v63  }
0x21a: {  	s12 =	simm.s32 $0x15400  }
0x21b: {  	[hbm4b:s5+s2] =	stream.indirect_vreg.scatter [tilespmem:s12], [sflag:$0x6], $0x80, v3, vm0, $0xb8;
	[tilespmem:$0x1B800] =	vst v63  }
0x21c: {  	s18 =	simm.s32 $0x15C00  }
0x21d: {  	[hbm4b:s6+s2] =	stream.indirect_vreg.scatter [tilespmem:s18], [sflag:$0x6], $0x80, v3, vm0, $0xb8;
	[tilespmem:$0x1B800] =	vst v63  }
0x21e: {  	s9 =	simm.s32 $0x16400  }
0x21f: {  	[hbm4b:s7+s2] =	stream.indirect_vreg.scatter [tilespmem:s9], [sflag:$0x6], $0x80, v3, vm0, $0xb8;
	[tilespmem:$0x1B800] =	vst v63  }
0x220: {  	s12 =	simm.s32 $0x16C00  }
0x221: {  	[hbm4b:s8+s2] =	stream.indirect_vreg.scatter [tilespmem:s12], [sflag:$0x6], $0x80, v3, vm1, $0xb8;
	[tilespmem:$0x1B800] =	vst v63  }
0x222: {  	v3 =	vld [tilespmem:$0x410];
	_ =	sdelay $0x4  }
0x223: {  	v49 =	vshrl.u32 v3, $0x3  }
0x224: {  	v4 =	vmul.u32 $0x48, v49  }
0x225: {  	v3 =	vand.u32 $0x7, v3  }
0x226: {  	v3 =	vor.u32 v3, v4  }
0x227: {  	v4 =	vperm.xlane v3, v0;
	_ =	sdelay $0x1  }
0x228: {  	v4 =	vadd.s32 v1, v4;
	_ =	sdelay $0x3  }
0x229: {  	s18 =	simm.s32 $0x17000  }
0x22a: {  	[hbm4b:s4+s2] =	stream.indirect_vreg.scatter [tilespmem:s18], [sflag:$0x6], $0x80, v4, vm0, $0xb8;
	[tilespmem:$0x1B800] =	vst v63  }
0x22b: {  	s9 =	simm.s32 $0x17800  }
0x22c: {  	[hbm4b:s5+s2] =	stream.indirect_vreg.scatter [tilespmem:s9], [sflag:$0x6], $0x80, v4, vm0, $0xb8;
	[tilespmem:$0x1B800] =	vst v63  }
0x22d: {  	s12 =	simm.s32 $0x18000;
	v3 =	vperm.xlane v3, v2  }
0x22e: {  	[hbm4b:s6+s2] =	stream.indirect_vreg.scatter [tilespmem:s12], [sflag:$0x6], $0x80, v4, vm0, $0xb8;
	[tilespmem:$0x1B800] =	vst v63  }
0x22f: {  	v3 =	vadd.s32 v1, v3;
	s18 =	simm.s32 $0x18800  }
0x230: {  	[hbm4b:s7+s2] =	stream.indirect_vreg.scatter [tilespmem:s18], [sflag:$0x6], $0x80, v4, vm0, $0xb8;
	[tilespmem:$0x1B800] =	vst v63  }
0x231: {  	s9 =	simm.s32 $0x19000  }
0x232: {  	[hbm4b:s8+s2] =	stream.indirect_vreg.scatter [tilespmem:s9], [sflag:$0x6], $0x80, v4, vm1, $0xb8;
	[tilespmem:$0x1B800] =	vst v63  }
0x233: {  	s12 =	simm.s32 $0x19400  }
0x234: {  	[hbm4b:s4+s2] =	stream.indirect_vreg.scatter [tilespmem:s12], [sflag:$0x6], $0x80, v3, vm0, $0xb8;
	[tilespmem:$0x1B800] =	vst v63  }
0x235: {  	s18 =	simm.s32 $0x19C00  }
0x236: {  	[hbm4b:s5+s2] =	stream.indirect_vreg.scatter [tilespmem:s18], [sflag:$0x6], $0x80, v3, vm0, $0xb8;
	[tilespmem:$0x1B800] =	vst v63  }
0x237: {  	s9 =	simm.s32 $0x1A400  }
0x238: {  	[hbm4b:s6+s2] =	stream.indirect_vreg.scatter [tilespmem:s9], [sflag:$0x6], $0x80, v3, vm0, $0xb8;
	[tilespmem:$0x1B800] =	vst v63  }
0x239: {  	s12 =	simm.s32 $0x1AC00  }
0x23a: {  	[hbm4b:s7+s2] =	stream.indirect_vreg.scatter [tilespmem:s12], [sflag:$0x6], $0x80, v3, vm0, $0xb8;
	[tilespmem:$0x1B800] =	vst v63  }
0x23b: {  	s18 =	simm.s32 $0x1B400  }
0x23c: {  	[hbm4b:s8+s2] =	stream.indirect_vreg.scatter [tilespmem:s18], [sflag:$0x6], $0x80, v3, vm1, $0xb8;
	[tilespmem:$0x1B800] =	vst v63  }
0x23d: {  	_ =	swait.ge [sflag:s16], $0x9000  }
0x23e: {  	[sflag:s16] =	ssyncset.done $0x0  }
0x23f: {  	s3 =	simm.s32 $0x9800;
	s9 =	rddreg [dreg:$0xc];
	[sflag:s16] =	ssyncadd.s32 $0xFFFF7000  }
0x240: {  	[tilespmem:s3], [sflag:$0x2] =	stream.linear.gather [hbm4b:s9+s2], $0x9000, $0x38;
	[tilespmem:$0x1B800] =	vst v63  }
0x241: {  	_ =	swait.ge [sflag:s13], $0x9000  }
0x242: {  	[sflag:s13] =	ssyncset.done $0x0  }
0x243: {  	[sflag:s13] =	ssyncadd.s32 $0xFFFF7000  }
0x244: {  	v3 =	vld [tilespmem:$0x480];
	_ =	sdelay $0x4  }
0x245: {  	v50 =	vshrl.u32 v3, $0x3  }
0x246: {  	v4 =	vmul.u32 $0x48, v50  }
0x247: {  	v3 =	vand.u32 $0x7, v3  }
0x248: {  	v3 =	vor.u32 v3, v4  }
0x249: {  	v4 =	vperm.xlane v3, v0;
	_ =	sdelay $0x1  }
0x24a: {  	v4 =	vadd.s32 v1, v4;
	_ =	sdelay $0x4  }
0x24b: {  	[hbm4b:s4+s2] =	stream.indirect_vreg.scatter [tilespmem:s10], [sflag:$0x4], $0x80, v4, vm0, $0xb8;
	[tilespmem:$0x1B800] =	vst v63  }
0x24c: {  	s10 =	simm.s32 $0x1000  }
0x24d: {  	[hbm4b:s5+s2] =	stream.indirect_vreg.scatter [tilespmem:s10], [sflag:$0x4], $0x80, v4, vm0, $0xb8;
	[tilespmem:$0x1B800] =	vst v63  }
0x24e: {  	s12 =	simm.s32 $0x1800;
	v3 =	vperm.xlane v3, v2  }
0x24f: {  	[hbm4b:s6+s2] =	stream.indirect_vreg.scatter [tilespmem:s12], [sflag:$0x4], $0x80, v4, vm0, $0xb8;
	[tilespmem:$0x1B800] =	vst v63  }
0x250: {  	s18 =	simm.s32 $0x2000;
	v3 =	vadd.s32 v1, v3  }
0x251: {  	[hbm4b:s7+s2] =	stream.indirect_vreg.scatter [tilespmem:s18], [sflag:$0x4], $0x80, v4, vm0, $0xb8;
	[tilespmem:$0x1B800] =	vst v63  }
0x252: {  	s12 =	simm.s32 $0x2800  }
0x253: {  	[hbm4b:s8+s2] =	stream.indirect_vreg.scatter [tilespmem:s12], [sflag:$0x4], $0x80, v4, vm1, $0xb8;
	[tilespmem:$0x1B800] =	vst v63  }
0x254: {  	s18 =	simm.s32 $0x2C00  }
0x255: {  	[hbm4b:s4+s2] =	stream.indirect_vreg.scatter [tilespmem:s18], [sflag:$0x4], $0x80, v3, vm0, $0xb8;
	[tilespmem:$0x1B800] =	vst v63  }
0x256: {  	s12 =	simm.s32 $0x3400  }
0x257: {  	[hbm4b:s5+s2] =	stream.indirect_vreg.scatter [tilespmem:s12], [sflag:$0x4], $0x80, v3, vm0, $0xb8;
	[tilespmem:$0x1B800] =	vst v63  }
0x258: {  	s12 =	simm.s32 $0x3C00  }
0x259: {  	[hbm4b:s6+s2] =	stream.indirect_vreg.scatter [tilespmem:s12], [sflag:$0x4], $0x80, v3, vm0, $0xb8;
	[tilespmem:$0x1B800] =	vst v63  }
0x25a: {  	s18 =	simm.s32 $0x4400  }
0x25b: {  	[hbm4b:s7+s2] =	stream.indirect_vreg.scatter [tilespmem:s18], [sflag:$0x4], $0x80, v3, vm0, $0xb8;
	[tilespmem:$0x1B800] =	vst v63  }
0x25c: {  	_ = 	snop  }
0x25d: {  	[hbm4b:s8+s2] =	stream.indirect_vreg.scatter [tilespmem:s19], [sflag:$0x4], $0x80, v3, vm1, $0xb8;
	[tilespmem:$0x1B800] =	vst v63  }
0x25e: {  	v3 =	vld [tilespmem:$0x490];
	_ =	sdelay $0x4  }
0x25f: {  	v51 =	vshrl.u32 v3, $0x3  }
0x260: {  	v4 =	vmul.u32 $0x48, v51  }
0x261: {  	v3 =	vand.u32 $0x7, v3  }
0x262: {  	v3 =	vor.u32 v3, v4  }
0x263: {  	v4 =	vperm.xlane v3, v0;
	_ =	sdelay $0x1  }
0x264: {  	v4 =	vadd.s32 v1, v4;
	_ =	sdelay $0x3  }
0x265: {  	s18 =	simm.s32 $0x5000  }
0x266: {  	[hbm4b:s4+s2] =	stream.indirect_vreg.scatter [tilespmem:s18], [sflag:$0x4], $0x80, v4, vm0, $0xb8;
	[tilespmem:$0x1B800] =	vst v63  }
0x267: {  	_ = 	snop  }
0x268: {  	[hbm4b:s5+s2] =	stream.indirect_vreg.scatter [tilespmem:s20], [sflag:$0x4], $0x80, v4, vm0, $0xb8;
	[tilespmem:$0x1B800] =	vst v63  }
0x269: {  	s19 =	simm.s32 $0x6000;
	v3 =	vperm.xlane v3, v2  }
0x26a: {  	[hbm4b:s6+s2] =	stream.indirect_vreg.scatter [tilespmem:s19], [sflag:$0x4], $0x80, v4, vm0, $0xb8;
	[tilespmem:$0x1B800] =	vst v63  }
0x26b: {  	v3 =	vadd.s32 v1, v3;
	s19 =	simm.s32 $0x6800  }
0x26c: {  	[hbm4b:s7+s2] =	stream.indirect_vreg.scatter [tilespmem:s19], [sflag:$0x4], $0x80, v4, vm0, $0xb8;
	[tilespmem:$0x1B800] =	vst v63  }
0x26d: {  	s18 =	simm.s32 $0x7000  }
0x26e: {  	[hbm4b:s8+s2] =	stream.indirect_vreg.scatter [tilespmem:s18], [sflag:$0x4], $0x80, v4, vm1, $0xb8;
	[tilespmem:$0x1B800] =	vst v63  }
0x26f: {  	s18 =	simm.s32 $0x7400  }
0x270: {  	[hbm4b:s4+s2] =	stream.indirect_vreg.scatter [tilespmem:s18], [sflag:$0x4], $0x80, v3, vm0, $0xb8;
	[tilespmem:$0x1B800] =	vst v63  }
0x271: {  	s18 =	simm.s32 $0x7C00  }
0x272: {  	[hbm4b:s5+s2] =	stream.indirect_vreg.scatter [tilespmem:s18], [sflag:$0x4], $0x80, v3, vm0, $0xb8;
	[tilespmem:$0x1B800] =	vst v63  }
0x273: {  	s18 =	simm.s32 $0x8400  }
0x274: {  	[hbm4b:s6+s2] =	stream.indirect_vreg.scatter [tilespmem:s18], [sflag:$0x4], $0x80, v3, vm0, $0xb8;
	[tilespmem:$0x1B800] =	vst v63  }
0x275: {  	s18 =	simm.s32 $0x8C00  }
0x276: {  	[hbm4b:s7+s2] =	stream.indirect_vreg.scatter [tilespmem:s18], [sflag:$0x4], $0x80, v3, vm0, $0xb8;
	[tilespmem:$0x1B800] =	vst v63  }
0x277: {  	_ = 	snop  }
0x278: {  	[hbm4b:s8+s2] =	stream.indirect_vreg.scatter [tilespmem:s11], [sflag:$0x4], $0x80, v3, vm1, $0xb8;
	[tilespmem:$0x1B800] =	vst v63  }
0x279: {  	_ =	swait.ge [sflag:s17], $0x9000  }
0x27a: {  	[sflag:s17] =	ssyncset.done $0x0  }
0x27b: {  	s0 =	simm.s32 $0x12800;
	s11 =	rddreg [dreg:$0xd];
	[sflag:s17] =	ssyncadd.s32 $0xFFFF7000  }
0x27c: {  	[tilespmem:s0], [sflag:$0x3] =	stream.linear.gather [hbm4b:s11+s2], $0x9000, $0x38;
	[tilespmem:$0x1B800] =	vst v63  }
0x27d: {  	_ =	swait.ge [sflag:s1], $0x9000  }
0x27e: {  	[sflag:s1] =	ssyncset.done $0x0  }
0x27f: {  	[sflag:s1] =	ssyncadd.s32 $0xFFFF7000  }
0x280: {  	v3 =	vld [tilespmem:$0x500];
	_ =	sdelay $0x4  }
0x281: {  	v52 =	vshrl.u32 v3, $0x3  }
0x282: {  	v4 =	vmul.u32 $0x48, v52  }
0x283: {  	v3 =	vand.u32 $0x7, v3  }
0x284: {  	v3 =	vor.u32 v3, v4  }
0x285: {  	v4 =	vperm.xlane v3, v0;
	_ =	sdelay $0x1  }
0x286: {  	v4 =	vadd.s32 v1, v4;
	_ =	sdelay $0x4  }
0x287: {  	[hbm4b:s4+s2] =	stream.indirect_vreg.scatter [tilespmem:s3], [sflag:$0x5], $0x80, v4, vm0, $0xb8;
	[tilespmem:$0x1B800] =	vst v63  }
0x288: {  	s3 =	simm.s32 $0xA000  }
0x289: {  	[hbm4b:s5+s2] =	stream.indirect_vreg.scatter [tilespmem:s3], [sflag:$0x5], $0x80, v4, vm0, $0xb8;
	[tilespmem:$0x1B800] =	vst v63  }
0x28a: {  	v3 =	vperm.xlane v3, v2  }
0x28b: {  	[hbm4b:s6+s2] =	stream.indirect_vreg.scatter [tilespmem:s23], [sflag:$0x5], $0x80, v4, vm0, $0xb8;
	[tilespmem:$0x1B800] =	vst v63  }
0x28c: {  	s18 =	simm.s32 $0xB000;
	v3 =	vadd.s32 v1, v3  }
0x28d: {  	[hbm4b:s7+s2] =	stream.indirect_vreg.scatter [tilespmem:s18], [sflag:$0x5], $0x80, v4, vm0, $0xb8;
	[tilespmem:$0x1B800] =	vst v63  }
0x28e: {  	s23 =	simm.s32 $0xB800  }
0x28f: {  	[hbm4b:s8+s2] =	stream.indirect_vreg.scatter [tilespmem:s23], [sflag:$0x5], $0x80, v4, vm1, $0xb8;
	[tilespmem:$0x1B800] =	vst v63  }
0x290: {  	s0 =	simm.s32 $0xBC00  }
0x291: {  	[hbm4b:s4+s2] =	stream.indirect_vreg.scatter [tilespmem:s0], [sflag:$0x5], $0x80, v3, vm0, $0xb8;
	[tilespmem:$0x1B800] =	vst v63  }
0x292: {  	_ = 	snop  }
0x293: {  	[hbm4b:s5+s2] =	stream.indirect_vreg.scatter [tilespmem:s15], [sflag:$0x5], $0x80, v3, vm0, $0xb8;
	[tilespmem:$0x1B800] =	vst v63  }
0x294: {  	_ = 	snop  }
0x295: {  	[hbm4b:s6+s2] =	stream.indirect_vreg.scatter [tilespmem:s31], [sflag:$0x5], $0x80, v3, vm0, $0xb8;
	[tilespmem:$0x1B800] =	vst v63  }
0x296: {  	_ = 	snop  }
0x297: {  	[hbm4b:s7+s2] =	stream.indirect_vreg.scatter [tilespmem:s29], [sflag:$0x5], $0x80, v3, vm0, $0xb8;
	[tilespmem:$0x1B800] =	vst v63  }
0x298: {  	_ = 	snop  }
0x299: {  	[hbm4b:s8+s2] =	stream.indirect_vreg.scatter [tilespmem:s24], [sflag:$0x5], $0x80, v3, vm1, $0xb8;
	[tilespmem:$0x1B800] =	vst v63  }
0x29a: {  	v3 =	vld [tilespmem:$0x510];
	_ =	sdelay $0x4  }
0x29b: {  	v53 =	vshrl.u32 v3, $0x3  }
0x29c: {  	v4 =	vmul.u32 $0x48, v53  }
0x29d: {  	v3 =	vand.u32 $0x7, v3  }
0x29e: {  	v3 =	vor.u32 v3, v4  }
0x29f: {  	v4 =	vperm.xlane v3, v0;
	_ =	sdelay $0x1  }
0x2a0: {  	v4 =	vadd.s32 v1, v4;
	_ =	sdelay $0x3  }
0x2a1: {  	s9 =	simm.s32 $0xE000  }
0x2a2: {  	[hbm4b:s4+s2] =	stream.indirect_vreg.scatter [tilespmem:s9], [sflag:$0x5], $0x80, v4, vm0, $0xb8;
	[tilespmem:$0x1B800] =	vst v63  }
0x2a3: {  	_ = 	snop  }
0x2a4: {  	[hbm4b:s5+s2] =	stream.indirect_vreg.scatter [tilespmem:s25], [sflag:$0x5], $0x80, v4, vm0, $0xb8;
	[tilespmem:$0x1B800] =	vst v63  }
0x2a5: {  	v3 =	vperm.xlane v3, v2  }
0x2a6: {  	[hbm4b:s6+s2] =	stream.indirect_vreg.scatter [tilespmem:s26], [sflag:$0x5], $0x80, v4, vm0, $0xb8;
	[tilespmem:$0x1B800] =	vst v63  }
0x2a7: {  	v3 =	vadd.s32 v1, v3  }
0x2a8: {  	[hbm4b:s7+s2] =	stream.indirect_vreg.scatter [tilespmem:s30], [sflag:$0x5], $0x80, v4, vm0, $0xb8;
	[tilespmem:$0x1B800] =	vst v63  }
0x2a9: {  	s15 =	simm.s32 $0x10000  }
0x2aa: {  	[hbm4b:s8+s2] =	stream.indirect_vreg.scatter [tilespmem:s15], [sflag:$0x5], $0x80, v4, vm1, $0xb8;
	[tilespmem:$0x1B800] =	vst v63  }
0x2ab: {  	s18 =	simm.s32 $0x10400  }
0x2ac: {  	[hbm4b:s4+s2] =	stream.indirect_vreg.scatter [tilespmem:s18], [sflag:$0x5], $0x80, v3, vm0, $0xb8;
	[tilespmem:$0x1B800] =	vst v63  }
0x2ad: {  	s23 =	simm.s32 $0x10C00  }
0x2ae: {  	[hbm4b:s5+s2] =	stream.indirect_vreg.scatter [tilespmem:s23], [sflag:$0x5], $0x80, v3, vm0, $0xb8;
	[tilespmem:$0x1B800] =	vst v63  }
0x2af: {  	s24 =	simm.s32 $0x11400  }
0x2b0: {  	[hbm4b:s6+s2] =	stream.indirect_vreg.scatter [tilespmem:s24], [sflag:$0x5], $0x80, v3, vm0, $0xb8;
	[tilespmem:$0x1B800] =	vst v63  }
0x2b1: {  	_ = 	snop  }
0x2b2: {  	[hbm4b:s7+s2] =	stream.indirect_vreg.scatter [tilespmem:s21], [sflag:$0x5], $0x80, v3, vm0, $0xb8;
	[tilespmem:$0x1B800] =	vst v63  }
0x2b3: {  	_ = 	snop  }
0x2b4: {  	[hbm4b:s8+s2] =	stream.indirect_vreg.scatter [tilespmem:s28], [sflag:$0x5], $0x80, v3, vm1, $0xb8;
	[tilespmem:$0x1B800] =	vst v63  }
0x2b5: {  	_ =	swait.ge [sflag:s14], $0x9000  }
0x2b6: {  	[sflag:s14] =	ssyncset.done $0x0  }
0x2b7: {  	s0 =	simm.s32 $0x800;
	s25 =	rddreg [dreg:$0xe];
	[sflag:s14] =	ssyncadd.s32 $0xFFFF7000  }
0x2b8: {  	[tilespmem:s0], [sflag:$0x1] =	stream.linear.gather [hbm4b:s25+s2], $0x9000, $0x38;
	[tilespmem:$0x1B800] =	vst v63  }
0x2b9: {  	_ =	swait.ge [sflag:s22], $0x9000  }
0x2ba: {  	[sflag:s22] =	ssyncset.done $0x0  }
0x2bb: {  	[sflag:s22] =	ssyncadd.s32 $0xFFFF7000  }
0x2bc: {  	v3 =	vld [tilespmem:$0x580];
	_ =	sdelay $0x4  }
0x2bd: {  	v54 =	vshrl.u32 v3, $0x3  }
0x2be: {  	v4 =	vmul.u32 $0x48, v54  }
0x2bf: {  	v3 =	vand.u32 $0x7, v3  }
0x2c0: {  	v3 =	vor.u32 v3, v4  }
0x2c1: {  	v4 =	vperm.xlane v3, v0;
	_ =	sdelay $0x1  }
0x2c2: {  	v4 =	vadd.s32 v1, v4;
	_ =	sdelay $0x3  }
0x2c3: {  	s15 =	simm.s32 $0x12800  }
0x2c4: {  	[hbm4b:s4+s2] =	stream.indirect_vreg.scatter [tilespmem:s15], [sflag:$0x6], $0x80, v4, vm0, $0xb8;
	[tilespmem:$0x1B800] =	vst v63  }
0x2c5: {  	s26 =	simm.s32 $0x13000  }
0x2c6: {  	[hbm4b:s5+s2] =	stream.indirect_vreg.scatter [tilespmem:s26], [sflag:$0x6], $0x80, v4, vm0, $0xb8;
	[tilespmem:$0x1B800] =	vst v63  }
0x2c7: {  	s28 =	simm.s32 $0x13800;
	v3 =	vperm.xlane v3, v2  }
0x2c8: {  	[hbm4b:s6+s2] =	stream.indirect_vreg.scatter [tilespmem:s28], [sflag:$0x6], $0x80, v4, vm0, $0xb8;
	[tilespmem:$0x1B800] =	vst v63  }
0x2c9: {  	s29 =	simm.s32 $0x14000;
	v3 =	vadd.s32 v1, v3  }
0x2ca: {  	[hbm4b:s7+s2] =	stream.indirect_vreg.scatter [tilespmem:s29], [sflag:$0x6], $0x80, v4, vm0, $0xb8;
	[tilespmem:$0x1B800] =	vst v63  }
0x2cb: {  	s30 =	simm.s32 $0x14800  }
0x2cc: {  	[hbm4b:s8+s2] =	stream.indirect_vreg.scatter [tilespmem:s30], [sflag:$0x6], $0x80, v4, vm1, $0xb8;
	[tilespmem:$0x1B800] =	vst v63  }
0x2cd: {  	s31 =	simm.s32 $0x14C00  }
0x2ce: {  	[hbm4b:s4+s2] =	stream.indirect_vreg.scatter [tilespmem:s31], [sflag:$0x6], $0x80, v3, vm0, $0xb8;
	[tilespmem:$0x1B800] =	vst v63  }
0x2cf: {  	s9 =	simm.s32 $0x15400  }
0x2d0: {  	[hbm4b:s5+s2] =	stream.indirect_vreg.scatter [tilespmem:s9], [sflag:$0x6], $0x80, v3, vm0, $0xb8;
	[tilespmem:$0x1B800] =	vst v63  }
0x2d1: {  	s18 =	simm.s32 $0x15C00  }
0x2d2: {  	[hbm4b:s6+s2] =	stream.indirect_vreg.scatter [tilespmem:s18], [sflag:$0x6], $0x80, v3, vm0, $0xb8;
	[tilespmem:$0x1B800] =	vst v63  }
0x2d3: {  	s21 =	simm.s32 $0x16400  }
0x2d4: {  	[hbm4b:s7+s2] =	stream.indirect_vreg.scatter [tilespmem:s21], [sflag:$0x6], $0x80, v3, vm0, $0xb8;
	[tilespmem:$0x1B800] =	vst v63  }
0x2d5: {  	s23 =	simm.s32 $0x16C00  }
0x2d6: {  	[hbm4b:s8+s2] =	stream.indirect_vreg.scatter [tilespmem:s23], [sflag:$0x6], $0x80, v3, vm1, $0xb8;
	[tilespmem:$0x1B800] =	vst v63  }
0x2d7: {  	v3 =	vld [tilespmem:$0x590];
	_ =	sdelay $0x4  }
0x2d8: {  	v55 =	vshrl.u32 v3, $0x3  }
0x2d9: {  	v4 =	vmul.u32 $0x48, v55  }
0x2da: {  	v3 =	vand.u32 $0x7, v3  }
0x2db: {  	v3 =	vor.u32 v3, v4  }
0x2dc: {  	v4 =	vperm.xlane v3, v0;
	_ =	sdelay $0x1  }
0x2dd: {  	v4 =	vadd.s32 v1, v4;
	_ =	sdelay $0x3  }
0x2de: {  	s24 =	simm.s32 $0x17000  }
0x2df: {  	[hbm4b:s4+s2] =	stream.indirect_vreg.scatter [tilespmem:s24], [sflag:$0x6], $0x80, v4, vm0, $0xb8;
	[tilespmem:$0x1B800] =	vst v63  }
0x2e0: {  	s25 =	simm.s32 $0x17800  }
0x2e1: {  	[hbm4b:s5+s2] =	stream.indirect_vreg.scatter [tilespmem:s25], [sflag:$0x6], $0x80, v4, vm0, $0xb8;
	[tilespmem:$0x1B800] =	vst v63  }
0x2e2: {  	s26 =	simm.s32 $0x18000;
	v3 =	vperm.xlane v3, v2  }
0x2e3: {  	[hbm4b:s6+s2] =	stream.indirect_vreg.scatter [tilespmem:s26], [sflag:$0x6], $0x80, v4, vm0, $0xb8;
	[tilespmem:$0x1B800] =	vst v63  }
0x2e4: {  	s28 =	simm.s32 $0x18800;
	v3 =	vadd.s32 v1, v3  }
0x2e5: {  	[hbm4b:s7+s2] =	stream.indirect_vreg.scatter [tilespmem:s28], [sflag:$0x6], $0x80, v4, vm0, $0xb8;
	[tilespmem:$0x1B800] =	vst v63  }
0x2e6: {  	s29 =	simm.s32 $0x19000  }
0x2e7: {  	[hbm4b:s8+s2] =	stream.indirect_vreg.scatter [tilespmem:s29], [sflag:$0x6], $0x80, v4, vm1, $0xb8;
	[tilespmem:$0x1B800] =	vst v63  }
0x2e8: {  	s30 =	simm.s32 $0x19400  }
0x2e9: {  	[hbm4b:s4+s2] =	stream.indirect_vreg.scatter [tilespmem:s30], [sflag:$0x6], $0x80, v3, vm0, $0xb8;
	[tilespmem:$0x1B800] =	vst v63  }
0x2ea: {  	s31 =	simm.s32 $0x19C00  }
0x2eb: {  	[hbm4b:s5+s2] =	stream.indirect_vreg.scatter [tilespmem:s31], [sflag:$0x6], $0x80, v3, vm0, $0xb8;
	[tilespmem:$0x1B800] =	vst v63  }
0x2ec: {  	s9 =	simm.s32 $0x1A400  }
0x2ed: {  	[hbm4b:s6+s2] =	stream.indirect_vreg.scatter [tilespmem:s9], [sflag:$0x6], $0x80, v3, vm0, $0xb8;
	[tilespmem:$0x1B800] =	vst v63  }
0x2ee: {  	s18 =	simm.s32 $0x1AC00  }
0x2ef: {  	[hbm4b:s7+s2] =	stream.indirect_vreg.scatter [tilespmem:s18], [sflag:$0x6], $0x80, v3, vm0, $0xb8;
	[tilespmem:$0x1B800] =	vst v63  }
0x2f0: {  	s21 =	simm.s32 $0x1B400  }
0x2f1: {  	[hbm4b:s8+s2] =	stream.indirect_vreg.scatter [tilespmem:s21], [sflag:$0x6], $0x80, v3, vm1, $0xb8;
	[tilespmem:$0x1B800] =	vst v63  }
0x2f2: {  	_ =	swait.ge [sflag:s16], $0x9000  }
0x2f3: {  	[sflag:s16] =	ssyncset.done $0x0  }
0x2f4: {  	s11 =	simm.s32 $0x9800;
	s23 =	rddreg [dreg:$0xf];
	[sflag:s16] =	ssyncadd.s32 $0xFFFF7000  }
0x2f5: {  	[tilespmem:s11], [sflag:$0x2] =	stream.linear.gather [hbm4b:s23+s2], $0x9000, $0x38;
	[tilespmem:$0x1B800] =	vst v63  }
0x2f6: {  	_ =	swait.ge [sflag:s13], $0x9000  }
0x2f7: {  	[sflag:s13] =	ssyncset.done $0x0  }
0x2f8: {  	[sflag:s13] =	ssyncadd.s32 $0xFFFF7000  }
0x2f9: {  	v3 =	vld [tilespmem:$0x600];
	_ =	sdelay $0x4  }
0x2fa: {  	v56 =	vshrl.u32 v3, $0x3  }
0x2fb: {  	v4 =	vmul.u32 $0x48, v56  }
0x2fc: {  	v3 =	vand.u32 $0x7, v3  }
0x2fd: {  	v3 =	vor.u32 v3, v4  }
0x2fe: {  	v4 =	vperm.xlane v3, v0;
	_ =	sdelay $0x1  }
0x2ff: {  	v4 =	vadd.s32 v1, v4;
	_ =	sdelay $0x4  }
0x300: {  	[hbm4b:s4+s2] =	stream.indirect_vreg.scatter [tilespmem:s0], [sflag:$0x4], $0x80, v4, vm0, $0xb8;
	[tilespmem:$0x1B800] =	vst v63  }
0x301: {  	s10 =	simm.s32 $0x1000  }
0x302: {  	[hbm4b:s5+s2] =	stream.indirect_vreg.scatter [tilespmem:s10], [sflag:$0x4], $0x80, v4, vm0, $0xb8;
	[tilespmem:$0x1B800] =	vst v63  }
0x303: {  	s24 =	simm.s32 $0x1800;
	v3 =	vperm.xlane v3, v2  }
0x304: {  	[hbm4b:s6+s2] =	stream.indirect_vreg.scatter [tilespmem:s24], [sflag:$0x4], $0x80, v4, vm0, $0xb8;
	[tilespmem:$0x1B800] =	vst v63  }
0x305: {  	s30 =	simm.s32 $0x2000;
	v3 =	vadd.s32 v1, v3  }
0x306: {  	[hbm4b:s7+s2] =	stream.indirect_vreg.scatter [tilespmem:s30], [sflag:$0x4], $0x80, v4, vm0, $0xb8;
	[tilespmem:$0x1B800] =	vst v63  }
0x307: {  	s31 =	simm.s32 $0x2800  }
0x308: {  	[hbm4b:s8+s2] =	stream.indirect_vreg.scatter [tilespmem:s31], [sflag:$0x4], $0x80, v4, vm1, $0xb8;
	[tilespmem:$0x1B800] =	vst v63  }
0x309: {  	s3 =	simm.s32 $0x2C00  }
0x30a: {  	[hbm4b:s4+s2] =	stream.indirect_vreg.scatter [tilespmem:s3], [sflag:$0x4], $0x80, v3, vm0, $0xb8;
	[tilespmem:$0x1B800] =	vst v63  }
0x30b: {  	s9 =	simm.s32 $0x3400  }
0x30c: {  	[hbm4b:s5+s2] =	stream.indirect_vreg.scatter [tilespmem:s9], [sflag:$0x4], $0x80, v3, vm0, $0xb8;
	[tilespmem:$0x1B800] =	vst v63  }
0x30d: {  	_ = 	snop  }
0x30e: {  	[hbm4b:s6+s2] =	stream.indirect_vreg.scatter [tilespmem:s12], [sflag:$0x4], $0x80, v3, vm0, $0xb8;
	[tilespmem:$0x1B800] =	vst v63  }
0x30f: {  	s25 =	simm.s32 $0x4400  }
0x310: {  	[hbm4b:s7+s2] =	stream.indirect_vreg.scatter [tilespmem:s25], [sflag:$0x4], $0x80, v3, vm0, $0xb8;
	[tilespmem:$0x1B800] =	vst v63  }
0x311: {  	s21 =	simm.s32 $0x4C00  }
0x312: {  	[hbm4b:s8+s2] =	stream.indirect_vreg.scatter [tilespmem:s21], [sflag:$0x4], $0x80, v3, vm1, $0xb8;
	[tilespmem:$0x1B800] =	vst v63  }
0x313: {  	v3 =	vld [tilespmem:$0x610];
	_ =	sdelay $0x4  }
0x314: {  	v57 =	vshrl.u32 v3, $0x3  }
0x315: {  	v4 =	vmul.u32 $0x48, v57  }
0x316: {  	v3 =	vand.u32 $0x7, v3  }
0x317: {  	v3 =	vor.u32 v3, v4  }
0x318: {  	v4 =	vperm.xlane v3, v0;
	_ =	sdelay $0x1  }
0x319: {  	v4 =	vadd.s32 v1, v4;
	_ =	sdelay $0x3  }
0x31a: {  	s10 =	simm.s32 $0x5000  }
0x31b: {  	[hbm4b:s4+s2] =	stream.indirect_vreg.scatter [tilespmem:s10], [sflag:$0x4], $0x80, v4, vm0, $0xb8;
	[tilespmem:$0x1B800] =	vst v63  }
0x31c: {  	s20 =	simm.s32 $0x5800  }
0x31d: {  	[hbm4b:s5+s2] =	stream.indirect_vreg.scatter [tilespmem:s20], [sflag:$0x4], $0x80, v4, vm0, $0xb8;
	[tilespmem:$0x1B800] =	vst v63  }
0x31e: {  	s26 =	simm.s32 $0x6000;
	v3 =	vperm.xlane v3, v2  }
0x31f: {  	[hbm4b:s6+s2] =	stream.indirect_vreg.scatter [tilespmem:s26], [sflag:$0x4], $0x80, v4, vm0, $0xb8;
	[tilespmem:$0x1B800] =	vst v63  }
0x320: {  	v3 =	vadd.s32 v1, v3  }
0x321: {  	[hbm4b:s7+s2] =	stream.indirect_vreg.scatter [tilespmem:s19], [sflag:$0x4], $0x80, v4, vm0, $0xb8;
	[tilespmem:$0x1B800] =	vst v63  }
0x322: {  	s20 =	simm.s32 $0x7000  }
0x323: {  	[hbm4b:s8+s2] =	stream.indirect_vreg.scatter [tilespmem:s20], [sflag:$0x4], $0x80, v4, vm1, $0xb8;
	[tilespmem:$0x1B800] =	vst v63  }
0x324: {  	s23 =	simm.s32 $0x7400  }
0x325: {  	[hbm4b:s4+s2] =	stream.indirect_vreg.scatter [tilespmem:s23], [sflag:$0x4], $0x80, v3, vm0, $0xb8;
	[tilespmem:$0x1B800] =	vst v63  }
0x326: {  	s24 =	simm.s32 $0x7C00  }
0x327: {  	[hbm4b:s5+s2] =	stream.indirect_vreg.scatter [tilespmem:s24], [sflag:$0x4], $0x80, v3, vm0, $0xb8;
	[tilespmem:$0x1B800] =	vst v63  }
0x328: {  	s23 =	simm.s32 $0x8400  }
0x329: {  	[hbm4b:s6+s2] =	stream.indirect_vreg.scatter [tilespmem:s23], [sflag:$0x4], $0x80, v3, vm0, $0xb8;
	[tilespmem:$0x1B800] =	vst v63  }
0x32a: {  	s24 =	simm.s32 $0x8C00  }
0x32b: {  	[hbm4b:s7+s2] =	stream.indirect_vreg.scatter [tilespmem:s24], [sflag:$0x4], $0x80, v3, vm0, $0xb8;
	[tilespmem:$0x1B800] =	vst v63  }
0x32c: {  	s18 =	simm.s32 $0x9400  }
0x32d: {  	[hbm4b:s8+s2] =	stream.indirect_vreg.scatter [tilespmem:s18], [sflag:$0x4], $0x80, v3, vm1, $0xb8;
	[tilespmem:$0x1B800] =	vst v63  }
0x32e: {  	_ =	swait.ge [sflag:s17], $0x9000  }
0x32f: {  	[sflag:s17] =	ssyncset.done $0x0  }
0x330: {  	s18 =	rddreg [dreg:$0x10];
	[sflag:s17] =	ssyncadd.s32 $0xFFFF7000  }
0x331: {  	[tilespmem:s15], [sflag:$0x3] =	stream.linear.gather [hbm4b:s18+s2], $0x9000, $0x38;
	[tilespmem:$0x1B800] =	vst v63  }
0x332: {  	_ =	swait.ge [sflag:s1], $0x9000  }
0x333: {  	[sflag:s1] =	ssyncset.done $0x0  }
0x334: {  	[sflag:s1] =	ssyncadd.s32 $0xFFFF7000  }
0x335: {  	v3 =	vld [tilespmem:$0x680];
	_ =	sdelay $0x4  }
0x336: {  	v58 =	vshrl.u32 v3, $0x3  }
0x337: {  	v4 =	vmul.u32 $0x48, v58  }
0x338: {  	v3 =	vand.u32 $0x7, v3  }
0x339: {  	v3 =	vor.u32 v3, v4  }
0x33a: {  	v4 =	vperm.xlane v3, v0;
	_ =	sdelay $0x1  }
0x33b: {  	v4 =	vadd.s32 v1, v4;
	_ =	sdelay $0x4  }
0x33c: {  	[hbm4b:s4+s2] =	stream.indirect_vreg.scatter [tilespmem:s11], [sflag:$0x5], $0x80, v4, vm0, $0xb8;
	[tilespmem:$0x1B800] =	vst v63  }
0x33d: {  	s18 =	simm.s32 $0xA000  }
0x33e: {  	[hbm4b:s5+s2] =	stream.indirect_vreg.scatter [tilespmem:s18], [sflag:$0x5], $0x80, v4, vm0, $0xb8;
	[tilespmem:$0x1B800] =	vst v63  }
0x33f: {  	v3 =	vperm.xlane v3, v2;
	s11 =	simm.s32 $0xA800  }
0x340: {  	[hbm4b:s6+s2] =	stream.indirect_vreg.scatter [tilespmem:s11], [sflag:$0x5], $0x80, v4, vm0, $0xb8;
	[tilespmem:$0x1B800] =	vst v63  }
0x341: {  	v3 =	vadd.s32 v1, v3;
	s18 =	simm.s32 $0xB000  }
0x342: {  	[hbm4b:s7+s2] =	stream.indirect_vreg.scatter [tilespmem:s18], [sflag:$0x5], $0x80, v4, vm0, $0xb8;
	[tilespmem:$0x1B800] =	vst v63  }
0x343: {  	s11 =	simm.s32 $0xB800  }
0x344: {  	[hbm4b:s8+s2] =	stream.indirect_vreg.scatter [tilespmem:s11], [sflag:$0x5], $0x80, v4, vm1, $0xb8;
	[tilespmem:$0x1B800] =	vst v63  }
0x345: {  	s18 =	simm.s32 $0xBC00  }
0x346: {  	[hbm4b:s4+s2] =	stream.indirect_vreg.scatter [tilespmem:s18], [sflag:$0x5], $0x80, v3, vm0, $0xb8;
	[tilespmem:$0x1B800] =	vst v63  }
0x347: {  	s11 =	simm.s32 $0xC400  }
0x348: {  	[hbm4b:s5+s2] =	stream.indirect_vreg.scatter [tilespmem:s11], [sflag:$0x5], $0x80, v3, vm0, $0xb8;
	[tilespmem:$0x1B800] =	vst v63  }
0x349: {  	s18 =	simm.s32 $0xCC00  }
0x34a: {  	[hbm4b:s6+s2] =	stream.indirect_vreg.scatter [tilespmem:s18], [sflag:$0x5], $0x80, v3, vm0, $0xb8;
	[tilespmem:$0x1B800] =	vst v63  }
0x34b: {  	s11 =	simm.s32 $0xD400  }
0x34c: {  	[hbm4b:s7+s2] =	stream.indirect_vreg.scatter [tilespmem:s11], [sflag:$0x5], $0x80, v3, vm0, $0xb8;
	[tilespmem:$0x1B800] =	vst v63  }
0x34d: {  	s18 =	simm.s32 $0xDC00  }
0x34e: {  	[hbm4b:s8+s2] =	stream.indirect_vreg.scatter [tilespmem:s18], [sflag:$0x5], $0x80, v3, vm1, $0xb8;
	[tilespmem:$0x1B800] =	vst v63  }
0x34f: {  	v3 =	vld [tilespmem:$0x690];
	_ =	sdelay $0x4  }
0x350: {  	v59 =	vshrl.u32 v3, $0x3  }
0x351: {  	v4 =	vmul.u32 $0x48, v59  }
0x352: {  	v3 =	vand.u32 $0x7, v3  }
0x353: {  	v3 =	vor.u32 v3, v4  }
0x354: {  	v4 =	vperm.xlane v3, v0;
	_ =	sdelay $0x1  }
0x355: {  	v4 =	vadd.s32 v1, v4;
	_ =	sdelay $0x3  }
0x356: {  	s11 =	simm.s32 $0xE000  }
0x357: {  	[hbm4b:s4+s2] =	stream.indirect_vreg.scatter [tilespmem:s11], [sflag:$0x5], $0x80, v4, vm0, $0xb8;
	[tilespmem:$0x1B800] =	vst v63  }
0x358: {  	s18 =	simm.s32 $0xE800  }
0x359: {  	[hbm4b:s5+s2] =	stream.indirect_vreg.scatter [tilespmem:s18], [sflag:$0x5], $0x80, v4, vm0, $0xb8;
	[tilespmem:$0x1B800] =	vst v63  }
0x35a: {  	v3 =	vperm.xlane v3, v2;
	s11 =	simm.s32 $0xF000  }
0x35b: {  	[hbm4b:s6+s2] =	stream.indirect_vreg.scatter [tilespmem:s11], [sflag:$0x5], $0x80, v4, vm0, $0xb8;
	[tilespmem:$0x1B800] =	vst v63  }
0x35c: {  	v3 =	vadd.s32 v1, v3;
	s18 =	simm.s32 $0xF800  }
0x35d: {  	[hbm4b:s7+s2] =	stream.indirect_vreg.scatter [tilespmem:s18], [sflag:$0x5], $0x80, v4, vm0, $0xb8;
	[tilespmem:$0x1B800] =	vst v63  }
0x35e: {  	s11 =	simm.s32 $0x10000  }
0x35f: {  	[hbm4b:s8+s2] =	stream.indirect_vreg.scatter [tilespmem:s11], [sflag:$0x5], $0x80, v4, vm1, $0xb8;
	[tilespmem:$0x1B800] =	vst v63  }
0x360: {  	s18 =	simm.s32 $0x10400  }
0x361: {  	[hbm4b:s4+s2] =	stream.indirect_vreg.scatter [tilespmem:s18], [sflag:$0x5], $0x80, v3, vm0, $0xb8;
	[tilespmem:$0x1B800] =	vst v63  }
0x362: {  	s11 =	simm.s32 $0x10C00  }
0x363: {  	[hbm4b:s5+s2] =	stream.indirect_vreg.scatter [tilespmem:s11], [sflag:$0x5], $0x80, v3, vm0, $0xb8;
	[tilespmem:$0x1B800] =	vst v63  }
0x364: {  	s18 =	simm.s32 $0x11400  }
0x365: {  	[hbm4b:s6+s2] =	stream.indirect_vreg.scatter [tilespmem:s18], [sflag:$0x5], $0x80, v3, vm0, $0xb8;
	[tilespmem:$0x1B800] =	vst v63  }
0x366: {  	s11 =	simm.s32 $0x11C00  }
0x367: {  	[hbm4b:s7+s2] =	stream.indirect_vreg.scatter [tilespmem:s11], [sflag:$0x5], $0x80, v3, vm0, $0xb8;
	[tilespmem:$0x1B800] =	vst v63  }
0x368: {  	s18 =	simm.s32 $0x12400  }
0x369: {  	[hbm4b:s8+s2] =	stream.indirect_vreg.scatter [tilespmem:s18], [sflag:$0x5], $0x80, v3, vm1, $0xb8;
	[tilespmem:$0x1B800] =	vst v63  }
0x36a: {  	_ =	swait.ge [sflag:s14], $0x9000  }
0x36b: {  	[sflag:s14] =	ssyncset.done $0x0  }
0x36c: {  	s0 =	simm.s32 $0x800;
	s11 =	rddreg [dreg:$0x11];
	[sflag:s14] =	ssyncadd.s32 $0xFFFF7000  }
0x36d: {  	[tilespmem:s0], [sflag:$0x1] =	stream.linear.gather [hbm4b:s11+s2], $0x9000, $0x38;
	[tilespmem:$0x1B800] =	vst v63  }
0x36e: {  	_ =	swait.ge [sflag:s22], $0x9000  }
0x36f: {  	[sflag:s22] =	ssyncset.done $0x0  }
0x370: {  	[sflag:s22] =	ssyncadd.s32 $0xFFFF7000  }
0x371: {  	v3 =	vld [tilespmem:$0x700];
	_ =	sdelay $0x4  }
0x372: {  	v60 =	vshrl.u32 v3, $0x3  }
0x373: {  	v4 =	vmul.u32 $0x48, v60  }
0x374: {  	v3 =	vand.u32 $0x7, v3  }
0x375: {  	v3 =	vor.u32 v3, v4  }
0x376: {  	v4 =	vperm.xlane v3, v0;
	_ =	sdelay $0x1  }
0x377: {  	v4 =	vadd.s32 v1, v4;
	_ =	sdelay $0x3  }
0x378: {  	s15 =	simm.s32 $0x12800  }
0x379: {  	[hbm4b:s4+s2] =	stream.indirect_vreg.scatter [tilespmem:s15], [sflag:$0x6], $0x80, v4, vm0, $0xb8;
	[tilespmem:$0x1B800] =	vst v63  }
0x37a: {  	s15 =	simm.s32 $0x13000  }
0x37b: {  	[hbm4b:s5+s2] =	stream.indirect_vreg.scatter [tilespmem:s15], [sflag:$0x6], $0x80, v4, vm0, $0xb8;
	[tilespmem:$0x1B800] =	vst v63  }
0x37c: {  	s18 =	simm.s32 $0x13800;
	v3 =	vperm.xlane v3, v2  }
0x37d: {  	[hbm4b:s6+s2] =	stream.indirect_vreg.scatter [tilespmem:s18], [sflag:$0x6], $0x80, v4, vm0, $0xb8;
	[tilespmem:$0x1B800] =	vst v63  }
0x37e: {  	s11 =	simm.s32 $0x14000;
	v3 =	vadd.s32 v1, v3  }
0x37f: {  	[hbm4b:s7+s2] =	stream.indirect_vreg.scatter [tilespmem:s11], [sflag:$0x6], $0x80, v4, vm0, $0xb8;
	[tilespmem:$0x1B800] =	vst v63  }
0x380: {  	s15 =	simm.s32 $0x14800  }
0x381: {  	[hbm4b:s8+s2] =	stream.indirect_vreg.scatter [tilespmem:s15], [sflag:$0x6], $0x80, v4, vm1, $0xb8;
	[tilespmem:$0x1B800] =	vst v63  }
0x382: {  	s18 =	simm.s32 $0x14C00  }
0x383: {  	[hbm4b:s4+s2] =	stream.indirect_vreg.scatter [tilespmem:s18], [sflag:$0x6], $0x80, v3, vm0, $0xb8;
	[tilespmem:$0x1B800] =	vst v63  }
0x384: {  	s11 =	simm.s32 $0x15400  }
0x385: {  	[hbm4b:s5+s2] =	stream.indirect_vreg.scatter [tilespmem:s11], [sflag:$0x6], $0x80, v3, vm0, $0xb8;
	[tilespmem:$0x1B800] =	vst v63  }
0x386: {  	s15 =	simm.s32 $0x15C00  }
0x387: {  	[hbm4b:s6+s2] =	stream.indirect_vreg.scatter [tilespmem:s15], [sflag:$0x6], $0x80, v3, vm0, $0xb8;
	[tilespmem:$0x1B800] =	vst v63  }
0x388: {  	s18 =	simm.s32 $0x16400  }
0x389: {  	[hbm4b:s7+s2] =	stream.indirect_vreg.scatter [tilespmem:s18], [sflag:$0x6], $0x80, v3, vm0, $0xb8;
	[tilespmem:$0x1B800] =	vst v63  }
0x38a: {  	s11 =	simm.s32 $0x16C00  }
0x38b: {  	[hbm4b:s8+s2] =	stream.indirect_vreg.scatter [tilespmem:s11], [sflag:$0x6], $0x80, v3, vm1, $0xb8;
	[tilespmem:$0x1B800] =	vst v63  }
0x38c: {  	v3 =	vld [tilespmem:$0x710];
	_ =	sdelay $0x4  }
0x38d: {  	v61 =	vshrl.u32 v3, $0x3  }
0x38e: {  	v4 =	vmul.u32 $0x48, v61  }
0x38f: {  	v3 =	vand.u32 $0x7, v3  }
0x390: {  	v3 =	vor.u32 v3, v4  }
0x391: {  	v4 =	vperm.xlane v3, v0;
	_ =	sdelay $0x1  }
0x392: {  	v4 =	vadd.s32 v1, v4;
	_ =	sdelay $0x3  }
0x393: {  	s15 =	simm.s32 $0x17000  }
0x394: {  	[hbm4b:s4+s2] =	stream.indirect_vreg.scatter [tilespmem:s15], [sflag:$0x6], $0x80, v4, vm0, $0xb8;
	[tilespmem:$0x1B800] =	vst v63  }
0x395: {  	s18 =	simm.s32 $0x17800  }
0x396: {  	[hbm4b:s5+s2] =	stream.indirect_vreg.scatter [tilespmem:s18], [sflag:$0x6], $0x80, v4, vm0, $0xb8;
	[tilespmem:$0x1B800] =	vst v63  }
0x397: {  	s11 =	simm.s32 $0x18000;
	v3 =	vperm.xlane v3, v2  }
0x398: {  	[hbm4b:s6+s2] =	stream.indirect_vreg.scatter [tilespmem:s11], [sflag:$0x6], $0x80, v4, vm0, $0xb8;
	[tilespmem:$0x1B800] =	vst v63  }
0x399: {  	v3 =	vadd.s32 v1, v3;
	s15 =	simm.s32 $0x18800  }
0x39a: {  	[hbm4b:s7+s2] =	stream.indirect_vreg.scatter [tilespmem:s15], [sflag:$0x6], $0x80, v4, vm0, $0xb8;
	[tilespmem:$0x1B800] =	vst v63  }
0x39b: {  	s18 =	simm.s32 $0x19000  }
0x39c: {  	[hbm4b:s8+s2] =	stream.indirect_vreg.scatter [tilespmem:s18], [sflag:$0x6], $0x80, v4, vm1, $0xb8;
	[tilespmem:$0x1B800] =	vst v63  }
0x39d: {  	s11 =	simm.s32 $0x19400  }
0x39e: {  	[hbm4b:s4+s2] =	stream.indirect_vreg.scatter [tilespmem:s11], [sflag:$0x6], $0x80, v3, vm0, $0xb8;
	[tilespmem:$0x1B800] =	vst v63  }
0x39f: {  	s15 =	simm.s32 $0x19C00  }
0x3a0: {  	[hbm4b:s5+s2] =	stream.indirect_vreg.scatter [tilespmem:s15], [sflag:$0x6], $0x80, v3, vm0, $0xb8;
	[tilespmem:$0x1B800] =	vst v63  }
0x3a1: {  	s18 =	simm.s32 $0x1A400  }
0x3a2: {  	[hbm4b:s6+s2] =	stream.indirect_vreg.scatter [tilespmem:s18], [sflag:$0x6], $0x80, v3, vm0, $0xb8;
	[tilespmem:$0x1B800] =	vst v63  }
0x3a3: {  	s11 =	simm.s32 $0x1AC00  }
0x3a4: {  	[hbm4b:s7+s2] =	stream.indirect_vreg.scatter [tilespmem:s11], [sflag:$0x6], $0x80, v3, vm0, $0xb8;
	[tilespmem:$0x1B800] =	vst v63  }
0x3a5: {  	s15 =	simm.s32 $0x1B400  }
0x3a6: {  	[hbm4b:s8+s2] =	stream.indirect_vreg.scatter [tilespmem:s15], [sflag:$0x6], $0x80, v3, vm1, $0xb8;
	[tilespmem:$0x1B800] =	vst v63  }
0x3a7: {  	_ =	swait.ge [sflag:s13], $0x9000  }
0x3a8: {  	[sflag:s13] =	ssyncset.done $0x0  }
0x3a9: {  	[sflag:s13] =	ssyncadd.s32 $0xFFFF7000  }
0x3aa: {  	v3 =	vld [tilespmem:$0x780];
	_ =	sdelay $0x4  }
0x3ab: {  	v62 =	vshrl.u32 v3, $0x3  }
0x3ac: {  	v4 =	vmul.u32 $0x48, v62  }
0x3ad: {  	v3 =	vand.u32 $0x7, v3  }
0x3ae: {  	v3 =	vor.u32 v3, v4  }
0x3af: {  	v4 =	vperm.xlane v3, v0;
	_ =	sdelay $0x1  }
0x3b0: {  	v4 =	vadd.s32 v1, v4;
	_ =	sdelay $0x4  }
0x3b1: {  	[hbm4b:s4+s2] =	stream.indirect_vreg.scatter [tilespmem:s0], [sflag:$0x4], $0x80, v4, vm0, $0xb8;
	[tilespmem:$0x1B800] =	vst v63  }
0x3b2: {  	s28 =	simm.s32 $0x1000  }
0x3b3: {  	[hbm4b:s5+s2] =	stream.indirect_vreg.scatter [tilespmem:s28], [sflag:$0x4], $0x80, v4, vm0, $0xb8;
	[tilespmem:$0x1B800] =	vst v63  }
0x3b4: {  	s29 =	simm.s32 $0x1800;
	v3 =	vperm.xlane v3, v2  }
0x3b5: {  	[hbm4b:s6+s2] =	stream.indirect_vreg.scatter [tilespmem:s29], [sflag:$0x4], $0x80, v4, vm0, $0xb8;
	[tilespmem:$0x1B800] =	vst v63  }
0x3b6: {  	v3 =	vadd.s32 v1, v3  }
0x3b7: {  	[hbm4b:s7+s2] =	stream.indirect_vreg.scatter [tilespmem:s30], [sflag:$0x4], $0x80, v4, vm0, $0xb8;
	[tilespmem:$0x1B800] =	vst v63  }
0x3b8: {  	_ = 	snop  }
0x3b9: {  	[hbm4b:s8+s2] =	stream.indirect_vreg.scatter [tilespmem:s31], [sflag:$0x4], $0x80, v4, vm1, $0xb8;
	[tilespmem:$0x1B800] =	vst v63  }
0x3ba: {  	_ = 	snop  }
0x3bb: {  	[hbm4b:s4+s2] =	stream.indirect_vreg.scatter [tilespmem:s3], [sflag:$0x4], $0x80, v3, vm0, $0xb8;
	[tilespmem:$0x1B800] =	vst v63  }
0x3bc: {  	_ = 	snop  }
0x3bd: {  	[hbm4b:s5+s2] =	stream.indirect_vreg.scatter [tilespmem:s9], [sflag:$0x4], $0x80, v3, vm0, $0xb8;
	[tilespmem:$0x1B800] =	vst v63  }
0x3be: {  	s12 =	simm.s32 $0x3C00  }
0x3bf: {  	[hbm4b:s6+s2] =	stream.indirect_vreg.scatter [tilespmem:s12], [sflag:$0x4], $0x80, v3, vm0, $0xb8;
	[tilespmem:$0x1B800] =	vst v63  }
0x3c0: {  	s25 =	simm.s32 $0x4400  }
0x3c1: {  	[hbm4b:s7+s2] =	stream.indirect_vreg.scatter [tilespmem:s25], [sflag:$0x4], $0x80, v3, vm0, $0xb8;
	[tilespmem:$0x1B800] =	vst v63  }
0x3c2: {  	_ = 	snop  }
0x3c3: {  	[hbm4b:s8+s2] =	stream.indirect_vreg.scatter [tilespmem:s21], [sflag:$0x4], $0x80, v3, vm1, $0xb8;
	[tilespmem:$0x1B800] =	vst v63  }
0x3c4: {  	v3 =	vld [tilespmem:$0x790];
	_ =	sdelay $0x4  }
0x3c5: {  	v63 =	vshrl.u32 v3, $0x3  }
0x3c6: {  	v4 =	vmul.u32 $0x48, v63  }
0x3c7: {  	v3 =	vand.u32 $0x7, v3  }
0x3c8: {  	v3 =	vor.u32 v3, v4  }
0x3c9: {  	v4 =	vperm.xlane v3, v0;
	_ =	sdelay $0x1  }
0x3ca: {  	v4 =	vadd.s32 v1, v4;
	_ =	sdelay $0x4  }
0x3cb: {  	[hbm4b:s4+s2] =	stream.indirect_vreg.scatter [tilespmem:s10], [sflag:$0x4], $0x80, v4, vm0, $0xb8;
	[tilespmem:$0x1B800] =	vst v63  }
0x3cc: {  	s28 =	simm.s32 $0x5800  }
0x3cd: {  	[hbm4b:s5+s2] =	stream.indirect_vreg.scatter [tilespmem:s28], [sflag:$0x4], $0x80, v4, vm0, $0xb8;
	[tilespmem:$0x1B800] =	vst v63  }
0x3ce: {  	s29 =	simm.s32 $0x6000;
	v3 =	vperm.xlane v3, v2  }
0x3cf: {  	[hbm4b:s6+s2] =	stream.indirect_vreg.scatter [tilespmem:s29], [sflag:$0x4], $0x80, v4, vm0, $0xb8;
	[tilespmem:$0x1B800] =	vst v63  }
0x3d0: {  	s19 =	simm.s32 $0x6800;
	v3 =	vadd.s32 v1, v3  }
0x3d1: {  	[hbm4b:s7+s2] =	stream.indirect_vreg.scatter [tilespmem:s19], [sflag:$0x4], $0x80, v4, vm0, $0xb8;
	[tilespmem:$0x1B800] =	vst v63  }
0x3d2: {  	s20 =	simm.s32 $0x7000  }
0x3d3: {  	[hbm4b:s8+s2] =	stream.indirect_vreg.scatter [tilespmem:s20], [sflag:$0x4], $0x80, v4, vm1, $0xb8;
	[tilespmem:$0x1B800] =	vst v63  }
0x3d4: {  	s26 =	simm.s32 $0x7400  }
0x3d5: {  	[hbm4b:s4+s2] =	stream.indirect_vreg.scatter [tilespmem:s26], [sflag:$0x4], $0x80, v3, vm0, $0xb8;
	[tilespmem:$0x1B800] =	vst v63  }
0x3d6: {  	s30 =	simm.s32 $0x7C00  }
0x3d7: {  	[hbm4b:s5+s2] =	stream.indirect_vreg.scatter [tilespmem:s30], [sflag:$0x4], $0x80, v3, vm0, $0xb8;
	[tilespmem:$0x1B800] =	vst v63  }
0x3d8: {  	s23 =	simm.s32 $0x8400  }
0x3d9: {  	[hbm4b:s6+s2] =	stream.indirect_vreg.scatter [tilespmem:s23], [sflag:$0x4], $0x80, v3, vm0, $0xb8;
	[tilespmem:$0x1B800] =	vst v63  }
0x3da: {  	s24 =	simm.s32 $0x8C00  }
0x3db: {  	[hbm4b:s7+s2] =	stream.indirect_vreg.scatter [tilespmem:s24], [sflag:$0x4], $0x80, v3, vm0, $0xb8;
	[tilespmem:$0x1B800] =	vst v63  }
0x3dc: {  	s31 =	simm.s32 $0x9400  }
0x3dd: {  	[hbm4b:s8+s2] =	stream.indirect_vreg.scatter [tilespmem:s31], [sflag:$0x4], $0x80, v3, vm1, $0xb8;
	[tilespmem:$0x1B800] =	vst v63  }
0x3de: {  	s18 =	rddreg [dreg:$0x13];
	_ =	swait.ge [sflag:s16], $0x9000  }
0x3df: {  	[sflag:s16] =	ssyncset.done $0x0  }
0x3e0: {  	[sflag:s16] =	ssyncadd.s32 $0xFFFF7000  }
0x3e1: {  	p0 =	sne.s32 s18, $0x1;
	_ =	swait.ge [sflag:s17], $0x9000  }
.Ltmp0:
0x3e2: {  	[sflag:s17] =	ssyncset.done $0x0;
	(pc) =	sbr.rel @p0 .LBB2_1-.Ltmp0, $4  }
0x3e3: {  	[sflag:s17] =	ssyncadd.s32 $0xFFFF7000  }
0x3e4: {  	_ =	swait.ge [sflag:s14], $0x9000  }
0x3e5: {  	[sflag:s14] =	ssyncset.done $0x0  }
0x3e6: {  	s0 =	sadd.s32 $0xFFFFFFFF, s18;
	[sflag:s14] =	ssyncadd.s32 $0xFFFF7000  }
0x3e7: {  	_ =	sfence.sel $0x180000  }
0x3e8: {  	[bflag:$0x0] =	sbarrier.arrive $0xFFFF  }
0x3e9: {  	_ =	strace $0x90000047  }
0x3ea: {  	s0 =	stileid.u32;
	[bflag:$0x2] =	sbarrier.arrive $0xFFFF  }
0x3eb: {  	p0 =	sne.s32 s0, $0x0;
	s0 =	rddreg [dreg:$0x1]  }
0x3ec: {  	s0 =	sadd.s32 @!p0 $0x100000, s0  }
0x3ed: {  	[sflag:s0] =	ssyncadd.tile.s32 @!p0 $0x1;
	_ =	shalt  }
.Lfunc_end2:
_tile_overlayer_lowered:
.L_overlay_start_2:
0x3ee: {  	(tag) =	ssettag $0x2  }
0x3ef: {  	s0 =	rddreg [dreg:$0x0];
	s2 =	stileid.u32  }
0x3f0: {  	s1 =	rddreg [dreg:$0x1];
	p0 =	sne.s32 s2, $0x0  }
0x3f1: {  	s3 =	rddreg [dreg:$0x2];
	[bflag:$0x3] =	sbarrier.arrive $0xFFFF;
	s2 =	simm.s32 @!p0 $0x1C07  }
0x3f2: {  	[timem:s3], [sflag:s2] =	dma.local @!p0 [hbm:s0], s1  }
0x3f3: {  	s0 =	simm.s32 @!p0 $0x7  }
0x3f4: {  	_ =	swait.ge @!p0 [sflag:s0], s1  }
0x3f5: {  	s1 =	ssub.s32 @!p0 $0x0, s1;
	[sflag:s0] =	ssyncset.done @!p0 $0x0  }
0x3f6: {  	[sflag:s0] =	ssyncadd.s32 @!p0 s1  }
0x3f7: {  	[bflag:$0x3] =	sbarrier.arrive $0xFFFF  }
0x3f8: {  	_ =	shalt  }

// kernel: kernel.8.cloned.1.call-start
scs
__scs_entry_jumppad:
0x0: {  	(pc) =	sbr.rel $0x88, $3  }
0x1: {  	(tag) =	ssettag $0x0;
	lr =	simm.s32 $0x1  }
0x2: {  	[smem:$0x3F97] =	sst lr;
	_ =	strace $0xD0000000  }
0x3: {  	_ = 	snop  }
0x4: {  	_ = 	snop  }
0x5: {  	_ = 	snop  }
0x6: {  	_ = 	snop  }
0x7: {  	_ = 	snop  }
__scs_overlays_trampoline_lowered:
0x8: {  	[smem:$0x3FA6] =	sst s0  }
0x9: {  	[smem:$0x3FA7] =	sst s1  }
0xa: {  	[smem:$0x3FA8] =	sst s2  }
0xb: {  	[smem:$0x3FA9] =	sst s3  }
0xc: {  	[smem:$0x3FAA] =	sst s4  }
0xd: {  	[smem:$0x3FAB] =	sst s5  }
0xe: {  	[smem:$0x3FAC] =	sst s6  }
0xf: {  	[smem:$0x3FAD] =	sst s7  }
0x10: {  	[smem:$0x3FAE] =	sst s8  }
0x11: {  	[smem:$0x3FAF] =	sst s9;
	s0 =	simm.s32 @!p0 $0x0  }
0x12: {  	s1 =	sld [smem:$0x3F95];
	s0 =	simm.s32 @p0 $0x1  }
0x13: {  	[smem:$0x3FB0] =	sst s0;
	s0 =	simm.s32 @!p1 $0x0  }
0x14: {  	s2 =	sld [smem:$0x3F94];
	s0 =	simm.s32 @p1 $0x1  }
0x15: {  	[smem:$0x3FB1] =	sst s0;
	s0 =	simm.s32 @!p2 $0x0  }
0x16: {  	s3 =	sld [smem:$0x3FDB];
	s0 =	simm.s32 @p2 $0x1  }
0x17: {  	s4 =	simm.s32 $0x1BF5;
	[smem:$0x3FB3] =	sst s0  }
0x18: {  	s0 =	sld [smem:$0x3F96];
	_ =	swait.ge [sflag:s4], $0x0  }
0x19: {  	s7 =	sld [smem:$0x3F97]  }
0x1a: {  	s8 =	sadd.s32 $0xFFFFE003, lr  }
0x1b: {  	s9 =	sadd.s32 $0xFFFFFEF7, lr;
	s5 =	simm.s32 $0xFFFFFFFF;
	p2 =	slt.u32 s8, $0xFFFFF086  }
0x1c: {  	p1 =	slt.u32 s9, $0xF7A;
	s5 =	simm.s32 @!p2 $0x0  }
0x1d: {  	s5 =	simm.s32 @p1 $0x1;
	p0 =	seq.s32 s7, s2  }
0x1e: {  	s7 =	smul.u32 @!p0 $0xF7A, s2;
	p2 =	seq.s32 @!p0 s5, $0x0  }
0x1f: {  	s9 =	smul.u32 $0xF7A, s1;
	s8 =	simm.s32 @!p0 $0x1BF5;
	p2 =	por !p2, p0  }
0x20: {  	[sflag:s8] =	ssyncset.s32 @!p0 $0xFFFFF086;
	s6 =	sadd.s32 @!p0 s3, s7;
	s7 =	simm.s32 @!p0 $0x108  }
0x21: {  	s3 =	sadd.s32 s3, s9;
	s6 =	sadd.s32 @!p0 $0x88, s6;
	s7 =	simm.s32 @p2 $0x1082  }
0x22: {  	[simem:s7], [sflag:s8] =	dma.local @!p0 [hbm:s6], $0xF7A  }
0x23: {  	s9 =	sor.u32 $0xD0000000, s2;
	s6 =	simm.s32 $0x108;
	_ =	swait.ge @!p0 [sflag:s8], $0x0  }
0x24: {  	s3 =	sadd.s32 $0x88, s3;
	s6 =	simm.s32 @!p1 $0x1082;
	[sflag:s4] =	ssyncset.s32 $0xFFFFF086  }
0x25: {  	[simem:s6], [sflag:s4] =	dma.local [hbm:s3], $0xF7A  }
0x26: {  	[smem:$0x3F97] =	sst s1;
	(tag) =	ssettag s2;
	_ =	strace s9  }
0x27: {  	s1 =	sld [smem:$0x3FA7]  }
0x28: {  	s2 =	sld [smem:$0x3FA8]  }
0x29: {  	s4 =	sld [smem:$0x3FAA]  }
0x2a: {  	p0 =	seq.s32 s5, $0x0;
	s5 =	sld [smem:$0x3FAB]  }
0x2b: {  	s6 =	sld [smem:$0x3FAC]  }
0x2c: {  	s7 =	sld [smem:$0x3FAD]  }
0x2d: {  	s3 =	simm.s32 $0x108;
	s8 =	sld [smem:$0x3FAE]  }
0x2e: {  	s3 =	simm.s32 @!p0 $0x1082;
	s9 =	sld [smem:$0x3FAF]  }
0x2f: {  	lr =	sadd.s32 s0, s3;
	s0 =	sld [smem:$0x3FA6]  }
0x30: {  	s3 =	sld [smem:$0x3FA9]  }
0x31: {  	[smem:$0x3FB2] =	sst s10  }
0x32: {  	s10 =	sld [smem:$0x3FB0];
	_ =	sdelay $0x3  }
0x33: {  	p0 =	seq.s32 s10, $0x1;
	s10 =	sld [smem:$0x3FB2];
	_ =	sdelay $0x3  }
0x34: {  	[smem:$0x3FB2] =	sst s10  }
0x35: {  	s10 =	sld [smem:$0x3FB1];
	_ =	sdelay $0x3  }
0x36: {  	p1 =	seq.s32 s10, $0x1;
	s10 =	sld [smem:$0x3FB2];
	_ =	sdelay $0x3  }
0x37: {  	[smem:$0x3FB2] =	sst s10  }
0x38: {  	s10 =	sld [smem:$0x3FB3]  }
0x39: {  	_ = 	snop;
	(pc) =	sbr.ind lr, $3  }
0x3a: {  	_ = 	snop  }
0x3b: {  	_ = 	snop  }
0x3c: {  	p2 =	seq.s32 s10, $0x1;
	s10 =	sld [smem:$0x3FB2]  }
0x3d: {  	_ =	shalt  }
0x3e: {  	_ =	shalt  }
0x3f: {  	_ =	shalt  }
0x40: {  	_ =	shalt  }
0x41: {  	_ =	shalt  }
0x42: {  	_ =	shalt  }
0x43: {  	_ =	shalt  }
0x44: {  	_ =	shalt  }
0x45: {  	_ =	shalt  }
0x46: {  	_ =	shalt  }
0x47: {  	_ =	shalt  }
0x48: {  	_ =	shalt  }
0x49: {  	_ =	shalt  }
0x4a: {  	_ =	shalt  }
0x4b: {  	_ =	shalt  }
0x4c: {  	_ =	shalt  }
0x4d: {  	_ =	shalt  }
0x4e: {  	_ =	shalt  }
0x4f: {  	_ =	shalt  }
0x50: {  	_ =	shalt  }
0x51: {  	_ =	shalt  }
0x52: {  	_ =	shalt  }
0x53: {  	_ =	shalt  }
0x54: {  	_ =	shalt  }
0x55: {  	_ =	shalt  }
0x56: {  	_ =	shalt  }
0x57: {  	_ =	shalt  }
0x58: {  	_ =	shalt  }
0x59: {  	_ =	shalt  }
0x5a: {  	_ =	shalt  }
0x5b: {  	_ =	shalt  }
0x5c: {  	_ =	shalt  }
0x5d: {  	_ =	shalt  }
0x5e: {  	_ =	shalt  }
0x5f: {  	_ =	shalt  }
0x60: {  	_ =	shalt  }
0x61: {  	_ =	shalt  }
0x62: {  	_ =	shalt  }
0x63: {  	_ =	shalt  }
0x64: {  	_ =	shalt  }
0x65: {  	_ =	shalt  }
0x66: {  	_ =	shalt  }
0x67: {  	_ =	shalt  }
0x68: {  	_ =	shalt  }
0x69: {  	_ =	shalt  }
0x6a: {  	_ =	shalt  }
0x6b: {  	_ =	shalt  }
0x6c: {  	_ =	shalt  }
0x6d: {  	_ =	shalt  }
0x6e: {  	_ =	shalt  }
0x6f: {  	_ =	shalt  }
0x70: {  	_ =	shalt  }
0x71: {  	_ =	shalt  }
0x72: {  	_ =	shalt  }
0x73: {  	_ =	shalt  }
0x74: {  	_ =	shalt  }
0x75: {  	_ =	shalt  }
0x76: {  	_ =	shalt  }
0x77: {  	_ =	shalt  }
0x78: {  	_ =	shalt  }
0x79: {  	_ =	shalt  }
0x7a: {  	_ =	shalt  }
0x7b: {  	_ =	shalt  }
0x7c: {  	_ =	shalt  }
0x7d: {  	_ =	shalt  }
0x7e: {  	_ =	shalt  }
0x7f: {  	_ =	shalt  }
0x80: {  	_ =	shalt  }
0x81: {  	_ =	shalt  }
0x82: {  	_ =	shalt  }
0x83: {  	_ =	shalt  }
0x84: {  	_ =	shalt  }
0x85: {  	_ =	shalt  }
0x86: {  	_ =	shalt  }
0x87: {  	_ =	shalt  }
.Lfunc_end0:
.L_simem_size_0:
called_computation.1_lowered:
.L_overlay_start_0:
0x88: {  	s2 =	sld [smem:$0x3FD9]  }
0x89: {  	s3 =	sld [smem:$0x3FFE];
	_ =	sdelay $0x1  }
0x8a: {  	s1 =	srdreg.scid  }
0x8b: {  	s0 =	sand.u32 $0x1, s1  }
0x8c: {  	s17 =	sshll.u32 s0, $0xA;
	s2 =	sadd.s32 s3, s2  }
0x8d: {  	s2 =	sadd.s32 s2, s17  }
0x8e: {  	[smem:$0x3FBE] =	sst s2  }
0x8f: {  	_ = 	snop  }
0x90: {  	s2 =	sld [smem:$0x3FD0];
	(tm) =	ssettm $0x1  }
0x91: {  	s18 =	sld [smem:$0x3FFB];
	_ =	sdelay $0x3  }
0x92: {  	_ =	strace s18  }
0x93: {  	s3 =	sld [smem:$0x3FFC];
	_ =	sdelay $0x3  }
0x94: {  	_ =	strace s3  }
0x95: {  	s3 =	sld [smem:$0x3FFD];
	_ =	sdelay $0x3  }
0x96: {  	_ =	strace s3  }
0x97: {  	_ =	strace $0x8FFFFFFF  }
0x98: {  	s19 =	sld [smem:$0x3FDB];
	_ =	sdelay $0x1  }
0x99: {  	s4 =	simm.s32 $_scs_section_size  }
0x9a: {  	s5 =	simm.s32 $_size__tile_overlayer_lowered;
	s6 =	simm.s32 $_tile_overlayer_lowered  }
0x9b: {  	s22 =	simm.s32 $0x1BFF;
	s21 =	sshll.u32 s6, $0x1;
	s3 =	sadd.s32 s4, s19  }
0x9c: {  	s7 =	simm.s32 $0x0;
	s20 =	sshll.u32 s5, $0x1;
	s5 =	sadd.s32 s21, s3  }
0x9d: {  	[timem:s7], [sflag:s22] =	dma.local [hbm:s5], s20  }
0x9e: {  	_ =	swait.ge [sflag:s22], s20  }
0x9f: {  	s4 =	ssub.s32 $0x0, s20;
	[sflag:s22] =	ssyncset.done $0x0  }
0xa0: {  	[sflag:s22] =	ssyncadd.s32 s4;
	_ =	sdelay $0x1  }
0xa1: {  	s23 =	simm.s32 $0x1B8B  }
0xa2: {  	_ =	swait.ge [sflag:s23], $0x1  }
0xa3: {  	[sflag:s23] =	ssyncset.done $0x0  }
0xa4: {  	s25 =	simm.s32 $0x1B8E;
	s24 =	sld [smem:$0x3FFE];
	[sflag:s23] =	ssyncadd.s32 $0xFFFFFFFF  }
0xa5: {  	s26 =	simm.s32 $execute0_lowered;
	[smem:$0x3FD2] =	sst s25  }
0xa6: {  	s5 =	sshll.u32 s26, $0x1;
	_ =	strace $0x80000049;
	[dreg:$0x1] =	wrdreg $0xFFFFFFFF  }
0xa7: {  	s28 =	simm.s32 $_size_execute0_lowered;
	s3 =	sadd.s32 s3, s5;
	[dreg:$0x0] =	wrdreg $0x0  }
0xa8: {  	s5 =	sshll.u32 s28, $0x1;
	[dreg:$0x2] =	wrdreg s3  }
0xa9: {  	[dreg:$0x3] =	wrdreg s5  }
0xaa: {  	[dreg:$0x4] =	wrdreg $0xC0  }
0xab: {  	_ =	task [dreg:s7], $0x5FFFF  }
0xac: {  	[dreg:$0x1] =	wrdreg $0xFFFFFFFF  }
0xad: {  	[dreg:$0x0] =	wrdreg $0x60  }
0xae: {  	[dreg:$0x2] =	wrdreg s24  }
0xaf: {  	[dreg:$0x3] =	wrdreg s2  }
0xb0: {  	[dreg:$0x4] =	wrdreg $0x9  }
0xb1: {  	_ =	task.clear_ibuf [dreg:s7], $0x5FFFF;
	_ =	strace $0x90000049  }
0xb2: {  	s29 =	simm.s32 $0x9;
	_ =	strace $0x8000004B  }
0xb3: {  	_ =	swait.ge [sflag:s29], $0x1  }
0xb4: {  	[sflag:s29] =	ssyncadd.s32 $0xFFFFFFFF  }
0xb5: {  	_ =	strace $0x9000004B  }
0xb6: {  	_ =	sfence  }
0xb7: {  	s30 =	sld [smem:$0x0];
	_ =	sdelay $0x2  }
0xb8: {  	s31 =	sshll.u32 s1, $0xD;
	s1 =	sshrl.u32 s1, $0x2  }
0xb9: {  	s3 =	sand.u32 $0x4000, s31;
	s1 =	sadd.s32 s1, s30  }
0xba: {  	s0 =	sor.u32 s3, s0;
	s1 =	sshll.u32 s1, $0x11  }
0xbb: {  	s0 =	sor.u32 s1, s0  }
0xbc: {  	s0 =	sadd.s32 $0x8F2B, s0  }
0xbd: {  	[sflag:s0] =	ssyncadd.remote.s32 $0x1  }
0xbe: {  	_ =	sfence.sel $0xFFFF  }
0xbf: {  	[dreg:$0x0] =	wrdreg $0xFFFFFFFF;
	(pc) =	sbr.abs _section_cstart, $3  }
0xc0: {  	[dreg:$0x1] =	wrdreg $0xFFFFFFFF  }
0xc1: {  	_ =	task.clear_ibuf [dreg:s7], $0x2FFFF;
	_ =	strace $0x9FFFFFFF  }
0xc2: {  	(tm) =	ssettm $0x7FFFFFFF  }
0xc3: {  	_ =	shalt  }
tec
execute0_lowered:
.L_overlay_start_1:
0x0: {  	(tag) =	ssettag $0x1  }
0x1: {  	s0 =	srdreg.scid  }
0x2: {  	s2 =	stileid.u32;
	s0 =	sand.u32 $0x1, s0  }
0x3: {  	s1 =	rddreg [dreg:$0x0];
	s2 =	sshll.u32 s2, $0xA;
	s3 =	sshll.u32 s0, $0x9  }
0x4: {  	s4 =	rddreg [dreg:$0x1];
	s3 =	sor.u32 s3, s2  }
0x5: {  	s2 =	simm.s32 $0x0;
	s5 =	sshrl.u32 s3, $0x3;
	s3 =	sshll.u32 s3, $0x7  }
0x6: {  	[smem:$0x7FF] =	sst s2;
	s5 =	sadd.s32 s5, s1;
	s8 =	sadd.s32 s4, s3  }
0x7: {  	_ =	strace $0x8000004A;
	s5 =	sadd.s32 $0x240A00, s5;
	[dreg:$0x13] =	wrdreg s8  }
0x8: {  	s3 =	sadd.s32 $0x1000, s8;
	[dreg:$0x3] =	wrdreg s5  }
0x9: {  	s14 =	sadd.s32 $0x2000, s8;
	[dreg:$0x4] =	wrdreg s3  }
0xa: {  	s15 =	sadd.s32 $0x3000, s8;
	[dreg:$0x5] =	wrdreg s14  }
0xb: {  	s9 =	simm.s32 $0x1;
	s16 =	sadd.s32 $0x4000, s8;
	[dreg:$0x6] =	wrdreg s15  }
0xc: {  	s29 =	simm.s32 $0x5;
	s17 =	sadd.s32 $0x5000, s8;
	[dreg:$0x7] =	wrdreg s16  }
0xd: {  	s30 =	simm.s32 $0x6;
	s18 =	sadd.s32 $0x6000, s8;
	[dreg:$0x8] =	wrdreg s17  }
0xe: {  	s6 =	sadd.s32 $0x241400, s1;
	s19 =	sadd.s32 $0x7000, s8;
	[dreg:$0x9] =	wrdreg s18  }
0xf: {  	s7 =	sadd.s32 $0x241500, s1;
	s20 =	sadd.s32 $0x8000, s8;
	[dreg:$0xa] =	wrdreg s19  }
0x10: {  	s0 =	ssub.s32 $0x2, s0;
	s21 =	sadd.s32 $0x9000, s8;
	[dreg:$0xb] =	wrdreg s20  }
0x11: {  	s23 =	sshrl.u32 s0, $0x1;
	s22 =	sadd.s32 $0xA000, s8;
	[dreg:$0xc] =	wrdreg s21  }
0x12: {  	s0 =	ssub.s32 s0, s23;
	s24 =	sadd.s32 $0xB000, s8;
	[dreg:$0xd] =	wrdreg s22  }
0x13: {  	s4 =	sadd.s32 $0x241200, s1;
	s25 =	sadd.s32 $0xC000, s8;
	[dreg:$0xe] =	wrdreg s24  }
0x14: {  	s26 =	sadd.s32 $0xD000, s8;
	s28 =	sadd.s32 $0xE000, s8;
	[dreg:$0xf] =	wrdreg s25  }
0x15: {  	v2 =	vlaneseq.u32;
	s31 =	sadd.s32 $0xF000, s8;
	s8 =	smax.u32 s0, $0x1;
	[dreg:$0x10] =	wrdreg s26  }
0x16: {  	vm0 =	vmmov $0xffff;
	v1 =	vshrl.u32 v2, $0x3;
	s0 =	simm.s32 $0x4;
	s5 =	sadd.s32 $0x241300, s1;
	[dreg:$0x11] =	wrdreg s28  }
0x17: {  	v0 =	vand.u32 $0x7, v2;
	v2 =	vor.u32 $0x8, v2;
	v1 =	vmul.u32 $0x8, v1;
	[dreg:$0x12] =	wrdreg s31;
	s17 =	simm.s32 $0x2;
	s3 =	simm.s32 $0x3  }
.LBB2_1:
0x18: {  	[dreg:$0x14] =	wrdreg s8  }
0x19: {  	s31 =	rddreg [dreg:$0x3];
	s10 =	simm.s32 $0x7  }
0x1a: {  	[tilespmem:s2], [sflag:$0x7] =	stream.linear.gather [hbm4b:s31+s2], $0x200, $0x38;
	[tilespmem:$0x18200] =	vst v63  }
0x1b: {  	_ =	swait.ge [sflag:s10], $0x200  }
0x1c: {  	[sflag:s10] =	ssyncset.done $0x0  }
0x1d: {  	[sflag:s10] =	ssyncadd.s32 $0xFFFFFE00  }
0x1e: {  	v3 =	vld [tilespmem:$0x0];
	_ =	sdelay $0x4  }
0x1f: {  	v4 =	vshll.u32 v3, $0x3  }
0x20: {  	v3 =	vand.u32 $0x7, v3;
	v4 =	vand.u32 $0xFFFFFFC0, v4  }
0x21: {  	v3 =	vor.u32 v3, v4  }
0x22: {  	v4 =	vperm.xlane v3, v0;
	_ =	sdelay $0x1  }
0x23: {  	v4 =	vadd.s32 v1, v4;
	_ =	sdelay $0x3  }
0x24: {  	s11 =	simm.s32 $0x200  }
0x25: {  	[tilespmem:s11], [sflag:$0x1] =	stream.indirect_vreg.gather [hbm4b:s4+s2], $0x80, v4, vm0, $0xb8;
	[tilespmem:$0x18200] =	vst v63  }
0x26: {  	v3 =	vperm.xlane v3, v2;
	s11 =	simm.s32 $0xA00  }
0x27: {  	[tilespmem:s11], [sflag:$0x1] =	stream.indirect_vreg.gather [hbm4b:s5+s2], $0x80, v4, vm0, $0xb8;
	[tilespmem:$0x18200] =	vst v63  }
0x28: {  	s12 =	simm.s32 $0x1200;
	v3 =	vadd.s32 v1, v3  }
0x29: {  	[tilespmem:s12], [sflag:$0x1] =	stream.indirect_vreg.gather [hbm4b:s6+s2], $0x80, v4, vm0, $0xb8;
	[tilespmem:$0x18200] =	vst v63  }
0x2a: {  	s13 =	simm.s32 $0x1A00  }
0x2b: {  	[tilespmem:s13], [sflag:$0x1] =	stream.indirect_vreg.gather [hbm4b:s7+s2], $0x80, v4, vm0, $0xb8;
	[tilespmem:$0x18200] =	vst v63  }
0x2c: {  	s14 =	simm.s32 $0x2200  }
0x2d: {  	[tilespmem:s14], [sflag:$0x1] =	stream.indirect_vreg.gather [hbm4b:s4+s2], $0x80, v3, vm0, $0xb8;
	[tilespmem:$0x18200] =	vst v63  }
0x2e: {  	s15 =	simm.s32 $0x2A00  }
0x2f: {  	[tilespmem:s15], [sflag:$0x1] =	stream.indirect_vreg.gather [hbm4b:s5+s2], $0x80, v3, vm0, $0xb8;
	[tilespmem:$0x18200] =	vst v63  }
0x30: {  	s16 =	simm.s32 $0x3200  }
0x31: {  	[tilespmem:s16], [sflag:$0x1] =	stream.indirect_vreg.gather [hbm4b:s6+s2], $0x80, v3, vm0, $0xb8;
	[tilespmem:$0x18200] =	vst v63  }
0x32: {  	s18 =	simm.s32 $0x3A00  }
0x33: {  	[tilespmem:s18], [sflag:$0x1] =	stream.indirect_vreg.gather [hbm4b:s7+s2], $0x80, v3, vm0, $0xb8;
	[tilespmem:$0x18200] =	vst v63  }
0x34: {  	v3 =	vld [tilespmem:$0x10];
	_ =	sdelay $0x4  }
0x35: {  	v33 =	vshll.u32 v3, $0x3  }
0x36: {  	v3 =	vand.u32 $0x7, v3;
	v4 =	vand.u32 $0xFFFFFFC0, v33  }
0x37: {  	v3 =	vor.u32 v3, v4  }
0x38: {  	v4 =	vperm.xlane v3, v0;
	_ =	sdelay $0x1  }
0x39: {  	v4 =	vadd.s32 v1, v4;
	_ =	sdelay $0x3  }
0x3a: {  	s19 =	simm.s32 $0x4200  }
0x3b: {  	[tilespmem:s19], [sflag:$0x1] =	stream.indirect_vreg.gather [hbm4b:s4+s2], $0x80, v4, vm0, $0xb8;
	[tilespmem:$0x18200] =	vst v63  }
0x3c: {  	s20 =	simm.s32 $0x4A00;
	v3 =	vperm.xlane v3, v2  }
0x3d: {  	[tilespmem:s20], [sflag:$0x1] =	stream.indirect_vreg.gather [hbm4b:s5+s2], $0x80, v4, vm0, $0xb8;
	[tilespmem:$0x18200] =	vst v63  }
0x3e: {  	s21 =	simm.s32 $0x5200;
	v3 =	vadd.s32 v1, v3  }
0x3f: {  	[tilespmem:s21], [sflag:$0x1] =	stream.indirect_vreg.gather [hbm4b:s6+s2], $0x80, v4, vm0, $0xb8;
	[tilespmem:$0x18200] =	vst v63  }
0x40: {  	s22 =	simm.s32 $0x5A00  }
0x41: {  	[tilespmem:s22], [sflag:$0x1] =	stream.indirect_vreg.gather [hbm4b:s7+s2], $0x80, v4, vm0, $0xb8;
	[tilespmem:$0x18200] =	vst v63  }
0x42: {  	s23 =	simm.s32 $0x6200  }
0x43: {  	[tilespmem:s23], [sflag:$0x1] =	stream.indirect_vreg.gather [hbm4b:s4+s2], $0x80, v3, vm0, $0xb8;
	[tilespmem:$0x18200] =	vst v63  }
0x44: {  	s24 =	simm.s32 $0x6A00  }
0x45: {  	[tilespmem:s24], [sflag:$0x1] =	stream.indirect_vreg.gather [hbm4b:s5+s2], $0x80, v3, vm0, $0xb8;
	[tilespmem:$0x18200] =	vst v63  }
0x46: {  	s25 =	simm.s32 $0x7200  }
0x47: {  	[tilespmem:s25], [sflag:$0x1] =	stream.indirect_vreg.gather [hbm4b:s6+s2], $0x80, v3, vm0, $0xb8;
	[tilespmem:$0x18200] =	vst v63  }
0x48: {  	s26 =	simm.s32 $0x7A00  }
0x49: {  	[tilespmem:s26], [sflag:$0x1] =	stream.indirect_vreg.gather [hbm4b:s7+s2], $0x80, v3, vm0, $0xb8;
	[tilespmem:$0x18200] =	vst v63  }
0x4a: {  	v3 =	vld [tilespmem:$0x20];
	_ =	sdelay $0x4  }
0x4b: {  	v34 =	vshll.u32 v3, $0x3  }
0x4c: {  	v3 =	vand.u32 $0x7, v3;
	v4 =	vand.u32 $0xFFFFFFC0, v34  }
0x4d: {  	v3 =	vor.u32 v3, v4  }
0x4e: {  	v4 =	vperm.xlane v3, v0;
	_ =	sdelay $0x1  }
0x4f: {  	v4 =	vadd.s32 v1, v4;
	_ =	sdelay $0x3  }
0x50: {  	s28 =	simm.s32 $0x8200  }
0x51: {  	[tilespmem:s28], [sflag:$0x2] =	stream.indirect_vreg.gather [hbm4b:s4+s2], $0x80, v4, vm0, $0xb8;
	[tilespmem:$0x18200] =	vst v63  }
0x52: {  	s31 =	simm.s32 $0x8A00;
	v3 =	vperm.xlane v3, v2  }
0x53: {  	[tilespmem:s31], [sflag:$0x2] =	stream.indirect_vreg.gather [hbm4b:s5+s2], $0x80, v4, vm0, $0xb8;
	[tilespmem:$0x18200] =	vst v63  }
0x54: {  	s10 =	simm.s32 $0x9200;
	v3 =	vadd.s32 v1, v3  }
0x55: {  	[tilespmem:s10], [sflag:$0x2] =	stream.indirect_vreg.gather [hbm4b:s6+s2], $0x80, v4, vm0, $0xb8;
	[tilespmem:$0x18200] =	vst v63  }
0x56: {  	s13 =	simm.s32 $0x9A00  }
0x57: {  	[tilespmem:s13], [sflag:$0x2] =	stream.indirect_vreg.gather [hbm4b:s7+s2], $0x80, v4, vm0, $0xb8;
	[tilespmem:$0x18200] =	vst v63  }
0x58: {  	s14 =	simm.s32 $0xA200  }
0x59: {  	[tilespmem:s14], [sflag:$0x2] =	stream.indirect_vreg.gather [hbm4b:s4+s2], $0x80, v3, vm0, $0xb8;
	[tilespmem:$0x18200] =	vst v63  }
0x5a: {  	s15 =	simm.s32 $0xAA00  }
0x5b: {  	[tilespmem:s15], [sflag:$0x2] =	stream.indirect_vreg.gather [hbm4b:s5+s2], $0x80, v3, vm0, $0xb8;
	[tilespmem:$0x18200] =	vst v63  }
0x5c: {  	s19 =	simm.s32 $0xB200  }
0x5d: {  	[tilespmem:s19], [sflag:$0x2] =	stream.indirect_vreg.gather [hbm4b:s6+s2], $0x80, v3, vm0, $0xb8;
	[tilespmem:$0x18200] =	vst v63  }
0x5e: {  	s20 =	simm.s32 $0xBA00  }
0x5f: {  	[tilespmem:s20], [sflag:$0x2] =	stream.indirect_vreg.gather [hbm4b:s7+s2], $0x80, v3, vm0, $0xb8;
	[tilespmem:$0x18200] =	vst v63  }
0x60: {  	v3 =	vld [tilespmem:$0x30];
	_ =	sdelay $0x4  }
0x61: {  	v35 =	vshll.u32 v3, $0x3  }
0x62: {  	v3 =	vand.u32 $0x7, v3;
	v4 =	vand.u32 $0xFFFFFFC0, v35  }
0x63: {  	v3 =	vor.u32 v3, v4  }
0x64: {  	v4 =	vperm.xlane v3, v0;
	_ =	sdelay $0x1  }
0x65: {  	v4 =	vadd.s32 v1, v4;
	_ =	sdelay $0x3  }
0x66: {  	s21 =	simm.s32 $0xC200  }
0x67: {  	[tilespmem:s21], [sflag:$0x2] =	stream.indirect_vreg.gather [hbm4b:s4+s2], $0x80, v4, vm0, $0xb8;
	[tilespmem:$0x18200] =	vst v63  }
0x68: {  	s25 =	simm.s32 $0xCA00;
	v3 =	vperm.xlane v3, v2  }
0x69: {  	[tilespmem:s25], [sflag:$0x2] =	stream.indirect_vreg.gather [hbm4b:s5+s2], $0x80, v4, vm0, $0xb8;
	[tilespmem:$0x18200] =	vst v63  }
0x6a: {  	s26 =	simm.s32 $0xD200;
	v3 =	vadd.s32 v1, v3  }
0x6b: {  	[tilespmem:s26], [sflag:$0x2] =	stream.indirect_vreg.gather [hbm4b:s6+s2], $0x80, v4, vm0, $0xb8;
	[tilespmem:$0x18200] =	vst v63  }
0x6c: {  	s28 =	simm.s32 $0xDA00  }
0x6d: {  	[tilespmem:s28], [sflag:$0x2] =	stream.indirect_vreg.gather [hbm4b:s7+s2], $0x80, v4, vm0, $0xb8;
	[tilespmem:$0x18200] =	vst v63  }
0x6e: {  	s31 =	simm.s32 $0xE200  }
0x6f: {  	[tilespmem:s31], [sflag:$0x2] =	stream.indirect_vreg.gather [hbm4b:s4+s2], $0x80, v3, vm0, $0xb8;
	[tilespmem:$0x18200] =	vst v63  }
0x70: {  	s10 =	simm.s32 $0xEA00  }
0x71: {  	[tilespmem:s10], [sflag:$0x2] =	stream.indirect_vreg.gather [hbm4b:s5+s2], $0x80, v3, vm0, $0xb8;
	[tilespmem:$0x18200] =	vst v63  }
0x72: {  	s13 =	simm.s32 $0xF200  }
0x73: {  	[tilespmem:s13], [sflag:$0x2] =	stream.indirect_vreg.gather [hbm4b:s6+s2], $0x80, v3, vm0, $0xb8;
	[tilespmem:$0x18200] =	vst v63  }
0x74: {  	s14 =	simm.s32 $0xFA00  }
0x75: {  	[tilespmem:s14], [sflag:$0x2] =	stream.indirect_vreg.gather [hbm4b:s7+s2], $0x80, v3, vm0, $0xb8;
	[tilespmem:$0x18200] =	vst v63  }
0x76: {  	_ =	swait.ge [sflag:s9], $0x8000  }
0x77: {  	[sflag:s9] =	ssyncset.done $0x0  }
0x78: {  	s10 =	simm.s32 $0x200;
	s15 =	rddreg [dreg:$0x13];
	[sflag:s9] =	ssyncadd.s32 $0xFFFF8000  }
0x79: {  	[hbm4b:s15+s2] =	stream.linear.scatter [tilespmem:s10], [sflag:$0x4], $0x8000, $0x38;
	[tilespmem:$0x18200] =	vst v63  }
0x7a: {  	v3 =	vld [tilespmem:$0x40];
	_ =	sdelay $0x4  }
0x7b: {  	v36 =	vshll.u32 v3, $0x3  }
0x7c: {  	v3 =	vand.u32 $0x7, v3;
	v4 =	vand.u32 $0xFFFFFFC0, v36  }
0x7d: {  	v3 =	vor.u32 v3, v4  }
0x7e: {  	v4 =	vperm.xlane v3, v0;
	_ =	sdelay $0x1  }
0x7f: {  	v4 =	vadd.s32 v1, v4;
	_ =	sdelay $0x3  }
0x80: {  	s13 =	simm.s32 $0x10200  }
0x81: {  	[tilespmem:s13], [sflag:$0x3] =	stream.indirect_vreg.gather [hbm4b:s4+s2], $0x80, v4, vm0, $0xb8;
	[tilespmem:$0x18200] =	vst v63  }
0x82: {  	s19 =	simm.s32 $0x10A00;
	v3 =	vperm.xlane v3, v2  }
0x83: {  	[tilespmem:s19], [sflag:$0x3] =	stream.indirect_vreg.gather [hbm4b:s5+s2], $0x80, v4, vm0, $0xb8;
	[tilespmem:$0x18200] =	vst v63  }
0x84: {  	s20 =	simm.s32 $0x11200;
	v3 =	vadd.s32 v1, v3  }
0x85: {  	[tilespmem:s20], [sflag:$0x3] =	stream.indirect_vreg.gather [hbm4b:s6+s2], $0x80, v4, vm0, $0xb8;
	[tilespmem:$0x18200] =	vst v63  }
0x86: {  	s25 =	simm.s32 $0x11A00  }
0x87: {  	[tilespmem:s25], [sflag:$0x3] =	stream.indirect_vreg.gather [hbm4b:s7+s2], $0x80, v4, vm0, $0xb8;
	[tilespmem:$0x18200] =	vst v63  }
0x88: {  	s26 =	simm.s32 $0x12200  }
0x89: {  	[tilespmem:s26], [sflag:$0x3] =	stream.indirect_vreg.gather [hbm4b:s4+s2], $0x80, v3, vm0, $0xb8;
	[tilespmem:$0x18200] =	vst v63  }
0x8a: {  	s28 =	simm.s32 $0x12A00  }
0x8b: {  	[tilespmem:s28], [sflag:$0x3] =	stream.indirect_vreg.gather [hbm4b:s5+s2], $0x80, v3, vm0, $0xb8;
	[tilespmem:$0x18200] =	vst v63  }
0x8c: {  	s31 =	simm.s32 $0x13200  }
0x8d: {  	[tilespmem:s31], [sflag:$0x3] =	stream.indirect_vreg.gather [hbm4b:s6+s2], $0x80, v3, vm0, $0xb8;
	[tilespmem:$0x18200] =	vst v63  }
0x8e: {  	s8 =	simm.s32 $0x13A00  }
0x8f: {  	[tilespmem:s8], [sflag:$0x3] =	stream.indirect_vreg.gather [hbm4b:s7+s2], $0x80, v3, vm0, $0xb8;
	[tilespmem:$0x18200] =	vst v63  }
0x90: {  	v3 =	vld [tilespmem:$0x50];
	_ =	sdelay $0x4  }
0x91: {  	v37 =	vshll.u32 v3, $0x3  }
0x92: {  	v3 =	vand.u32 $0x7, v3;
	v4 =	vand.u32 $0xFFFFFFC0, v37  }
0x93: {  	v3 =	vor.u32 v3, v4  }
0x94: {  	v4 =	vperm.xlane v3, v0;
	_ =	sdelay $0x1  }
0x95: {  	v4 =	vadd.s32 v1, v4;
	_ =	sdelay $0x3  }
0x96: {  	s14 =	simm.s32 $0x14200  }
0x97: {  	[tilespmem:s14], [sflag:$0x3] =	stream.indirect_vreg.gather [hbm4b:s4+s2], $0x80, v4, vm0, $0xb8;
	[tilespmem:$0x18200] =	vst v63  }
0x98: {  	s15 =	simm.s32 $0x14A00;
	v3 =	vperm.xlane v3, v2  }
0x99: {  	[tilespmem:s15], [sflag:$0x3] =	stream.indirect_vreg.gather [hbm4b:s5+s2], $0x80, v4, vm0, $0xb8;
	[tilespmem:$0x18200] =	vst v63  }
0x9a: {  	s19 =	simm.s32 $0x15200;
	v3 =	vadd.s32 v1, v3  }
0x9b: {  	[tilespmem:s19], [sflag:$0x3] =	stream.indirect_vreg.gather [hbm4b:s6+s2], $0x80, v4, vm0, $0xb8;
	[tilespmem:$0x18200] =	vst v63  }
0x9c: {  	s20 =	simm.s32 $0x15A00  }
0x9d: {  	[tilespmem:s20], [sflag:$0x3] =	stream.indirect_vreg.gather [hbm4b:s7+s2], $0x80, v4, vm0, $0xb8;
	[tilespmem:$0x18200] =	vst v63  }
0x9e: {  	s26 =	simm.s32 $0x16200  }
0x9f: {  	[tilespmem:s26], [sflag:$0x3] =	stream.indirect_vreg.gather [hbm4b:s4+s2], $0x80, v3, vm0, $0xb8;
	[tilespmem:$0x18200] =	vst v63  }
0xa0: {  	s31 =	simm.s32 $0x16A00  }
0xa1: {  	[tilespmem:s31], [sflag:$0x3] =	stream.indirect_vreg.gather [hbm4b:s5+s2], $0x80, v3, vm0, $0xb8;
	[tilespmem:$0x18200] =	vst v63  }
0xa2: {  	s8 =	simm.s32 $0x17200  }
0xa3: {  	[tilespmem:s8], [sflag:$0x3] =	stream.indirect_vreg.gather [hbm4b:s6+s2], $0x80, v3, vm0, $0xb8;
	[tilespmem:$0x18200] =	vst v63  }
0xa4: {  	s14 =	simm.s32 $0x17A00  }
0xa5: {  	[tilespmem:s14], [sflag:$0x3] =	stream.indirect_vreg.gather [hbm4b:s7+s2], $0x80, v3, vm0, $0xb8;
	[tilespmem:$0x18200] =	vst v63  }
0xa6: {  	_ =	swait.ge [sflag:s17], $0x8000  }
0xa7: {  	[sflag:s17] =	ssyncset.done $0x0  }
0xa8: {  	s8 =	simm.s32 $0x8200;
	s15 =	rddreg [dreg:$0x4];
	[sflag:s17] =	ssyncadd.s32 $0xFFFF8000  }
0xa9: {  	[hbm4b:s15+s2] =	stream.linear.scatter [tilespmem:s8], [sflag:$0x5], $0x8000, $0x38;
	[tilespmem:$0x18200] =	vst v63  }
0xaa: {  	_ =	swait.ge [sflag:s0], $0x8000  }
0xab: {  	[sflag:s0] =	ssyncset.done $0x0  }
0xac: {  	[sflag:s0] =	ssyncadd.s32 $0xFFFF8000  }
0xad: {  	v3 =	vld [tilespmem:$0x60];
	_ =	sdelay $0x4  }
0xae: {  	v38 =	vshll.u32 v3, $0x3  }
0xaf: {  	v3 =	vand.u32 $0x7, v3;
	v4 =	vand.u32 $0xFFFFFFC0, v38  }
0xb0: {  	v3 =	vor.u32 v3, v4  }
0xb1: {  	v4 =	vperm.xlane v3, v0;
	_ =	sdelay $0x1  }
0xb2: {  	v4 =	vadd.s32 v1, v4;
	_ =	sdelay $0x4  }
0xb3: {  	[tilespmem:s10], [sflag:$0x1] =	stream.indirect_vreg.gather [hbm4b:s4+s2], $0x80, v4, vm0, $0xb8;
	[tilespmem:$0x18200] =	vst v63  }
0xb4: {  	s1 =	simm.s32 $0xA00;
	v3 =	vperm.xlane v3, v2  }
0xb5: {  	[tilespmem:s1], [sflag:$0x1] =	stream.indirect_vreg.gather [hbm4b:s5+s2], $0x80, v4, vm0, $0xb8;
	[tilespmem:$0x18200] =	vst v63  }
0xb6: {  	s26 =	simm.s32 $0x1200;
	v3 =	vadd.s32 v1, v3  }
0xb7: {  	[tilespmem:s26], [sflag:$0x1] =	stream.indirect_vreg.gather [hbm4b:s6+s2], $0x80, v4, vm0, $0xb8;
	[tilespmem:$0x18200] =	vst v63  }
0xb8: {  	s19 =	simm.s32 $0x1A00  }
0xb9: {  	[tilespmem:s19], [sflag:$0x1] =	stream.indirect_vreg.gather [hbm4b:s7+s2], $0x80, v4, vm0, $0xb8;
	[tilespmem:$0x18200] =	vst v63  }
0xba: {  	s20 =	simm.s32 $0x2200  }
0xbb: {  	[tilespmem:s20], [sflag:$0x1] =	stream.indirect_vreg.gather [hbm4b:s4+s2], $0x80, v3, vm0, $0xb8;
	[tilespmem:$0x18200] =	vst v63  }
0xbc: {  	s31 =	simm.s32 $0x2A00  }
0xbd: {  	[tilespmem:s31], [sflag:$0x1] =	stream.indirect_vreg.gather [hbm4b:s5+s2], $0x80, v3, vm0, $0xb8;
	[tilespmem:$0x18200] =	vst v63  }
0xbe: {  	s13 =	simm.s32 $0x3200  }
0xbf: {  	[tilespmem:s13], [sflag:$0x1] =	stream.indirect_vreg.gather [hbm4b:s6+s2], $0x80, v3, vm0, $0xb8;
	[tilespmem:$0x18200] =	vst v63  }
0xc0: {  	s16 =	simm.s32 $0x3A00  }
0xc1: {  	[tilespmem:s16], [sflag:$0x1] =	stream.indirect_vreg.gather [hbm4b:s7+s2], $0x80, v3, vm0, $0xb8;
	[tilespmem:$0x18200] =	vst v63  }
0xc2: {  	v3 =	vld [tilespmem:$0x70];
	_ =	sdelay $0x4  }
0xc3: {  	v39 =	vshll.u32 v3, $0x3  }
0xc4: {  	v3 =	vand.u32 $0x7, v3;
	v4 =	vand.u32 $0xFFFFFFC0, v39  }
0xc5: {  	v3 =	vor.u32 v3, v4  }
0xc6: {  	v4 =	vperm.xlane v3, v0;
	_ =	sdelay $0x1  }
0xc7: {  	v4 =	vadd.s32 v1, v4;
	_ =	sdelay $0x3  }
0xc8: {  	s12 =	simm.s32 $0x4200  }
0xc9: {  	[tilespmem:s12], [sflag:$0x1] =	stream.indirect_vreg.gather [hbm4b:s4+s2], $0x80, v4, vm0, $0xb8;
	[tilespmem:$0x18200] =	vst v63  }
0xca: {  	s18 =	simm.s32 $0x4A00;
	v3 =	vperm.xlane v3, v2  }
0xcb: {  	[tilespmem:s18], [sflag:$0x1] =	stream.indirect_vreg.gather [hbm4b:s5+s2], $0x80, v4, vm0, $0xb8;
	[tilespmem:$0x18200] =	vst v63  }
0xcc: {  	s16 =	simm.s32 $0x5200;
	v3 =	vadd.s32 v1, v3  }
0xcd: {  	[tilespmem:s16], [sflag:$0x1] =	stream.indirect_vreg.gather [hbm4b:s6+s2], $0x80, v4, vm0, $0xb8;
	[tilespmem:$0x18200] =	vst v63  }
0xce: {  	s15 =	simm.s32 $0x5A00  }
0xcf: {  	[tilespmem:s15], [sflag:$0x1] =	stream.indirect_vreg.gather [hbm4b:s7+s2], $0x80, v4, vm0, $0xb8;
	[tilespmem:$0x18200] =	vst v63  }
0xd0: {  	s18 =	simm.s32 $0x6200  }
0xd1: {  	[tilespmem:s18], [sflag:$0x1] =	stream.indirect_vreg.gather [hbm4b:s4+s2], $0x80, v3, vm0, $0xb8;
	[tilespmem:$0x18200] =	vst v63  }
0xd2: {  	s19 =	simm.s32 $0x6A00  }
0xd3: {  	[tilespmem:s19], [sflag:$0x1] =	stream.indirect_vreg.gather [hbm4b:s5+s2], $0x80, v3, vm0, $0xb8;
	[tilespmem:$0x18200] =	vst v63  }
0xd4: {  	s20 =	simm.s32 $0x7200  }
0xd5: {  	[tilespmem:s20], [sflag:$0x1] =	stream.indirect_vreg.gather [hbm4b:s6+s2], $0x80, v3, vm0, $0xb8;
	[tilespmem:$0x18200] =	vst v63  }
0xd6: {  	s11 =	simm.s32 $0x7A00  }
0xd7: {  	[tilespmem:s11], [sflag:$0x1] =	stream.indirect_vreg.gather [hbm4b:s7+s2], $0x80, v3, vm0, $0xb8;
	[tilespmem:$0x18200] =	vst v63  }
0xd8: {  	_ =	swait.ge [sflag:s3], $0x8000  }
0xd9: {  	[sflag:s3] =	ssyncset.done $0x0  }
0xda: {  	s11 =	simm.s32 $0x10200;
	s14 =	rddreg [dreg:$0x5];
	[sflag:s3] =	ssyncadd.s32 $0xFFFF8000  }
0xdb: {  	[hbm4b:s14+s2] =	stream.linear.scatter [tilespmem:s11], [sflag:$0x6], $0x8000, $0x38;
	[tilespmem:$0x18200] =	vst v63  }
0xdc: {  	_ =	swait.ge [sflag:s29], $0x8000  }
0xdd: {  	[sflag:s29] =	ssyncset.done $0x0  }
0xde: {  	[sflag:s29] =	ssyncadd.s32 $0xFFFF8000  }
0xdf: {  	v3 =	vld [tilespmem:$0x80];
	_ =	sdelay $0x4  }
0xe0: {  	v40 =	vshll.u32 v3, $0x3  }
0xe1: {  	v3 =	vand.u32 $0x7, v3;
	v4 =	vand.u32 $0xFFFFFFC0, v40  }
0xe2: {  	v3 =	vor.u32 v3, v4  }
0xe3: {  	v4 =	vperm.xlane v3, v0;
	_ =	sdelay $0x1  }
0xe4: {  	v4 =	vadd.s32 v1, v4;
	_ =	sdelay $0x4  }
0xe5: {  	[tilespmem:s8], [sflag:$0x2] =	stream.indirect_vreg.gather [hbm4b:s4+s2], $0x80, v4, vm0, $0xb8;
	[tilespmem:$0x18200] =	vst v63  }
0xe6: {  	s31 =	simm.s32 $0x8A00;
	v3 =	vperm.xlane v3, v2  }
0xe7: {  	[tilespmem:s31], [sflag:$0x2] =	stream.indirect_vreg.gather [hbm4b:s5+s2], $0x80, v4, vm0, $0xb8;
	[tilespmem:$0x18200] =	vst v63  }
0xe8: {  	s22 =	simm.s32 $0x9200;
	v3 =	vadd.s32 v1, v3  }
0xe9: {  	[tilespmem:s22], [sflag:$0x2] =	stream.indirect_vreg.gather [hbm4b:s6+s2], $0x80, v4, vm0, $0xb8;
	[tilespmem:$0x18200] =	vst v63  }
0xea: {  	s23 =	simm.s32 $0x9A00  }
0xeb: {  	[tilespmem:s23], [sflag:$0x2] =	stream.indirect_vreg.gather [hbm4b:s7+s2], $0x80, v4, vm0, $0xb8;
	[tilespmem:$0x18200] =	vst v63  }
0xec: {  	s24 =	simm.s32 $0xA200  }
0xed: {  	[tilespmem:s24], [sflag:$0x2] =	stream.indirect_vreg.gather [hbm4b:s4+s2], $0x80, v3, vm0, $0xb8;
	[tilespmem:$0x18200] =	vst v63  }
0xee: {  	s14 =	simm.s32 $0xAA00  }
0xef: {  	[tilespmem:s14], [sflag:$0x2] =	stream.indirect_vreg.gather [hbm4b:s5+s2], $0x80, v3, vm0, $0xb8;
	[tilespmem:$0x18200] =	vst v63  }
0xf0: {  	s8 =	simm.s32 $0xB200  }
0xf1: {  	[tilespmem:s8], [sflag:$0x2] =	stream.indirect_vreg.gather [hbm4b:s6+s2], $0x80, v3, vm0, $0xb8;
	[tilespmem:$0x18200] =	vst v63  }
0xf2: {  	s12 =	simm.s32 $0xBA00  }
0xf3: {  	[tilespmem:s12], [sflag:$0x2] =	stream.indirect_vreg.gather [hbm4b:s7+s2], $0x80, v3, vm0, $0xb8;
	[tilespmem:$0x18200] =	vst v63  }
0xf4: {  	v3 =	vld [tilespmem:$0x90];
	_ =	sdelay $0x4  }
0xf5: {  	v41 =	vshll.u32 v3, $0x3  }
0xf6: {  	v3 =	vand.u32 $0x7, v3;
	v4 =	vand.u32 $0xFFFFFFC0, v41  }
0xf7: {  	v3 =	vor.u32 v3, v4  }
0xf8: {  	v4 =	vperm.xlane v3, v0;
	_ =	sdelay $0x1  }
0xf9: {  	v4 =	vadd.s32 v1, v4;
	_ =	sdelay $0x3  }
0xfa: {  	s22 =	simm.s32 $0xC200  }
0xfb: {  	[tilespmem:s22], [sflag:$0x2] =	stream.indirect_vreg.gather [hbm4b:s4+s2], $0x80, v4, vm0, $0xb8;
	[tilespmem:$0x18200] =	vst v63  }
0xfc: {  	s23 =	simm.s32 $0xCA00;
	v3 =	vperm.xlane v3, v2  }
0xfd: {  	[tilespmem:s23], [sflag:$0x2] =	stream.indirect_vreg.gather [hbm4b:s5+s2], $0x80, v4, vm0, $0xb8;
	[tilespmem:$0x18200] =	vst v63  }
0xfe: {  	s24 =	simm.s32 $0xD200;
	v3 =	vadd.s32 v1, v3  }
0xff: {  	[tilespmem:s24], [sflag:$0x2] =	stream.indirect_vreg.gather [hbm4b:s6+s2], $0x80, v4, vm0, $0xb8;
	[tilespmem:$0x18200] =	vst v63  }
0x100: {  	s31 =	simm.s32 $0xDA00  }
0x101: {  	[tilespmem:s31], [sflag:$0x2] =	stream.indirect_vreg.gather [hbm4b:s7+s2], $0x80, v4, vm0, $0xb8;
	[tilespmem:$0x18200] =	vst v63  }
0x102: {  	s8 =	simm.s32 $0xE200  }
0x103: {  	[tilespmem:s8], [sflag:$0x2] =	stream.indirect_vreg.gather [hbm4b:s4+s2], $0x80, v3, vm0, $0xb8;
	[tilespmem:$0x18200] =	vst v63  }
0x104: {  	s12 =	simm.s32 $0xEA00  }
0x105: {  	[tilespmem:s12], [sflag:$0x2] =	stream.indirect_vreg.gather [hbm4b:s5+s2], $0x80, v3, vm0, $0xb8;
	[tilespmem:$0x18200] =	vst v63  }
0x106: {  	s22 =	simm.s32 $0xF200  }
0x107: {  	[tilespmem:s22], [sflag:$0x2] =	stream.indirect_vreg.gather [hbm4b:s6+s2], $0x80, v3, vm0, $0xb8;
	[tilespmem:$0x18200] =	vst v63  }
0x108: {  	s23 =	simm.s32 $0xFA00  }
0x109: {  	[tilespmem:s23], [sflag:$0x2] =	stream.indirect_vreg.gather [hbm4b:s7+s2], $0x80, v3, vm0, $0xb8;
	[tilespmem:$0x18200] =	vst v63  }
0x10a: {  	_ =	swait.ge [sflag:s9], $0x8000  }
0x10b: {  	[sflag:s9] =	ssyncset.done $0x0  }
0x10c: {  	s10 =	simm.s32 $0x200;
	s24 =	rddreg [dreg:$0x6];
	[sflag:s9] =	ssyncadd.s32 $0xFFFF8000  }
0x10d: {  	[hbm4b:s24+s2] =	stream.linear.scatter [tilespmem:s10], [sflag:$0x4], $0x8000, $0x38;
	[tilespmem:$0x18200] =	vst v63  }
0x10e: {  	_ =	swait.ge [sflag:s30], $0x8000  }
0x10f: {  	[sflag:s30] =	ssyncset.done $0x0  }
0x110: {  	[sflag:s30] =	ssyncadd.s32 $0xFFFF8000  }
0x111: {  	v3 =	vld [tilespmem:$0xA0];
	_ =	sdelay $0x4  }
0x112: {  	v42 =	vshll.u32 v3, $0x3  }
0x113: {  	v3 =	vand.u32 $0x7, v3;
	v4 =	vand.u32 $0xFFFFFFC0, v42  }
0x114: {  	v3 =	vor.u32 v3, v4  }
0x115: {  	v4 =	vperm.xlane v3, v0;
	_ =	sdelay $0x1  }
0x116: {  	v4 =	vadd.s32 v1, v4;
	_ =	sdelay $0x4  }
0x117: {  	[tilespmem:s11], [sflag:$0x3] =	stream.indirect_vreg.gather [hbm4b:s4+s2], $0x80, v4, vm0, $0xb8;
	[tilespmem:$0x18200] =	vst v63  }
0x118: {  	s21 =	simm.s32 $0x10A00;
	v3 =	vperm.xlane v3, v2  }
0x119: {  	[tilespmem:s21], [sflag:$0x3] =	stream.indirect_vreg.gather [hbm4b:s5+s2], $0x80, v4, vm0, $0xb8;
	[tilespmem:$0x18200] =	vst v63  }
0x11a: {  	v3 =	vadd.s32 v1, v3;
	s11 =	simm.s32 $0x11200  }
0x11b: {  	[tilespmem:s11], [sflag:$0x3] =	stream.indirect_vreg.gather [hbm4b:s6+s2], $0x80, v4, vm0, $0xb8;
	[tilespmem:$0x18200] =	vst v63  }
0x11c: {  	s21 =	simm.s32 $0x11A00  }
0x11d: {  	[tilespmem:s21], [sflag:$0x3] =	stream.indirect_vreg.gather [hbm4b:s7+s2], $0x80, v4, vm0, $0xb8;
	[tilespmem:$0x18200] =	vst v63  }
0x11e: {  	s22 =	simm.s32 $0x12200  }
0x11f: {  	[tilespmem:s22], [sflag:$0x3] =	stream.indirect_vreg.gather [hbm4b:s4+s2], $0x80, v3, vm0, $0xb8;
	[tilespmem:$0x18200] =	vst v63  }
0x120: {  	s23 =	simm.s32 $0x12A00  }
0x121: {  	[tilespmem:s23], [sflag:$0x3] =	stream.indirect_vreg.gather [hbm4b:s5+s2], $0x80, v3, vm0, $0xb8;
	[tilespmem:$0x18200] =	vst v63  }
0x122: {  	s24 =	simm.s32 $0x13200  }
0x123: {  	[tilespmem:s24], [sflag:$0x3] =	stream.indirect_vreg.gather [hbm4b:s6+s2], $0x80, v3, vm0, $0xb8;
	[tilespmem:$0x18200] =	vst v63  }
0x124: {  	s25 =	simm.s32 $0x13A00  }
0x125: {  	[tilespmem:s25], [sflag:$0x3] =	stream.indirect_vreg.gather [hbm4b:s7+s2], $0x80, v3, vm0, $0xb8;
	[tilespmem:$0x18200] =	vst v63  }
0x126: {  	v3 =	vld [tilespmem:$0xB0];
	_ =	sdelay $0x4  }
0x127: {  	v43 =	vshll.u32 v3, $0x3  }
0x128: {  	v3 =	vand.u32 $0x7, v3;
	v4 =	vand.u32 $0xFFFFFFC0, v43  }
0x129: {  	v3 =	vor.u32 v3, v4  }
0x12a: {  	v4 =	vperm.xlane v3, v0;
	_ =	sdelay $0x1  }
0x12b: {  	v4 =	vadd.s32 v1, v4;
	_ =	sdelay $0x3  }
0x12c: {  	s28 =	simm.s32 $0x14200  }
0x12d: {  	[tilespmem:s28], [sflag:$0x3] =	stream.indirect_vreg.gather [hbm4b:s4+s2], $0x80, v4, vm0, $0xb8;
	[tilespmem:$0x18200] =	vst v63  }
0x12e: {  	s25 =	simm.s32 $0x14A00;
	v3 =	vperm.xlane v3, v2  }
0x12f: {  	[tilespmem:s25], [sflag:$0x3] =	stream.indirect_vreg.gather [hbm4b:s5+s2], $0x80, v4, vm0, $0xb8;
	[tilespmem:$0x18200] =	vst v63  }
0x130: {  	v3 =	vadd.s32 v1, v3;
	s25 =	simm.s32 $0x15200  }
0x131: {  	[tilespmem:s25], [sflag:$0x3] =	stream.indirect_vreg.gather [hbm4b:s6+s2], $0x80, v4, vm0, $0xb8;
	[tilespmem:$0x18200] =	vst v63  }
0x132: {  	s10 =	simm.s32 $0x15A00  }
0x133: {  	[tilespmem:s10], [sflag:$0x3] =	stream.indirect_vreg.gather [hbm4b:s7+s2], $0x80, v4, vm0, $0xb8;
	[tilespmem:$0x18200] =	vst v63  }
0x134: {  	s28 =	simm.s32 $0x16200  }
0x135: {  	[tilespmem:s28], [sflag:$0x3] =	stream.indirect_vreg.gather [hbm4b:s4+s2], $0x80, v3, vm0, $0xb8;
	[tilespmem:$0x18200] =	vst v63  }
0x136: {  	s28 =	simm.s32 $0x16A00  }
0x137: {  	[tilespmem:s28], [sflag:$0x3] =	stream.indirect_vreg.gather [hbm4b:s5+s2], $0x80, v3, vm0, $0xb8;
	[tilespmem:$0x18200] =	vst v63  }
0x138: {  	s31 =	simm.s32 $0x17200  }
0x139: {  	[tilespmem:s31], [sflag:$0x3] =	stream.indirect_vreg.gather [hbm4b:s6+s2], $0x80, v3, vm0, $0xb8;
	[tilespmem:$0x18200] =	vst v63  }
0x13a: {  	s31 =	simm.s32 $0x17A00  }
0x13b: {  	[tilespmem:s31], [sflag:$0x3] =	stream.indirect_vreg.gather [hbm4b:s7+s2], $0x80, v3, vm0, $0xb8;
	[tilespmem:$0x18200] =	vst v63  }
0x13c: {  	_ =	swait.ge [sflag:s17], $0x8000  }
0x13d: {  	[sflag:s17] =	ssyncset.done $0x0  }
0x13e: {  	s13 =	simm.s32 $0x8200;
	s12 =	rddreg [dreg:$0x7];
	[sflag:s17] =	ssyncadd.s32 $0xFFFF8000  }
0x13f: {  	[hbm4b:s12+s2] =	stream.linear.scatter [tilespmem:s13], [sflag:$0x5], $0x8000, $0x38;
	[tilespmem:$0x18200] =	vst v63  }
0x140: {  	_ =	swait.ge [sflag:s0], $0x8000  }
0x141: {  	[sflag:s0] =	ssyncset.done $0x0  }
0x142: {  	[sflag:s0] =	ssyncadd.s32 $0xFFFF8000  }
0x143: {  	v3 =	vld [tilespmem:$0xC0];
	_ =	sdelay $0x4  }
0x144: {  	v44 =	vshll.u32 v3, $0x3  }
0x145: {  	v3 =	vand.u32 $0x7, v3;
	v4 =	vand.u32 $0xFFFFFFC0, v44  }
0x146: {  	v3 =	vor.u32 v3, v4  }
0x147: {  	v4 =	vperm.xlane v3, v0;
	_ =	sdelay $0x1  }
0x148: {  	v4 =	vadd.s32 v1, v4;
	_ =	sdelay $0x3  }
0x149: {  	s1 =	simm.s32 $0x200  }
0x14a: {  	[tilespmem:s1], [sflag:$0x1] =	stream.indirect_vreg.gather [hbm4b:s4+s2], $0x80, v4, vm0, $0xb8;
	[tilespmem:$0x18200] =	vst v63  }
0x14b: {  	s31 =	simm.s32 $0xA00;
	v3 =	vperm.xlane v3, v2  }
0x14c: {  	[tilespmem:s31], [sflag:$0x1] =	stream.indirect_vreg.gather [hbm4b:s5+s2], $0x80, v4, vm0, $0xb8;
	[tilespmem:$0x18200] =	vst v63  }
0x14d: {  	v3 =	vadd.s32 v1, v3  }
0x14e: {  	[tilespmem:s26], [sflag:$0x1] =	stream.indirect_vreg.gather [hbm4b:s6+s2], $0x80, v4, vm0, $0xb8;
	[tilespmem:$0x18200] =	vst v63  }
0x14f: {  	s26 =	simm.s32 $0x1A00  }
0x150: {  	[tilespmem:s26], [sflag:$0x1] =	stream.indirect_vreg.gather [hbm4b:s7+s2], $0x80, v4, vm0, $0xb8;
	[tilespmem:$0x18200] =	vst v63  }
0x151: {  	s31 =	simm.s32 $0x2200  }
0x152: {  	[tilespmem:s31], [sflag:$0x1] =	stream.indirect_vreg.gather [hbm4b:s4+s2], $0x80, v3, vm0, $0xb8;
	[tilespmem:$0x18200] =	vst v63  }
0x153: {  	s26 =	simm.s32 $0x2A00  }
0x154: {  	[tilespmem:s26], [sflag:$0x1] =	stream.indirect_vreg.gather [hbm4b:s5+s2], $0x80, v3, vm0, $0xb8;
	[tilespmem:$0x18200] =	vst v63  }
0x155: {  	s31 =	simm.s32 $0x3200  }
0x156: {  	[tilespmem:s31], [sflag:$0x1] =	stream.indirect_vreg.gather [hbm4b:s6+s2], $0x80, v3, vm0, $0xb8;
	[tilespmem:$0x18200] =	vst v63  }
0x157: {  	s13 =	simm.s32 $0x3A00  }
0x158: {  	[tilespmem:s13], [sflag:$0x1] =	stream.indirect_vreg.gather [hbm4b:s7+s2], $0x80, v3, vm0, $0xb8;
	[tilespmem:$0x18200] =	vst v63  }
0x159: {  	v3 =	vld [tilespmem:$0xD0];
	_ =	sdelay $0x4  }
0x15a: {  	v45 =	vshll.u32 v3, $0x3  }
0x15b: {  	v3 =	vand.u32 $0x7, v3;
	v4 =	vand.u32 $0xFFFFFFC0, v45  }
0x15c: {  	v3 =	vor.u32 v3, v4  }
0x15d: {  	v4 =	vperm.xlane v3, v0;
	_ =	sdelay $0x1  }
0x15e: {  	v4 =	vadd.s32 v1, v4;
	_ =	sdelay $0x3  }
0x15f: {  	s26 =	simm.s32 $0x4200  }
0x160: {  	[tilespmem:s26], [sflag:$0x1] =	stream.indirect_vreg.gather [hbm4b:s4+s2], $0x80, v4, vm0, $0xb8;
	[tilespmem:$0x18200] =	vst v63  }
0x161: {  	s31 =	simm.s32 $0x4A00;
	v3 =	vperm.xlane v3, v2  }
0x162: {  	[tilespmem:s31], [sflag:$0x1] =	stream.indirect_vreg.gather [hbm4b:s5+s2], $0x80, v4, vm0, $0xb8;
	[tilespmem:$0x18200] =	vst v63  }
0x163: {  	v3 =	vadd.s32 v1, v3  }
0x164: {  	[tilespmem:s16], [sflag:$0x1] =	stream.indirect_vreg.gather [hbm4b:s6+s2], $0x80, v4, vm0, $0xb8;
	[tilespmem:$0x18200] =	vst v63  }
0x165: {  	_ = 	snop  }
0x166: {  	[tilespmem:s15], [sflag:$0x1] =	stream.indirect_vreg.gather [hbm4b:s7+s2], $0x80, v4, vm0, $0xb8;
	[tilespmem:$0x18200] =	vst v63  }
0x167: {  	_ = 	snop  }
0x168: {  	[tilespmem:s18], [sflag:$0x1] =	stream.indirect_vreg.gather [hbm4b:s4+s2], $0x80, v3, vm0, $0xb8;
	[tilespmem:$0x18200] =	vst v63  }
0x169: {  	_ = 	snop  }
0x16a: {  	[tilespmem:s19], [sflag:$0x1] =	stream.indirect_vreg.gather [hbm4b:s5+s2], $0x80, v3, vm0, $0xb8;
	[tilespmem:$0x18200] =	vst v63  }
0x16b: {  	_ = 	snop  }
0x16c: {  	[tilespmem:s20], [sflag:$0x1] =	stream.indirect_vreg.gather [hbm4b:s6+s2], $0x80, v3, vm0, $0xb8;
	[tilespmem:$0x18200] =	vst v63  }
0x16d: {  	s16 =	simm.s32 $0x7A00  }
0x16e: {  	[tilespmem:s16], [sflag:$0x1] =	stream.indirect_vreg.gather [hbm4b:s7+s2], $0x80, v3, vm0, $0xb8;
	[tilespmem:$0x18200] =	vst v63  }
0x16f: {  	_ =	swait.ge [sflag:s3], $0x8000  }
0x170: {  	[sflag:s3] =	ssyncset.done $0x0  }
0x171: {  	s8 =	simm.s32 $0x10200;
	s15 =	rddreg [dreg:$0x8];
	[sflag:s3] =	ssyncadd.s32 $0xFFFF8000  }
0x172: {  	[hbm4b:s15+s2] =	stream.linear.scatter [tilespmem:s8], [sflag:$0x6], $0x8000, $0x38;
	[tilespmem:$0x18200] =	vst v63  }
0x173: {  	_ =	swait.ge [sflag:s29], $0x8000  }
0x174: {  	[sflag:s29] =	ssyncset.done $0x0  }
0x175: {  	[sflag:s29] =	ssyncadd.s32 $0xFFFF8000  }
0x176: {  	v3 =	vld [tilespmem:$0xE0];
	_ =	sdelay $0x4  }
0x177: {  	v46 =	vshll.u32 v3, $0x3  }
0x178: {  	v3 =	vand.u32 $0x7, v3;
	v4 =	vand.u32 $0xFFFFFFC0, v46  }
0x179: {  	v3 =	vor.u32 v3, v4  }
0x17a: {  	v4 =	vperm.xlane v3, v0;
	_ =	sdelay $0x1  }
0x17b: {  	v4 =	vadd.s32 v1, v4;
	_ =	sdelay $0x3  }
0x17c: {  	s12 =	simm.s32 $0x8200  }
0x17d: {  	[tilespmem:s12], [sflag:$0x2] =	stream.indirect_vreg.gather [hbm4b:s4+s2], $0x80, v4, vm0, $0xb8;
	[tilespmem:$0x18200] =	vst v63  }
0x17e: {  	s18 =	simm.s32 $0x8A00;
	v3 =	vperm.xlane v3, v2  }
0x17f: {  	[tilespmem:s18], [sflag:$0x2] =	stream.indirect_vreg.gather [hbm4b:s5+s2], $0x80, v4, vm0, $0xb8;
	[tilespmem:$0x18200] =	vst v63  }
0x180: {  	s8 =	simm.s32 $0x9200;
	v3 =	vadd.s32 v1, v3  }
0x181: {  	[tilespmem:s8], [sflag:$0x2] =	stream.indirect_vreg.gather [hbm4b:s6+s2], $0x80, v4, vm0, $0xb8;
	[tilespmem:$0x18200] =	vst v63  }
0x182: {  	s15 =	simm.s32 $0x9A00  }
0x183: {  	[tilespmem:s15], [sflag:$0x2] =	stream.indirect_vreg.gather [hbm4b:s7+s2], $0x80, v4, vm0, $0xb8;
	[tilespmem:$0x18200] =	vst v63  }
0x184: {  	s18 =	simm.s32 $0xA200  }
0x185: {  	[tilespmem:s18], [sflag:$0x2] =	stream.indirect_vreg.gather [hbm4b:s4+s2], $0x80, v3, vm0, $0xb8;
	[tilespmem:$0x18200] =	vst v63  }
0x186: {  	_ = 	snop  }
0x187: {  	[tilespmem:s14], [sflag:$0x2] =	stream.indirect_vreg.gather [hbm4b:s5+s2], $0x80, v3, vm0, $0xb8;
	[tilespmem:$0x18200] =	vst v63  }
0x188: {  	s19 =	simm.s32 $0xB200  }
0x189: {  	[tilespmem:s19], [sflag:$0x2] =	stream.indirect_vreg.gather [hbm4b:s6+s2], $0x80, v3, vm0, $0xb8;
	[tilespmem:$0x18200] =	vst v63  }
0x18a: {  	s31 =	simm.s32 $0xBA00  }
0x18b: {  	[tilespmem:s31], [sflag:$0x2] =	stream.indirect_vreg.gather [hbm4b:s7+s2], $0x80, v3, vm0, $0xb8;
	[tilespmem:$0x18200] =	vst v63  }
0x18c: {  	v3 =	vld [tilespmem:$0xF0];
	_ =	sdelay $0x4  }
0x18d: {  	v47 =	vshll.u32 v3, $0x3  }
0x18e: {  	v3 =	vand.u32 $0x7, v3;
	v4 =	vand.u32 $0xFFFFFFC0, v47  }
0x18f: {  	v3 =	vor.u32 v3, v4  }
0x190: {  	v4 =	vperm.xlane v3, v0;
	_ =	sdelay $0x1  }
0x191: {  	v4 =	vadd.s32 v1, v4;
	_ =	sdelay $0x3  }
0x192: {  	s19 =	simm.s32 $0xC200  }
0x193: {  	[tilespmem:s19], [sflag:$0x2] =	stream.indirect_vreg.gather [hbm4b:s4+s2], $0x80, v4, vm0, $0xb8;
	[tilespmem:$0x18200] =	vst v63  }
0x194: {  	s31 =	simm.s32 $0xCA00;
	v3 =	vperm.xlane v3, v2  }
0x195: {  	[tilespmem:s31], [sflag:$0x2] =	stream.indirect_vreg.gather [hbm4b:s5+s2], $0x80, v4, vm0, $0xb8;
	[tilespmem:$0x18200] =	vst v63  }
0x196: {  	v3 =	vadd.s32 v1, v3;
	s19 =	simm.s32 $0xD200  }
0x197: {  	[tilespmem:s19], [sflag:$0x2] =	stream.indirect_vreg.gather [hbm4b:s6+s2], $0x80, v4, vm0, $0xb8;
	[tilespmem:$0x18200] =	vst v63  }
0x198: {  	s31 =	simm.s32 $0xDA00  }
0x199: {  	[tilespmem:s31], [sflag:$0x2] =	stream.indirect_vreg.gather [hbm4b:s7+s2], $0x80, v4, vm0, $0xb8;
	[tilespmem:$0x18200] =	vst v63  }
0x19a: {  	s19 =	simm.s32 $0xE200  }
0x19b: {  	[tilespmem:s19], [sflag:$0x2] =	stream.indirect_vreg.gather [hbm4b:s4+s2], $0x80, v3, vm0, $0xb8;
	[tilespmem:$0x18200] =	vst v63  }
0x19c: {  	s31 =	simm.s32 $0xEA00  }
0x19d: {  	[tilespmem:s31], [sflag:$0x2] =	stream.indirect_vreg.gather [hbm4b:s5+s2], $0x80, v3, vm0, $0xb8;
	[tilespmem:$0x18200] =	vst v63  }
0x19e: {  	s19 =	simm.s32 $0xF200  }
0x19f: {  	[tilespmem:s19], [sflag:$0x2] =	stream.indirect_vreg.gather [hbm4b:s6+s2], $0x80, v3, vm0, $0xb8;
	[tilespmem:$0x18200] =	vst v63  }
0x1a0: {  	s31 =	simm.s32 $0xFA00  }
0x1a1: {  	[tilespmem:s31], [sflag:$0x2] =	stream.indirect_vreg.gather [hbm4b:s7+s2], $0x80, v3, vm0, $0xb8;
	[tilespmem:$0x18200] =	vst v63  }
0x1a2: {  	_ =	swait.ge [sflag:s9], $0x8000  }
0x1a3: {  	[sflag:s9] =	ssyncset.done $0x0  }
0x1a4: {  	s1 =	simm.s32 $0x200;
	s19 =	rddreg [dreg:$0x9];
	[sflag:s9] =	ssyncadd.s32 $0xFFFF8000  }
0x1a5: {  	[hbm4b:s19+s2] =	stream.linear.scatter [tilespmem:s1], [sflag:$0x4], $0x8000, $0x38;
	[tilespmem:$0x18200] =	vst v63  }
0x1a6: {  	_ =	swait.ge [sflag:s30], $0x8000  }
0x1a7: {  	[sflag:s30] =	ssyncset.done $0x0  }
0x1a8: {  	[sflag:s30] =	ssyncadd.s32 $0xFFFF8000  }
0x1a9: {  	v3 =	vld [tilespmem:$0x100];
	_ =	sdelay $0x4  }
0x1aa: {  	v48 =	vshll.u32 v3, $0x3  }
0x1ab: {  	v3 =	vand.u32 $0x7, v3;
	v4 =	vand.u32 $0xFFFFFFC0, v48  }
0x1ac: {  	v3 =	vor.u32 v3, v4  }
0x1ad: {  	v4 =	vperm.xlane v3, v0;
	_ =	sdelay $0x1  }
0x1ae: {  	v4 =	vadd.s32 v1, v4;
	_ =	sdelay $0x3  }
0x1af: {  	s20 =	simm.s32 $0x10200  }
0x1b0: {  	[tilespmem:s20], [sflag:$0x3] =	stream.indirect_vreg.gather [hbm4b:s4+s2], $0x80, v4, vm0, $0xb8;
	[tilespmem:$0x18200] =	vst v63  }
0x1b1: {  	s14 =	simm.s32 $0x10A00;
	v3 =	vperm.xlane v3, v2  }
0x1b2: {  	[tilespmem:s14], [sflag:$0x3] =	stream.indirect_vreg.gather [hbm4b:s5+s2], $0x80, v4, vm0, $0xb8;
	[tilespmem:$0x18200] =	vst v63  }
0x1b3: {  	v3 =	vadd.s32 v1, v3  }
0x1b4: {  	[tilespmem:s11], [sflag:$0x3] =	stream.indirect_vreg.gather [hbm4b:s6+s2], $0x80, v4, vm0, $0xb8;
	[tilespmem:$0x18200] =	vst v63  }
0x1b5: {  	_ = 	snop  }
0x1b6: {  	[tilespmem:s21], [sflag:$0x3] =	stream.indirect_vreg.gather [hbm4b:s7+s2], $0x80, v4, vm0, $0xb8;
	[tilespmem:$0x18200] =	vst v63  }
0x1b7: {  	_ = 	snop  }
0x1b8: {  	[tilespmem:s22], [sflag:$0x3] =	stream.indirect_vreg.gather [hbm4b:s4+s2], $0x80, v3, vm0, $0xb8;
	[tilespmem:$0x18200] =	vst v63  }
0x1b9: {  	_ = 	snop  }
0x1ba: {  	[tilespmem:s23], [sflag:$0x3] =	stream.indirect_vreg.gather [hbm4b:s5+s2], $0x80, v3, vm0, $0xb8;
	[tilespmem:$0x18200] =	vst v63  }
0x1bb: {  	_ = 	snop  }
0x1bc: {  	[tilespmem:s24], [sflag:$0x3] =	stream.indirect_vreg.gather [hbm4b:s6+s2], $0x80, v3, vm0, $0xb8;
	[tilespmem:$0x18200] =	vst v63  }
0x1bd: {  	s31 =	simm.s32 $0x13A00  }
0x1be: {  	[tilespmem:s31], [sflag:$0x3] =	stream.indirect_vreg.gather [hbm4b:s7+s2], $0x80, v3, vm0, $0xb8;
	[tilespmem:$0x18200] =	vst v63  }
0x1bf: {  	v3 =	vld [tilespmem:$0x110];
	_ =	sdelay $0x4  }
0x1c0: {  	v49 =	vshll.u32 v3, $0x3  }
0x1c1: {  	v3 =	vand.u32 $0x7, v3;
	v4 =	vand.u32 $0xFFFFFFC0, v49  }
0x1c2: {  	v3 =	vor.u32 v3, v4  }
0x1c3: {  	v4 =	vperm.xlane v3, v0;
	_ =	sdelay $0x1  }
0x1c4: {  	v4 =	vadd.s32 v1, v4;
	_ =	sdelay $0x3  }
0x1c5: {  	s21 =	simm.s32 $0x14200  }
0x1c6: {  	[tilespmem:s21], [sflag:$0x3] =	stream.indirect_vreg.gather [hbm4b:s4+s2], $0x80, v4, vm0, $0xb8;
	[tilespmem:$0x18200] =	vst v63  }
0x1c7: {  	s31 =	simm.s32 $0x14A00;
	v3 =	vperm.xlane v3, v2  }
0x1c8: {  	[tilespmem:s31], [sflag:$0x3] =	stream.indirect_vreg.gather [hbm4b:s5+s2], $0x80, v4, vm0, $0xb8;
	[tilespmem:$0x18200] =	vst v63  }
0x1c9: {  	v3 =	vadd.s32 v1, v3  }
0x1ca: {  	[tilespmem:s25], [sflag:$0x3] =	stream.indirect_vreg.gather [hbm4b:s6+s2], $0x80, v4, vm0, $0xb8;
	[tilespmem:$0x18200] =	vst v63  }
0x1cb: {  	_ = 	snop  }
0x1cc: {  	[tilespmem:s10], [sflag:$0x3] =	stream.indirect_vreg.gather [hbm4b:s7+s2], $0x80, v4, vm0, $0xb8;
	[tilespmem:$0x18200] =	vst v63  }
0x1cd: {  	s21 =	simm.s32 $0x16200  }
0x1ce: {  	[tilespmem:s21], [sflag:$0x3] =	stream.indirect_vreg.gather [hbm4b:s4+s2], $0x80, v3, vm0, $0xb8;
	[tilespmem:$0x18200] =	vst v63  }
0x1cf: {  	_ = 	snop  }
0x1d0: {  	[tilespmem:s28], [sflag:$0x3] =	stream.indirect_vreg.gather [hbm4b:s5+s2], $0x80, v3, vm0, $0xb8;
	[tilespmem:$0x18200] =	vst v63  }
0x1d1: {  	s28 =	simm.s32 $0x17200  }
0x1d2: {  	[tilespmem:s28], [sflag:$0x3] =	stream.indirect_vreg.gather [hbm4b:s6+s2], $0x80, v3, vm0, $0xb8;
	[tilespmem:$0x18200] =	vst v63  }
0x1d3: {  	s31 =	simm.s32 $0x17A00  }
0x1d4: {  	[tilespmem:s31], [sflag:$0x3] =	stream.indirect_vreg.gather [hbm4b:s7+s2], $0x80, v3, vm0, $0xb8;
	[tilespmem:$0x18200] =	vst v63  }
0x1d5: {  	_ =	swait.ge [sflag:s17], $0x8000  }
0x1d6: {  	[sflag:s17] =	ssyncset.done $0x0  }
0x1d7: {  	s12 =	simm.s32 $0x8200;
	s21 =	rddreg [dreg:$0xa];
	[sflag:s17] =	ssyncadd.s32 $0xFFFF8000  }
0x1d8: {  	[hbm4b:s21+s2] =	stream.linear.scatter [tilespmem:s12], [sflag:$0x5], $0x8000, $0x38;
	[tilespmem:$0x18200] =	vst v63  }
0x1d9: {  	_ =	swait.ge [sflag:s0], $0x8000  }
0x1da: {  	[sflag:s0] =	ssyncset.done $0x0  }
0x1db: {  	[sflag:s0] =	ssyncadd.s32 $0xFFFF8000  }
0x1dc: {  	v3 =	vld [tilespmem:$0x120];
	_ =	sdelay $0x4  }
0x1dd: {  	v50 =	vshll.u32 v3, $0x3  }
0x1de: {  	v3 =	vand.u32 $0x7, v3;
	v4 =	vand.u32 $0xFFFFFFC0, v50  }
0x1df: {  	v3 =	vor.u32 v3, v4  }
0x1e0: {  	v4 =	vperm.xlane v3, v0;
	_ =	sdelay $0x1  }
0x1e1: {  	v4 =	vadd.s32 v1, v4;
	_ =	sdelay $0x3  }
0x1e2: {  	s19 =	simm.s32 $0x200  }
0x1e3: {  	[tilespmem:s19], [sflag:$0x1] =	stream.indirect_vreg.gather [hbm4b:s4+s2], $0x80, v4, vm0, $0xb8;
	[tilespmem:$0x18200] =	vst v63  }
0x1e4: {  	s28 =	simm.s32 $0xA00;
	v3 =	vperm.xlane v3, v2  }
0x1e5: {  	[tilespmem:s28], [sflag:$0x1] =	stream.indirect_vreg.gather [hbm4b:s5+s2], $0x80, v4, vm0, $0xb8;
	[tilespmem:$0x18200] =	vst v63  }
0x1e6: {  	s31 =	simm.s32 $0x1200;
	v3 =	vadd.s32 v1, v3  }
0x1e7: {  	[tilespmem:s31], [sflag:$0x1] =	stream.indirect_vreg.gather [hbm4b:s6+s2], $0x80, v4, vm0, $0xb8;
	[tilespmem:$0x18200] =	vst v63  }
0x1e8: {  	s31 =	simm.s32 $0x1A00  }
0x1e9: {  	[tilespmem:s31], [sflag:$0x1] =	stream.indirect_vreg.gather [hbm4b:s7+s2], $0x80, v4, vm0, $0xb8;
	[tilespmem:$0x18200] =	vst v63  }
0x1ea: {  	s31 =	simm.s32 $0x2200  }
0x1eb: {  	[tilespmem:s31], [sflag:$0x1] =	stream.indirect_vreg.gather [hbm4b:s4+s2], $0x80, v3, vm0, $0xb8;
	[tilespmem:$0x18200] =	vst v63  }
0x1ec: {  	s31 =	simm.s32 $0x2A00  }
0x1ed: {  	[tilespmem:s31], [sflag:$0x1] =	stream.indirect_vreg.gather [hbm4b:s5+s2], $0x80, v3, vm0, $0xb8;
	[tilespmem:$0x18200] =	vst v63  }
0x1ee: {  	s31 =	simm.s32 $0x3200  }
0x1ef: {  	[tilespmem:s31], [sflag:$0x1] =	stream.indirect_vreg.gather [hbm4b:s6+s2], $0x80, v3, vm0, $0xb8;
	[tilespmem:$0x18200] =	vst v63  }
0x1f0: {  	_ = 	snop  }
0x1f1: {  	[tilespmem:s13], [sflag:$0x1] =	stream.indirect_vreg.gather [hbm4b:s7+s2], $0x80, v3, vm0, $0xb8;
	[tilespmem:$0x18200] =	vst v63  }
0x1f2: {  	v3 =	vld [tilespmem:$0x130];
	_ =	sdelay $0x4  }
0x1f3: {  	v51 =	vshll.u32 v3, $0x3  }
0x1f4: {  	v3 =	vand.u32 $0x7, v3;
	v4 =	vand.u32 $0xFFFFFFC0, v51  }
0x1f5: {  	v3 =	vor.u32 v3, v4  }
0x1f6: {  	v4 =	vperm.xlane v3, v0;
	_ =	sdelay $0x1  }
0x1f7: {  	v4 =	vadd.s32 v1, v4;
	_ =	sdelay $0x4  }
0x1f8: {  	[tilespmem:s26], [sflag:$0x1] =	stream.indirect_vreg.gather [hbm4b:s4+s2], $0x80, v4, vm0, $0xb8;
	[tilespmem:$0x18200] =	vst v63  }
0x1f9: {  	v3 =	vperm.xlane v3, v2;
	s26 =	simm.s32 $0x4A00  }
0x1fa: {  	[tilespmem:s26], [sflag:$0x1] =	stream.indirect_vreg.gather [hbm4b:s5+s2], $0x80, v4, vm0, $0xb8;
	[tilespmem:$0x18200] =	vst v63  }
0x1fb: {  	s31 =	simm.s32 $0x5200;
	v3 =	vadd.s32 v1, v3  }
0x1fc: {  	[tilespmem:s31], [sflag:$0x1] =	stream.indirect_vreg.gather [hbm4b:s6+s2], $0x80, v4, vm0, $0xb8;
	[tilespmem:$0x18200] =	vst v63  }
0x1fd: {  	s26 =	simm.s32 $0x5A00  }
0x1fe: {  	[tilespmem:s26], [sflag:$0x1] =	stream.indirect_vreg.gather [hbm4b:s7+s2], $0x80, v4, vm0, $0xb8;
	[tilespmem:$0x18200] =	vst v63  }
0x1ff: {  	s31 =	simm.s32 $0x6200  }
0x200: {  	[tilespmem:s31], [sflag:$0x1] =	stream.indirect_vreg.gather [hbm4b:s4+s2], $0x80, v3, vm0, $0xb8;
	[tilespmem:$0x18200] =	vst v63  }
0x201: {  	s26 =	simm.s32 $0x6A00  }
0x202: {  	[tilespmem:s26], [sflag:$0x1] =	stream.indirect_vreg.gather [hbm4b:s5+s2], $0x80, v3, vm0, $0xb8;
	[tilespmem:$0x18200] =	vst v63  }
0x203: {  	s31 =	simm.s32 $0x7200  }
0x204: {  	[tilespmem:s31], [sflag:$0x1] =	stream.indirect_vreg.gather [hbm4b:s6+s2], $0x80, v3, vm0, $0xb8;
	[tilespmem:$0x18200] =	vst v63  }
0x205: {  	_ = 	snop  }
0x206: {  	[tilespmem:s16], [sflag:$0x1] =	stream.indirect_vreg.gather [hbm4b:s7+s2], $0x80, v3, vm0, $0xb8;
	[tilespmem:$0x18200] =	vst v63  }
0x207: {  	_ =	swait.ge [sflag:s3], $0x8000  }
0x208: {  	[sflag:s3] =	ssyncset.done $0x0  }
0x209: {  	s26 =	rddreg [dreg:$0xb];
	[sflag:s3] =	ssyncadd.s32 $0xFFFF8000  }
0x20a: {  	[hbm4b:s26+s2] =	stream.linear.scatter [tilespmem:s20], [sflag:$0x6], $0x8000, $0x38;
	[tilespmem:$0x18200] =	vst v63  }
0x20b: {  	_ =	swait.ge [sflag:s29], $0x8000  }
0x20c: {  	[sflag:s29] =	ssyncset.done $0x0  }
0x20d: {  	[sflag:s29] =	ssyncadd.s32 $0xFFFF8000  }
0x20e: {  	v3 =	vld [tilespmem:$0x140];
	_ =	sdelay $0x4  }
0x20f: {  	v52 =	vshll.u32 v3, $0x3  }
0x210: {  	v3 =	vand.u32 $0x7, v3;
	v4 =	vand.u32 $0xFFFFFFC0, v52  }
0x211: {  	v3 =	vor.u32 v3, v4  }
0x212: {  	v4 =	vperm.xlane v3, v0;
	_ =	sdelay $0x1  }
0x213: {  	v4 =	vadd.s32 v1, v4;
	_ =	sdelay $0x4  }
0x214: {  	[tilespmem:s12], [sflag:$0x2] =	stream.indirect_vreg.gather [hbm4b:s4+s2], $0x80, v4, vm0, $0xb8;
	[tilespmem:$0x18200] =	vst v63  }
0x215: {  	v3 =	vperm.xlane v3, v2;
	s12 =	simm.s32 $0x8A00  }
0x216: {  	[tilespmem:s12], [sflag:$0x2] =	stream.indirect_vreg.gather [hbm4b:s5+s2], $0x80, v4, vm0, $0xb8;
	[tilespmem:$0x18200] =	vst v63  }
0x217: {  	v3 =	vadd.s32 v1, v3  }
0x218: {  	[tilespmem:s8], [sflag:$0x2] =	stream.indirect_vreg.gather [hbm4b:s6+s2], $0x80, v4, vm0, $0xb8;
	[tilespmem:$0x18200] =	vst v63  }
0x219: {  	_ = 	snop  }
0x21a: {  	[tilespmem:s15], [sflag:$0x2] =	stream.indirect_vreg.gather [hbm4b:s7+s2], $0x80, v4, vm0, $0xb8;
	[tilespmem:$0x18200] =	vst v63  }
0x21b: {  	_ = 	snop  }
0x21c: {  	[tilespmem:s18], [sflag:$0x2] =	stream.indirect_vreg.gather [hbm4b:s4+s2], $0x80, v3, vm0, $0xb8;
	[tilespmem:$0x18200] =	vst v63  }
0x21d: {  	s16 =	simm.s32 $0xAA00  }
0x21e: {  	[tilespmem:s16], [sflag:$0x2] =	stream.indirect_vreg.gather [hbm4b:s5+s2], $0x80, v3, vm0, $0xb8;
	[tilespmem:$0x18200] =	vst v63  }
0x21f: {  	s26 =	simm.s32 $0xB200  }
0x220: {  	[tilespmem:s26], [sflag:$0x2] =	stream.indirect_vreg.gather [hbm4b:s6+s2], $0x80, v3, vm0, $0xb8;
	[tilespmem:$0x18200] =	vst v63  }
0x221: {  	s31 =	simm.s32 $0xBA00  }
0x222: {  	[tilespmem:s31], [sflag:$0x2] =	stream.indirect_vreg.gather [hbm4b:s7+s2], $0x80, v3, vm0, $0xb8;
	[tilespmem:$0x18200] =	vst v63  }
0x223: {  	v3 =	vld [tilespmem:$0x150];
	_ =	sdelay $0x4  }
0x224: {  	v53 =	vshll.u32 v3, $0x3  }
0x225: {  	v3 =	vand.u32 $0x7, v3;
	v4 =	vand.u32 $0xFFFFFFC0, v53  }
0x226: {  	v3 =	vor.u32 v3, v4  }
0x227: {  	v4 =	vperm.xlane v3, v0;
	_ =	sdelay $0x1  }
0x228: {  	v4 =	vadd.s32 v1, v4;
	_ =	sdelay $0x3  }
0x229: {  	s12 =	simm.s32 $0xC200  }
0x22a: {  	[tilespmem:s12], [sflag:$0x2] =	stream.indirect_vreg.gather [hbm4b:s4+s2], $0x80, v4, vm0, $0xb8;
	[tilespmem:$0x18200] =	vst v63  }
0x22b: {  	s13 =	simm.s32 $0xCA00;
	v3 =	vperm.xlane v3, v2  }
0x22c: {  	[tilespmem:s13], [sflag:$0x2] =	stream.indirect_vreg.gather [hbm4b:s5+s2], $0x80, v4, vm0, $0xb8;
	[tilespmem:$0x18200] =	vst v63  }
0x22d: {  	s15 =	simm.s32 $0xD200;
	v3 =	vadd.s32 v1, v3  }
0x22e: {  	[tilespmem:s15], [sflag:$0x2] =	stream.indirect_vreg.gather [hbm4b:s6+s2], $0x80, v4, vm0, $0xb8;
	[tilespmem:$0x18200] =	vst v63  }
0x22f: {  	s16 =	simm.s32 $0xDA00  }
0x230: {  	[tilespmem:s16], [sflag:$0x2] =	stream.indirect_vreg.gather [hbm4b:s7+s2], $0x80, v4, vm0, $0xb8;
	[tilespmem:$0x18200] =	vst v63  }
0x231: {  	s26 =	simm.s32 $0xE200  }
0x232: {  	[tilespmem:s26], [sflag:$0x2] =	stream.indirect_vreg.gather [hbm4b:s4+s2], $0x80, v3, vm0, $0xb8;
	[tilespmem:$0x18200] =	vst v63  }
0x233: {  	s31 =	simm.s32 $0xEA00  }
0x234: {  	[tilespmem:s31], [sflag:$0x2] =	stream.indirect_vreg.gather [hbm4b:s5+s2], $0x80, v3, vm0, $0xb8;
	[tilespmem:$0x18200] =	vst v63  }
0x235: {  	s12 =	simm.s32 $0xF200  }
0x236: {  	[tilespmem:s12], [sflag:$0x2] =	stream.indirect_vreg.gather [hbm4b:s6+s2], $0x80, v3, vm0, $0xb8;
	[tilespmem:$0x18200] =	vst v63  }
0x237: {  	s13 =	simm.s32 $0xFA00  }
0x238: {  	[tilespmem:s13], [sflag:$0x2] =	stream.indirect_vreg.gather [hbm4b:s7+s2], $0x80, v3, vm0, $0xb8;
	[tilespmem:$0x18200] =	vst v63  }
0x239: {  	_ =	swait.ge [sflag:s9], $0x8000  }
0x23a: {  	[sflag:s9] =	ssyncset.done $0x0  }
0x23b: {  	s15 =	rddreg [dreg:$0xc];
	[sflag:s9] =	ssyncadd.s32 $0xFFFF8000  }
0x23c: {  	[hbm4b:s15+s2] =	stream.linear.scatter [tilespmem:s19], [sflag:$0x4], $0x8000, $0x38;
	[tilespmem:$0x18200] =	vst v63  }
0x23d: {  	_ =	swait.ge [sflag:s30], $0x8000  }
0x23e: {  	[sflag:s30] =	ssyncset.done $0x0  }
0x23f: {  	[sflag:s30] =	ssyncadd.s32 $0xFFFF8000  }
0x240: {  	v3 =	vld [tilespmem:$0x160];
	_ =	sdelay $0x4  }
0x241: {  	v54 =	vshll.u32 v3, $0x3  }
0x242: {  	v3 =	vand.u32 $0x7, v3;
	v4 =	vand.u32 $0xFFFFFFC0, v54  }
0x243: {  	v3 =	vor.u32 v3, v4  }
0x244: {  	v4 =	vperm.xlane v3, v0;
	_ =	sdelay $0x1  }
0x245: {  	v4 =	vadd.s32 v1, v4;
	_ =	sdelay $0x4  }
0x246: {  	[tilespmem:s20], [sflag:$0x3] =	stream.indirect_vreg.gather [hbm4b:s4+s2], $0x80, v4, vm0, $0xb8;
	[tilespmem:$0x18200] =	vst v63  }
0x247: {  	s16 =	simm.s32 $0x10A00;
	v3 =	vperm.xlane v3, v2  }
0x248: {  	[tilespmem:s16], [sflag:$0x3] =	stream.indirect_vreg.gather [hbm4b:s5+s2], $0x80, v4, vm0, $0xb8;
	[tilespmem:$0x18200] =	vst v63  }
0x249: {  	s14 =	simm.s32 $0x11200;
	v3 =	vadd.s32 v1, v3  }
0x24a: {  	[tilespmem:s14], [sflag:$0x3] =	stream.indirect_vreg.gather [hbm4b:s6+s2], $0x80, v4, vm0, $0xb8;
	[tilespmem:$0x18200] =	vst v63  }
0x24b: {  	s1 =	simm.s32 $0x11A00  }
0x24c: {  	[tilespmem:s1], [sflag:$0x3] =	stream.indirect_vreg.gather [hbm4b:s7+s2], $0x80, v4, vm0, $0xb8;
	[tilespmem:$0x18200] =	vst v63  }
0x24d: {  	s22 =	simm.s32 $0x12200  }
0x24e: {  	[tilespmem:s22], [sflag:$0x3] =	stream.indirect_vreg.gather [hbm4b:s4+s2], $0x80, v3, vm0, $0xb8;
	[tilespmem:$0x18200] =	vst v63  }
0x24f: {  	s23 =	simm.s32 $0x12A00  }
0x250: {  	[tilespmem:s23], [sflag:$0x3] =	stream.indirect_vreg.gather [hbm4b:s5+s2], $0x80, v3, vm0, $0xb8;
	[tilespmem:$0x18200] =	vst v63  }
0x251: {  	s24 =	simm.s32 $0x13200  }
0x252: {  	[tilespmem:s24], [sflag:$0x3] =	stream.indirect_vreg.gather [hbm4b:s6+s2], $0x80, v3, vm0, $0xb8;
	[tilespmem:$0x18200] =	vst v63  }
0x253: {  	s24 =	simm.s32 $0x13A00  }
0x254: {  	[tilespmem:s24], [sflag:$0x3] =	stream.indirect_vreg.gather [hbm4b:s7+s2], $0x80, v3, vm0, $0xb8;
	[tilespmem:$0x18200] =	vst v63  }
0x255: {  	v3 =	vld [tilespmem:$0x170];
	_ =	sdelay $0x4  }
0x256: {  	v55 =	vshll.u32 v3, $0x3  }
0x257: {  	v3 =	vand.u32 $0x7, v3;
	v4 =	vand.u32 $0xFFFFFFC0, v55  }
0x258: {  	v3 =	vor.u32 v3, v4  }
0x259: {  	v4 =	vperm.xlane v3, v0;
	_ =	sdelay $0x1  }
0x25a: {  	v4 =	vadd.s32 v1, v4;
	_ =	sdelay $0x3  }
0x25b: {  	s26 =	simm.s32 $0x14200  }
0x25c: {  	[tilespmem:s26], [sflag:$0x3] =	stream.indirect_vreg.gather [hbm4b:s4+s2], $0x80, v4, vm0, $0xb8;
	[tilespmem:$0x18200] =	vst v63  }
0x25d: {  	s31 =	simm.s32 $0x14A00;
	v3 =	vperm.xlane v3, v2  }
0x25e: {  	[tilespmem:s31], [sflag:$0x3] =	stream.indirect_vreg.gather [hbm4b:s5+s2], $0x80, v4, vm0, $0xb8;
	[tilespmem:$0x18200] =	vst v63  }
0x25f: {  	s25 =	simm.s32 $0x15200;
	v3 =	vadd.s32 v1, v3  }
0x260: {  	[tilespmem:s25], [sflag:$0x3] =	stream.indirect_vreg.gather [hbm4b:s6+s2], $0x80, v4, vm0, $0xb8;
	[tilespmem:$0x18200] =	vst v63  }
0x261: {  	s1 =	simm.s32 $0x15A00  }
0x262: {  	[tilespmem:s1], [sflag:$0x3] =	stream.indirect_vreg.gather [hbm4b:s7+s2], $0x80, v4, vm0, $0xb8;
	[tilespmem:$0x18200] =	vst v63  }
0x263: {  	s11 =	simm.s32 $0x16200  }
0x264: {  	[tilespmem:s11], [sflag:$0x3] =	stream.indirect_vreg.gather [hbm4b:s4+s2], $0x80, v3, vm0, $0xb8;
	[tilespmem:$0x18200] =	vst v63  }
0x265: {  	s10 =	simm.s32 $0x16A00  }
0x266: {  	[tilespmem:s10], [sflag:$0x3] =	stream.indirect_vreg.gather [hbm4b:s5+s2], $0x80, v3, vm0, $0xb8;
	[tilespmem:$0x18200] =	vst v63  }
0x267: {  	s8 =	simm.s32 $0x17200  }
0x268: {  	[tilespmem:s8], [sflag:$0x3] =	stream.indirect_vreg.gather [hbm4b:s6+s2], $0x80, v3, vm0, $0xb8;
	[tilespmem:$0x18200] =	vst v63  }
0x269: {  	s10 =	simm.s32 $0x17A00  }
0x26a: {  	[tilespmem:s10], [sflag:$0x3] =	stream.indirect_vreg.gather [hbm4b:s7+s2], $0x80, v3, vm0, $0xb8;
	[tilespmem:$0x18200] =	vst v63  }
0x26b: {  	_ =	swait.ge [sflag:s17], $0x8000  }
0x26c: {  	[sflag:s17] =	ssyncset.done $0x0  }
0x26d: {  	s15 =	simm.s32 $0x8200;
	s11 =	rddreg [dreg:$0xd];
	[sflag:s17] =	ssyncadd.s32 $0xFFFF8000  }
0x26e: {  	[hbm4b:s11+s2] =	stream.linear.scatter [tilespmem:s15], [sflag:$0x5], $0x8000, $0x38;
	[tilespmem:$0x18200] =	vst v63  }
0x26f: {  	_ =	swait.ge [sflag:s0], $0x8000  }
0x270: {  	[sflag:s0] =	ssyncset.done $0x0  }
0x271: {  	[sflag:s0] =	ssyncadd.s32 $0xFFFF8000  }
0x272: {  	v3 =	vld [tilespmem:$0x180];
	_ =	sdelay $0x4  }
0x273: {  	v56 =	vshll.u32 v3, $0x3  }
0x274: {  	v3 =	vand.u32 $0x7, v3;
	v4 =	vand.u32 $0xFFFFFFC0, v56  }
0x275: {  	v3 =	vor.u32 v3, v4  }
0x276: {  	v4 =	vperm.xlane v3, v0;
	_ =	sdelay $0x1  }
0x277: {  	v4 =	vadd.s32 v1, v4;
	_ =	sdelay $0x4  }
0x278: {  	[tilespmem:s19], [sflag:$0x1] =	stream.indirect_vreg.gather [hbm4b:s4+s2], $0x80, v4, vm0, $0xb8;
	[tilespmem:$0x18200] =	vst v63  }
0x279: {  	s21 =	simm.s32 $0xA00;
	v3 =	vperm.xlane v3, v2  }
0x27a: {  	[tilespmem:s21], [sflag:$0x1] =	stream.indirect_vreg.gather [hbm4b:s5+s2], $0x80, v4, vm0, $0xb8;
	[tilespmem:$0x18200] =	vst v63  }
0x27b: {  	s12 =	simm.s32 $0x1200;
	v3 =	vadd.s32 v1, v3  }
0x27c: {  	[tilespmem:s12], [sflag:$0x1] =	stream.indirect_vreg.gather [hbm4b:s6+s2], $0x80, v4, vm0, $0xb8;
	[tilespmem:$0x18200] =	vst v63  }
0x27d: {  	s13 =	simm.s32 $0x1A00  }
0x27e: {  	[tilespmem:s13], [sflag:$0x1] =	stream.indirect_vreg.gather [hbm4b:s7+s2], $0x80, v4, vm0, $0xb8;
	[tilespmem:$0x18200] =	vst v63  }
0x27f: {  	s14 =	simm.s32 $0x2200  }
0x280: {  	[tilespmem:s14], [sflag:$0x1] =	stream.indirect_vreg.gather [hbm4b:s4+s2], $0x80, v3, vm0, $0xb8;
	[tilespmem:$0x18200] =	vst v63  }
0x281: {  	s16 =	simm.s32 $0x2A00  }
0x282: {  	[tilespmem:s16], [sflag:$0x1] =	stream.indirect_vreg.gather [hbm4b:s5+s2], $0x80, v3, vm0, $0xb8;
	[tilespmem:$0x18200] =	vst v63  }
0x283: {  	s21 =	simm.s32 $0x3200  }
0x284: {  	[tilespmem:s21], [sflag:$0x1] =	stream.indirect_vreg.gather [hbm4b:s6+s2], $0x80, v3, vm0, $0xb8;
	[tilespmem:$0x18200] =	vst v63  }
0x285: {  	s28 =	simm.s32 $0x3A00  }
0x286: {  	[tilespmem:s28], [sflag:$0x1] =	stream.indirect_vreg.gather [hbm4b:s7+s2], $0x80, v3, vm0, $0xb8;
	[tilespmem:$0x18200] =	vst v63  }
0x287: {  	v3 =	vld [tilespmem:$0x190];
	_ =	sdelay $0x4  }
0x288: {  	v57 =	vshll.u32 v3, $0x3  }
0x289: {  	v3 =	vand.u32 $0x7, v3;
	v4 =	vand.u32 $0xFFFFFFC0, v57  }
0x28a: {  	v3 =	vor.u32 v3, v4  }
0x28b: {  	v4 =	vperm.xlane v3, v0;
	_ =	sdelay $0x1  }
0x28c: {  	v4 =	vadd.s32 v1, v4;
	_ =	sdelay $0x3  }
0x28d: {  	s31 =	simm.s32 $0x4200  }
0x28e: {  	[tilespmem:s31], [sflag:$0x1] =	stream.indirect_vreg.gather [hbm4b:s4+s2], $0x80, v4, vm0, $0xb8;
	[tilespmem:$0x18200] =	vst v63  }
0x28f: {  	s16 =	simm.s32 $0x4A00;
	v3 =	vperm.xlane v3, v2  }
0x290: {  	[tilespmem:s16], [sflag:$0x1] =	stream.indirect_vreg.gather [hbm4b:s5+s2], $0x80, v4, vm0, $0xb8;
	[tilespmem:$0x18200] =	vst v63  }
0x291: {  	s10 =	simm.s32 $0x5200;
	v3 =	vadd.s32 v1, v3  }
0x292: {  	[tilespmem:s10], [sflag:$0x1] =	stream.indirect_vreg.gather [hbm4b:s6+s2], $0x80, v4, vm0, $0xb8;
	[tilespmem:$0x18200] =	vst v63  }
0x293: {  	s11 =	simm.s32 $0x5A00  }
0x294: {  	[tilespmem:s11], [sflag:$0x1] =	stream.indirect_vreg.gather [hbm4b:s7+s2], $0x80, v4, vm0, $0xb8;
	[tilespmem:$0x18200] =	vst v63  }
0x295: {  	s12 =	simm.s32 $0x6200  }
0x296: {  	[tilespmem:s12], [sflag:$0x1] =	stream.indirect_vreg.gather [hbm4b:s4+s2], $0x80, v3, vm0, $0xb8;
	[tilespmem:$0x18200] =	vst v63  }
0x297: {  	s13 =	simm.s32 $0x6A00  }
0x298: {  	[tilespmem:s13], [sflag:$0x1] =	stream.indirect_vreg.gather [hbm4b:s5+s2], $0x80, v3, vm0, $0xb8;
	[tilespmem:$0x18200] =	vst v63  }
0x299: {  	s14 =	simm.s32 $0x7200  }
0x29a: {  	[tilespmem:s14], [sflag:$0x1] =	stream.indirect_vreg.gather [hbm4b:s6+s2], $0x80, v3, vm0, $0xb8;
	[tilespmem:$0x18200] =	vst v63  }
0x29b: {  	s8 =	simm.s32 $0x7A00  }
0x29c: {  	[tilespmem:s8], [sflag:$0x1] =	stream.indirect_vreg.gather [hbm4b:s7+s2], $0x80, v3, vm0, $0xb8;
	[tilespmem:$0x18200] =	vst v63  }
0x29d: {  	_ =	swait.ge [sflag:s3], $0x8000  }
0x29e: {  	[sflag:s3] =	ssyncset.done $0x0  }
0x29f: {  	s1 =	rddreg [dreg:$0xe];
	[sflag:s3] =	ssyncadd.s32 $0xFFFF8000  }
0x2a0: {  	[hbm4b:s1+s2] =	stream.linear.scatter [tilespmem:s20], [sflag:$0x6], $0x8000, $0x38;
	[tilespmem:$0x18200] =	vst v63  }
0x2a1: {  	_ =	swait.ge [sflag:s29], $0x8000  }
0x2a2: {  	[sflag:s29] =	ssyncset.done $0x0  }
0x2a3: {  	[sflag:s29] =	ssyncadd.s32 $0xFFFF8000  }
0x2a4: {  	v3 =	vld [tilespmem:$0x1A0];
	_ =	sdelay $0x4  }
0x2a5: {  	v58 =	vshll.u32 v3, $0x3  }
0x2a6: {  	v3 =	vand.u32 $0x7, v3;
	v4 =	vand.u32 $0xFFFFFFC0, v58  }
0x2a7: {  	v3 =	vor.u32 v3, v4  }
0x2a8: {  	v4 =	vperm.xlane v3, v0;
	_ =	sdelay $0x1  }
0x2a9: {  	v4 =	vadd.s32 v1, v4;
	_ =	sdelay $0x4  }
0x2aa: {  	[tilespmem:s15], [sflag:$0x2] =	stream.indirect_vreg.gather [hbm4b:s4+s2], $0x80, v4, vm0, $0xb8;
	[tilespmem:$0x18200] =	vst v63  }
0x2ab: {  	s31 =	simm.s32 $0x8A00;
	v3 =	vperm.xlane v3, v2  }
0x2ac: {  	[tilespmem:s31], [sflag:$0x2] =	stream.indirect_vreg.gather [hbm4b:s5+s2], $0x80, v4, vm0, $0xb8;
	[tilespmem:$0x18200] =	vst v63  }
0x2ad: {  	v3 =	vadd.s32 v1, v3;
	s31 =	simm.s32 $0x9200  }
0x2ae: {  	[tilespmem:s31], [sflag:$0x2] =	stream.indirect_vreg.gather [hbm4b:s6+s2], $0x80, v4, vm0, $0xb8;
	[tilespmem:$0x18200] =	vst v63  }
0x2af: {  	s31 =	simm.s32 $0x9A00  }
0x2b0: {  	[tilespmem:s31], [sflag:$0x2] =	stream.indirect_vreg.gather [hbm4b:s7+s2], $0x80, v4, vm0, $0xb8;
	[tilespmem:$0x18200] =	vst v63  }
0x2b1: {  	s18 =	simm.s32 $0xA200  }
0x2b2: {  	[tilespmem:s18], [sflag:$0x2] =	stream.indirect_vreg.gather [hbm4b:s4+s2], $0x80, v3, vm0, $0xb8;
	[tilespmem:$0x18200] =	vst v63  }
0x2b3: {  	s31 =	simm.s32 $0xAA00  }
0x2b4: {  	[tilespmem:s31], [sflag:$0x2] =	stream.indirect_vreg.gather [hbm4b:s5+s2], $0x80, v3, vm0, $0xb8;
	[tilespmem:$0x18200] =	vst v63  }
0x2b5: {  	s18 =	simm.s32 $0xB200  }
0x2b6: {  	[tilespmem:s18], [sflag:$0x2] =	stream.indirect_vreg.gather [hbm4b:s6+s2], $0x80, v3, vm0, $0xb8;
	[tilespmem:$0x18200] =	vst v63  }
0x2b7: {  	s31 =	simm.s32 $0xBA00  }
0x2b8: {  	[tilespmem:s31], [sflag:$0x2] =	stream.indirect_vreg.gather [hbm4b:s7+s2], $0x80, v3, vm0, $0xb8;
	[tilespmem:$0x18200] =	vst v63  }
0x2b9: {  	v3 =	vld [tilespmem:$0x1B0];
	_ =	sdelay $0x4  }
0x2ba: {  	v59 =	vshll.u32 v3, $0x3  }
0x2bb: {  	v3 =	vand.u32 $0x7, v3;
	v4 =	vand.u32 $0xFFFFFFC0, v59  }
0x2bc: {  	v3 =	vor.u32 v3, v4  }
0x2bd: {  	v4 =	vperm.xlane v3, v0;
	_ =	sdelay $0x1  }
0x2be: {  	v4 =	vadd.s32 v1, v4;
	_ =	sdelay $0x3  }
0x2bf: {  	s18 =	simm.s32 $0xC200  }
0x2c0: {  	[tilespmem:s18], [sflag:$0x2] =	stream.indirect_vreg.gather [hbm4b:s4+s2], $0x80, v4, vm0, $0xb8;
	[tilespmem:$0x18200] =	vst v63  }
0x2c1: {  	s31 =	simm.s32 $0xCA00;
	v3 =	vperm.xlane v3, v2  }
0x2c2: {  	[tilespmem:s31], [sflag:$0x2] =	stream.indirect_vreg.gather [hbm4b:s5+s2], $0x80, v4, vm0, $0xb8;
	[tilespmem:$0x18200] =	vst v63  }
0x2c3: {  	v3 =	vadd.s32 v1, v3;
	s18 =	simm.s32 $0xD200  }
0x2c4: {  	[tilespmem:s18], [sflag:$0x2] =	stream.indirect_vreg.gather [hbm4b:s6+s2], $0x80, v4, vm0, $0xb8;
	[tilespmem:$0x18200] =	vst v63  }
0x2c5: {  	s31 =	simm.s32 $0xDA00  }
0x2c6: {  	[tilespmem:s31], [sflag:$0x2] =	stream.indirect_vreg.gather [hbm4b:s7+s2], $0x80, v4, vm0, $0xb8;
	[tilespmem:$0x18200] =	vst v63  }
0x2c7: {  	s18 =	simm.s32 $0xE200  }
0x2c8: {  	[tilespmem:s18], [sflag:$0x2] =	stream.indirect_vreg.gather [hbm4b:s4+s2], $0x80, v3, vm0, $0xb8;
	[tilespmem:$0x18200] =	vst v63  }
0x2c9: {  	s31 =	simm.s32 $0xEA00  }
0x2ca: {  	[tilespmem:s31], [sflag:$0x2] =	stream.indirect_vreg.gather [hbm4b:s5+s2], $0x80, v3, vm0, $0xb8;
	[tilespmem:$0x18200] =	vst v63  }
0x2cb: {  	s18 =	simm.s32 $0xF200  }
0x2cc: {  	[tilespmem:s18], [sflag:$0x2] =	stream.indirect_vreg.gather [hbm4b:s6+s2], $0x80, v3, vm0, $0xb8;
	[tilespmem:$0x18200] =	vst v63  }
0x2cd: {  	s31 =	simm.s32 $0xFA00  }
0x2ce: {  	[tilespmem:s31], [sflag:$0x2] =	stream.indirect_vreg.gather [hbm4b:s7+s2], $0x80, v3, vm0, $0xb8;
	[tilespmem:$0x18200] =	vst v63  }
0x2cf: {  	_ =	swait.ge [sflag:s9], $0x8000  }
0x2d0: {  	[sflag:s9] =	ssyncset.done $0x0  }
0x2d1: {  	s18 =	rddreg [dreg:$0xf];
	[sflag:s9] =	ssyncadd.s32 $0xFFFF8000  }
0x2d2: {  	[hbm4b:s18+s2] =	stream.linear.scatter [tilespmem:s19], [sflag:$0x4], $0x8000, $0x38;
	[tilespmem:$0x18200] =	vst v63  }
0x2d3: {  	_ =	swait.ge [sflag:s30], $0x8000  }
0x2d4: {  	[sflag:s30] =	ssyncset.done $0x0  }
0x2d5: {  	[sflag:s30] =	ssyncadd.s32 $0xFFFF8000  }
0x2d6: {  	v3 =	vld [tilespmem:$0x1C0];
	_ =	sdelay $0x4  }
0x2d7: {  	v60 =	vshll.u32 v3, $0x3  }
0x2d8: {  	v3 =	vand.u32 $0x7, v3;
	v4 =	vand.u32 $0xFFFFFFC0, v60  }
0x2d9: {  	v3 =	vor.u32 v3, v4  }
0x2da: {  	v4 =	vperm.xlane v3, v0;
	_ =	sdelay $0x1  }
0x2db: {  	v4 =	vadd.s32 v1, v4;
	_ =	sdelay $0x4  }
0x2dc: {  	[tilespmem:s20], [sflag:$0x3] =	stream.indirect_vreg.gather [hbm4b:s4+s2], $0x80, v4, vm0, $0xb8;
	[tilespmem:$0x18200] =	vst v63  }
0x2dd: {  	s31 =	simm.s32 $0x10A00;
	v3 =	vperm.xlane v3, v2  }
0x2de: {  	[tilespmem:s31], [sflag:$0x3] =	stream.indirect_vreg.gather [hbm4b:s5+s2], $0x80, v4, vm0, $0xb8;
	[tilespmem:$0x18200] =	vst v63  }
0x2df: {  	s18 =	simm.s32 $0x11200;
	v3 =	vadd.s32 v1, v3  }
0x2e0: {  	[tilespmem:s18], [sflag:$0x3] =	stream.indirect_vreg.gather [hbm4b:s6+s2], $0x80, v4, vm0, $0xb8;
	[tilespmem:$0x18200] =	vst v63  }
0x2e1: {  	s31 =	simm.s32 $0x11A00  }
0x2e2: {  	[tilespmem:s31], [sflag:$0x3] =	stream.indirect_vreg.gather [hbm4b:s7+s2], $0x80, v4, vm0, $0xb8;
	[tilespmem:$0x18200] =	vst v63  }
0x2e3: {  	s18 =	simm.s32 $0x12200  }
0x2e4: {  	[tilespmem:s18], [sflag:$0x3] =	stream.indirect_vreg.gather [hbm4b:s4+s2], $0x80, v3, vm0, $0xb8;
	[tilespmem:$0x18200] =	vst v63  }
0x2e5: {  	s22 =	simm.s32 $0x12A00  }
0x2e6: {  	[tilespmem:s22], [sflag:$0x3] =	stream.indirect_vreg.gather [hbm4b:s5+s2], $0x80, v3, vm0, $0xb8;
	[tilespmem:$0x18200] =	vst v63  }
0x2e7: {  	s23 =	simm.s32 $0x13200  }
0x2e8: {  	[tilespmem:s23], [sflag:$0x3] =	stream.indirect_vreg.gather [hbm4b:s6+s2], $0x80, v3, vm0, $0xb8;
	[tilespmem:$0x18200] =	vst v63  }
0x2e9: {  	s31 =	simm.s32 $0x13A00  }
0x2ea: {  	[tilespmem:s31], [sflag:$0x3] =	stream.indirect_vreg.gather [hbm4b:s7+s2], $0x80, v3, vm0, $0xb8;
	[tilespmem:$0x18200] =	vst v63  }
0x2eb: {  	v3 =	vld [tilespmem:$0x1D0];
	_ =	sdelay $0x4  }
0x2ec: {  	v61 =	vshll.u32 v3, $0x3  }
0x2ed: {  	v3 =	vand.u32 $0x7, v3;
	v4 =	vand.u32 $0xFFFFFFC0, v61  }
0x2ee: {  	v3 =	vor.u32 v3, v4  }
0x2ef: {  	v4 =	vperm.xlane v3, v0;
	_ =	sdelay $0x1  }
0x2f0: {  	v4 =	vadd.s32 v1, v4;
	_ =	sdelay $0x3  }
0x2f1: {  	s18 =	simm.s32 $0x14200  }
0x2f2: {  	[tilespmem:s18], [sflag:$0x3] =	stream.indirect_vreg.gather [hbm4b:s4+s2], $0x80, v4, vm0, $0xb8;
	[tilespmem:$0x18200] =	vst v63  }
0x2f3: {  	s22 =	simm.s32 $0x14A00;
	v3 =	vperm.xlane v3, v2  }
0x2f4: {  	[tilespmem:s22], [sflag:$0x3] =	stream.indirect_vreg.gather [hbm4b:s5+s2], $0x80, v4, vm0, $0xb8;
	[tilespmem:$0x18200] =	vst v63  }
0x2f5: {  	s24 =	simm.s32 $0x15200;
	v3 =	vadd.s32 v1, v3  }
0x2f6: {  	[tilespmem:s24], [sflag:$0x3] =	stream.indirect_vreg.gather [hbm4b:s6+s2], $0x80, v4, vm0, $0xb8;
	[tilespmem:$0x18200] =	vst v63  }
0x2f7: {  	s25 =	simm.s32 $0x15A00  }
0x2f8: {  	[tilespmem:s25], [sflag:$0x3] =	stream.indirect_vreg.gather [hbm4b:s7+s2], $0x80, v4, vm0, $0xb8;
	[tilespmem:$0x18200] =	vst v63  }
0x2f9: {  	s23 =	simm.s32 $0x16200  }
0x2fa: {  	[tilespmem:s23], [sflag:$0x3] =	stream.indirect_vreg.gather [hbm4b:s4+s2], $0x80, v3, vm0, $0xb8;
	[tilespmem:$0x18200] =	vst v63  }
0x2fb: {  	s24 =	simm.s32 $0x16A00  }
0x2fc: {  	[tilespmem:s24], [sflag:$0x3] =	stream.indirect_vreg.gather [hbm4b:s5+s2], $0x80, v3, vm0, $0xb8;
	[tilespmem:$0x18200] =	vst v63  }
0x2fd: {  	s26 =	simm.s32 $0x17200  }
0x2fe: {  	[tilespmem:s26], [sflag:$0x3] =	stream.indirect_vreg.gather [hbm4b:s6+s2], $0x80, v3, vm0, $0xb8;
	[tilespmem:$0x18200] =	vst v63  }
0x2ff: {  	s25 =	simm.s32 $0x17A00  }
0x300: {  	[tilespmem:s25], [sflag:$0x3] =	stream.indirect_vreg.gather [hbm4b:s7+s2], $0x80, v3, vm0, $0xb8;
	[tilespmem:$0x18200] =	vst v63  }
0x301: {  	_ =	swait.ge [sflag:s17], $0x8000  }
0x302: {  	[sflag:s17] =	ssyncset.done $0x0  }
0x303: {  	s1 =	simm.s32 $0x8200;
	s26 =	rddreg [dreg:$0x10];
	[sflag:s17] =	ssyncadd.s32 $0xFFFF8000  }
0x304: {  	[hbm4b:s26+s2] =	stream.linear.scatter [tilespmem:s1], [sflag:$0x5], $0x8000, $0x38;
	[tilespmem:$0x18200] =	vst v63  }
0x305: {  	_ =	swait.ge [sflag:s0], $0x8000  }
0x306: {  	[sflag:s0] =	ssyncset.done $0x0  }
0x307: {  	[sflag:s0] =	ssyncadd.s32 $0xFFFF8000  }
0x308: {  	v3 =	vld [tilespmem:$0x1E0];
	_ =	sdelay $0x4  }
0x309: {  	v62 =	vshll.u32 v3, $0x3  }
0x30a: {  	v3 =	vand.u32 $0x7, v3;
	v4 =	vand.u32 $0xFFFFFFC0, v62  }
0x30b: {  	v3 =	vor.u32 v3, v4  }
0x30c: {  	v4 =	vperm.xlane v3, v0;
	_ =	sdelay $0x1  }
0x30d: {  	v4 =	vadd.s32 v1, v4;
	_ =	sdelay $0x4  }
0x30e: {  	[tilespmem:s19], [sflag:$0x1] =	stream.indirect_vreg.gather [hbm4b:s4+s2], $0x80, v4, vm0, $0xb8;
	[tilespmem:$0x18200] =	vst v63  }
0x30f: {  	s15 =	simm.s32 $0xA00;
	v3 =	vperm.xlane v3, v2  }
0x310: {  	[tilespmem:s15], [sflag:$0x1] =	stream.indirect_vreg.gather [hbm4b:s5+s2], $0x80, v4, vm0, $0xb8;
	[tilespmem:$0x18200] =	vst v63  }
0x311: {  	s18 =	simm.s32 $0x1200;
	v3 =	vadd.s32 v1, v3  }
0x312: {  	[tilespmem:s18], [sflag:$0x1] =	stream.indirect_vreg.gather [hbm4b:s6+s2], $0x80, v4, vm0, $0xb8;
	[tilespmem:$0x18200] =	vst v63  }
0x313: {  	s22 =	simm.s32 $0x1A00  }
0x314: {  	[tilespmem:s22], [sflag:$0x1] =	stream.indirect_vreg.gather [hbm4b:s7+s2], $0x80, v4, vm0, $0xb8;
	[tilespmem:$0x18200] =	vst v63  }
0x315: {  	s23 =	simm.s32 $0x2200  }
0x316: {  	[tilespmem:s23], [sflag:$0x1] =	stream.indirect_vreg.gather [hbm4b:s4+s2], $0x80, v3, vm0, $0xb8;
	[tilespmem:$0x18200] =	vst v63  }
0x317: {  	s24 =	simm.s32 $0x2A00  }
0x318: {  	[tilespmem:s24], [sflag:$0x1] =	stream.indirect_vreg.gather [hbm4b:s5+s2], $0x80, v3, vm0, $0xb8;
	[tilespmem:$0x18200] =	vst v63  }
0x319: {  	s25 =	simm.s32 $0x3200  }
0x31a: {  	[tilespmem:s25], [sflag:$0x1] =	stream.indirect_vreg.gather [hbm4b:s6+s2], $0x80, v3, vm0, $0xb8;
	[tilespmem:$0x18200] =	vst v63  }
0x31b: {  	s21 =	simm.s32 $0x3A00  }
0x31c: {  	[tilespmem:s21], [sflag:$0x1] =	stream.indirect_vreg.gather [hbm4b:s7+s2], $0x80, v3, vm0, $0xb8;
	[tilespmem:$0x18200] =	vst v63  }
0x31d: {  	v3 =	vld [tilespmem:$0x1F0];
	_ =	sdelay $0x4  }
0x31e: {  	v63 =	vshll.u32 v3, $0x3  }
0x31f: {  	v3 =	vand.u32 $0x7, v3;
	v4 =	vand.u32 $0xFFFFFFC0, v63  }
0x320: {  	v3 =	vor.u32 v3, v4  }
0x321: {  	v4 =	vperm.xlane v3, v0;
	_ =	sdelay $0x1  }
0x322: {  	v4 =	vadd.s32 v1, v4;
	_ =	sdelay $0x3  }
0x323: {  	s28 =	simm.s32 $0x4200  }
0x324: {  	[tilespmem:s28], [sflag:$0x1] =	stream.indirect_vreg.gather [hbm4b:s4+s2], $0x80, v4, vm0, $0xb8;
	[tilespmem:$0x18200] =	vst v63  }
0x325: {  	v3 =	vperm.xlane v3, v2  }
0x326: {  	[tilespmem:s16], [sflag:$0x1] =	stream.indirect_vreg.gather [hbm4b:s5+s2], $0x80, v4, vm0, $0xb8;
	[tilespmem:$0x18200] =	vst v63  }
0x327: {  	v3 =	vadd.s32 v1, v3  }
0x328: {  	[tilespmem:s10], [sflag:$0x1] =	stream.indirect_vreg.gather [hbm4b:s6+s2], $0x80, v4, vm0, $0xb8;
	[tilespmem:$0x18200] =	vst v63  }
0x329: {  	_ = 	snop  }
0x32a: {  	[tilespmem:s11], [sflag:$0x1] =	stream.indirect_vreg.gather [hbm4b:s7+s2], $0x80, v4, vm0, $0xb8;
	[tilespmem:$0x18200] =	vst v63  }
0x32b: {  	_ = 	snop  }
0x32c: {  	[tilespmem:s12], [sflag:$0x1] =	stream.indirect_vreg.gather [hbm4b:s4+s2], $0x80, v3, vm0, $0xb8;
	[tilespmem:$0x18200] =	vst v63  }
0x32d: {  	_ = 	snop  }
0x32e: {  	[tilespmem:s13], [sflag:$0x1] =	stream.indirect_vreg.gather [hbm4b:s5+s2], $0x80, v3, vm0, $0xb8;
	[tilespmem:$0x18200] =	vst v63  }
0x32f: {  	_ = 	snop  }
0x330: {  	[tilespmem:s14], [sflag:$0x1] =	stream.indirect_vreg.gather [hbm4b:s6+s2], $0x80, v3, vm0, $0xb8;
	[tilespmem:$0x18200] =	vst v63  }
0x331: {  	_ = 	snop  }
0x332: {  	[tilespmem:s8], [sflag:$0x1] =	stream.indirect_vreg.gather [hbm4b:s7+s2], $0x80, v3, vm0, $0xb8;
	[tilespmem:$0x18200] =	vst v63  }
0x333: {  	_ =	swait.ge [sflag:s3], $0x8000  }
0x334: {  	[sflag:s3] =	ssyncset.done $0x0  }
0x335: {  	s26 =	rddreg [dreg:$0x11];
	[sflag:s3] =	ssyncadd.s32 $0xFFFF8000  }
0x336: {  	[hbm4b:s26+s2] =	stream.linear.scatter [tilespmem:s20], [sflag:$0x6], $0x8000, $0x38;
	[tilespmem:$0x18200] =	vst v63  }
0x337: {  	_ =	swait.ge [sflag:s9], $0x8000  }
0x338: {  	[sflag:s9] =	ssyncset.done $0x0  }
0x339: {  	s28 =	rddreg [dreg:$0x12];
	[sflag:s9] =	ssyncadd.s32 $0xFFFF8000  }
0x33a: {  	[hbm4b:s28+s2] =	stream.linear.scatter [tilespmem:s19], [sflag:$0x4], $0x8000, $0x38;
	[tilespmem:$0x18200] =	vst v63  }
0x33b: {  	s31 =	rddreg [dreg:$0x14];
	_ =	swait.ge [sflag:s29], $0x8000  }
0x33c: {  	[sflag:s29] =	ssyncset.done $0x0  }
0x33d: {  	[sflag:s29] =	ssyncadd.s32 $0xFFFF8000  }
0x33e: {  	p0 =	sne.s32 s31, $0x1;
	_ =	swait.ge [sflag:s30], $0x8000  }
.Ltmp0:
0x33f: {  	[sflag:s30] =	ssyncset.done $0x0;
	(pc) =	sbr.rel @p0 .LBB2_1-.Ltmp0, $4  }
0x340: {  	[sflag:s30] =	ssyncadd.s32 $0xFFFF8000  }
0x341: {  	_ =	swait.ge [sflag:s0], $0x8000  }
0x342: {  	[sflag:s0] =	ssyncset.done $0x0  }
0x343: {  	s8 =	sadd.s32 $0xFFFFFFFF, s31;
	[sflag:s0] =	ssyncadd.s32 $0xFFFF8000  }
0x344: {  	_ =	sfence.sel $0x180000  }
0x345: {  	[bflag:$0x0] =	sbarrier.arrive $0xFFFF  }
0x346: {  	_ =	strace $0x9000004A  }
0x347: {  	s0 =	stileid.u32;
	[bflag:$0x2] =	sbarrier.arrive $0xFFFF  }
0x348: {  	p0 =	sne.s32 s0, $0x0;
	s0 =	rddreg [dreg:$0x2]  }
0x349: {  	s0 =	sadd.s32 @!p0 $0x100000, s0  }
0x34a: {  	[sflag:s0] =	ssyncadd.tile.s32 @!p0 $0x1;
	_ =	shalt  }
.Lfunc_end2:
_tile_overlayer_lowered:
.L_overlay_start_2:
0x34b: {  	(tag) =	ssettag $0x2  }
0x34c: {  	s0 =	rddreg [dreg:$0x0];
	s2 =	stileid.u32  }
0x34d: {  	s1 =	rddreg [dreg:$0x1];
	p0 =	sne.s32 s2, $0x0  }
0x34e: {  	s3 =	rddreg [dreg:$0x2];
	[bflag:$0x3] =	sbarrier.arrive $0xFFFF;
	s2 =	simm.s32 @!p0 $0x1C07  }
0x34f: {  	[timem:s3], [sflag:s2] =	dma.local @!p0 [hbm:s0], s1  }
0x350: {  	s0 =	simm.s32 @!p0 $0x7  }
0x351: {  	_ =	swait.ge @!p0 [sflag:s0], s1  }
0x352: {  	s1 =	ssub.s32 @!p0 $0x0, s1;
	[sflag:s0] =	ssyncset.done @!p0 $0x0  }
0x353: {  	[sflag:s0] =	ssyncadd.s32 @!p0 s1  }
0x354: {  	[bflag:$0x3] =	sbarrier.arrive $0xFFFF  }
0x355: {  	_ =	shalt  }

</sc_bundles>
